<compile_context>
chip_gen: v7x
topology: tpu7x:2x2x1
jax: 0.10.2.dev20260603
libtpu: 0.0.44.dev20260713+nightly
codegen_flags: <defaults>
</compile_context>

<pallas_src>
import functools

import jax
import jax.numpy as jnp
from jax import lax
from jax.experimental import pallas as pl
from jax.experimental.pallas import tpu as pltpu
from jax.experimental.pallas import tpu_sc as plsc

N_CLOTH = 8192
N_VERTS = 8192
N_FACES = 8192

WEIGHT_START = 1.0
WEIGHT_MAX = 5000.0
START_RAMPUP = 50000
N_RAMPUP = 100000
EPS = 1e-3

NC = 2
NS = 16
NW = NC * NS
L = 16

FPW = N_FACES // NW
PPW = N_CLOTH // NW

_MESH = dict(core_axis_name="c", subcore_axis_name="s", num_cores=NC,
             num_subcores=NS)
_SC_PARAMS = pltpu.CompilerParams(needs_layout_passes=False)


def _wid():
    return lax.axis_index("s") * NC + lax.axis_index("c")


def _lanes(i):
    return lax.broadcasted_iota(jnp.int32, (L,), 0) + jnp.int32(i * L)


def _stage_faces(obstacle_pos, obstacle_target_pos, obstacle_faces,
                 interpret=False):
    @functools.partial(
        pl.kernel,
        out_type=[jax.ShapeDtypeStruct((N_FACES,), jnp.float32)] * 9,
        mesh=plsc.VectorSubcoreMesh(**_MESH),
        scratch_types=[
            pltpu.VMEM((N_VERTS,), jnp.float32),
            pltpu.VMEM((N_VERTS,), jnp.float32),
            pltpu.VMEM((N_VERTS,), jnp.float32),
            pltpu.VMEM((N_VERTS,), jnp.float32),
            pltpu.VMEM((N_VERTS,), jnp.float32),
            pltpu.VMEM((N_VERTS,), jnp.float32),
            pltpu.VMEM((FPW,), jnp.int32),
            pltpu.VMEM((FPW,), jnp.int32),
            pltpu.VMEM((FPW,), jnp.int32),
        ] + [pltpu.VMEM((FPW,), jnp.float32)] * 9,
        compiler_params=_SC_PARAMS,
        interpret=interpret,
    )
    def body(opx_h, opy_h, opz_h, otx_h, oty_h, otz_h, f0_h, f1_h, f2_h,
             m2fx_h, m2fy_h, m2fz_h, fsq_h, nx_h, ny_h, nz_h, nsq_h, braw_h,
             opx_v, opy_v, opz_v, otx_v, oty_v, otz_v, f0_v, f1_v, f2_v,
             m2fx_v, m2fy_v, m2fz_v, fsq_v, nx_v, ny_v, nz_v, nsq_v, braw_v):
        base = _wid() * FPW
        pltpu.sync_copy(opx_h, opx_v)
        pltpu.sync_copy(opy_h, opy_v)
        pltpu.sync_copy(opz_h, opz_v)
        pltpu.sync_copy(otx_h, otx_v)
        pltpu.sync_copy(oty_h, oty_v)
        pltpu.sync_copy(otz_h, otz_v)
        pltpu.sync_copy(f0_h.at[pl.ds(base, FPW)], f0_v)
        pltpu.sync_copy(f1_h.at[pl.ds(base, FPW)], f1_v)
        pltpu.sync_copy(f2_h.at[pl.ds(base, FPW)], f2_v)
        for i in range(FPW // L):
            sl = pl.ds(i * L, L)
            i0 = f0_v[sl]
            i1 = f1_v[sl]
            i2 = f2_v[sl]
            ax = plsc.load_gather(opx_v, [i0])
            bx = plsc.load_gather(opx_v, [i1])
            cx = plsc.load_gather(opx_v, [i2])
            ay = plsc.load_gather(opy_v, [i0])
            by = plsc.load_gather(opy_v, [i1])
            cy = plsc.load_gather(opy_v, [i2])
            az = plsc.load_gather(opz_v, [i0])
            bz = plsc.load_gather(opz_v, [i1])
            cz = plsc.load_gather(opz_v, [i2])
            third = jnp.float32(1.0 / 3.0)
            fx = (ax + bx + cx) * third
            fy = (ay + by + cy) * third
            fz = (az + bz + cz) * third
            m2fx_v[sl] = -2.0 * fx
            m2fy_v[sl] = -2.0 * fy
            m2fz_v[sl] = -2.0 * fz
            fsq_v[sl] = fx * fx + fy * fy + fz * fz
            tax = plsc.load_gather(otx_v, [i0])
            tbx = plsc.load_gather(otx_v, [i1])
            tcx = plsc.load_gather(otx_v, [i2])
            tay = plsc.load_gather(oty_v, [i0])
            tby = plsc.load_gather(oty_v, [i1])
            tcy = plsc.load_gather(oty_v, [i2])
            taz = plsc.load_gather(otz_v, [i0])
            tbz = plsc.load_gather(otz_v, [i1])
            tcz = plsc.load_gather(otz_v, [i2])
            px = (tax + tbx + tcx) * third
            py = (tay + tby + tcy) * third
            pz = (taz + tbz + tcz) * third
            e1x = tbx - tax
            e1y = tby - tay
            e1z = tbz - taz
            e2x = tcx - tax
            e2y = tcy - tay
            e2z = tcz - taz
            nx = e1y * e2z - e1z * e2y
            ny = e1z * e2x - e1x * e2z
            nz = e1x * e2y - e1y * e2x
            nx_v[sl] = nx
            ny_v[sl] = ny
            nz_v[sl] = nz
            nsq_v[sl] = nx * nx + ny * ny + nz * nz
            braw_v[sl] = px * nx + py * ny + pz * nz
        out_sl = pl.ds(base, FPW)
        pltpu.sync_copy(m2fx_v, m2fx_h.at[out_sl])
        pltpu.sync_copy(m2fy_v, m2fy_h.at[out_sl])
        pltpu.sync_copy(m2fz_v, m2fz_h.at[out_sl])
        pltpu.sync_copy(fsq_v, fsq_h.at[out_sl])
        pltpu.sync_copy(nx_v, nx_h.at[out_sl])
        pltpu.sync_copy(ny_v, ny_h.at[out_sl])
        pltpu.sync_copy(nz_v, nz_h.at[out_sl])
        pltpu.sync_copy(nsq_v, nsq_h.at[out_sl])
        pltpu.sync_copy(braw_v, braw_h.at[out_sl])

    return body(*obstacle_pos, *obstacle_target_pos, *obstacle_faces)


_ROWS = 1024
_CHUNK = 2048


def _stage_argmin(c4, fp, interpret=False):
    def body(c_ref, fp_ref, idx_ref):
        cb = c_ref[...].astype(jnp.bfloat16)
        lane = lax.broadcasted_iota(
            jnp.int32, (_ROWS, 128), 1).astype(jnp.float32)
        colmin = jnp.full((_ROWS, 128), jnp.inf, dtype=jnp.float32)
        colblk = jnp.zeros((_ROWS, 128), dtype=jnp.float32)
        for jt in range(N_FACES // _CHUNK):
            f = fp_ref[:, jt * _CHUNK:(jt + 1) * _CHUNK]
            mm = lax.dot_general(
                cb, f.astype(jnp.bfloat16), (((1,), (0,)), ((), ())),
                preferred_element_type=jnp.float32,
            )
            for g in range(_CHUNK // 128):
                sg = (f[3:4, g * 128:(g + 1) * 128]
                      + mm[:, g * 128:(g + 1) * 128])
                m = sg < colmin
                colblk = jnp.where(
                    m, jnp.float32(jt * (_CHUNK // 128) + g), colblk)
                colmin = jnp.where(m, sg, colmin)
        colj = colblk * 128.0 + lane
        tmin = jnp.min(colmin, axis=1, keepdims=True)
        idx = jnp.min(
            jnp.where(colmin <= tmin, colj, jnp.float32(1e30)),
            axis=1, keepdims=True)
        idx_ref[...] = idx.astype(jnp.int32)

    return pl.pallas_call(
        body,
        grid=(N_CLOTH // _ROWS,),
        in_specs=[
            pl.BlockSpec((_ROWS, 8), lambda i: (i, 0)),
            pl.BlockSpec((8, N_FACES), lambda i: (0, 0)),
        ],
        out_specs=pl.BlockSpec((_ROWS, 1), lambda i: (i, 0)),
        out_shape=jax.ShapeDtypeStruct((N_CLOTH, 1), jnp.int32),
        interpret=interpret,
    )(c4, fp)


def _stage_loss(nn_idx, nx, ny, nz, nsq, braw, ppx, ppy, ppz,
                interpret=False):
    @functools.partial(
        pl.kernel,
        out_type=jax.ShapeDtypeStruct((NW, L), jnp.float32),
        mesh=plsc.VectorSubcoreMesh(**_MESH),
        scratch_types=[
            pltpu.VMEM((N_FACES,), jnp.float32),
            pltpu.VMEM((N_FACES,), jnp.float32),
            pltpu.VMEM((N_FACES,), jnp.float32),
            pltpu.VMEM((N_FACES,), jnp.float32),
            pltpu.VMEM((N_FACES,), jnp.float32),
            pltpu.VMEM((PPW,), jnp.int32),
            pltpu.VMEM((PPW,), jnp.float32),
            pltpu.VMEM((PPW,), jnp.float32),
            pltpu.VMEM((PPW,), jnp.float32),
            pltpu.VMEM((L,), jnp.float32),
        ],
        compiler_params=_SC_PARAMS,
        interpret=interpret,
    )
    def body(idx_h, nx_h, ny_h, nz_h, nsq_h, braw_h, ppx_h, ppy_h, ppz_h,
             out_h,
             nx_v, ny_v, nz_v, nsq_v, braw_v, idx_v, ppx_v, ppy_v, ppz_v,
             acc_v):
        wid = _wid()
        base = wid * PPW
        pltpu.sync_copy(nx_h, nx_v)
        pltpu.sync_copy(ny_h, ny_v)
        pltpu.sync_copy(nz_h, nz_v)
        pltpu.sync_copy(nsq_h, nsq_v)
        pltpu.sync_copy(braw_h, braw_v)
        pltpu.sync_copy(idx_h.at[pl.ds(base, PPW)], idx_v)
        pltpu.sync_copy(ppx_h.at[pl.ds(base, PPW)], ppx_v)
        pltpu.sync_copy(ppy_h.at[pl.ds(base, PPW)], ppy_v)
        pltpu.sync_copy(ppz_h.at[pl.ds(base, PPW)], ppz_v)
        acc = jnp.zeros((L,), jnp.float32)
        for i in range(PPW // L):
            sl = pl.ds(i * L, L)
            ii = idx_v[sl]
            gx = plsc.load_gather(nx_v, [ii])
            gy = plsc.load_gather(ny_v, [ii])
            gz = plsc.load_gather(nz_v, [ii])
            gq = plsc.load_gather(nsq_v, [ii])
            gb = plsc.load_gather(braw_v, [ii])
            draw = ppx_v[sl] * gx + ppy_v[sl] * gy + ppz_v[sl] * gz - gb
            xc = jnp.maximum(gq, jnp.float32(1e-36))
            y = plsc.bitcast(
                jnp.int32(0x5F3759DF) - (plsc.bitcast(xc, jnp.int32) >> 1),
                jnp.float32)
            for _ in range(3):
                y = y * (1.5 - 0.5 * xc * y * y)
            snorm = gq * y
            dist = draw / (snorm + jnp.float32(1e-12))
            t = jnp.maximum(jnp.float32(EPS) - dist, 0.0)
            acc = acc + t * t * t
        acc_v[...] = acc
        pltpu.sync_copy(acc_v, out_h.at[wid])

    return body(nn_idx, nx, ny, nz, nsq, braw, ppx, ppy, ppz)


def kernel(cloth_pos, cloth_pred_pos, obstacle_pos, obstacle_target_pos,
           obstacle_faces, iter_num):
    opx, opy, opz = (obstacle_pos[:, k] for k in range(3))
    otx, oty, otz = (obstacle_target_pos[:, k] for k in range(3))
    f0, f1, f2 = (obstacle_faces[:, k] for k in range(3))
    m2fx, m2fy, m2fz, fsq, nx, ny, nz, nsq, braw = _stage_faces(
        (opx, opy, opz), (otx, oty, otz), (f0, f1, f2))
    c4 = jnp.concatenate(
        [cloth_pos, jnp.zeros((N_CLOTH, 5), jnp.float32)], axis=1)
    fp = jnp.concatenate(
        [m2fx[None], m2fy[None], m2fz[None], fsq[None],
         jnp.zeros((4, N_FACES), jnp.float32)], axis=0)
    nn_idx = _stage_argmin(c4, fp)[:, 0]
    ppx, ppy, ppz = (cloth_pred_pos[:, k] for k in range(3))
    partials = _stage_loss(nn_idx, nx, ny, nz, nsq, braw, ppx, ppy, ppz)

    it = jnp.maximum(iter_num - START_RAMPUP, 0)
    progress = jnp.minimum(it / N_RAMPUP, 1.0)
    weight = (WEIGHT_START + (WEIGHT_MAX - WEIGHT_START) * progress)
    return jnp.sum(partials) * weight.astype(jnp.float32)

# --- scband reference (transcript-rebuilt; emitter-appended) ---
"""Pipeline reference for scband-criterion-36945308680556 (READ-ONLY COPY).

The authoritative reference and input builder live on the scoring server;
editing this copy changes nothing except your own understanding.
"""

import jax, jax.numpy as jnp
import numpy as np

N_CLOTH = 8192
N_VERTS = 8192
N_FACES = 8192

WEIGHT_START = 1.0
WEIGHT_MAX = 5000.0
START_RAMPUP = 50000
N_RAMPUP = 100000
EPS = 1e-3


def setup_inputs(seed: int = 0) -> dict:
    key = jax.random.key(seed)
    k1, k2, k3, k4, k5 = jax.random.split(key, 5)
    cloth_pos = jax.random.normal(k1, (N_CLOTH, 3), dtype=jnp.float32)
    cloth_pred_pos = jax.random.normal(k2, (N_CLOTH, 3), dtype=jnp.float32)
    obstacle_pos = jax.random.normal(k3, (N_VERTS, 3), dtype=jnp.float32)
    obstacle_target_pos = jax.random.normal(k4, (N_VERTS, 3), dtype=jnp.float32)
    obstacle_faces = jax.random.randint(k5, (N_FACES, 3), 0, N_VERTS, dtype=jnp.int32)
    iter_num = 75000
    return {
        'cloth_pos': cloth_pos,
        'cloth_pred_pos': cloth_pred_pos,
        'obstacle_pos': obstacle_pos,
        'obstacle_target_pos': obstacle_target_pos,
        'obstacle_faces': obstacle_faces,
        'iter_num': iter_num,
    }


def _face_normals(verts, faces):
    v0 = verts[faces[:, 0]]
    v1 = verts[faces[:, 1]]
    v2 = verts[faces[:, 2]]
    n = jnp.cross(v1 - v0, v2 - v0)
    n = n / (jnp.linalg.norm(n, axis=-1, keepdims=True) + 1e-12)
    return n


def reference(cloth_pos, cloth_pred_pos, obstacle_pos, obstacle_target_pos, obstacle_faces, iter_num):
    # weight ramp-up schedule (scalar math, matches get_weight)
    it = jnp.maximum(iter_num - START_RAMPUP, 0)
    progress = jnp.minimum(it / N_RAMPUP, 1.0)
    weight = (WEIGHT_START + (WEIGHT_MAX - WEIGHT_START) * progress).astype(jnp.float32)

    # obstacle face centers at current positions: gather verts per face, mean over 3 verts
    face_curr = jnp.take(obstacle_pos, obstacle_faces, axis=0).mean(axis=1)  # [F,3]

    # brute-force knn (K=1) of cloth points vs face centers
    d2 = (
        jnp.sum(cloth_pos ** 2, axis=1, keepdims=True)
        + jnp.sum(face_curr ** 2, axis=1)[None, :]
        - 2.0 * (cloth_pos @ face_curr.T)
    )  # [N, F]
    nn_idx = jnp.argmin(d2, axis=1)  # [N]

    # obstacle face centers and normals at next positions
    face_next = jnp.take(obstacle_target_pos, obstacle_faces, axis=0).mean(axis=1)  # [F,3]
    normals = _face_normals(obstacle_target_pos, obstacle_faces)  # [F,3]

    nn_points = jnp.take(face_next, nn_idx, axis=0)   # [N,3]
    nn_normals = jnp.take(normals, nn_idx, axis=0)    # [N,3]

    distance = jnp.sum((cloth_pred_pos - nn_points) * nn_normals, axis=-1)  # [N]
    interpenetration = jnp.maximum(EPS - distance, 0.0) ** 3
    loss = interpenetration.sum()

    # B = 1 example in the batch
    loss = loss / 1.0 * weight
    return loss

if __name__ == "__main__":
    import jax
    _d = setup_inputs()
    print(jax.jit(kernel)(*tuple(_d.values())))

</pallas_src>

<mosaic_0001>
#map = affine_map<(d0, d1) -> (0)>
module attributes {stable_mosaic.version = 14 : i64} {
  func.func @body(%arg0: i32, %arg1: i32, %arg2: memref<8192xf32, #tpu.memory_space<hbm>>, %arg3: memref<8192xf32, #tpu.memory_space<hbm>>, %arg4: memref<8192xf32, #tpu.memory_space<hbm>>, %arg5: memref<8192xf32, #tpu.memory_space<hbm>>, %arg6: memref<8192xf32, #tpu.memory_space<hbm>>, %arg7: memref<8192xf32, #tpu.memory_space<hbm>>, %arg8: memref<8192xi32, #tpu.memory_space<hbm>>, %arg9: memref<8192xi32, #tpu.memory_space<hbm>>, %arg10: memref<8192xi32, #tpu.memory_space<hbm>>, %arg11: memref<8192xf32, #tpu.memory_space<hbm>>, %arg12: memref<8192xf32, #tpu.memory_space<hbm>>, %arg13: memref<8192xf32, #tpu.memory_space<hbm>>, %arg14: memref<8192xf32, #tpu.memory_space<hbm>>, %arg15: memref<8192xf32, #tpu.memory_space<hbm>>, %arg16: memref<8192xf32, #tpu.memory_space<hbm>>, %arg17: memref<8192xf32, #tpu.memory_space<hbm>>, %arg18: memref<8192xf32, #tpu.memory_space<hbm>>, %arg19: memref<8192xf32, #tpu.memory_space<hbm>>, %arg20: memref<8192xf32, #tpu.memory_space<vmem>>, %arg21: memref<8192xf32, #tpu.memory_space<vmem>>, %arg22: memref<8192xf32, #tpu.memory_space<vmem>>, %arg23: memref<8192xf32, #tpu.memory_space<vmem>>, %arg24: memref<8192xf32, #tpu.memory_space<vmem>>, %arg25: memref<8192xf32, #tpu.memory_space<vmem>>, %arg26: memref<256xi32, #tpu.memory_space<vmem>>, %arg27: memref<256xi32, #tpu.memory_space<vmem>>, %arg28: memref<256xi32, #tpu.memory_space<vmem>>, %arg29: memref<256xf32, #tpu.memory_space<vmem>>, %arg30: memref<256xf32, #tpu.memory_space<vmem>>, %arg31: memref<256xf32, #tpu.memory_space<vmem>>, %arg32: memref<256xf32, #tpu.memory_space<vmem>>, %arg33: memref<256xf32, #tpu.memory_space<vmem>>, %arg34: memref<256xf32, #tpu.memory_space<vmem>>, %arg35: memref<256xf32, #tpu.memory_space<vmem>>, %arg36: memref<256xf32, #tpu.memory_space<vmem>>, %arg37: memref<256xf32, #tpu.memory_space<vmem>>) attributes {dimension_semantics = [#tpu.dimension_semantics<core_parallel>, #tpu.dimension_semantics<subcore_parallel>], iteration_bounds = array<i64: 2, 16>, scalar_prefetch = 0 : i64, scratch_operands = 18 : i64, tpu.core_type = #tpu.core_type<sc_vector_subcore>, window_params = [{transform_indices = #map}, {transform_indices = #map}, {transform_indices = #map}, {transform_indices = #map}, {transform_indices = #map}, {transform_indices = #map}, {transform_indices = #map}, {transform_indices = #map}, {transform_indices = #map}, {transform_indices = #map}, {transform_indices = #map}, {transform_indices = #map}, {transform_indices = #map}, {transform_indices = #map}, {transform_indices = #map}, {transform_indices = #map}, {transform_indices = #map}, {transform_indices = #map}]} {
    %mul3A = arith.constant 2 : i32
    %mul3A_0 = arith.muli %arg1, %mul3A : i32
    %add3A = arith.addi %mul3A_0, %arg0 : i32
    %mul3A_1 = arith.constant 256 : i32
    %mul3A_2 = arith.muli %add3A, %mul3A_1 : i32
    "tpu.region"() ({
      %run_scoped3A = tpu.sem_alloc : memref<!tpu.dma_semaphore, #tpu.memory_space<semaphore_mem>>
      tpu.enqueue_dma source(%arg2 : memref<8192xf32, #tpu.memory_space<hbm>>) target(%arg20 : memref<8192xf32, #tpu.memory_space<vmem>>) target_semaphore(%run_scoped3A : memref<!tpu.dma_semaphore, #tpu.memory_space<semaphore_mem>>)
      tpu.wait_dma2 semaphore(%run_scoped3A : memref<!tpu.dma_semaphore, #tpu.memory_space<semaphore_mem>>) src(%arg2 : memref<8192xf32, #tpu.memory_space<hbm>>) dst(%arg20 : memref<8192xf32, #tpu.memory_space<vmem>>)
      tpu.yield
    }) : () -> ()
    "tpu.region"() ({
      %run_scoped3A = tpu.sem_alloc : memref<!tpu.dma_semaphore, #tpu.memory_space<semaphore_mem>>
      tpu.enqueue_dma source(%arg3 : memref<8192xf32, #tpu.memory_space<hbm>>) target(%arg21 : memref<8192xf32, #tpu.memory_space<vmem>>) target_semaphore(%run_scoped3A : memref<!tpu.dma_semaphore, #tpu.memory_space<semaphore_mem>>)
      tpu.wait_dma2 semaphore(%run_scoped3A : memref<!tpu.dma_semaphore, #tpu.memory_space<semaphore_mem>>) src(%arg3 : memref<8192xf32, #tpu.memory_space<hbm>>) dst(%arg21 : memref<8192xf32, #tpu.memory_space<vmem>>)
      tpu.yield
    }) : () -> ()
    "tpu.region"() ({
      %run_scoped3A = tpu.sem_alloc : memref<!tpu.dma_semaphore, #tpu.memory_space<semaphore_mem>>
      tpu.enqueue_dma source(%arg4 : memref<8192xf32, #tpu.memory_space<hbm>>) target(%arg22 : memref<8192xf32, #tpu.memory_space<vmem>>) target_semaphore(%run_scoped3A : memref<!tpu.dma_semaphore, #tpu.memory_space<semaphore_mem>>)
      tpu.wait_dma2 semaphore(%run_scoped3A : memref<!tpu.dma_semaphore, #tpu.memory_space<semaphore_mem>>) src(%arg4 : memref<8192xf32, #tpu.memory_space<hbm>>) dst(%arg22 : memref<8192xf32, #tpu.memory_space<vmem>>)
      tpu.yield
    }) : () -> ()
    "tpu.region"() ({
      %run_scoped3A = tpu.sem_alloc : memref<!tpu.dma_semaphore, #tpu.memory_space<semaphore_mem>>
      tpu.enqueue_dma source(%arg5 : memref<8192xf32, #tpu.memory_space<hbm>>) target(%arg23 : memref<8192xf32, #tpu.memory_space<vmem>>) target_semaphore(%run_scoped3A : memref<!tpu.dma_semaphore, #tpu.memory_space<semaphore_mem>>)
      tpu.wait_dma2 semaphore(%run_scoped3A : memref<!tpu.dma_semaphore, #tpu.memory_space<semaphore_mem>>) src(%arg5 : memref<8192xf32, #tpu.memory_space<hbm>>) dst(%arg23 : memref<8192xf32, #tpu.memory_space<vmem>>)
      tpu.yield
    }) : () -> ()
    "tpu.region"() ({
      %run_scoped3A = tpu.sem_alloc : memref<!tpu.dma_semaphore, #tpu.memory_space<semaphore_mem>>
      tpu.enqueue_dma source(%arg6 : memref<8192xf32, #tpu.memory_space<hbm>>) target(%arg24 : memref<8192xf32, #tpu.memory_space<vmem>>) target_semaphore(%run_scoped3A : memref<!tpu.dma_semaphore, #tpu.memory_space<semaphore_mem>>)
      tpu.wait_dma2 semaphore(%run_scoped3A : memref<!tpu.dma_semaphore, #tpu.memory_space<semaphore_mem>>) src(%arg6 : memref<8192xf32, #tpu.memory_space<hbm>>) dst(%arg24 : memref<8192xf32, #tpu.memory_space<vmem>>)
      tpu.yield
    }) : () -> ()
    "tpu.region"() ({
      %run_scoped3A = tpu.sem_alloc : memref<!tpu.dma_semaphore, #tpu.memory_space<semaphore_mem>>
      tpu.enqueue_dma source(%arg7 : memref<8192xf32, #tpu.memory_space<hbm>>) target(%arg25 : memref<8192xf32, #tpu.memory_space<vmem>>) target_semaphore(%run_scoped3A : memref<!tpu.dma_semaphore, #tpu.memory_space<semaphore_mem>>)
      tpu.wait_dma2 semaphore(%run_scoped3A : memref<!tpu.dma_semaphore, #tpu.memory_space<semaphore_mem>>) src(%arg7 : memref<8192xf32, #tpu.memory_space<hbm>>) dst(%arg25 : memref<8192xf32, #tpu.memory_space<vmem>>)
      tpu.yield
    }) : () -> ()
    "tpu.region"() ({
      %run_scoped3A = tpu.sem_alloc : memref<!tpu.dma_semaphore, #tpu.memory_space<semaphore_mem>>
      %dma_start3A = tpu.memref_slice %arg8[%mul3A_2] : memref<8192xi32, #tpu.memory_space<hbm>> -> memref<256xi32, #tpu.memory_space<hbm>>
      %dma_start3A_1775 = tpu.memref_slice %arg8[%mul3A_2] : memref<8192xi32, #tpu.memory_space<hbm>> -> memref<256xi32, #tpu.memory_space<hbm>>
      tpu.enqueue_dma source(%dma_start3A_1775 : memref<256xi32, #tpu.memory_space<hbm>>) target(%arg26 : memref<256xi32, #tpu.memory_space<vmem>>) target_semaphore(%run_scoped3A : memref<!tpu.dma_semaphore, #tpu.memory_space<semaphore_mem>>)
      %dma_wait3A = tpu.memref_slice %arg8[%mul3A_2] : memref<8192xi32, #tpu.memory_space<hbm>> -> memref<256xi32, #tpu.memory_space<hbm>>
      %dma_wait3A_1776 = tpu.memref_slice %arg8[%mul3A_2] : memref<8192xi32, #tpu.memory_space<hbm>> -> memref<256xi32, #tpu.memory_space<hbm>>
      tpu.wait_dma2 semaphore(%run_scoped3A : memref<!tpu.dma_semaphore, #tpu.memory_space<semaphore_mem>>) src(%dma_wait3A_1776 : memref<256xi32, #tpu.memory_space<hbm>>) dst(%arg26 : memref<256xi32, #tpu.memory_space<vmem>>)
      tpu.yield
    }) : () -> ()
    "tpu.region"() ({
      %run_scoped3A = tpu.sem_alloc : memref<!tpu.dma_semaphore, #tpu.memory_space<semaphore_mem>>
      %dma_start3A = tpu.memref_slice %arg9[%mul3A_2] : memref<8192xi32, #tpu.memory_space<hbm>> -> memref<256xi32, #tpu.memory_space<hbm>>
      %dma_start3A_1775 = tpu.memref_slice %arg9[%mul3A_2] : memref<8192xi32, #tpu.memory_space<hbm>> -> memref<256xi32, #tpu.memory_space<hbm>>
      tpu.enqueue_dma source(%dma_start3A_1775 : memref<256xi32, #tpu.memory_space<hbm>>) target(%arg27 : memref<256xi32, #tpu.memory_space<vmem>>) target_semaphore(%run_scoped3A : memref<!tpu.dma_semaphore, #tpu.memory_space<semaphore_mem>>)
      %dma_wait3A = tpu.memref_slice %arg9[%mul3A_2] : memref<8192xi32, #tpu.memory_space<hbm>> -> memref<256xi32, #tpu.memory_space<hbm>>
      %dma_wait3A_1776 = tpu.memref_slice %arg9[%mul3A_2] : memref<8192xi32, #tpu.memory_space<hbm>> -> memref<256xi32, #tpu.memory_space<hbm>>
      tpu.wait_dma2 semaphore(%run_scoped3A : memref<!tpu.dma_semaphore, #tpu.memory_space<semaphore_mem>>) src(%dma_wait3A_1776 : memref<256xi32, #tpu.memory_space<hbm>>) dst(%arg27 : memref<256xi32, #tpu.memory_space<vmem>>)
      tpu.yield
    }) : () -> ()
    "tpu.region"() ({
      %run_scoped3A = tpu.sem_alloc : memref<!tpu.dma_semaphore, #tpu.memory_space<semaphore_mem>>
      %dma_start3A = tpu.memref_slice %arg10[%mul3A_2] : memref<8192xi32, #tpu.memory_space<hbm>> -> memref<256xi32, #tpu.memory_space<hbm>>
      %dma_start3A_1775 = tpu.memref_slice %arg10[%mul3A_2] : memref<8192xi32, #tpu.memory_space<hbm>> -> memref<256xi32, #tpu.memory_space<hbm>>
      tpu.enqueue_dma source(%dma_start3A_1775 : memref<256xi32, #tpu.memory_space<hbm>>) target(%arg28 : memref<256xi32, #tpu.memory_space<vmem>>) target_semaphore(%run_scoped3A : memref<!tpu.dma_semaphore, #tpu.memory_space<semaphore_mem>>)
      %dma_wait3A = tpu.memref_slice %arg10[%mul3A_2] : memref<8192xi32, #tpu.memory_space<hbm>> -> memref<256xi32, #tpu.memory_space<hbm>>
      %dma_wait3A_1776 = tpu.memref_slice %arg10[%mul3A_2] : memref<8192xi32, #tpu.memory_space<hbm>> -> memref<256xi32, #tpu.memory_space<hbm>>
      tpu.wait_dma2 semaphore(%run_scoped3A : memref<!tpu.dma_semaphore, #tpu.memory_space<semaphore_mem>>) src(%dma_wait3A_1776 : memref<256xi32, #tpu.memory_space<hbm>>) dst(%arg28 : memref<256xi32, #tpu.memory_space<vmem>>)
      tpu.yield
    }) : () -> ()
    %get3A = arith.constant 0 : index
    %get3A_3 = tpu.vector_load %arg26[%get3A] {strides = array<i32>} : memref<256xi32, #tpu.memory_space<vmem>>, vector<16xi32>,
    %get3A_4 = arith.constant 0 : index
    %get3A_5 = tpu.vector_load %arg27[%get3A_4] {strides = array<i32>} : memref<256xi32, #tpu.memory_space<vmem>>, vector<16xi32>,
    %get3A_6 = arith.constant 0 : index
    %get3A_7 = tpu.vector_load %arg28[%get3A_6] {strides = array<i32>} : memref<256xi32, #tpu.memory_space<vmem>>, vector<16xi32>,
    %gather3A = tpu.vector_load_idx %arg20[%get3A_3] : memref<8192xf32, #tpu.memory_space<vmem>>[vector<16xi32>], vector<16xf32>,
    %gather3A_8 = tpu.vector_load_idx %arg20[%get3A_5] : memref<8192xf32, #tpu.memory_space<vmem>>[vector<16xi32>], vector<16xf32>,
    %gather3A_9 = tpu.vector_load_idx %arg20[%get3A_7] : memref<8192xf32, #tpu.memory_space<vmem>>[vector<16xi32>], vector<16xf32>,
    %gather3A_10 = tpu.vector_load_idx %arg21[%get3A_3] : memref<8192xf32, #tpu.memory_space<vmem>>[vector<16xi32>], vector<16xf32>,
    %gather3A_11 = tpu.vector_load_idx %arg21[%get3A_5] : memref<8192xf32, #tpu.memory_space<vmem>>[vector<16xi32>], vector<16xf32>,
    %gather3A_12 = tpu.vector_load_idx %arg21[%get3A_7] : memref<8192xf32, #tpu.memory_space<vmem>>[vector<16xi32>], vector<16xf32>,
    %gather3A_13 = tpu.vector_load_idx %arg22[%get3A_3] : memref<8192xf32, #tpu.memory_space<vmem>>[vector<16xi32>], vector<16xf32>,
    %gather3A_14 = tpu.vector_load_idx %arg22[%get3A_5] : memref<8192xf32, #tpu.memory_space<vmem>>[vector<16xi32>], vector<16xf32>,
    %gather3A_15 = tpu.vector_load_idx %arg22[%get3A_7] : memref<8192xf32, #tpu.memory_space<vmem>>[vector<16xi32>], vector<16xf32>,
    %add3A_16 = arith.addf %gather3A, %gather3A_8 : vector<16xf32>
    %add3A_17 = arith.addf %add3A_16, %gather3A_9 : vector<16xf32>
    %mul3A_18 = arith.constant 0.333333343 : f32
    %mul3A_19 = vector.broadcast %mul3A_18 : f32 to vector<16xf32>
    %mul3A_20 = arith.mulf %add3A_17, %mul3A_19 : vector<16xf32>
    %add3A_21 = arith.addf %gather3A_10, %gather3A_11 : vector<16xf32>
    %add3A_22 = arith.addf %add3A_21, %gather3A_12 : vector<16xf32>
    %mul3A_23 = arith.constant 0.333333343 : f32
    %mul3A_24 = vector.broadcast %mul3A_23 : f32 to vector<16xf32>
    %mul3A_25 = arith.mulf %add3A_22, %mul3A_24 : vector<16xf32>
    %add3A_26 = arith.addf %gather3A_13, %gather3A_14 : vector<16xf32>
    %add3A_27 = arith.addf %add3A_26, %gather3A_15 : vector<16xf32>
    %mul3A_28 = arith.constant 0.333333343 : f32
    %mul3A_29 = vector.broadcast %mul3A_28 : f32 to vector<16xf32>
    %mul3A_30 = arith.mulf %add3A_27, %mul3A_29 : vector<16xf32>
    %mul3A_31 = arith.constant -2.000000e+00 : f32
    %mul3A_32 = vector.broadcast %mul3A_31 : f32 to vector<16xf32>
    %mul3A_33 = arith.mulf %mul3A_32, %mul3A_20 : vector<16xf32>
    %swap3A = arith.constant 0 : index
    %swap3A_34 = tpu.vector_load %arg29[%swap3A] {strides = array<i32>} : memref<256xf32, #tpu.memory_space<vmem>>, vector<16xf32>,
    tpu.vector_store %arg29[%swap3A], %mul3A_33 {strides = array<i32>} : memref<256xf32, #tpu.memory_space<vmem>>, vector<16xf32>,
    %mul3A_35 = arith.constant -2.000000e+00 : f32
    %mul3A_36 = vector.broadcast %mul3A_35 : f32 to vector<16xf32>
    %mul3A_37 = arith.mulf %mul3A_36, %mul3A_25 : vector<16xf32>
    %swap3A_38 = arith.constant 0 : index
    %swap3A_39 = tpu.vector_load %arg30[%swap3A_38] {strides = array<i32>} : memref<256xf32, #tpu.memory_space<vmem>>, vector<16xf32>,
    tpu.vector_store %arg30[%swap3A_38], %mul3A_37 {strides = array<i32>} : memref<256xf32, #tpu.memory_space<vmem>>, vector<16xf32>,
    %mul3A_40 = arith.constant -2.000000e+00 : f32
    %mul3A_41 = vector.broadcast %mul3A_40 : f32 to vector<16xf32>
    %mul3A_42 = arith.mulf %mul3A_41, %mul3A_30 : vector<16xf32>
    %swap3A_43 = arith.constant 0 : index
    %swap3A_44 = tpu.vector_load %arg31[%swap3A_43] {strides = array<i32>} : memref<256xf32, #tpu.memory_space<vmem>>, vector<16xf32>,
    tpu.vector_store %arg31[%swap3A_43], %mul3A_42 {strides = array<i32>} : memref<256xf32, #tpu.memory_space<vmem>>, vector<16xf32>,
    %mul3A_45 = arith.mulf %mul3A_20, %mul3A_20 : vector<16xf32>
    %mul3A_46 = arith.mulf %mul3A_25, %mul3A_25 : vector<16xf32>
    %add3A_47 = arith.addf %mul3A_45, %mul3A_46 : vector<16xf32>
    %mul3A_48 = arith.mulf %mul3A_30, %mul3A_30 : vector<16xf32>
    %add3A_49 = arith.addf %add3A_47, %mul3A_48 : vector<16xf32>
    %swap3A_50 = arith.constant 0 : index
    %swap3A_51 = tpu.vector_load %arg32[%swap3A_50] {strides = array<i32>} : memref<256xf32, #tpu.memory_space<vmem>>, vector<16xf32>,
    tpu.vector_store %arg32[%swap3A_50], %add3A_49 {strides = array<i32>} : memref<256xf32, #tpu.memory_space<vmem>>, vector<16xf32>,
    %gather3A_52 = tpu.vector_load_idx %arg23[%get3A_3] : memref<8192xf32, #tpu.memory_space<vmem>>[vector<16xi32>], vector<16xf32>,
    %gather3A_53 = tpu.vector_load_idx %arg23[%get3A_5] : memref<8192xf32, #tpu.memory_space<vmem>>[vector<16xi32>], vector<16xf32>,
    %gather3A_54 = tpu.vector_load_idx %arg23[%get3A_7] : memref<8192xf32, #tpu.memory_space<vmem>>[vector<16xi32>], vector<16xf32>,
    %gather3A_55 = tpu.vector_load_idx %arg24[%get3A_3] : memref<8192xf32, #tpu.memory_space<vmem>>[vector<16xi32>], vector<16xf32>,
    %gather3A_56 = tpu.vector_load_idx %arg24[%get3A_5] : memref<8192xf32, #tpu.memory_space<vmem>>[vector<16xi32>], vector<16xf32>,
    %gather3A_57 = tpu.vector_load_idx %arg24[%get3A_7] : memref<8192xf32, #tpu.memory_space<vmem>>[vector<16xi32>], vector<16xf32>,
    %gather3A_58 = tpu.vector_load_idx %arg25[%get3A_3] : memref<8192xf32, #tpu.memory_space<vmem>>[vector<16xi32>], vector<16xf32>,
    %gather3A_59 = tpu.vector_load_idx %arg25[%get3A_5] : memref<8192xf32, #tpu.memory_space<vmem>>[vector<16xi32>], vector<16xf32>,
    %gather3A_60 = tpu.vector_load_idx %arg25[%get3A_7] : memref<8192xf32, #tpu.memory_space<vmem>>[vector<16xi32>], vector<16xf32>,
    %add3A_61 = arith.addf %gather3A_52, %gather3A_53 : vector<16xf32>
    %add3A_62 = arith.addf %add3A_61, %gather3A_54 : vector<16xf32>
    %mul3A_63 = arith.constant 0.333333343 : f32
    %mul3A_64 = vector.broadcast %mul3A_63 : f32 to vector<16xf32>
    %mul3A_65 = arith.mulf %add3A_62, %mul3A_64 : vector<16xf32>
    %add3A_66 = arith.addf %gather3A_55, %gather3A_56 : vector<16xf32>
    %add3A_67 = arith.addf %add3A_66, %gather3A_57 : vector<16xf32>
    %mul3A_68 = arith.constant 0.333333343 : f32
    %mul3A_69 = vector.broadcast %mul3A_68 : f32 to vector<16xf32>
    %mul3A_70 = arith.mulf %add3A_67, %mul3A_69 : vector<16xf32>
    %add3A_71 = arith.addf %gather3A_58, %gather3A_59 : vector<16xf32>
    %add3A_72 = arith.addf %add3A_71, %gather3A_60 : vector<16xf32>
    %mul3A_73 = arith.constant 0.333333343 : f32
    %mul3A_74 = vector.broadcast %mul3A_73 : f32 to vector<16xf32>
    %mul3A_75 = arith.mulf %add3A_72, %mul3A_74 : vector<16xf32>
    %sub3A = arith.subf %gather3A_53, %gather3A_52 : vector<16xf32>
    %sub3A_76 = arith.subf %gather3A_56, %gather3A_55 : vector<16xf32>
    %sub3A_77 = arith.subf %gather3A_59, %gather3A_58 : vector<16xf32>
    %sub3A_78 = arith.subf %gather3A_54, %gather3A_52 : vector<16xf32>
    %sub3A_79 = arith.subf %gather3A_57, %gather3A_55 : vector<16xf32>
    %sub3A_80 = arith.subf %gather3A_60, %gather3A_58 : vector<16xf32>
    %mul3A_81 = arith.mulf %sub3A_76, %sub3A_80 : vector<16xf32>
    %mul3A_82 = arith.mulf %sub3A_77, %sub3A_79 : vector<16xf32>
    %sub3A_83 = arith.subf %mul3A_81, %mul3A_82 : vector<16xf32>
    %mul3A_84 = arith.mulf %sub3A_77, %sub3A_78 : vector<16xf32>
    %mul3A_85 = arith.mulf %sub3A, %sub3A_80 : vector<16xf32>
    %sub3A_86 = arith.subf %mul3A_84, %mul3A_85 : vector<16xf32>
    %mul3A_87 = arith.mulf %sub3A, %sub3A_79 : vector<16xf32>
    %mul3A_88 = arith.mulf %sub3A_76, %sub3A_78 : vector<16xf32>
    %sub3A_89 = arith.subf %mul3A_87, %mul3A_88 : vector<16xf32>
    %swap3A_90 = arith.constant 0 : index
    %swap3A_91 = tpu.vector_load %arg33[%swap3A_90] {strides = array<i32>} : memref<256xf32, #tpu.memory_space<vmem>>, vector<16xf32>,
    tpu.vector_store %arg33[%swap3A_90], %sub3A_83 {strides = array<i32>} : memref<256xf32, #tpu.memory_space<vmem>>, vector<16xf32>,
    %swap3A_92 = arith.constant 0 : index
    %swap3A_93 = tpu.vector_load %arg34[%swap3A_92] {strides = array<i32>} : memref<256xf32, #tpu.memory_space<vmem>>, vector<16xf32>,
    tpu.vector_store %arg34[%swap3A_92], %sub3A_86 {strides = array<i32>} : memref<256xf32, #tpu.memory_space<vmem>>, vector<16xf32>,
    %swap3A_94 = arith.constant 0 : index
    %swap3A_95 = tpu.vector_load %arg35[%swap3A_94] {strides = array<i32>} : memref<256xf32, #tpu.memory_space<vmem>>, vector<16xf32>,
    tpu.vector_store %arg35[%swap3A_94], %sub3A_89 {strides = array<i32>} : memref<256xf32, #tpu.memory_space<vmem>>, vector<16xf32>,
    %mul3A_96 = arith.mulf %sub3A_83, %sub3A_83 : vector<16xf32>
    %mul3A_97 = arith.mulf %sub3A_86, %sub3A_86 : vector<16xf32>
    %add3A_98 = arith.addf %mul3A_96, %mul3A_97 : vector<16xf32>
    %mul3A_99 = arith.mulf %sub3A_89, %sub3A_89 : vector<16xf32>
    %add3A_100 = arith.addf %add3A_98, %mul3A_99 : vector<16xf32>
    %swap3A_101 = arith.constant 0 : index
    %swap3A_102 = tpu.vector_load %arg36[%swap3A_101] {strides = array<i32>} : memref<256xf32, #tpu.memory_space<vmem>>, vector<16xf32>,
    tpu.vector_store %arg36[%swap3A_101], %add3A_100 {strides = array<i32>} : memref<256xf32, #tpu.memory_space<vmem>>, vector<16xf32>,
    %mul3A_103 = arith.mulf %mul3A_65, %sub3A_83 : vector<16xf32>
    %mul3A_104 = arith.mulf %mul3A_70, %sub3A_86 : vector<16xf32>
    %add3A_105 = arith.addf %mul3A_103, %mul3A_104 : vector<16xf32>
    %mul3A_106 = arith.mulf %mul3A_75, %sub3A_89 : vector<16xf32>
    %add3A_107 = arith.addf %add3A_105, %mul3A_106 : vector<16xf32>
    %swap3A_108 = arith.constant 0 : index
    %swap3A_109 = tpu.vector_load %arg37[%swap3A_108] {strides = array<i32>} : memref<256xf32, #tpu.memory_space<vmem>>, vector<16xf32>,
    tpu.vector_store %arg37[%swap3A_108], %add3A_107 {strides = array<i32>} : memref<256xf32, #tpu.memory_space<vmem>>, vector<16xf32>,
    %get3A_110 = arith.constant 16 : index
    %get3A_111 = tpu.vector_load %arg26[%get3A_110] {strides = array<i32>} : memref<256xi32, #tpu.memory_space<vmem>>, vector<16xi32>,
    %get3A_112 = arith.constant 16 : index
    %get3A_113 = tpu.vector_load %arg27[%get3A_112] {strides = array<i32>} : memref<256xi32, #tpu.memory_space<vmem>>, vector<16xi32>,
    %get3A_114 = arith.constant 16 : index
    %get3A_115 = tpu.vector_load %arg28[%get3A_114] {strides = array<i32>} : memref<256xi32, #tpu.memory_space<vmem>>, vector<16xi32>,
    %gather3A_116 = tpu.vector_load_idx %arg20[%get3A_111] : memref<8192xf32, #tpu.memory_space<vmem>>[vector<16xi32>], vector<16xf32>,
    %gather3A_117 = tpu.vector_load_idx %arg20[%get3A_113] : memref<8192xf32, #tpu.memory_space<vmem>>[vector<16xi32>], vector<16xf32>,
    %gather3A_118 = tpu.vector_load_idx %arg20[%get3A_115] : memref<8192xf32, #tpu.memory_space<vmem>>[vector<16xi32>], vector<16xf32>,
    %gather3A_119 = tpu.vector_load_idx %arg21[%get3A_111] : memref<8192xf32, #tpu.memory_space<vmem>>[vector<16xi32>], vector<16xf32>,
    %gather3A_120 = tpu.vector_load_idx %arg21[%get3A_113] : memref<8192xf32, #tpu.memory_space<vmem>>[vector<16xi32>], vector<16xf32>,
    %gather3A_121 = tpu.vector_load_idx %arg21[%get3A_115] : memref<8192xf32, #tpu.memory_space<vmem>>[vector<16xi32>], vector<16xf32>,
    %gather3A_122 = tpu.vector_load_idx %arg22[%get3A_111] : memref<8192xf32, #tpu.memory_space<vmem>>[vector<16xi32>], vector<16xf32>,
    %gather3A_123 = tpu.vector_load_idx %arg22[%get3A_113] : memref<8192xf32, #tpu.memory_space<vmem>>[vector<16xi32>], vector<16xf32>,
    %gather3A_124 = tpu.vector_load_idx %arg22[%get3A_115] : memref<8192xf32, #tpu.memory_space<vmem>>[vector<16xi32>], vector<16xf32>,
    %add3A_125 = arith.addf %gather3A_116, %gather3A_117 : vector<16xf32>
    %add3A_126 = arith.addf %add3A_125, %gather3A_118 : vector<16xf32>
    %mul3A_127 = arith.constant 0.333333343 : f32
    %mul3A_128 = vector.broadcast %mul3A_127 : f32 to vector<16xf32>
    %mul3A_129 = arith.mulf %add3A_126, %mul3A_128 : vector<16xf32>
    %add3A_130 = arith.addf %gather3A_119, %gather3A_120 : vector<16xf32>
    %add3A_131 = arith.addf %add3A_130, %gather3A_121 : vector<16xf32>
    %mul3A_132 = arith.constant 0.333333343 : f32
    %mul3A_133 = vector.broadcast %mul3A_132 : f32 to vector<16xf32>
    %mul3A_134 = arith.mulf %add3A_131, %mul3A_133 : vector<16xf32>
    %add3A_135 = arith.addf %gather3A_122, %gather3A_123 : vector<16xf32>
    %add3A_136 = arith.addf %add3A_135, %gather3A_124 : vector<16xf32>
    %mul3A_137 = arith.constant 0.333333343 : f32
    %mul3A_138 = vector.broadcast %mul3A_137 : f32 to vector<16xf32>
    %mul3A_139 = arith.mulf %add3A_136, %mul3A_138 : vector<16xf32>
    %mul3A_140 = arith.constant -2.000000e+00 : f32
    %mul3A_141 = vector.broadcast %mul3A_140 : f32 to vector<16xf32>
    %mul3A_142 = arith.mulf %mul3A_141, %mul3A_129 : vector<16xf32>
    %swap3A_143 = arith.constant 16 : index
    %swap3A_144 = tpu.vector_load %arg29[%swap3A_143] {strides = array<i32>} : memref<256xf32, #tpu.memory_space<vmem>>, vector<16xf32>,
    tpu.vector_store %arg29[%swap3A_143], %mul3A_142 {strides = array<i32>} : memref<256xf32, #tpu.memory_space<vmem>>, vector<16xf32>,
    %mul3A_145 = arith.constant -2.000000e+00 : f32
    %mul3A_146 = vector.broadcast %mul3A_145 : f32 to vector<16xf32>
    %mul3A_147 = arith.mulf %mul3A_146, %mul3A_134 : vector<16xf32>
    %swap3A_148 = arith.constant 16 : index
    %swap3A_149 = tpu.vector_load %arg30[%swap3A_148] {strides = array<i32>} : memref<256xf32, #tpu.memory_space<vmem>>, vector<16xf32>,
    tpu.vector_store %arg30[%swap3A_148], %mul3A_147 {strides = array<i32>} : memref<256xf32, #tpu.memory_space<vmem>>, vector<16xf32>,
    %mul3A_150 = arith.constant -2.000000e+00 : f32
    %mul3A_151 = vector.broadcast %mul3A_150 : f32 to vector<16xf32>
    %mul3A_152 = arith.mulf %mul3A_151, %mul3A_139 : vector<16xf32>
    %swap3A_153 = arith.constant 16 : index
    %swap3A_154 = tpu.vector_load %arg31[%swap3A_153] {strides = array<i32>} : memref<256xf32, #tpu.memory_space<vmem>>, vector<16xf32>,
    tpu.vector_store %arg31[%swap3A_153], %mul3A_152 {strides = array<i32>} : memref<256xf32, #tpu.memory_space<vmem>>, vector<16xf32>,
    %mul3A_155 = arith.mulf %mul3A_129, %mul3A_129 : vector<16xf32>
    %mul3A_156 = arith.mulf %mul3A_134, %mul3A_134 : vector<16xf32>
    %add3A_157 = arith.addf %mul3A_155, %mul3A_156 : vector<16xf32>
    %mul3A_158 = arith.mulf %mul3A_139, %mul3A_139 : vector<16xf32>
    %add3A_159 = arith.addf %add3A_157, %mul3A_158 : vector<16xf32>
    %swap3A_160 = arith.constant 16 : index
    %swap3A_161 = tpu.vector_load %arg32[%swap3A_160] {strides = array<i32>} : memref<256xf32, #tpu.memory_space<vmem>>, vector<16xf32>,
    tpu.vector_store %arg32[%swap3A_160], %add3A_159 {strides = array<i32>} : memref<256xf32, #tpu.memory_space<vmem>>, vector<16xf32>,
    %gather3A_162 = tpu.vector_load_idx %arg23[%get3A_111] : memref<8192xf32, #tpu.memory_space<vmem>>[vector<16xi32>], vector<16xf32>,
    %gather3A_163 = tpu.vector_load_idx %arg23[%get3A_113] : memref<8192xf32, #tpu.memory_space<vmem>>[vector<16xi32>], vector<16xf32>,
    %gather3A_164 = tpu.vector_load_idx %arg23[%get3A_115] : memref<8192xf32, #tpu.memory_space<vmem>>[vector<16xi32>], vector<16xf32>,
    %gather3A_165 = tpu.vector_load_idx %arg24[%get3A_111] : memref<8192xf32, #tpu.memory_space<vmem>>[vector<16xi32>], vector<16xf32>,
    %gather3A_166 = tpu.vector_load_idx %arg24[%get3A_113] : memref<8192xf32, #tpu.memory_space<vmem>>[vector<16xi32>], vector<16xf32>,
    %gather3A_167 = tpu.vector_load_idx %arg24[%get3A_115] : memref<8192xf32, #tpu.memory_space<vmem>>[vector<16xi32>], vector<16xf32>,
    %gather3A_168 = tpu.vector_load_idx %arg25[%get3A_111] : memref<8192xf32, #tpu.memory_space<vmem>>[vector<16xi32>], vector<16xf32>,
    %gather3A_169 = tpu.vector_load_idx %arg25[%get3A_113] : memref<8192xf32, #tpu.memory_space<vmem>>[vector<16xi32>], vector<16xf32>,
    %gather3A_170 = tpu.vector_load_idx %arg25[%get3A_115] : memref<8192xf32, #tpu.memory_space<vmem>>[vector<16xi32>], vector<16xf32>,
    %add3A_171 = arith.addf %gather3A_162, %gather3A_163 : vector<16xf32>
    %add3A_172 = arith.addf %add3A_171, %gather3A_164 : vector<16xf32>
    %mul3A_173 = arith.constant 0.333333343 : f32
    %mul3A_174 = vector.broadcast %mul3A_173 : f32 to vector<16xf32>
    %mul3A_175 = arith.mulf %add3A_172, %mul3A_174 : vector<16xf32>
    %add3A_176 = arith.addf %gather3A_165, %gather3A_166 : vector<16xf32>
    %add3A_177 = arith.addf %add3A_176, %gather3A_167 : vector<16xf32>
    %mul3A_178 = arith.constant 0.333333343 : f32
    %mul3A_179 = vector.broadcast %mul3A_178 : f32 to vector<16xf32>
    %mul3A_180 = arith.mulf %add3A_177, %mul3A_179 : vector<16xf32>
    %add3A_181 = arith.addf %gather3A_168, %gather3A_169 : vector<16xf32>
    %add3A_182 = arith.addf %add3A_181, %gather3A_170 : vector<16xf32>
    %mul3A_183 = arith.constant 0.333333343 : f32
    %mul3A_184 = vector.broadcast %mul3A_183 : f32 to vector<16xf32>
    %mul3A_185 = arith.mulf %add3A_182, %mul3A_184 : vector<16xf32>
    %sub3A_186 = arith.subf %gather3A_163, %gather3A_162 : vector<16xf32>
    %sub3A_187 = arith.subf %gather3A_166, %gather3A_165 : vector<16xf32>
    %sub3A_188 = arith.subf %gather3A_169, %gather3A_168 : vector<16xf32>
    %sub3A_189 = arith.subf %gather3A_164, %gather3A_162 : vector<16xf32>
    %sub3A_190 = arith.subf %gather3A_167, %gather3A_165 : vector<16xf32>
    %sub3A_191 = arith.subf %gather3A_170, %gather3A_168 : vector<16xf32>
    %mul3A_192 = arith.mulf %sub3A_187, %sub3A_191 : vector<16xf32>
    %mul3A_193 = arith.mulf %sub3A_188, %sub3A_190 : vector<16xf32>
    %sub3A_194 = arith.subf %mul3A_192, %mul3A_193 : vector<16xf32>
    %mul3A_195 = arith.mulf %sub3A_188, %sub3A_189 : vector<16xf32>
    %mul3A_196 = arith.mulf %sub3A_186, %sub3A_191 : vector<16xf32>
    %sub3A_197 = arith.subf %mul3A_195, %mul3A_196 : vector<16xf32>
    %mul3A_198 = arith.mulf %sub3A_186, %sub3A_190 : vector<16xf32>
    %mul3A_199 = arith.mulf %sub3A_187, %sub3A_189 : vector<16xf32>
    %sub3A_200 = arith.subf %mul3A_198, %mul3A_199 : vector<16xf32>
    %swap3A_201 = arith.constant 16 : index
    %swap3A_202 = tpu.vector_load %arg33[%swap3A_201] {strides = array<i32>} : memref<256xf32, #tpu.memory_space<vmem>>, vector<16xf32>,
    tpu.vector_store %arg33[%swap3A_201], %sub3A_194 {strides = array<i32>} : memref<256xf32, #tpu.memory_space<vmem>>, vector<16xf32>,
    %swap3A_203 = arith.constant 16 : index
    %swap3A_204 = tpu.vector_load %arg34[%swap3A_203] {strides = array<i32>} : memref<256xf32, #tpu.memory_space<vmem>>, vector<16xf32>,
    tpu.vector_store %arg34[%swap3A_203], %sub3A_197 {strides = array<i32>} : memref<256xf32, #tpu.memory_space<vmem>>, vector<16xf32>,
    %swap3A_205 = arith.constant 16 : index
    %swap3A_206 = tpu.vector_load %arg35[%swap3A_205] {strides = array<i32>} : memref<256xf32, #tpu.memory_space<vmem>>, vector<16xf32>,
    tpu.vector_store %arg35[%swap3A_205], %sub3A_200 {strides = array<i32>} : memref<256xf32, #tpu.memory_space<vmem>>, vector<16xf32>,
    %mul3A_207 = arith.mulf %sub3A_194, %sub3A_194 : vector<16xf32>
    %mul3A_208 = arith.mulf %sub3A_197, %sub3A_197 : vector<16xf32>
    %add3A_209 = arith.addf %mul3A_207, %mul3A_208 : vector<16xf32>
    %mul3A_210 = arith.mulf %sub3A_200, %sub3A_200 : vector<16xf32>
    %add3A_211 = arith.addf %add3A_209, %mul3A_210 : vector<16xf32>
    %swap3A_212 = arith.constant 16 : index
    %swap3A_213 = tpu.vector_load %arg36[%swap3A_212] {strides = array<i32>} : memref<256xf32, #tpu.memory_space<vmem>>, vector<16xf32>,
    tpu.vector_store %arg36[%swap3A_212], %add3A_211 {strides = array<i32>} : memref<256xf32, #tpu.memory_space<vmem>>, vector<16xf32>,
    %mul3A_214 = arith.mulf %mul3A_175, %sub3A_194 : vector<16xf32>
    %mul3A_215 = arith.mulf %mul3A_180, %sub3A_197 : vector<16xf32>
    %add3A_216 = arith.addf %mul3A_214, %mul3A_215 : vector<16xf32>
    %mul3A_217 = arith.mulf %mul3A_185, %sub3A_200 : vector<16xf32>
    %add3A_218 = arith.addf %add3A_216, %mul3A_217 : vector<16xf32>
    %swap3A_219 = arith.constant 16 : index
    %swap3A_220 = tpu.vector_load %arg37[%swap3A_219] {strides = array<i32>} : memref<256xf32, #tpu.memory_space<vmem>>, vector<16xf32>,
    tpu.vector_store %arg37[%swap3A_219], %add3A_218 {strides = array<i32>} : memref<256xf32, #tpu.memory_space<vmem>>, vector<16xf32>,
    %get3A_221 = arith.constant 32 : index
    %get3A_222 = tpu.vector_load %arg26[%get3A_221] {strides = array<i32>} : memref<256xi32, #tpu.memory_space<vmem>>, vector<16xi32>,
    %get3A_223 = arith.constant 32 : index
    %get3A_224 = tpu.vector_load %arg27[%get3A_223] {strides = array<i32>} : memref<256xi32, #tpu.memory_space<vmem>>, vector<16xi32>,
    %get3A_225 = arith.constant 32 : index
    %get3A_226 = tpu.vector_load %arg28[%get3A_225] {strides = array<i32>} : memref<256xi32, #tpu.memory_space<vmem>>, vector<16xi32>,
    %gather3A_227 = tpu.vector_load_idx %arg20[%get3A_222] : memref<8192xf32, #tpu.memory_space<vmem>>[vector<16xi32>], vector<16xf32>,
    %gather3A_228 = tpu.vector_load_idx %arg20[%get3A_224] : memref<8192xf32, #tpu.memory_space<vmem>>[vector<16xi32>], vector<16xf32>,
    %gather3A_229 = tpu.vector_load_idx %arg20[%get3A_226] : memref<8192xf32, #tpu.memory_space<vmem>>[vector<16xi32>], vector<16xf32>,
    %gather3A_230 = tpu.vector_load_idx %arg21[%get3A_222] : memref<8192xf32, #tpu.memory_space<vmem>>[vector<16xi32>], vector<16xf32>,
    %gather3A_231 = tpu.vector_load_idx %arg21[%get3A_224] : memref<8192xf32, #tpu.memory_space<vmem>>[vector<16xi32>], vector<16xf32>,
    %gather3A_232 = tpu.vector_load_idx %arg21[%get3A_226] : memref<8192xf32, #tpu.memory_space<vmem>>[vector<16xi32>], vector<16xf32>,
    %gather3A_233 = tpu.vector_load_idx %arg22[%get3A_222] : memref<8192xf32, #tpu.memory_space<vmem>>[vector<16xi32>], vector<16xf32>,
    %gather3A_234 = tpu.vector_load_idx %arg22[%get3A_224] : memref<8192xf32, #tpu.memory_space<vmem>>[vector<16xi32>], vector<16xf32>,
    %gather3A_235 = tpu.vector_load_idx %arg22[%get3A_226] : memref<8192xf32, #tpu.memory_space<vmem>>[vector<16xi32>], vector<16xf32>,
    %add3A_236 = arith.addf %gather3A_227, %gather3A_228 : vector<16xf32>
    %add3A_237 = arith.addf %add3A_236, %gather3A_229 : vector<16xf32>
    %mul3A_238 = arith.constant 0.333333343 : f32
    %mul3A_239 = vector.broadcast %mul3A_238 : f32 to vector<16xf32>
    %mul3A_240 = arith.mulf %add3A_237, %mul3A_239 : vector<16xf32>
    %add3A_241 = arith.addf %gather3A_230, %gather3A_231 : vector<16xf32>
    %add3A_242 = arith.addf %add3A_241, %gather3A_232 : vector<16xf32>
    %mul3A_243 = arith.constant 0.333333343 : f32
    %mul3A_244 = vector.broadcast %mul3A_243 : f32 to vector<16xf32>
    %mul3A_245 = arith.mulf %add3A_242, %mul3A_244 : vector<16xf32>
    %add3A_246 = arith.addf %gather3A_233, %gather3A_234 : vector<16xf32>
    %add3A_247 = arith.addf %add3A_246, %gather3A_235 : vector<16xf32>
    %mul3A_248 = arith.constant 0.333333343 : f32
    %mul3A_249 = vector.broadcast %mul3A_248 : f32 to vector<16xf32>
    %mul3A_250 = arith.mulf %add3A_247, %mul3A_249 : vector<16xf32>
    %mul3A_251 = arith.constant -2.000000e+00 : f32
    %mul3A_252 = vector.broadcast %mul3A_251 : f32 to vector<16xf32>
    %mul3A_253 = arith.mulf %mul3A_252, %mul3A_240 : vector<16xf32>
    %swap3A_254 = arith.constant 32 : index
    %swap3A_255 = tpu.vector_load %arg29[%swap3A_254] {strides = array<i32>} : memref<256xf32, #tpu.memory_space<vmem>>, vector<16xf32>,
    tpu.vector_store %arg29[%swap3A_254], %mul3A_253 {strides = array<i32>} : memref<256xf32, #tpu.memory_space<vmem>>, vector<16xf32>,
    %mul3A_256 = arith.constant -2.000000e+00 : f32
    %mul3A_257 = vector.broadcast %mul3A_256 : f32 to vector<16xf32>
    %mul3A_258 = arith.mulf %mul3A_257, %mul3A_245 : vector<16xf32>
    %swap3A_259 = arith.constant 32 : index
    %swap3A_260 = tpu.vector_load %arg30[%swap3A_259] {strides = array<i32>} : memref<256xf32, #tpu.memory_space<vmem>>, vector<16xf32>,
    tpu.vector_store %arg30[%swap3A_259], %mul3A_258 {strides = array<i32>} : memref<256xf32, #tpu.memory_space<vmem>>, vector<16xf32>,
    %mul3A_261 = arith.constant -2.000000e+00 : f32
    %mul3A_262 = vector.broadcast %mul3A_261 : f32 to vector<16xf32>
    %mul3A_263 = arith.mulf %mul3A_262, %mul3A_250 : vector<16xf32>
    %swap3A_264 = arith.constant 32 : index
    %swap3A_265 = tpu.vector_load %arg31[%swap3A_264] {strides = array<i32>} : memref<256xf32, #tpu.memory_space<vmem>>, vector<16xf32>,
    tpu.vector_store %arg31[%swap3A_264], %mul3A_263 {strides = array<i32>} : memref<256xf32, #tpu.memory_space<vmem>>, vector<16xf32>,
    %mul3A_266 = arith.mulf %mul3A_240, %mul3A_240 : vector<16xf32>
    %mul3A_267 = arith.mulf %mul3A_245, %mul3A_245 : vector<16xf32>
    %add3A_268 = arith.addf %mul3A_266, %mul3A_267 : vector<16xf32>
    %mul3A_269 = arith.mulf %mul3A_250, %mul3A_250 : vector<16xf32>
    %add3A_270 = arith.addf %add3A_268, %mul3A_269 : vector<16xf32>
    %swap3A_271 = arith.constant 32 : index
    %swap3A_272 = tpu.vector_load %arg32[%swap3A_271] {strides = array<i32>} : memref<256xf32, #tpu.memory_space<vmem>>, vector<16xf32>,
    tpu.vector_store %arg32[%swap3A_271], %add3A_270 {strides = array<i32>} : memref<256xf32, #tpu.memory_space<vmem>>, vector<16xf32>,
    %gather3A_273 = tpu.vector_load_idx %arg23[%get3A_222] : memref<8192xf32, #tpu.memory_space<vmem>>[vector<16xi32>], vector<16xf32>,
    %gather3A_274 = tpu.vector_load_idx %arg23[%get3A_224] : memref<8192xf32, #tpu.memory_space<vmem>>[vector<16xi32>], vector<16xf32>,
    %gather3A_275 = tpu.vector_load_idx %arg23[%get3A_226] : memref<8192xf32, #tpu.memory_space<vmem>>[vector<16xi32>], vector<16xf32>,
    %gather3A_276 = tpu.vector_load_idx %arg24[%get3A_222] : memref<8192xf32, #tpu.memory_space<vmem>>[vector<16xi32>], vector<16xf32>,
    %gather3A_277 = tpu.vector_load_idx %arg24[%get3A_224] : memref<8192xf32, #tpu.memory_space<vmem>>[vector<16xi32>], vector<16xf32>,
    %gather3A_278 = tpu.vector_load_idx %arg24[%get3A_226] : memref<8192xf32, #tpu.memory_space<vmem>>[vector<16xi32>], vector<16xf32>,
    %gather3A_279 = tpu.vector_load_idx %arg25[%get3A_222] : memref<8192xf32, #tpu.memory_space<vmem>>[vector<16xi32>], vector<16xf32>,
    %gather3A_280 = tpu.vector_load_idx %arg25[%get3A_224] : memref<8192xf32, #tpu.memory_space<vmem>>[vector<16xi32>], vector<16xf32>,
    %gather3A_281 = tpu.vector_load_idx %arg25[%get3A_226] : memref<8192xf32, #tpu.memory_space<vmem>>[vector<16xi32>], vector<16xf32>,
    %add3A_282 = arith.addf %gather3A_273, %gather3A_274 : vector<16xf32>
    %add3A_283 = arith.addf %add3A_282, %gather3A_275 : vector<16xf32>
    %mul3A_284 = arith.constant 0.333333343 : f32
    %mul3A_285 = vector.broadcast %mul3A_284 : f32 to vector<16xf32>
    %mul3A_286 = arith.mulf %add3A_283, %mul3A_285 : vector<16xf32>
    %add3A_287 = arith.addf %gather3A_276, %gather3A_277 : vector<16xf32>
    %add3A_288 = arith.addf %add3A_287, %gather3A_278 : vector<16xf32>
    %mul3A_289 = arith.constant 0.333333343 : f32
    %mul3A_290 = vector.broadcast %mul3A_289 : f32 to vector<16xf32>
    %mul3A_291 = arith.mulf %add3A_288, %mul3A_290 : vector<16xf32>
    %add3A_292 = arith.addf %gather3A_279, %gather3A_280 : vector<16xf32>
    %add3A_293 = arith.addf %add3A_292, %gather3A_281 : vector<16xf32>
    %mul3A_294 = arith.constant 0.333333343 : f32
    %mul3A_295 = vector.broadcast %mul3A_294 : f32 to vector<16xf32>
    %mul3A_296 = arith.mulf %add3A_293, %mul3A_295 : vector<16xf32>
    %sub3A_297 = arith.subf %gather3A_274, %gather3A_273 : vector<16xf32>
    %sub3A_298 = arith.subf %gather3A_277, %gather3A_276 : vector<16xf32>
    %sub3A_299 = arith.subf %gather3A_280, %gather3A_279 : vector<16xf32>
    %sub3A_300 = arith.subf %gather3A_275, %gather3A_273 : vector<16xf32>
    %sub3A_301 = arith.subf %gather3A_278, %gather3A_276 : vector<16xf32>
    %sub3A_302 = arith.subf %gather3A_281, %gather3A_279 : vector<16xf32>
    %mul3A_303 = arith.mulf %sub3A_298, %sub3A_302 : vector<16xf32>
    %mul3A_304 = arith.mulf %sub3A_299, %sub3A_301 : vector<16xf32>
    %sub3A_305 = arith.subf %mul3A_303, %mul3A_304 : vector<16xf32>
    %mul3A_306 = arith.mulf %sub3A_299, %sub3A_300 : vector<16xf32>
    %mul3A_307 = arith.mulf %sub3A_297, %sub3A_302 : vector<16xf32>
    %sub3A_308 = arith.subf %mul3A_306, %mul3A_307 : vector<16xf32>
    %mul3A_309 = arith.mulf %sub3A_297, %sub3A_301 : vector<16xf32>
    %mul3A_310 = arith.mulf %sub3A_298, %sub3A_300 : vector<16xf32>
    %sub3A_311 = arith.subf %mul3A_309, %mul3A_310 : vector<16xf32>
    %swap3A_312 = arith.constant 32 : index
    %swap3A_313 = tpu.vector_load %arg33[%swap3A_312] {strides = array<i32>} : memref<256xf32, #tpu.memory_space<vmem>>, vector<16xf32>,
    tpu.vector_store %arg33[%swap3A_312], %sub3A_305 {strides = array<i32>} : memref<256xf32, #tpu.memory_space<vmem>>, vector<16xf32>,
    %swap3A_314 = arith.constant 32 : index
    %swap3A_315 = tpu.vector_load %arg34[%swap3A_314] {strides = array<i32>} : memref<256xf32, #tpu.memory_space<vmem>>, vector<16xf32>,
    tpu.vector_store %arg34[%swap3A_314], %sub3A_308 {strides = array<i32>} : memref<256xf32, #tpu.memory_space<vmem>>, vector<16xf32>,
    %swap3A_316 = arith.constant 32 : index
    %swap3A_317 = tpu.vector_load %arg35[%swap3A_316] {strides = array<i32>} : memref<256xf32, #tpu.memory_space<vmem>>, vector<16xf32>,
    tpu.vector_store %arg35[%swap3A_316], %sub3A_311 {strides = array<i32>} : memref<256xf32, #tpu.memory_space<vmem>>, vector<16xf32>,
    %mul3A_318 = arith.mulf %sub3A_305, %sub3A_305 : vector<16xf32>
    %mul3A_319 = arith.mulf %sub3A_308, %sub3A_308 : vector<16xf32>
    %add3A_320 = arith.addf %mul3A_318, %mul3A_319 : vector<16xf32>
    %mul3A_321 = arith.mulf %sub3A_311, %sub3A_311 : vector<16xf32>
    %add3A_322 = arith.addf %add3A_320, %mul3A_321 : vector<16xf32>
    %swap3A_323 = arith.constant 32 : index
    %swap3A_324 = tpu.vector_load %arg36[%swap3A_323] {strides = array<i32>} : memref<256xf32, #tpu.memory_space<vmem>>, vector<16xf32>,
    tpu.vector_store %arg36[%swap3A_323], %add3A_322 {strides = array<i32>} : memref<256xf32, #tpu.memory_space<vmem>>, vector<16xf32>,
    %mul3A_325 = arith.mulf %mul3A_286, %sub3A_305 : vector<16xf32>
    %mul3A_326 = arith.mulf %mul3A_291, %sub3A_308 : vector<16xf32>
    %add3A_327 = arith.addf %mul3A_325, %mul3A_326 : vector<16xf32>
    %mul3A_328 = arith.mulf %mul3A_296, %sub3A_311 : vector<16xf32>
    %add3A_329 = arith.addf %add3A_327, %mul3A_328 : vector<16xf32>
    %swap3A_330 = arith.constant 32 : index
    %swap3A_331 = tpu.vector_load %arg37[%swap3A_330] {strides = array<i32>} : memref<256xf32, #tpu.memory_space<vmem>>, vector<16xf32>,
    tpu.vector_store %arg37[%swap3A_330], %add3A_329 {strides = array<i32>} : memref<256xf32, #tpu.memory_space<vmem>>, vector<16xf32>,
    %get3A_332 = arith.constant 48 : index
    %get3A_333 = tpu.vector_load %arg26[%get3A_332] {strides = array<i32>} : memref<256xi32, #tpu.memory_space<vmem>>, vector<16xi32>,
    %get3A_334 = arith.constant 48 : index
    %get3A_335 = tpu.vector_load %arg27[%get3A_334] {strides = array<i32>} : memref<256xi32, #tpu.memory_space<vmem>>, vector<16xi32>,
    %get3A_336 = arith.constant 48 : index
    %get3A_337 = tpu.vector_load %arg28[%get3A_336] {strides = array<i32>} : memref<256xi32, #tpu.memory_space<vmem>>, vector<16xi32>,
    %gather3A_338 = tpu.vector_load_idx %arg20[%get3A_333] : memref<8192xf32, #tpu.memory_space<vmem>>[vector<16xi32>], vector<16xf32>,
    %gather3A_339 = tpu.vector_load_idx %arg20[%get3A_335] : memref<8192xf32, #tpu.memory_space<vmem>>[vector<16xi32>], vector<16xf32>,
    %gather3A_340 = tpu.vector_load_idx %arg20[%get3A_337] : memref<8192xf32, #tpu.memory_space<vmem>>[vector<16xi32>], vector<16xf32>,
    %gather3A_341 = tpu.vector_load_idx %arg21[%get3A_333] : memref<8192xf32, #tpu.memory_space<vmem>>[vector<16xi32>], vector<16xf32>,
    %gather3A_342 = tpu.vector_load_idx %arg21[%get3A_335] : memref<8192xf32, #tpu.memory_space<vmem>>[vector<16xi32>], vector<16xf32>,
    %gather3A_343 = tpu.vector_load_idx %arg21[%get3A_337] : memref<8192xf32, #tpu.memory_space<vmem>>[vector<16xi32>], vector<16xf32>,
    %gather3A_344 = tpu.vector_load_idx %arg22[%get3A_333] : memref<8192xf32, #tpu.memory_space<vmem>>[vector<16xi32>], vector<16xf32>,
    %gather3A_345 = tpu.vector_load_idx %arg22[%get3A_335] : memref<8192xf32, #tpu.memory_space<vmem>>[vector<16xi32>], vector<16xf32>,
    %gather3A_346 = tpu.vector_load_idx %arg22[%get3A_337] : memref<8192xf32, #tpu.memory_space<vmem>>[vector<16xi32>], vector<16xf32>,
    %add3A_347 = arith.addf %gather3A_338, %gather3A_339 : vector<16xf32>
    %add3A_348 = arith.addf %add3A_347, %gather3A_340 : vector<16xf32>
    %mul3A_349 = arith.constant 0.333333343 : f32
    %mul3A_350 = vector.broadcast %mul3A_349 : f32 to vector<16xf32>
    %mul3A_351 = arith.mulf %add3A_348, %mul3A_350 : vector<16xf32>
    %add3A_352 = arith.addf %gather3A_341, %gather3A_342 : vector<16xf32>
    %add3A_353 = arith.addf %add3A_352, %gather3A_343 : vector<16xf32>
    %mul3A_354 = arith.constant 0.333333343 : f32
    %mul3A_355 = vector.broadcast %mul3A_354 : f32 to vector<16xf32>
    %mul3A_356 = arith.mulf %add3A_353, %mul3A_355 : vector<16xf32>
    %add3A_357 = arith.addf %gather3A_344, %gather3A_345 : vector<16xf32>
    %add3A_358 = arith.addf %add3A_357, %gather3A_346 : vector<16xf32>
    %mul3A_359 = arith.constant 0.333333343 : f32
    %mul3A_360 = vector.broadcast %mul3A_359 : f32 to vector<16xf32>
    %mul3A_361 = arith.mulf %add3A_358, %mul3A_360 : vector<16xf32>
    %mul3A_362 = arith.constant -2.000000e+00 : f32
    %mul3A_363 = vector.broadcast %mul3A_362 : f32 to vector<16xf32>
    %mul3A_364 = arith.mulf %mul3A_363, %mul3A_351 : vector<16xf32>
    %swap3A_365 = arith.constant 48 : index
    %swap3A_366 = tpu.vector_load %arg29[%swap3A_365] {strides = array<i32>} : memref<256xf32, #tpu.memory_space<vmem>>, vector<16xf32>,
    tpu.vector_store %arg29[%swap3A_365], %mul3A_364 {strides = array<i32>} : memref<256xf32, #tpu.memory_space<vmem>>, vector<16xf32>,
    %mul3A_367 = arith.constant -2.000000e+00 : f32
    %mul3A_368 = vector.broadcast %mul3A_367 : f32 to vector<16xf32>
    %mul3A_369 = arith.mulf %mul3A_368, %mul3A_356 : vector<16xf32>
    %swap3A_370 = arith.constant 48 : index
    %swap3A_371 = tpu.vector_load %arg30[%swap3A_370] {strides = array<i32>} : memref<256xf32, #tpu.memory_space<vmem>>, vector<16xf32>,
    tpu.vector_store %arg30[%swap3A_370], %mul3A_369 {strides = array<i32>} : memref<256xf32, #tpu.memory_space<vmem>>, vector<16xf32>,
    %mul3A_372 = arith.constant -2.000000e+00 : f32
    %mul3A_373 = vector.broadcast %mul3A_372 : f32 to vector<16xf32>
    %mul3A_374 = arith.mulf %mul3A_373, %mul3A_361 : vector<16xf32>
    %swap3A_375 = arith.constant 48 : index
    %swap3A_376 = tpu.vector_load %arg31[%swap3A_375] {strides = array<i32>} : memref<256xf32, #tpu.memory_space<vmem>>, vector<16xf32>,
    tpu.vector_store %arg31[%swap3A_375], %mul3A_374 {strides = array<i32>} : memref<256xf32, #tpu.memory_space<vmem>>, vector<16xf32>,
    %mul3A_377 = arith.mulf %mul3A_351, %mul3A_351 : vector<16xf32>
    %mul3A_378 = arith.mulf %mul3A_356, %mul3A_356 : vector<16xf32>
    %add3A_379 = arith.addf %mul3A_377, %mul3A_378 : vector<16xf32>
    %mul3A_380 = arith.mulf %mul3A_361, %mul3A_361 : vector<16xf32>
    %add3A_381 = arith.addf %add3A_379, %mul3A_380 : vector<16xf32>
    %swap3A_382 = arith.constant 48 : index
    %swap3A_383 = tpu.vector_load %arg32[%swap3A_382] {strides = array<i32>} : memref<256xf32, #tpu.memory_space<vmem>>, vector<16xf32>,
    tpu.vector_store %arg32[%swap3A_382], %add3A_381 {strides = array<i32>} : memref<256xf32, #tpu.memory_space<vmem>>, vector<16xf32>,
    %gather3A_384 = tpu.vector_load_idx %arg23[%get3A_333] : memref<8192xf32, #tpu.memory_space<vmem>>[vector<16xi32>], vector<16xf32>,
    %gather3A_385 = tpu.vector_load_idx %arg23[%get3A_335] : memref<8192xf32, #tpu.memory_space<vmem>>[vector<16xi32>], vector<16xf32>,
    %gather3A_386 = tpu.vector_load_idx %arg23[%get3A_337] : memref<8192xf32, #tpu.memory_space<vmem>>[vector<16xi32>], vector<16xf32>,
    %gather3A_387 = tpu.vector_load_idx %arg24[%get3A_333] : memref<8192xf32, #tpu.memory_space<vmem>>[vector<16xi32>], vector<16xf32>,
    %gather3A_388 = tpu.vector_load_idx %arg24[%get3A_335] : memref<8192xf32, #tpu.memory_space<vmem>>[vector<16xi32>], vector<16xf32>,
    %gather3A_389 = tpu.vector_load_idx %arg24[%get3A_337] : memref<8192xf32, #tpu.memory_space<vmem>>[vector<16xi32>], vector<16xf32>,
    %gather3A_390 = tpu.vector_load_idx %arg25[%get3A_333] : memref<8192xf32, #tpu.memory_space<vmem>>[vector<16xi32>], vector<16xf32>,
    %gather3A_391 = tpu.vector_load_idx %arg25[%get3A_335] : memref<8192xf32, #tpu.memory_space<vmem>>[vector<16xi32>], vector<16xf32>,
    %gather3A_392 = tpu.vector_load_idx %arg25[%get3A_337] : memref<8192xf32, #tpu.memory_space<vmem>>[vector<16xi32>], vector<16xf32>,
    %add3A_393 = arith.addf %gather3A_384, %gather3A_385 : vector<16xf32>
    %add3A_394 = arith.addf %add3A_393, %gather3A_386 : vector<16xf32>
    %mul3A_395 = arith.constant 0.333333343 : f32
    %mul3A_396 = vector.broadcast %mul3A_395 : f32 to vector<16xf32>
    %mul3A_397 = arith.mulf %add3A_394, %mul3A_396 : vector<16xf32>
    %add3A_398 = arith.addf %gather3A_387, %gather3A_388 : vector<16xf32>
    %add3A_399 = arith.addf %add3A_398, %gather3A_389 : vector<16xf32>
    %mul3A_400 = arith.constant 0.333333343 : f32
    %mul3A_401 = vector.broadcast %mul3A_400 : f32 to vector<16xf32>
    %mul3A_402 = arith.mulf %add3A_399, %mul3A_401 : vector<16xf32>
    %add3A_403 = arith.addf %gather3A_390, %gather3A_391 : vector<16xf32>
    %add3A_404 = arith.addf %add3A_403, %gather3A_392 : vector<16xf32>
    %mul3A_405 = arith.constant 0.333333343 : f32
    %mul3A_406 = vector.broadcast %mul3A_405 : f32 to vector<16xf32>
    %mul3A_407 = arith.mulf %add3A_404, %mul3A_406 : vector<16xf32>
    %sub3A_408 = arith.subf %gather3A_385, %gather3A_384 : vector<16xf32>
    %sub3A_409 = arith.subf %gather3A_388, %gather3A_387 : vector<16xf32>
    %sub3A_410 = arith.subf %gather3A_391, %gather3A_390 : vector<16xf32>
    %sub3A_411 = arith.subf %gather3A_386, %gather3A_384 : vector<16xf32>
    %sub3A_412 = arith.subf %gather3A_389, %gather3A_387 : vector<16xf32>
    %sub3A_413 = arith.subf %gather3A_392, %gather3A_390 : vector<16xf32>
    %mul3A_414 = arith.mulf %sub3A_409, %sub3A_413 : vector<16xf32>
    %mul3A_415 = arith.mulf %sub3A_410, %sub3A_412 : vector<16xf32>
    %sub3A_416 = arith.subf %mul3A_414, %mul3A_415 : vector<16xf32>
    %mul3A_417 = arith.mulf %sub3A_410, %sub3A_411 : vector<16xf32>
    %mul3A_418 = arith.mulf %sub3A_408, %sub3A_413 : vector<16xf32>
    %sub3A_419 = arith.subf %mul3A_417, %mul3A_418 : vector<16xf32>
    %mul3A_420 = arith.mulf %sub3A_408, %sub3A_412 : vector<16xf32>
    %mul3A_421 = arith.mulf %sub3A_409, %sub3A_411 : vector<16xf32>
    %sub3A_422 = arith.subf %mul3A_420, %mul3A_421 : vector<16xf32>
    %swap3A_423 = arith.constant 48 : index
    %swap3A_424 = tpu.vector_load %arg33[%swap3A_423] {strides = array<i32>} : memref<256xf32, #tpu.memory_space<vmem>>, vector<16xf32>,
    tpu.vector_store %arg33[%swap3A_423], %sub3A_416 {strides = array<i32>} : memref<256xf32, #tpu.memory_space<vmem>>, vector<16xf32>,
    %swap3A_425 = arith.constant 48 : index
    %swap3A_426 = tpu.vector_load %arg34[%swap3A_425] {strides = array<i32>} : memref<256xf32, #tpu.memory_space<vmem>>, vector<16xf32>,
    tpu.vector_store %arg34[%swap3A_425], %sub3A_419 {strides = array<i32>} : memref<256xf32, #tpu.memory_space<vmem>>, vector<16xf32>,
    %swap3A_427 = arith.constant 48 : index
    %swap3A_428 = tpu.vector_load %arg35[%swap3A_427] {strides = array<i32>} : memref<256xf32, #tpu.memory_space<vmem>>, vector<16xf32>,
    tpu.vector_store %arg35[%swap3A_427], %sub3A_422 {strides = array<i32>} : memref<256xf32, #tpu.memory_space<vmem>>, vector<16xf32>,
    %mul3A_429 = arith.mulf %sub3A_416, %sub3A_416 : vector<16xf32>
    %mul3A_430 = arith.mulf %sub3A_419, %sub3A_419 : vector<16xf32>
    %add3A_431 = arith.addf %mul3A_429, %mul3A_430 : vector<16xf32>
    %mul3A_432 = arith.mulf %sub3A_422, %sub3A_422 : vector<16xf32>
    %add3A_433 = arith.addf %add3A_431, %mul3A_432 : vector<16xf32>
    %swap3A_434 = arith.constant 48 : index
    %swap3A_435 = tpu.vector_load %arg36[%swap3A_434] {strides = array<i32>} : memref<256xf32, #tpu.memory_space<vmem>>, vector<16xf32>,
    tpu.vector_store %arg36[%swap3A_434], %add3A_433 {strides = array<i32>} : memref<256xf32, #tpu.memory_space<vmem>>, vector<16xf32>,
    %mul3A_436 = arith.mulf %mul3A_397, %sub3A_416 : vector<16xf32>
    %mul3A_437 = arith.mulf %mul3A_402, %sub3A_419 : vector<16xf32>
    %add3A_438 = arith.addf %mul3A_436, %mul3A_437 : vector<16xf32>
    %mul3A_439 = arith.mulf %mul3A_407, %sub3A_422 : vector<16xf32>
    %add3A_440 = arith.addf %add3A_438, %mul3A_439 : vector<16xf32>
    %swap3A_441 = arith.constant 48 : index
    %swap3A_442 = tpu.vector_load %arg37[%swap3A_441] {strides = array<i32>} : memref<256xf32, #tpu.memory_space<vmem>>, vector<16xf32>,
    tpu.vector_store %arg37[%swap3A_441], %add3A_440 {strides = array<i32>} : memref<256xf32, #tpu.memory_space<vmem>>, vector<16xf32>,
    %get3A_443 = arith.constant 64 : index
    %get3A_444 = tpu.vector_load %arg26[%get3A_443] {strides = array<i32>} : memref<256xi32, #tpu.memory_space<vmem>>, vector<16xi32>,
    %get3A_445 = arith.constant 64 : index
    %get3A_446 = tpu.vector_load %arg27[%get3A_445] {strides = array<i32>} : memref<256xi32, #tpu.memory_space<vmem>>, vector<16xi32>,
    %get3A_447 = arith.constant 64 : index
    %get3A_448 = tpu.vector_load %arg28[%get3A_447] {strides = array<i32>} : memref<256xi32, #tpu.memory_space<vmem>>, vector<16xi32>,
    %gather3A_449 = tpu.vector_load_idx %arg20[%get3A_444] : memref<8192xf32, #tpu.memory_space<vmem>>[vector<16xi32>], vector<16xf32>,
    %gather3A_450 = tpu.vector_load_idx %arg20[%get3A_446] : memref<8192xf32, #tpu.memory_space<vmem>>[vector<16xi32>], vector<16xf32>,
    %gather3A_451 = tpu.vector_load_idx %arg20[%get3A_448] : memref<8192xf32, #tpu.memory_space<vmem>>[vector<16xi32>], vector<16xf32>,
    %gather3A_452 = tpu.vector_load_idx %arg21[%get3A_444] : memref<8192xf32, #tpu.memory_space<vmem>>[vector<16xi32>], vector<16xf32>,
    %gather3A_453 = tpu.vector_load_idx %arg21[%get3A_446] : memref<8192xf32, #tpu.memory_space<vmem>>[vector<16xi32>], vector<16xf32>,
    %gather3A_454 = tpu.vector_load_idx %arg21[%get3A_448] : memref<8192xf32, #tpu.memory_space<vmem>>[vector<16xi32>], vector<16xf32>,
    %gather3A_455 = tpu.vector_load_idx %arg22[%get3A_444] : memref<8192xf32, #tpu.memory_space<vmem>>[vector<16xi32>], vector<16xf32>,
    %gather3A_456 = tpu.vector_load_idx %arg22[%get3A_446] : memref<8192xf32, #tpu.memory_space<vmem>>[vector<16xi32>], vector<16xf32>,
    %gather3A_457 = tpu.vector_load_idx %arg22[%get3A_448] : memref<8192xf32, #tpu.memory_space<vmem>>[vector<16xi32>], vector<16xf32>,
    %add3A_458 = arith.addf %gather3A_449, %gather3A_450 : vector<16xf32>
    %add3A_459 = arith.addf %add3A_458, %gather3A_451 : vector<16xf32>
    %mul3A_460 = arith.constant 0.333333343 : f32
    %mul3A_461 = vector.broadcast %mul3A_460 : f32 to vector<16xf32>
    %mul3A_462 = arith.mulf %add3A_459, %mul3A_461 : vector<16xf32>
    %add3A_463 = arith.addf %gather3A_452, %gather3A_453 : vector<16xf32>
    %add3A_464 = arith.addf %add3A_463, %gather3A_454 : vector<16xf32>
    %mul3A_465 = arith.constant 0.333333343 : f32
    %mul3A_466 = vector.broadcast %mul3A_465 : f32 to vector<16xf32>
    %mul3A_467 = arith.mulf %add3A_464, %mul3A_466 : vector<16xf32>
    %add3A_468 = arith.addf %gather3A_455, %gather3A_456 : vector<16xf32>
    %add3A_469 = arith.addf %add3A_468, %gather3A_457 : vector<16xf32>
    %mul3A_470 = arith.constant 0.333333343 : f32
    %mul3A_471 = vector.broadcast %mul3A_470 : f32 to vector<16xf32>
    %mul3A_472 = arith.mulf %add3A_469, %mul3A_471 : vector<16xf32>
    %mul3A_473 = arith.constant -2.000000e+00 : f32
    %mul3A_474 = vector.broadcast %mul3A_473 : f32 to vector<16xf32>
    %mul3A_475 = arith.mulf %mul3A_474, %mul3A_462 : vector<16xf32>
    %swap3A_476 = arith.constant 64 : index
    %swap3A_477 = tpu.vector_load %arg29[%swap3A_476] {strides = array<i32>} : memref<256xf32, #tpu.memory_space<vmem>>, vector<16xf32>,
    tpu.vector_store %arg29[%swap3A_476], %mul3A_475 {strides = array<i32>} : memref<256xf32, #tpu.memory_space<vmem>>, vector<16xf32>,
    %mul3A_478 = arith.constant -2.000000e+00 : f32
    %mul3A_479 = vector.broadcast %mul3A_478 : f32 to vector<16xf32>
    %mul3A_480 = arith.mulf %mul3A_479, %mul3A_467 : vector<16xf32>
    %swap3A_481 = arith.constant 64 : index
    %swap3A_482 = tpu.vector_load %arg30[%swap3A_481] {strides = array<i32>} : memref<256xf32, #tpu.memory_space<vmem>>, vector<16xf32>,
    tpu.vector_store %arg30[%swap3A_481], %mul3A_480 {strides = array<i32>} : memref<256xf32, #tpu.memory_space<vmem>>, vector<16xf32>,
    %mul3A_483 = arith.constant -2.000000e+00 : f32
    %mul3A_484 = vector.broadcast %mul3A_483 : f32 to vector<16xf32>
    %mul3A_485 = arith.mulf %mul3A_484, %mul3A_472 : vector<16xf32>
    %swap3A_486 = arith.constant 64 : index
    %swap3A_487 = tpu.vector_load %arg31[%swap3A_486] {strides = array<i32>} : memref<256xf32, #tpu.memory_space<vmem>>, vector<16xf32>,
    tpu.vector_store %arg31[%swap3A_486], %mul3A_485 {strides = array<i32>} : memref<256xf32, #tpu.memory_space<vmem>>, vector<16xf32>,
    %mul3A_488 = arith.mulf %mul3A_462, %mul3A_462 : vector<16xf32>
    %mul3A_489 = arith.mulf %mul3A_467, %mul3A_467 : vector<16xf32>
    %add3A_490 = arith.addf %mul3A_488, %mul3A_489 : vector<16xf32>
    %mul3A_491 = arith.mulf %mul3A_472, %mul3A_472 : vector<16xf32>
    %add3A_492 = arith.addf %add3A_490, %mul3A_491 : vector<16xf32>
    %swap3A_493 = arith.constant 64 : index
    %swap3A_494 = tpu.vector_load %arg32[%swap3A_493] {strides = array<i32>} : memref<256xf32, #tpu.memory_space<vmem>>, vector<16xf32>,
    tpu.vector_store %arg32[%swap3A_493], %add3A_492 {strides = array<i32>} : memref<256xf32, #tpu.memory_space<vmem>>, vector<16xf32>,
    %gather3A_495 = tpu.vector_load_idx %arg23[%get3A_444] : memref<8192xf32, #tpu.memory_space<vmem>>[vector<16xi32>], vector<16xf32>,
    %gather3A_496 = tpu.vector_load_idx %arg23[%get3A_446] : memref<8192xf32, #tpu.memory_space<vmem>>[vector<16xi32>], vector<16xf32>,
    %gather3A_497 = tpu.vector_load_idx %arg23[%get3A_448] : memref<8192xf32, #tpu.memory_space<vmem>>[vector<16xi32>], vector<16xf32>,
    %gather3A_498 = tpu.vector_load_idx %arg24[%get3A_444] : memref<8192xf32, #tpu.memory_space<vmem>>[vector<16xi32>], vector<16xf32>,
    %gather3A_499 = tpu.vector_load_idx %arg24[%get3A_446] : memref<8192xf32, #tpu.memory_space<vmem>>[vector<16xi32>], vector<16xf32>,
    %gather3A_500 = tpu.vector_load_idx %arg24[%get3A_448] : memref<8192xf32, #tpu.memory_space<vmem>>[vector<16xi32>], vector<16xf32>,
    %gather3A_501 = tpu.vector_load_idx %arg25[%get3A_444] : memref<8192xf32, #tpu.memory_space<vmem>>[vector<16xi32>], vector<16xf32>,
    %gather3A_502 = tpu.vector_load_idx %arg25[%get3A_446] : memref<8192xf32, #tpu.memory_space<vmem>>[vector<16xi32>], vector<16xf32>,
    %gather3A_503 = tpu.vector_load_idx %arg25[%get3A_448] : memref<8192xf32, #tpu.memory_space<vmem>>[vector<16xi32>], vector<16xf32>,
    %add3A_504 = arith.addf %gather3A_495, %gather3A_496 : vector<16xf32>
    %add3A_505 = arith.addf %add3A_504, %gather3A_497 : vector<16xf32>
    %mul3A_506 = arith.constant 0.333333343 : f32
    %mul3A_507 = vector.broadcast %mul3A_506 : f32 to vector<16xf32>
    %mul3A_508 = arith.mulf %add3A_505, %mul3A_507 : vector<16xf32>
    %add3A_509 = arith.addf %gather3A_498, %gather3A_499 : vector<16xf32>
    %add3A_510 = arith.addf %add3A_509, %gather3A_500 : vector<16xf32>
    %mul3A_511 = arith.constant 0.333333343 : f32
    %mul3A_512 = vector.broadcast %mul3A_511 : f32 to vector<16xf32>
    %mul3A_513 = arith.mulf %add3A_510, %mul3A_512 : vector<16xf32>
    %add3A_514 = arith.addf %gather3A_501, %gather3A_502 : vector<16xf32>
    %add3A_515 = arith.addf %add3A_514, %gather3A_503 : vector<16xf32>
    %mul3A_516 = arith.constant 0.333333343 : f32
    %mul3A_517 = vector.broadcast %mul3A_516 : f32 to vector<16xf32>
    %mul3A_518 = arith.mulf %add3A_515, %mul3A_517 : vector<16xf32>
    %sub3A_519 = arith.subf %gather3A_496, %gather3A_495 : vector<16xf32>
    %sub3A_520 = arith.subf %gather3A_499, %gather3A_498 : vector<16xf32>
    %sub3A_521 = arith.subf %gather3A_502, %gather3A_501 : vector<16xf32>
    %sub3A_522 = arith.subf %gather3A_497, %gather3A_495 : vector<16xf32>
    %sub3A_523 = arith.subf %gather3A_500, %gather3A_498 : vector<16xf32>
    %sub3A_524 = arith.subf %gather3A_503, %gather3A_501 : vector<16xf32>
    %mul3A_525 = arith.mulf %sub3A_520, %sub3A_524 : vector<16xf32>
    %mul3A_526 = arith.mulf %sub3A_521, %sub3A_523 : vector<16xf32>
    %sub3A_527 = arith.subf %mul3A_525, %mul3A_526 : vector<16xf32>
    %mul3A_528 = arith.mulf %sub3A_521, %sub3A_522 : vector<16xf32>
    %mul3A_529 = arith.mulf %sub3A_519, %sub3A_524 : vector<16xf32>
    %sub3A_530 = arith.subf %mul3A_528, %mul3A_529 : vector<16xf32>
    %mul3A_531 = arith.mulf %sub3A_519, %sub3A_523 : vector<16xf32>
    %mul3A_532 = arith.mulf %sub3A_520, %sub3A_522 : vector<16xf32>
    %sub3A_533 = arith.subf %mul3A_531, %mul3A_532 : vector<16xf32>
    %swap3A_534 = arith.constant 64 : index
    %swap3A_535 = tpu.vector_load %arg33[%swap3A_534] {strides = array<i32>} : memref<256xf32, #tpu.memory_space<vmem>>, vector<16xf32>,
    tpu.vector_store %arg33[%swap3A_534], %sub3A_527 {strides = array<i32>} : memref<256xf32, #tpu.memory_space<vmem>>, vector<16xf32>,
    %swap3A_536 = arith.constant 64 : index
    %swap3A_537 = tpu.vector_load %arg34[%swap3A_536] {strides = array<i32>} : memref<256xf32, #tpu.memory_space<vmem>>, vector<16xf32>,
    tpu.vector_store %arg34[%swap3A_536], %sub3A_530 {strides = array<i32>} : memref<256xf32, #tpu.memory_space<vmem>>, vector<16xf32>,
    %swap3A_538 = arith.constant 64 : index
    %swap3A_539 = tpu.vector_load %arg35[%swap3A_538] {strides = array<i32>} : memref<256xf32, #tpu.memory_space<vmem>>, vector<16xf32>,
    tpu.vector_store %arg35[%swap3A_538], %sub3A_533 {strides = array<i32>} : memref<256xf32, #tpu.memory_space<vmem>>, vector<16xf32>,
    %mul3A_540 = arith.mulf %sub3A_527, %sub3A_527 : vector<16xf32>
    %mul3A_541 = arith.mulf %sub3A_530, %sub3A_530 : vector<16xf32>
    %add3A_542 = arith.addf %mul3A_540, %mul3A_541 : vector<16xf32>
    %mul3A_543 = arith.mulf %sub3A_533, %sub3A_533 : vector<16xf32>
    %add3A_544 = arith.addf %add3A_542, %mul3A_543 : vector<16xf32>
    %swap3A_545 = arith.constant 64 : index
    %swap3A_546 = tpu.vector_load %arg36[%swap3A_545] {strides = array<i32>} : memref<256xf32, #tpu.memory_space<vmem>>, vector<16xf32>,
    tpu.vector_store %arg36[%swap3A_545], %add3A_544 {strides = array<i32>} : memref<256xf32, #tpu.memory_space<vmem>>, vector<16xf32>,
    %mul3A_547 = arith.mulf %mul3A_508, %sub3A_527 : vector<16xf32>
    %mul3A_548 = arith.mulf %mul3A_513, %sub3A_530 : vector<16xf32>
    %add3A_549 = arith.addf %mul3A_547, %mul3A_548 : vector<16xf32>
    %mul3A_550 = arith.mulf %mul3A_518, %sub3A_533 : vector<16xf32>
    %add3A_551 = arith.addf %add3A_549, %mul3A_550 : vector<16xf32>
    %swap3A_552 = arith.constant 64 : index
    %swap3A_553 = tpu.vector_load %arg37[%swap3A_552] {strides = array<i32>} : memref<256xf32, #tpu.memory_space<vmem>>, vector<16xf32>,
    tpu.vector_store %arg37[%swap3A_552], %add3A_551 {strides = array<i32>} : memref<256xf32, #tpu.memory_space<vmem>>, vector<16xf32>,
    %get3A_554 = arith.constant 80 : index
    %get3A_555 = tpu.vector_load %arg26[%get3A_554] {strides = array<i32>} : memref<256xi32, #tpu.memory_space<vmem>>, vector<16xi32>,
    %get3A_556 = arith.constant 80 : index
    %get3A_557 = tpu.vector_load %arg27[%get3A_556] {strides = array<i32>} : memref<256xi32, #tpu.memory_space<vmem>>, vector<16xi32>,
    %get3A_558 = arith.constant 80 : index
    %get3A_559 = tpu.vector_load %arg28[%get3A_558] {strides = array<i32>} : memref<256xi32, #tpu.memory_space<vmem>>, vector<16xi32>,
    %gather3A_560 = tpu.vector_load_idx %arg20[%get3A_555] : memref<8192xf32, #tpu.memory_space<vmem>>[vector<16xi32>], vector<16xf32>,
    %gather3A_561 = tpu.vector_load_idx %arg20[%get3A_557] : memref<8192xf32, #tpu.memory_space<vmem>>[vector<16xi32>], vector<16xf32>,
    %gather3A_562 = tpu.vector_load_idx %arg20[%get3A_559] : memref<8192xf32, #tpu.memory_space<vmem>>[vector<16xi32>], vector<16xf32>,
    %gather3A_563 = tpu.vector_load_idx %arg21[%get3A_555] : memref<8192xf32, #tpu.memory_space<vmem>>[vector<16xi32>], vector<16xf32>,
    %gather3A_564 = tpu.vector_load_idx %arg21[%get3A_557] : memref<8192xf32, #tpu.memory_space<vmem>>[vector<16xi32>], vector<16xf32>,
    %gather3A_565 = tpu.vector_load_idx %arg21[%get3A_559] : memref<8192xf32, #tpu.memory_space<vmem>>[vector<16xi32>], vector<16xf32>,
    %gather3A_566 = tpu.vector_load_idx %arg22[%get3A_555] : memref<8192xf32, #tpu.memory_space<vmem>>[vector<16xi32>], vector<16xf32>,
    %gather3A_567 = tpu.vector_load_idx %arg22[%get3A_557] : memref<8192xf32, #tpu.memory_space<vmem>>[vector<16xi32>], vector<16xf32>,
    %gather3A_568 = tpu.vector_load_idx %arg22[%get3A_559] : memref<8192xf32, #tpu.memory_space<vmem>>[vector<16xi32>], vector<16xf32>,
    %add3A_569 = arith.addf %gather3A_560, %gather3A_561 : vector<16xf32>
    %add3A_570 = arith.addf %add3A_569, %gather3A_562 : vector<16xf32>
    %mul3A_571 = arith.constant 0.333333343 : f32
    %mul3A_572 = vector.broadcast %mul3A_571 : f32 to vector<16xf32>
    %mul3A_573 = arith.mulf %add3A_570, %mul3A_572 : vector<16xf32>
    %add3A_574 = arith.addf %gather3A_563, %gather3A_564 : vector<16xf32>
    %add3A_575 = arith.addf %add3A_574, %gather3A_565 : vector<16xf32>
    %mul3A_576 = arith.constant 0.333333343 : f32
    %mul3A_577 = vector.broadcast %mul3A_576 : f32 to vector<16xf32>
    %mul3A_578 = arith.mulf %add3A_575, %mul3A_577 : vector<16xf32>
    %add3A_579 = arith.addf %gather3A_566, %gather3A_567 : vector<16xf32>
    %add3A_580 = arith.addf %add3A_579, %gather3A_568 : vector<16xf32>
    %mul3A_581 = arith.constant 0.333333343 : f32
    %mul3A_582 = vector.broadcast %mul3A_581 : f32 to vector<16xf32>
    %mul3A_583 = arith.mulf %add3A_580, %mul3A_582 : vector<16xf32>
    %mul3A_584 = arith.constant -2.000000e+00 : f32
    %mul3A_585 = vector.broadcast %mul3A_584 : f32 to vector<16xf32>
    %mul3A_586 = arith.mulf %mul3A_585, %mul3A_573 : vector<16xf32>
    %swap3A_587 = arith.constant 80 : index
    %swap3A_588 = tpu.vector_load %arg29[%swap3A_587] {strides = array<i32>} : memref<256xf32, #tpu.memory_space<vmem>>, vector<16xf32>,
    tpu.vector_store %arg29[%swap3A_587], %mul3A_586 {strides = array<i32>} : memref<256xf32, #tpu.memory_space<vmem>>, vector<16xf32>,
    %mul3A_589 = arith.constant -2.000000e+00 : f32
    %mul3A_590 = vector.broadcast %mul3A_589 : f32 to vector<16xf32>
    %mul3A_591 = arith.mulf %mul3A_590, %mul3A_578 : vector<16xf32>
    %swap3A_592 = arith.constant 80 : index
    %swap3A_593 = tpu.vector_load %arg30[%swap3A_592] {strides = array<i32>} : memref<256xf32, #tpu.memory_space<vmem>>, vector<16xf32>,
    tpu.vector_store %arg30[%swap3A_592], %mul3A_591 {strides = array<i32>} : memref<256xf32, #tpu.memory_space<vmem>>, vector<16xf32>,
    %mul3A_594 = arith.constant -2.000000e+00 : f32
    %mul3A_595 = vector.broadcast %mul3A_594 : f32 to vector<16xf32>
    %mul3A_596 = arith.mulf %mul3A_595, %mul3A_583 : vector<16xf32>
    %swap3A_597 = arith.constant 80 : index
    %swap3A_598 = tpu.vector_load %arg31[%swap3A_597] {strides = array<i32>} : memref<256xf32, #tpu.memory_space<vmem>>, vector<16xf32>,
    tpu.vector_store %arg31[%swap3A_597], %mul3A_596 {strides = array<i32>} : memref<256xf32, #tpu.memory_space<vmem>>, vector<16xf32>,
    %mul3A_599 = arith.mulf %mul3A_573, %mul3A_573 : vector<16xf32>
    %mul3A_600 = arith.mulf %mul3A_578, %mul3A_578 : vector<16xf32>
    %add3A_601 = arith.addf %mul3A_599, %mul3A_600 : vector<16xf32>
    %mul3A_602 = arith.mulf %mul3A_583, %mul3A_583 : vector<16xf32>
    %add3A_603 = arith.addf %add3A_601, %mul3A_602 : vector<16xf32>
    %swap3A_604 = arith.constant 80 : index
    %swap3A_605 = tpu.vector_load %arg32[%swap3A_604] {strides = array<i32>} : memref<256xf32, #tpu.memory_space<vmem>>, vector<16xf32>,
    tpu.vector_store %arg32[%swap3A_604], %add3A_603 {strides = array<i32>} : memref<256xf32, #tpu.memory_space<vmem>>, vector<16xf32>,
    %gather3A_606 = tpu.vector_load_idx %arg23[%get3A_555] : memref<8192xf32, #tpu.memory_space<vmem>>[vector<16xi32>], vector<16xf32>,
    %gather3A_607 = tpu.vector_load_idx %arg23[%get3A_557] : memref<8192xf32, #tpu.memory_space<vmem>>[vector<16xi32>], vector<16xf32>,
    %gather3A_608 = tpu.vector_load_idx %arg23[%get3A_559] : memref<8192xf32, #tpu.memory_space<vmem>>[vector<16xi32>], vector<16xf32>,
    %gather3A_609 = tpu.vector_load_idx %arg24[%get3A_555] : memref<8192xf32, #tpu.memory_space<vmem>>[vector<16xi32>], vector<16xf32>,
    %gather3A_610 = tpu.vector_load_idx %arg24[%get3A_557] : memref<8192xf32, #tpu.memory_space<vmem>>[vector<16xi32>], vector<16xf32>,
    %gather3A_611 = tpu.vector_load_idx %arg24[%get3A_559] : memref<8192xf32, #tpu.memory_space<vmem>>[vector<16xi32>], vector<16xf32>,
    %gather3A_612 = tpu.vector_load_idx %arg25[%get3A_555] : memref<8192xf32, #tpu.memory_space<vmem>>[vector<16xi32>], vector<16xf32>,
    %gather3A_613 = tpu.vector_load_idx %arg25[%get3A_557] : memref<8192xf32, #tpu.memory_space<vmem>>[vector<16xi32>], vector<16xf32>,
    %gather3A_614 = tpu.vector_load_idx %arg25[%get3A_559] : memref<8192xf32, #tpu.memory_space<vmem>>[vector<16xi32>], vector<16xf32>,
    %add3A_615 = arith.addf %gather3A_606, %gather3A_607 : vector<16xf32>
    %add3A_616 = arith.addf %add3A_615, %gather3A_608 : vector<16xf32>
    %mul3A_617 = arith.constant 0.333333343 : f32
    %mul3A_618 = vector.broadcast %mul3A_617 : f32 to vector<16xf32>
    %mul3A_619 = arith.mulf %add3A_616, %mul3A_618 : vector<16xf32>
    %add3A_620 = arith.addf %gather3A_609, %gather3A_610 : vector<16xf32>
    %add3A_621 = arith.addf %add3A_620, %gather3A_611 : vector<16xf32>
    %mul3A_622 = arith.constant 0.333333343 : f32
    %mul3A_623 = vector.broadcast %mul3A_622 : f32 to vector<16xf32>
    %mul3A_624 = arith.mulf %add3A_621, %mul3A_623 : vector<16xf32>
    %add3A_625 = arith.addf %gather3A_612, %gather3A_613 : vector<16xf32>
    %add3A_626 = arith.addf %add3A_625, %gather3A_614 : vector<16xf32>
    %mul3A_627 = arith.constant 0.333333343 : f32
    %mul3A_628 = vector.broadcast %mul3A_627 : f32 to vector<16xf32>
    %mul3A_629 = arith.mulf %add3A_626, %mul3A_628 : vector<16xf32>
    %sub3A_630 = arith.subf %gather3A_607, %gather3A_606 : vector<16xf32>
    %sub3A_631 = arith.subf %gather3A_610, %gather3A_609 : vector<16xf32>
    %sub3A_632 = arith.subf %gather3A_613, %gather3A_612 : vector<16xf32>
    %sub3A_633 = arith.subf %gather3A_608, %gather3A_606 : vector<16xf32>
    %sub3A_634 = arith.subf %gather3A_611, %gather3A_609 : vector<16xf32>
    %sub3A_635 = arith.subf %gather3A_614, %gather3A_612 : vector<16xf32>
    %mul3A_636 = arith.mulf %sub3A_631, %sub3A_635 : vector<16xf32>
    %mul3A_637 = arith.mulf %sub3A_632, %sub3A_634 : vector<16xf32>
    %sub3A_638 = arith.subf %mul3A_636, %mul3A_637 : vector<16xf32>
    %mul3A_639 = arith.mulf %sub3A_632, %sub3A_633 : vector<16xf32>
    %mul3A_640 = arith.mulf %sub3A_630, %sub3A_635 : vector<16xf32>
    %sub3A_641 = arith.subf %mul3A_639, %mul3A_640 : vector<16xf32>
    %mul3A_642 = arith.mulf %sub3A_630, %sub3A_634 : vector<16xf32>
    %mul3A_643 = arith.mulf %sub3A_631, %sub3A_633 : vector<16xf32>
    %sub3A_644 = arith.subf %mul3A_642, %mul3A_643 : vector<16xf32>
    %swap3A_645 = arith.constant 80 : index
    %swap3A_646 = tpu.vector_load %arg33[%swap3A_645] {strides = array<i32>} : memref<256xf32, #tpu.memory_space<vmem>>, vector<16xf32>,
    tpu.vector_store %arg33[%swap3A_645], %sub3A_638 {strides = array<i32>} : memref<256xf32, #tpu.memory_space<vmem>>, vector<16xf32>,
    %swap3A_647 = arith.constant 80 : index
    %swap3A_648 = tpu.vector_load %arg34[%swap3A_647] {strides = array<i32>} : memref<256xf32, #tpu.memory_space<vmem>>, vector<16xf32>,
    tpu.vector_store %arg34[%swap3A_647], %sub3A_641 {strides = array<i32>} : memref<256xf32, #tpu.memory_space<vmem>>, vector<16xf32>,
    %swap3A_649 = arith.constant 80 : index
    %swap3A_650 = tpu.vector_load %arg35[%swap3A_649] {strides = array<i32>} : memref<256xf32, #tpu.memory_space<vmem>>, vector<16xf32>,
    tpu.vector_store %arg35[%swap3A_649], %sub3A_644 {strides = array<i32>} : memref<256xf32, #tpu.memory_space<vmem>>, vector<16xf32>,
    %mul3A_651 = arith.mulf %sub3A_638, %sub3A_638 : vector<16xf32>
    %mul3A_652 = arith.mulf %sub3A_641, %sub3A_641 : vector<16xf32>
    %add3A_653 = arith.addf %mul3A_651, %mul3A_652 : vector<16xf32>
    %mul3A_654 = arith.mulf %sub3A_644, %sub3A_644 : vector<16xf32>
    %add3A_655 = arith.addf %add3A_653, %mul3A_654 : vector<16xf32>
    %swap3A_656 = arith.constant 80 : index
    %swap3A_657 = tpu.vector_load %arg36[%swap3A_656] {strides = array<i32>} : memref<256xf32, #tpu.memory_space<vmem>>, vector<16xf32>,
    tpu.vector_store %arg36[%swap3A_656], %add3A_655 {strides = array<i32>} : memref<256xf32, #tpu.memory_space<vmem>>, vector<16xf32>,
    %mul3A_658 = arith.mulf %mul3A_619, %sub3A_638 : vector<16xf32>
    %mul3A_659 = arith.mulf %mul3A_624, %sub3A_641 : vector<16xf32>
    %add3A_660 = arith.addf %mul3A_658, %mul3A_659 : vector<16xf32>
    %mul3A_661 = arith.mulf %mul3A_629, %sub3A_644 : vector<16xf32>
    %add3A_662 = arith.addf %add3A_660, %mul3A_661 : vector<16xf32>
    %swap3A_663 = arith.constant 80 : index
    %swap3A_664 = tpu.vector_load %arg37[%swap3A_663] {strides = array<i32>} : memref<256xf32, #tpu.memory_space<vmem>>, vector<16xf32>,
    tpu.vector_store %arg37[%swap3A_663], %add3A_662 {strides = array<i32>} : memref<256xf32, #tpu.memory_space<vmem>>, vector<16xf32>,
    %get3A_665 = arith.constant 96 : index
    %get3A_666 = tpu.vector_load %arg26[%get3A_665] {strides = array<i32>} : memref<256xi32, #tpu.memory_space<vmem>>, vector<16xi32>,
    %get3A_667 = arith.constant 96 : index
    %get3A_668 = tpu.vector_load %arg27[%get3A_667] {strides = array<i32>} : memref<256xi32, #tpu.memory_space<vmem>>, vector<16xi32>,
    %get3A_669 = arith.constant 96 : index
    %get3A_670 = tpu.vector_load %arg28[%get3A_669] {strides = array<i32>} : memref<256xi32, #tpu.memory_space<vmem>>, vector<16xi32>,
    %gather3A_671 = tpu.vector_load_idx %arg20[%get3A_666] : memref<8192xf32, #tpu.memory_space<vmem>>[vector<16xi32>], vector<16xf32>,
    %gather3A_672 = tpu.vector_load_idx %arg20[%get3A_668] : memref<8192xf32, #tpu.memory_space<vmem>>[vector<16xi32>], vector<16xf32>,
    %gather3A_673 = tpu.vector_load_idx %arg20[%get3A_670] : memref<8192xf32, #tpu.memory_space<vmem>>[vector<16xi32>], vector<16xf32>,
    %gather3A_674 = tpu.vector_load_idx %arg21[%get3A_666] : memref<8192xf32, #tpu.memory_space<vmem>>[vector<16xi32>], vector<16xf32>,
    %gather3A_675 = tpu.vector_load_idx %arg21[%get3A_668] : memref<8192xf32, #tpu.memory_space<vmem>>[vector<16xi32>], vector<16xf32>,
    %gather3A_676 = tpu.vector_load_idx %arg21[%get3A_670] : memref<8192xf32, #tpu.memory_space<vmem>>[vector<16xi32>], vector<16xf32>,
    %gather3A_677 = tpu.vector_load_idx %arg22[%get3A_666] : memref<8192xf32, #tpu.memory_space<vmem>>[vector<16xi32>], vector<16xf32>,
    %gather3A_678 = tpu.vector_load_idx %arg22[%get3A_668] : memref<8192xf32, #tpu.memory_space<vmem>>[vector<16xi32>], vector<16xf32>,
    %gather3A_679 = tpu.vector_load_idx %arg22[%get3A_670] : memref<8192xf32, #tpu.memory_space<vmem>>[vector<16xi32>], vector<16xf32>,
    %add3A_680 = arith.addf %gather3A_671, %gather3A_672 : vector<16xf32>
    %add3A_681 = arith.addf %add3A_680, %gather3A_673 : vector<16xf32>
    %mul3A_682 = arith.constant 0.333333343 : f32
    %mul3A_683 = vector.broadcast %mul3A_682 : f32 to vector<16xf32>
    %mul3A_684 = arith.mulf %add3A_681, %mul3A_683 : vector<16xf32>
    %add3A_685 = arith.addf %gather3A_674, %gather3A_675 : vector<16xf32>
    %add3A_686 = arith.addf %add3A_685, %gather3A_676 : vector<16xf32>
    %mul3A_687 = arith.constant 0.333333343 : f32
    %mul3A_688 = vector.broadcast %mul3A_687 : f32 to vector<16xf32>
    %mul3A_689 = arith.mulf %add3A_686, %mul3A_688 : vector<16xf32>
    %add3A_690 = arith.addf %gather3A_677, %gather3A_678 : vector<16xf32>
    %add3A_691 = arith.addf %add3A_690, %gather3A_679 : vector<16xf32>
    %mul3A_692 = arith.constant 0.333333343 : f32
    %mul3A_693 = vector.broadcast %mul3A_692 : f32 to vector<16xf32>
    %mul3A_694 = arith.mulf %add3A_691, %mul3A_693 : vector<16xf32>
    %mul3A_695 = arith.constant -2.000000e+00 : f32
    %mul3A_696 = vector.broadcast %mul3A_695 : f32 to vector<16xf32>
    %mul3A_697 = arith.mulf %mul3A_696, %mul3A_684 : vector<16xf32>
    %swap3A_698 = arith.constant 96 : index
    %swap3A_699 = tpu.vector_load %arg29[%swap3A_698] {strides = array<i32>} : memref<256xf32, #tpu.memory_space<vmem>>, vector<16xf32>,
    tpu.vector_store %arg29[%swap3A_698], %mul3A_697 {strides = array<i32>} : memref<256xf32, #tpu.memory_space<vmem>>, vector<16xf32>,
    %mul3A_700 = arith.constant -2.000000e+00 : f32
    %mul3A_701 = vector.broadcast %mul3A_700 : f32 to vector<16xf32>
    %mul3A_702 = arith.mulf %mul3A_701, %mul3A_689 : vector<16xf32>
    %swap3A_703 = arith.constant 96 : index
    %swap3A_704 = tpu.vector_load %arg30[%swap3A_703] {strides = array<i32>} : memref<256xf32, #tpu.memory_space<vmem>>, vector<16xf32>,
    tpu.vector_store %arg30[%swap3A_703], %mul3A_702 {strides = array<i32>} : memref<256xf32, #tpu.memory_space<vmem>>, vector<16xf32>,
    %mul3A_705 = arith.constant -2.000000e+00 : f32
    %mul3A_706 = vector.broadcast %mul3A_705 : f32 to vector<16xf32>
    %mul3A_707 = arith.mulf %mul3A_706, %mul3A_694 : vector<16xf32>
    %swap3A_708 = arith.constant 96 : index
    %swap3A_709 = tpu.vector_load %arg31[%swap3A_708] {strides = array<i32>} : memref<256xf32, #tpu.memory_space<vmem>>, vector<16xf32>,
    tpu.vector_store %arg31[%swap3A_708], %mul3A_707 {strides = array<i32>} : memref<256xf32, #tpu.memory_space<vmem>>, vector<16xf32>,
    %mul3A_710 = arith.mulf %mul3A_684, %mul3A_684 : vector<16xf32>
    %mul3A_711 = arith.mulf %mul3A_689, %mul3A_689 : vector<16xf32>
    %add3A_712 = arith.addf %mul3A_710, %mul3A_711 : vector<16xf32>
    %mul3A_713 = arith.mulf %mul3A_694, %mul3A_694 : vector<16xf32>
    %add3A_714 = arith.addf %add3A_712, %mul3A_713 : vector<16xf32>
    %swap3A_715 = arith.constant 96 : index
    %swap3A_716 = tpu.vector_load %arg32[%swap3A_715] {strides = array<i32>} : memref<256xf32, #tpu.memory_space<vmem>>, vector<16xf32>,
    tpu.vector_store %arg32[%swap3A_715], %add3A_714 {strides = array<i32>} : memref<256xf32, #tpu.memory_space<vmem>>, vector<16xf32>,
    %gather3A_717 = tpu.vector_load_idx %arg23[%get3A_666] : memref<8192xf32, #tpu.memory_space<vmem>>[vector<16xi32>], vector<16xf32>,
    %gather3A_718 = tpu.vector_load_idx %arg23[%get3A_668] : memref<8192xf32, #tpu.memory_space<vmem>>[vector<16xi32>], vector<16xf32>,
    %gather3A_719 = tpu.vector_load_idx %arg23[%get3A_670] : memref<8192xf32, #tpu.memory_space<vmem>>[vector<16xi32>], vector<16xf32>,
    %gather3A_720 = tpu.vector_load_idx %arg24[%get3A_666] : memref<8192xf32, #tpu.memory_space<vmem>>[vector<16xi32>], vector<16xf32>,
    %gather3A_721 = tpu.vector_load_idx %arg24[%get3A_668] : memref<8192xf32, #tpu.memory_space<vmem>>[vector<16xi32>], vector<16xf32>,
    %gather3A_722 = tpu.vector_load_idx %arg24[%get3A_670] : memref<8192xf32, #tpu.memory_space<vmem>>[vector<16xi32>], vector<16xf32>,
    %gather3A_723 = tpu.vector_load_idx %arg25[%get3A_666] : memref<8192xf32, #tpu.memory_space<vmem>>[vector<16xi32>], vector<16xf32>,
    %gather3A_724 = tpu.vector_load_idx %arg25[%get3A_668] : memref<8192xf32, #tpu.memory_space<vmem>>[vector<16xi32>], vector<16xf32>,
    %gather3A_725 = tpu.vector_load_idx %arg25[%get3A_670] : memref<8192xf32, #tpu.memory_space<vmem>>[vector<16xi32>], vector<16xf32>,
    %add3A_726 = arith.addf %gather3A_717, %gather3A_718 : vector<16xf32>
    %add3A_727 = arith.addf %add3A_726, %gather3A_719 : vector<16xf32>
    %mul3A_728 = arith.constant 0.333333343 : f32
    %mul3A_729 = vector.broadcast %mul3A_728 : f32 to vector<16xf32>
    %mul3A_730 = arith.mulf %add3A_727, %mul3A_729 : vector<16xf32>
    %add3A_731 = arith.addf %gather3A_720, %gather3A_721 : vector<16xf32>
    %add3A_732 = arith.addf %add3A_731, %gather3A_722 : vector<16xf32>
    %mul3A_733 = arith.constant 0.333333343 : f32
    %mul3A_734 = vector.broadcast %mul3A_733 : f32 to vector<16xf32>
    %mul3A_735 = arith.mulf %add3A_732, %mul3A_734 : vector<16xf32>
    %add3A_736 = arith.addf %gather3A_723, %gather3A_724 : vector<16xf32>
    %add3A_737 = arith.addf %add3A_736, %gather3A_725 : vector<16xf32>
    %mul3A_738 = arith.constant 0.333333343 : f32
    %mul3A_739 = vector.broadcast %mul3A_738 : f32 to vector<16xf32>
    %mul3A_740 = arith.mulf %add3A_737, %mul3A_739 : vector<16xf32>
    %sub3A_741 = arith.subf %gather3A_718, %gather3A_717 : vector<16xf32>
    %sub3A_742 = arith.subf %gather3A_721, %gather3A_720 : vector<16xf32>
    %sub3A_743 = arith.subf %gather3A_724, %gather3A_723 : vector<16xf32>
    %sub3A_744 = arith.subf %gather3A_719, %gather3A_717 : vector<16xf32>
    %sub3A_745 = arith.subf %gather3A_722, %gather3A_720 : vector<16xf32>
    %sub3A_746 = arith.subf %gather3A_725, %gather3A_723 : vector<16xf32>
    %mul3A_747 = arith.mulf %sub3A_742, %sub3A_746 : vector<16xf32>
    %mul3A_748 = arith.mulf %sub3A_743, %sub3A_745 : vector<16xf32>
    %sub3A_749 = arith.subf %mul3A_747, %mul3A_748 : vector<16xf32>
    %mul3A_750 = arith.mulf %sub3A_743, %sub3A_744 : vector<16xf32>
    %mul3A_751 = arith.mulf %sub3A_741, %sub3A_746 : vector<16xf32>
    %sub3A_752 = arith.subf %mul3A_750, %mul3A_751 : vector<16xf32>
    %mul3A_753 = arith.mulf %sub3A_741, %sub3A_745 : vector<16xf32>
    %mul3A_754 = arith.mulf %sub3A_742, %sub3A_744 : vector<16xf32>
    %sub3A_755 = arith.subf %mul3A_753, %mul3A_754 : vector<16xf32>
    %swap3A_756 = arith.constant 96 : index
    %swap3A_757 = tpu.vector_load %arg33[%swap3A_756] {strides = array<i32>} : memref<256xf32, #tpu.memory_space<vmem>>, vector<16xf32>,
    tpu.vector_store %arg33[%swap3A_756], %sub3A_749 {strides = array<i32>} : memref<256xf32, #tpu.memory_space<vmem>>, vector<16xf32>,
    %swap3A_758 = arith.constant 96 : index
    %swap3A_759 = tpu.vector_load %arg34[%swap3A_758] {strides = array<i32>} : memref<256xf32, #tpu.memory_space<vmem>>, vector<16xf32>,
    tpu.vector_store %arg34[%swap3A_758], %sub3A_752 {strides = array<i32>} : memref<256xf32, #tpu.memory_space<vmem>>, vector<16xf32>,
    %swap3A_760 = arith.constant 96 : index
    %swap3A_761 = tpu.vector_load %arg35[%swap3A_760] {strides = array<i32>} : memref<256xf32, #tpu.memory_space<vmem>>, vector<16xf32>,
    tpu.vector_store %arg35[%swap3A_760], %sub3A_755 {strides = array<i32>} : memref<256xf32, #tpu.memory_space<vmem>>, vector<16xf32>,
    %mul3A_762 = arith.mulf %sub3A_749, %sub3A_749 : vector<16xf32>
    %mul3A_763 = arith.mulf %sub3A_752, %sub3A_752 : vector<16xf32>
    %add3A_764 = arith.addf %mul3A_762, %mul3A_763 : vector<16xf32>
    %mul3A_765 = arith.mulf %sub3A_755, %sub3A_755 : vector<16xf32>
    %add3A_766 = arith.addf %add3A_764, %mul3A_765 : vector<16xf32>
    %swap3A_767 = arith.constant 96 : index
    %swap3A_768 = tpu.vector_load %arg36[%swap3A_767] {strides = array<i32>} : memref<256xf32, #tpu.memory_space<vmem>>, vector<16xf32>,
    tpu.vector_store %arg36[%swap3A_767], %add3A_766 {strides = array<i32>} : memref<256xf32, #tpu.memory_space<vmem>>, vector<16xf32>,
    %mul3A_769 = arith.mulf %mul3A_730, %sub3A_749 : vector<16xf32>
    %mul3A_770 = arith.mulf %mul3A_735, %sub3A_752 : vector<16xf32>
    %add3A_771 = arith.addf %mul3A_769, %mul3A_770 : vector<16xf32>
    %mul3A_772 = arith.mulf %mul3A_740, %sub3A_755 : vector<16xf32>
    %add3A_773 = arith.addf %add3A_771, %mul3A_772 : vector<16xf32>
    %swap3A_774 = arith.constant 96 : index
    %swap3A_775 = tpu.vector_load %arg37[%swap3A_774] {strides = array<i32>} : memref<256xf32, #tpu.memory_space<vmem>>, vector<16xf32>,
    tpu.vector_store %arg37[%swap3A_774], %add3A_773 {strides = array<i32>} : memref<256xf32, #tpu.memory_space<vmem>>, vector<16xf32>,
    %get3A_776 = arith.constant 112 : index
    %get3A_777 = tpu.vector_load %arg26[%get3A_776] {strides = array<i32>} : memref<256xi32, #tpu.memory_space<vmem>>, vector<16xi32>,
    %get3A_778 = arith.constant 112 : index
    %get3A_779 = tpu.vector_load %arg27[%get3A_778] {strides = array<i32>} : memref<256xi32, #tpu.memory_space<vmem>>, vector<16xi32>,
    %get3A_780 = arith.constant 112 : index
    %get3A_781 = tpu.vector_load %arg28[%get3A_780] {strides = array<i32>} : memref<256xi32, #tpu.memory_space<vmem>>, vector<16xi32>,
    %gather3A_782 = tpu.vector_load_idx %arg20[%get3A_777] : memref<8192xf32, #tpu.memory_space<vmem>>[vector<16xi32>], vector<16xf32>,
    %gather3A_783 = tpu.vector_load_idx %arg20[%get3A_779] : memref<8192xf32, #tpu.memory_space<vmem>>[vector<16xi32>], vector<16xf32>,
    %gather3A_784 = tpu.vector_load_idx %arg20[%get3A_781] : memref<8192xf32, #tpu.memory_space<vmem>>[vector<16xi32>], vector<16xf32>,
    %gather3A_785 = tpu.vector_load_idx %arg21[%get3A_777] : memref<8192xf32, #tpu.memory_space<vmem>>[vector<16xi32>], vector<16xf32>,
    %gather3A_786 = tpu.vector_load_idx %arg21[%get3A_779] : memref<8192xf32, #tpu.memory_space<vmem>>[vector<16xi32>], vector<16xf32>,
    %gather3A_787 = tpu.vector_load_idx %arg21[%get3A_781] : memref<8192xf32, #tpu.memory_space<vmem>>[vector<16xi32>], vector<16xf32>,
    %gather3A_788 = tpu.vector_load_idx %arg22[%get3A_777] : memref<8192xf32, #tpu.memory_space<vmem>>[vector<16xi32>], vector<16xf32>,
    %gather3A_789 = tpu.vector_load_idx %arg22[%get3A_779] : memref<8192xf32, #tpu.memory_space<vmem>>[vector<16xi32>], vector<16xf32>,
    %gather3A_790 = tpu.vector_load_idx %arg22[%get3A_781] : memref<8192xf32, #tpu.memory_space<vmem>>[vector<16xi32>], vector<16xf32>,
    %add3A_791 = arith.addf %gather3A_782, %gather3A_783 : vector<16xf32>
    %add3A_792 = arith.addf %add3A_791, %gather3A_784 : vector<16xf32>
    %mul3A_793 = arith.constant 0.333333343 : f32
    %mul3A_794 = vector.broadcast %mul3A_793 : f32 to vector<16xf32>
    %mul3A_795 = arith.mulf %add3A_792, %mul3A_794 : vector<16xf32>
    %add3A_796 = arith.addf %gather3A_785, %gather3A_786 : vector<16xf32>
    %add3A_797 = arith.addf %add3A_796, %gather3A_787 : vector<16xf32>
    %mul3A_798 = arith.constant 0.333333343 : f32
    %mul3A_799 = vector.broadcast %mul3A_798 : f32 to vector<16xf32>
    %mul3A_800 = arith.mulf %add3A_797, %mul3A_799 : vector<16xf32>
    %add3A_801 = arith.addf %gather3A_788, %gather3A_789 : vector<16xf32>
    %add3A_802 = arith.addf %add3A_801, %gather3A_790 : vector<16xf32>
    %mul3A_803 = arith.constant 0.333333343 : f32
    %mul3A_804 = vector.broadcast %mul3A_803 : f32 to vector<16xf32>
    %mul3A_805 = arith.mulf %add3A_802, %mul3A_804 : vector<16xf32>
    %mul3A_806 = arith.constant -2.000000e+00 : f32
    %mul3A_807 = vector.broadcast %mul3A_806 : f32 to vector<16xf32>
    %mul3A_808 = arith.mulf %mul3A_807, %mul3A_795 : vector<16xf32>
    %swap3A_809 = arith.constant 112 : index
    %swap3A_810 = tpu.vector_load %arg29[%swap3A_809] {strides = array<i32>} : memref<256xf32, #tpu.memory_space<vmem>>, vector<16xf32>,
    tpu.vector_store %arg29[%swap3A_809], %mul3A_808 {strides = array<i32>} : memref<256xf32, #tpu.memory_space<vmem>>, vector<16xf32>,
    %mul3A_811 = arith.constant -2.000000e+00 : f32
    %mul3A_812 = vector.broadcast %mul3A_811 : f32 to vector<16xf32>
    %mul3A_813 = arith.mulf %mul3A_812, %mul3A_800 : vector<16xf32>
    %swap3A_814 = arith.constant 112 : index
    %swap3A_815 = tpu.vector_load %arg30[%swap3A_814] {strides = array<i32>} : memref<256xf32, #tpu.memory_space<vmem>>, vector<16xf32>,
    tpu.vector_store %arg30[%swap3A_814], %mul3A_813 {strides = array<i32>} : memref<256xf32, #tpu.memory_space<vmem>>, vector<16xf32>,
    %mul3A_816 = arith.constant -2.000000e+00 : f32
    %mul3A_817 = vector.broadcast %mul3A_816 : f32 to vector<16xf32>
    %mul3A_818 = arith.mulf %mul3A_817, %mul3A_805 : vector<16xf32>
    %swap3A_819 = arith.constant 112 : index
    %swap3A_820 = tpu.vector_load %arg31[%swap3A_819] {strides = array<i32>} : memref<256xf32, #tpu.memory_space<vmem>>, vector<16xf32>,
    tpu.vector_store %arg31[%swap3A_819], %mul3A_818 {strides = array<i32>} : memref<256xf32, #tpu.memory_space<vmem>>, vector<16xf32>,
    %mul3A_821 = arith.mulf %mul3A_795, %mul3A_795 : vector<16xf32>
    %mul3A_822 = arith.mulf %mul3A_800, %mul3A_800 : vector<16xf32>
    %add3A_823 = arith.addf %mul3A_821, %mul3A_822 : vector<16xf32>
    %mul3A_824 = arith.mulf %mul3A_805, %mul3A_805 : vector<16xf32>
    %add3A_825 = arith.addf %add3A_823, %mul3A_824 : vector<16xf32>
    %swap3A_826 = arith.constant 112 : index
    %swap3A_827 = tpu.vector_load %arg32[%swap3A_826] {strides = array<i32>} : memref<256xf32, #tpu.memory_space<vmem>>, vector<16xf32>,
    tpu.vector_store %arg32[%swap3A_826], %add3A_825 {strides = array<i32>} : memref<256xf32, #tpu.memory_space<vmem>>, vector<16xf32>,
    %gather3A_828 = tpu.vector_load_idx %arg23[%get3A_777] : memref<8192xf32, #tpu.memory_space<vmem>>[vector<16xi32>], vector<16xf32>,
    %gather3A_829 = tpu.vector_load_idx %arg23[%get3A_779] : memref<8192xf32, #tpu.memory_space<vmem>>[vector<16xi32>], vector<16xf32>,
    %gather3A_830 = tpu.vector_load_idx %arg23[%get3A_781] : memref<8192xf32, #tpu.memory_space<vmem>>[vector<16xi32>], vector<16xf32>,
    %gather3A_831 = tpu.vector_load_idx %arg24[%get3A_777] : memref<8192xf32, #tpu.memory_space<vmem>>[vector<16xi32>], vector<16xf32>,
    %gather3A_832 = tpu.vector_load_idx %arg24[%get3A_779] : memref<8192xf32, #tpu.memory_space<vmem>>[vector<16xi32>], vector<16xf32>,
    %gather3A_833 = tpu.vector_load_idx %arg24[%get3A_781] : memref<8192xf32, #tpu.memory_space<vmem>>[vector<16xi32>], vector<16xf32>,
    %gather3A_834 = tpu.vector_load_idx %arg25[%get3A_777] : memref<8192xf32, #tpu.memory_space<vmem>>[vector<16xi32>], vector<16xf32>,
    %gather3A_835 = tpu.vector_load_idx %arg25[%get3A_779] : memref<8192xf32, #tpu.memory_space<vmem>>[vector<16xi32>], vector<16xf32>,
    %gather3A_836 = tpu.vector_load_idx %arg25[%get3A_781] : memref<8192xf32, #tpu.memory_space<vmem>>[vector<16xi32>], vector<16xf32>,
    %add3A_837 = arith.addf %gather3A_828, %gather3A_829 : vector<16xf32>
    %add3A_838 = arith.addf %add3A_837, %gather3A_830 : vector<16xf32>
    %mul3A_839 = arith.constant 0.333333343 : f32
    %mul3A_840 = vector.broadcast %mul3A_839 : f32 to vector<16xf32>
    %mul3A_841 = arith.mulf %add3A_838, %mul3A_840 : vector<16xf32>
    %add3A_842 = arith.addf %gather3A_831, %gather3A_832 : vector<16xf32>
    %add3A_843 = arith.addf %add3A_842, %gather3A_833 : vector<16xf32>
    %mul3A_844 = arith.constant 0.333333343 : f32
    %mul3A_845 = vector.broadcast %mul3A_844 : f32 to vector<16xf32>
    %mul3A_846 = arith.mulf %add3A_843, %mul3A_845 : vector<16xf32>
    %add3A_847 = arith.addf %gather3A_834, %gather3A_835 : vector<16xf32>
    %add3A_848 = arith.addf %add3A_847, %gather3A_836 : vector<16xf32>
    %mul3A_849 = arith.constant 0.333333343 : f32
    %mul3A_850 = vector.broadcast %mul3A_849 : f32 to vector<16xf32>
    %mul3A_851 = arith.mulf %add3A_848, %mul3A_850 : vector<16xf32>
    %sub3A_852 = arith.subf %gather3A_829, %gather3A_828 : vector<16xf32>
    %sub3A_853 = arith.subf %gather3A_832, %gather3A_831 : vector<16xf32>
    %sub3A_854 = arith.subf %gather3A_835, %gather3A_834 : vector<16xf32>
    %sub3A_855 = arith.subf %gather3A_830, %gather3A_828 : vector<16xf32>
    %sub3A_856 = arith.subf %gather3A_833, %gather3A_831 : vector<16xf32>
    %sub3A_857 = arith.subf %gather3A_836, %gather3A_834 : vector<16xf32>
    %mul3A_858 = arith.mulf %sub3A_853, %sub3A_857 : vector<16xf32>
    %mul3A_859 = arith.mulf %sub3A_854, %sub3A_856 : vector<16xf32>
    %sub3A_860 = arith.subf %mul3A_858, %mul3A_859 : vector<16xf32>
    %mul3A_861 = arith.mulf %sub3A_854, %sub3A_855 : vector<16xf32>
    %mul3A_862 = arith.mulf %sub3A_852, %sub3A_857 : vector<16xf32>
    %sub3A_863 = arith.subf %mul3A_861, %mul3A_862 : vector<16xf32>
    %mul3A_864 = arith.mulf %sub3A_852, %sub3A_856 : vector<16xf32>
    %mul3A_865 = arith.mulf %sub3A_853, %sub3A_855 : vector<16xf32>
    %sub3A_866 = arith.subf %mul3A_864, %mul3A_865 : vector<16xf32>
    %swap3A_867 = arith.constant 112 : index
    %swap3A_868 = tpu.vector_load %arg33[%swap3A_867] {strides = array<i32>} : memref<256xf32, #tpu.memory_space<vmem>>, vector<16xf32>,
    tpu.vector_store %arg33[%swap3A_867], %sub3A_860 {strides = array<i32>} : memref<256xf32, #tpu.memory_space<vmem>>, vector<16xf32>,
    %swap3A_869 = arith.constant 112 : index
    %swap3A_870 = tpu.vector_load %arg34[%swap3A_869] {strides = array<i32>} : memref<256xf32, #tpu.memory_space<vmem>>, vector<16xf32>,
    tpu.vector_store %arg34[%swap3A_869], %sub3A_863 {strides = array<i32>} : memref<256xf32, #tpu.memory_space<vmem>>, vector<16xf32>,
    %swap3A_871 = arith.constant 112 : index
    %swap3A_872 = tpu.vector_load %arg35[%swap3A_871] {strides = array<i32>} : memref<256xf32, #tpu.memory_space<vmem>>, vector<16xf32>,
    tpu.vector_store %arg35[%swap3A_871], %sub3A_866 {strides = array<i32>} : memref<256xf32, #tpu.memory_space<vmem>>, vector<16xf32>,
    %mul3A_873 = arith.mulf %sub3A_860, %sub3A_860 : vector<16xf32>
    %mul3A_874 = arith.mulf %sub3A_863, %sub3A_863 : vector<16xf32>
    %add3A_875 = arith.addf %mul3A_873, %mul3A_874 : vector<16xf32>
    %mul3A_876 = arith.mulf %sub3A_866, %sub3A_866 : vector<16xf32>
    %add3A_877 = arith.addf %add3A_875, %mul3A_876 : vector<16xf32>
    %swap3A_878 = arith.constant 112 : index
    %swap3A_879 = tpu.vector_load %arg36[%swap3A_878] {strides = array<i32>} : memref<256xf32, #tpu.memory_space<vmem>>, vector<16xf32>,
    tpu.vector_store %arg36[%swap3A_878], %add3A_877 {strides = array<i32>} : memref<256xf32, #tpu.memory_space<vmem>>, vector<16xf32>,
    %mul3A_880 = arith.mulf %mul3A_841, %sub3A_860 : vector<16xf32>
    %mul3A_881 = arith.mulf %mul3A_846, %sub3A_863 : vector<16xf32>
    %add3A_882 = arith.addf %mul3A_880, %mul3A_881 : vector<16xf32>
    %mul3A_883 = arith.mulf %mul3A_851, %sub3A_866 : vector<16xf32>
    %add3A_884 = arith.addf %add3A_882, %mul3A_883 : vector<16xf32>
    %swap3A_885 = arith.constant 112 : index
    %swap3A_886 = tpu.vector_load %arg37[%swap3A_885] {strides = array<i32>} : memref<256xf32, #tpu.memory_space<vmem>>, vector<16xf32>,
    tpu.vector_store %arg37[%swap3A_885], %add3A_884 {strides = array<i32>} : memref<256xf32, #tpu.memory_space<vmem>>, vector<16xf32>,
    %get3A_887 = arith.constant 128 : index
    %get3A_888 = tpu.vector_load %arg26[%get3A_887] {strides = array<i32>} : memref<256xi32, #tpu.memory_space<vmem>>, vector<16xi32>,
    %get3A_889 = arith.constant 128 : index
    %get3A_890 = tpu.vector_load %arg27[%get3A_889] {strides = array<i32>} : memref<256xi32, #tpu.memory_space<vmem>>, vector<16xi32>,
    %get3A_891 = arith.constant 128 : index
    %get3A_892 = tpu.vector_load %arg28[%get3A_891] {strides = array<i32>} : memref<256xi32, #tpu.memory_space<vmem>>, vector<16xi32>,
    %gather3A_893 = tpu.vector_load_idx %arg20[%get3A_888] : memref<8192xf32, #tpu.memory_space<vmem>>[vector<16xi32>], vector<16xf32>,
    %gather3A_894 = tpu.vector_load_idx %arg20[%get3A_890] : memref<8192xf32, #tpu.memory_space<vmem>>[vector<16xi32>], vector<16xf32>,
    %gather3A_895 = tpu.vector_load_idx %arg20[%get3A_892] : memref<8192xf32, #tpu.memory_space<vmem>>[vector<16xi32>], vector<16xf32>,
    %gather3A_896 = tpu.vector_load_idx %arg21[%get3A_888] : memref<8192xf32, #tpu.memory_space<vmem>>[vector<16xi32>], vector<16xf32>,
    %gather3A_897 = tpu.vector_load_idx %arg21[%get3A_890] : memref<8192xf32, #tpu.memory_space<vmem>>[vector<16xi32>], vector<16xf32>,
    %gather3A_898 = tpu.vector_load_idx %arg21[%get3A_892] : memref<8192xf32, #tpu.memory_space<vmem>>[vector<16xi32>], vector<16xf32>,
    %gather3A_899 = tpu.vector_load_idx %arg22[%get3A_888] : memref<8192xf32, #tpu.memory_space<vmem>>[vector<16xi32>], vector<16xf32>,
    %gather3A_900 = tpu.vector_load_idx %arg22[%get3A_890] : memref<8192xf32, #tpu.memory_space<vmem>>[vector<16xi32>], vector<16xf32>,
    %gather3A_901 = tpu.vector_load_idx %arg22[%get3A_892] : memref<8192xf32, #tpu.memory_space<vmem>>[vector<16xi32>], vector<16xf32>,
    %add3A_902 = arith.addf %gather3A_893, %gather3A_894 : vector<16xf32>
    %add3A_903 = arith.addf %add3A_902, %gather3A_895 : vector<16xf32>
    %mul3A_904 = arith.constant 0.333333343 : f32
    %mul3A_905 = vector.broadcast %mul3A_904 : f32 to vector<16xf32>
    %mul3A_906 = arith.mulf %add3A_903, %mul3A_905 : vector<16xf32>
    %add3A_907 = arith.addf %gather3A_896, %gather3A_897 : vector<16xf32>
    %add3A_908 = arith.addf %add3A_907, %gather3A_898 : vector<16xf32>
    %mul3A_909 = arith.constant 0.333333343 : f32
    %mul3A_910 = vector.broadcast %mul3A_909 : f32 to vector<16xf32>
    %mul3A_911 = arith.mulf %add3A_908, %mul3A_910 : vector<16xf32>
    %add3A_912 = arith.addf %gather3A_899, %gather3A_900 : vector<16xf32>
    %add3A_913 = arith.addf %add3A_912, %gather3A_901 : vector<16xf32>
    %mul3A_914 = arith.constant 0.333333343 : f32
    %mul3A_915 = vector.broadcast %mul3A_914 : f32 to vector<16xf32>
    %mul3A_916 = arith.mulf %add3A_913, %mul3A_915 : vector<16xf32>
    %mul3A_917 = arith.constant -2.000000e+00 : f32
    %mul3A_918 = vector.broadcast %mul3A_917 : f32 to vector<16xf32>
    %mul3A_919 = arith.mulf %mul3A_918, %mul3A_906 : vector<16xf32>
    %swap3A_920 = arith.constant 128 : index
    %swap3A_921 = tpu.vector_load %arg29[%swap3A_920] {strides = array<i32>} : memref<256xf32, #tpu.memory_space<vmem>>, vector<16xf32>,
    tpu.vector_store %arg29[%swap3A_920], %mul3A_919 {strides = array<i32>} : memref<256xf32, #tpu.memory_space<vmem>>, vector<16xf32>,
    %mul3A_922 = arith.constant -2.000000e+00 : f32
    %mul3A_923 = vector.broadcast %mul3A_922 : f32 to vector<16xf32>
    %mul3A_924 = arith.mulf %mul3A_923, %mul3A_911 : vector<16xf32>
    %swap3A_925 = arith.constant 128 : index
    %swap3A_926 = tpu.vector_load %arg30[%swap3A_925] {strides = array<i32>} : memref<256xf32, #tpu.memory_space<vmem>>, vector<16xf32>,
    tpu.vector_store %arg30[%swap3A_925], %mul3A_924 {strides = array<i32>} : memref<256xf32, #tpu.memory_space<vmem>>, vector<16xf32>,
    %mul3A_927 = arith.constant -2.000000e+00 : f32
    %mul3A_928 = vector.broadcast %mul3A_927 : f32 to vector<16xf32>
    %mul3A_929 = arith.mulf %mul3A_928, %mul3A_916 : vector<16xf32>
    %swap3A_930 = arith.constant 128 : index
    %swap3A_931 = tpu.vector_load %arg31[%swap3A_930] {strides = array<i32>} : memref<256xf32, #tpu.memory_space<vmem>>, vector<16xf32>,
    tpu.vector_store %arg31[%swap3A_930], %mul3A_929 {strides = array<i32>} : memref<256xf32, #tpu.memory_space<vmem>>, vector<16xf32>,
    %mul3A_932 = arith.mulf %mul3A_906, %mul3A_906 : vector<16xf32>
    %mul3A_933 = arith.mulf %mul3A_911, %mul3A_911 : vector<16xf32>
    %add3A_934 = arith.addf %mul3A_932, %mul3A_933 : vector<16xf32>
    %mul3A_935 = arith.mulf %mul3A_916, %mul3A_916 : vector<16xf32>
    %add3A_936 = arith.addf %add3A_934, %mul3A_935 : vector<16xf32>
    %swap3A_937 = arith.constant 128 : index
    %swap3A_938 = tpu.vector_load %arg32[%swap3A_937] {strides = array<i32>} : memref<256xf32, #tpu.memory_space<vmem>>, vector<16xf32>,
    tpu.vector_store %arg32[%swap3A_937], %add3A_936 {strides = array<i32>} : memref<256xf32, #tpu.memory_space<vmem>>, vector<16xf32>,
    %gather3A_939 = tpu.vector_load_idx %arg23[%get3A_888] : memref<8192xf32, #tpu.memory_space<vmem>>[vector<16xi32>], vector<16xf32>,
    %gather3A_940 = tpu.vector_load_idx %arg23[%get3A_890] : memref<8192xf32, #tpu.memory_space<vmem>>[vector<16xi32>], vector<16xf32>,
    %gather3A_941 = tpu.vector_load_idx %arg23[%get3A_892] : memref<8192xf32, #tpu.memory_space<vmem>>[vector<16xi32>], vector<16xf32>,
    %gather3A_942 = tpu.vector_load_idx %arg24[%get3A_888] : memref<8192xf32, #tpu.memory_space<vmem>>[vector<16xi32>], vector<16xf32>,
    %gather3A_943 = tpu.vector_load_idx %arg24[%get3A_890] : memref<8192xf32, #tpu.memory_space<vmem>>[vector<16xi32>], vector<16xf32>,
    %gather3A_944 = tpu.vector_load_idx %arg24[%get3A_892] : memref<8192xf32, #tpu.memory_space<vmem>>[vector<16xi32>], vector<16xf32>,
    %gather3A_945 = tpu.vector_load_idx %arg25[%get3A_888] : memref<8192xf32, #tpu.memory_space<vmem>>[vector<16xi32>], vector<16xf32>,
    %gather3A_946 = tpu.vector_load_idx %arg25[%get3A_890] : memref<8192xf32, #tpu.memory_space<vmem>>[vector<16xi32>], vector<16xf32>,
    %gather3A_947 = tpu.vector_load_idx %arg25[%get3A_892] : memref<8192xf32, #tpu.memory_space<vmem>>[vector<16xi32>], vector<16xf32>,
    %add3A_948 = arith.addf %gather3A_939, %gather3A_940 : vector<16xf32>
    %add3A_949 = arith.addf %add3A_948, %gather3A_941 : vector<16xf32>
    %mul3A_950 = arith.constant 0.333333343 : f32
    %mul3A_951 = vector.broadcast %mul3A_950 : f32 to vector<16xf32>
    %mul3A_952 = arith.mulf %add3A_949, %mul3A_951 : vector<16xf32>
    %add3A_953 = arith.addf %gather3A_942, %gather3A_943 : vector<16xf32>
    %add3A_954 = arith.addf %add3A_953, %gather3A_944 : vector<16xf32>
    %mul3A_955 = arith.constant 0.333333343 : f32
    %mul3A_956 = vector.broadcast %mul3A_955 : f32 to vector<16xf32>
    %mul3A_957 = arith.mulf %add3A_954, %mul3A_956 : vector<16xf32>
    %add3A_958 = arith.addf %gather3A_945, %gather3A_946 : vector<16xf32>
    %add3A_959 = arith.addf %add3A_958, %gather3A_947 : vector<16xf32>
    %mul3A_960 = arith.constant 0.333333343 : f32
    %mul3A_961 = vector.broadcast %mul3A_960 : f32 to vector<16xf32>
    %mul3A_962 = arith.mulf %add3A_959, %mul3A_961 : vector<16xf32>
    %sub3A_963 = arith.subf %gather3A_940, %gather3A_939 : vector<16xf32>
    %sub3A_964 = arith.subf %gather3A_943, %gather3A_942 : vector<16xf32>
    %sub3A_965 = arith.subf %gather3A_946, %gather3A_945 : vector<16xf32>
    %sub3A_966 = arith.subf %gather3A_941, %gather3A_939 : vector<16xf32>
    %sub3A_967 = arith.subf %gather3A_944, %gather3A_942 : vector<16xf32>
    %sub3A_968 = arith.subf %gather3A_947, %gather3A_945 : vector<16xf32>
    %mul3A_969 = arith.mulf %sub3A_964, %sub3A_968 : vector<16xf32>
    %mul3A_970 = arith.mulf %sub3A_965, %sub3A_967 : vector<16xf32>
    %sub3A_971 = arith.subf %mul3A_969, %mul3A_970 : vector<16xf32>
    %mul3A_972 = arith.mulf %sub3A_965, %sub3A_966 : vector<16xf32>
    %mul3A_973 = arith.mulf %sub3A_963, %sub3A_968 : vector<16xf32>
    %sub3A_974 = arith.subf %mul3A_972, %mul3A_973 : vector<16xf32>
    %mul3A_975 = arith.mulf %sub3A_963, %sub3A_967 : vector<16xf32>
    %mul3A_976 = arith.mulf %sub3A_964, %sub3A_966 : vector<16xf32>
    %sub3A_977 = arith.subf %mul3A_975, %mul3A_976 : vector<16xf32>
    %swap3A_978 = arith.constant 128 : index
    %swap3A_979 = tpu.vector_load %arg33[%swap3A_978] {strides = array<i32>} : memref<256xf32, #tpu.memory_space<vmem>>, vector<16xf32>,
    tpu.vector_store %arg33[%swap3A_978], %sub3A_971 {strides = array<i32>} : memref<256xf32, #tpu.memory_space<vmem>>, vector<16xf32>,
    %swap3A_980 = arith.constant 128 : index
    %swap3A_981 = tpu.vector_load %arg34[%swap3A_980] {strides = array<i32>} : memref<256xf32, #tpu.memory_space<vmem>>, vector<16xf32>,
    tpu.vector_store %arg34[%swap3A_980], %sub3A_974 {strides = array<i32>} : memref<256xf32, #tpu.memory_space<vmem>>, vector<16xf32>,
    %swap3A_982 = arith.constant 128 : index
    %swap3A_983 = tpu.vector_load %arg35[%swap3A_982] {strides = array<i32>} : memref<256xf32, #tpu.memory_space<vmem>>, vector<16xf32>,
    tpu.vector_store %arg35[%swap3A_982], %sub3A_977 {strides = array<i32>} : memref<256xf32, #tpu.memory_space<vmem>>, vector<16xf32>,
    %mul3A_984 = arith.mulf %sub3A_971, %sub3A_971 : vector<16xf32>
    %mul3A_985 = arith.mulf %sub3A_974, %sub3A_974 : vector<16xf32>
    %add3A_986 = arith.addf %mul3A_984, %mul3A_985 : vector<16xf32>
    %mul3A_987 = arith.mulf %sub3A_977, %sub3A_977 : vector<16xf32>
    %add3A_988 = arith.addf %add3A_986, %mul3A_987 : vector<16xf32>
    %swap3A_989 = arith.constant 128 : index
    %swap3A_990 = tpu.vector_load %arg36[%swap3A_989] {strides = array<i32>} : memref<256xf32, #tpu.memory_space<vmem>>, vector<16xf32>,
    tpu.vector_store %arg36[%swap3A_989], %add3A_988 {strides = array<i32>} : memref<256xf32, #tpu.memory_space<vmem>>, vector<16xf32>,
    %mul3A_991 = arith.mulf %mul3A_952, %sub3A_971 : vector<16xf32>
    %mul3A_992 = arith.mulf %mul3A_957, %sub3A_974 : vector<16xf32>
    %add3A_993 = arith.addf %mul3A_991, %mul3A_992 : vector<16xf32>
    %mul3A_994 = arith.mulf %mul3A_962, %sub3A_977 : vector<16xf32>
    %add3A_995 = arith.addf %add3A_993, %mul3A_994 : vector<16xf32>
    %swap3A_996 = arith.constant 128 : index
    %swap3A_997 = tpu.vector_load %arg37[%swap3A_996] {strides = array<i32>} : memref<256xf32, #tpu.memory_space<vmem>>, vector<16xf32>,
    tpu.vector_store %arg37[%swap3A_996], %add3A_995 {strides = array<i32>} : memref<256xf32, #tpu.memory_space<vmem>>, vector<16xf32>,
    %get3A_998 = arith.constant 144 : index
    %get3A_999 = tpu.vector_load %arg26[%get3A_998] {strides = array<i32>} : memref<256xi32, #tpu.memory_space<vmem>>, vector<16xi32>,
    %get3A_1000 = arith.constant 144 : index
    %get3A_1001 = tpu.vector_load %arg27[%get3A_1000] {strides = array<i32>} : memref<256xi32, #tpu.memory_space<vmem>>, vector<16xi32>,
    %get3A_1002 = arith.constant 144 : index
    %get3A_1003 = tpu.vector_load %arg28[%get3A_1002] {strides = array<i32>} : memref<256xi32, #tpu.memory_space<vmem>>, vector<16xi32>,
    %gather3A_1004 = tpu.vector_load_idx %arg20[%get3A_999] : memref<8192xf32, #tpu.memory_space<vmem>>[vector<16xi32>], vector<16xf32>,
    %gather3A_1005 = tpu.vector_load_idx %arg20[%get3A_1001] : memref<8192xf32, #tpu.memory_space<vmem>>[vector<16xi32>], vector<16xf32>,
    %gather3A_1006 = tpu.vector_load_idx %arg20[%get3A_1003] : memref<8192xf32, #tpu.memory_space<vmem>>[vector<16xi32>], vector<16xf32>,
    %gather3A_1007 = tpu.vector_load_idx %arg21[%get3A_999] : memref<8192xf32, #tpu.memory_space<vmem>>[vector<16xi32>], vector<16xf32>,
    %gather3A_1008 = tpu.vector_load_idx %arg21[%get3A_1001] : memref<8192xf32, #tpu.memory_space<vmem>>[vector<16xi32>], vector<16xf32>,
    %gather3A_1009 = tpu.vector_load_idx %arg21[%get3A_1003] : memref<8192xf32, #tpu.memory_space<vmem>>[vector<16xi32>], vector<16xf32>,
    %gather3A_1010 = tpu.vector_load_idx %arg22[%get3A_999] : memref<8192xf32, #tpu.memory_space<vmem>>[vector<16xi32>], vector<16xf32>,
    %gather3A_1011 = tpu.vector_load_idx %arg22[%get3A_1001] : memref<8192xf32, #tpu.memory_space<vmem>>[vector<16xi32>], vector<16xf32>,
    %gather3A_1012 = tpu.vector_load_idx %arg22[%get3A_1003] : memref<8192xf32, #tpu.memory_space<vmem>>[vector<16xi32>], vector<16xf32>,
    %add3A_1013 = arith.addf %gather3A_1004, %gather3A_1005 : vector<16xf32>
    %add3A_1014 = arith.addf %add3A_1013, %gather3A_1006 : vector<16xf32>
    %mul3A_1015 = arith.constant 0.333333343 : f32
    %mul3A_1016 = vector.broadcast %mul3A_1015 : f32 to vector<16xf32>
    %mul3A_1017 = arith.mulf %add3A_1014, %mul3A_1016 : vector<16xf32>
    %add3A_1018 = arith.addf %gather3A_1007, %gather3A_1008 : vector<16xf32>
    %add3A_1019 = arith.addf %add3A_1018, %gather3A_1009 : vector<16xf32>
    %mul3A_1020 = arith.constant 0.333333343 : f32
    %mul3A_1021 = vector.broadcast %mul3A_1020 : f32 to vector<16xf32>
    %mul3A_1022 = arith.mulf %add3A_1019, %mul3A_1021 : vector<16xf32>
    %add3A_1023 = arith.addf %gather3A_1010, %gather3A_1011 : vector<16xf32>
    %add3A_1024 = arith.addf %add3A_1023, %gather3A_1012 : vector<16xf32>
    %mul3A_1025 = arith.constant 0.333333343 : f32
    %mul3A_1026 = vector.broadcast %mul3A_1025 : f32 to vector<16xf32>
    %mul3A_1027 = arith.mulf %add3A_1024, %mul3A_1026 : vector<16xf32>
    %mul3A_1028 = arith.constant -2.000000e+00 : f32
    %mul3A_1029 = vector.broadcast %mul3A_1028 : f32 to vector<16xf32>
    %mul3A_1030 = arith.mulf %mul3A_1029, %mul3A_1017 : vector<16xf32>
    %swap3A_1031 = arith.constant 144 : index
    %swap3A_1032 = tpu.vector_load %arg29[%swap3A_1031] {strides = array<i32>} : memref<256xf32, #tpu.memory_space<vmem>>, vector<16xf32>,
    tpu.vector_store %arg29[%swap3A_1031], %mul3A_1030 {strides = array<i32>} : memref<256xf32, #tpu.memory_space<vmem>>, vector<16xf32>,
    %mul3A_1033 = arith.constant -2.000000e+00 : f32
    %mul3A_1034 = vector.broadcast %mul3A_1033 : f32 to vector<16xf32>
    %mul3A_1035 = arith.mulf %mul3A_1034, %mul3A_1022 : vector<16xf32>
    %swap3A_1036 = arith.constant 144 : index
    %swap3A_1037 = tpu.vector_load %arg30[%swap3A_1036] {strides = array<i32>} : memref<256xf32, #tpu.memory_space<vmem>>, vector<16xf32>,
    tpu.vector_store %arg30[%swap3A_1036], %mul3A_1035 {strides = array<i32>} : memref<256xf32, #tpu.memory_space<vmem>>, vector<16xf32>,
    %mul3A_1038 = arith.constant -2.000000e+00 : f32
    %mul3A_1039 = vector.broadcast %mul3A_1038 : f32 to vector<16xf32>
    %mul3A_1040 = arith.mulf %mul3A_1039, %mul3A_1027 : vector<16xf32>
    %swap3A_1041 = arith.constant 144 : index
    %swap3A_1042 = tpu.vector_load %arg31[%swap3A_1041] {strides = array<i32>} : memref<256xf32, #tpu.memory_space<vmem>>, vector<16xf32>,
    tpu.vector_store %arg31[%swap3A_1041], %mul3A_1040 {strides = array<i32>} : memref<256xf32, #tpu.memory_space<vmem>>, vector<16xf32>,
    %mul3A_1043 = arith.mulf %mul3A_1017, %mul3A_1017 : vector<16xf32>
    %mul3A_1044 = arith.mulf %mul3A_1022, %mul3A_1022 : vector<16xf32>
    %add3A_1045 = arith.addf %mul3A_1043, %mul3A_1044 : vector<16xf32>
    %mul3A_1046 = arith.mulf %mul3A_1027, %mul3A_1027 : vector<16xf32>
    %add3A_1047 = arith.addf %add3A_1045, %mul3A_1046 : vector<16xf32>
    %swap3A_1048 = arith.constant 144 : index
    %swap3A_1049 = tpu.vector_load %arg32[%swap3A_1048] {strides = array<i32>} : memref<256xf32, #tpu.memory_space<vmem>>, vector<16xf32>,
    tpu.vector_store %arg32[%swap3A_1048], %add3A_1047 {strides = array<i32>} : memref<256xf32, #tpu.memory_space<vmem>>, vector<16xf32>,
    %gather3A_1050 = tpu.vector_load_idx %arg23[%get3A_999] : memref<8192xf32, #tpu.memory_space<vmem>>[vector<16xi32>], vector<16xf32>,
    %gather3A_1051 = tpu.vector_load_idx %arg23[%get3A_1001] : memref<8192xf32, #tpu.memory_space<vmem>>[vector<16xi32>], vector<16xf32>,
    %gather3A_1052 = tpu.vector_load_idx %arg23[%get3A_1003] : memref<8192xf32, #tpu.memory_space<vmem>>[vector<16xi32>], vector<16xf32>,
    %gather3A_1053 = tpu.vector_load_idx %arg24[%get3A_999] : memref<8192xf32, #tpu.memory_space<vmem>>[vector<16xi32>], vector<16xf32>,
    %gather3A_1054 = tpu.vector_load_idx %arg24[%get3A_1001] : memref<8192xf32, #tpu.memory_space<vmem>>[vector<16xi32>], vector<16xf32>,
    %gather3A_1055 = tpu.vector_load_idx %arg24[%get3A_1003] : memref<8192xf32, #tpu.memory_space<vmem>>[vector<16xi32>], vector<16xf32>,
    %gather3A_1056 = tpu.vector_load_idx %arg25[%get3A_999] : memref<8192xf32, #tpu.memory_space<vmem>>[vector<16xi32>], vector<16xf32>,
    %gather3A_1057 = tpu.vector_load_idx %arg25[%get3A_1001] : memref<8192xf32, #tpu.memory_space<vmem>>[vector<16xi32>], vector<16xf32>,
    %gather3A_1058 = tpu.vector_load_idx %arg25[%get3A_1003] : memref<8192xf32, #tpu.memory_space<vmem>>[vector<16xi32>], vector<16xf32>,
    %add3A_1059 = arith.addf %gather3A_1050, %gather3A_1051 : vector<16xf32>
    %add3A_1060 = arith.addf %add3A_1059, %gather3A_1052 : vector<16xf32>
    %mul3A_1061 = arith.constant 0.333333343 : f32
    %mul3A_1062 = vector.broadcast %mul3A_1061 : f32 to vector<16xf32>
    %mul3A_1063 = arith.mulf %add3A_1060, %mul3A_1062 : vector<16xf32>
    %add3A_1064 = arith.addf %gather3A_1053, %gather3A_1054 : vector<16xf32>
    %add3A_1065 = arith.addf %add3A_1064, %gather3A_1055 : vector<16xf32>
    %mul3A_1066 = arith.constant 0.333333343 : f32
    %mul3A_1067 = vector.broadcast %mul3A_1066 : f32 to vector<16xf32>
    %mul3A_1068 = arith.mulf %add3A_1065, %mul3A_1067 : vector<16xf32>
    %add3A_1069 = arith.addf %gather3A_1056, %gather3A_1057 : vector<16xf32>
    %add3A_1070 = arith.addf %add3A_1069, %gather3A_1058 : vector<16xf32>
    %mul3A_1071 = arith.constant 0.333333343 : f32
    %mul3A_1072 = vector.broadcast %mul3A_1071 : f32 to vector<16xf32>
    %mul3A_1073 = arith.mulf %add3A_1070, %mul3A_1072 : vector<16xf32>
    %sub3A_1074 = arith.subf %gather3A_1051, %gather3A_1050 : vector<16xf32>
    %sub3A_1075 = arith.subf %gather3A_1054, %gather3A_1053 : vector<16xf32>
    %sub3A_1076 = arith.subf %gather3A_1057, %gather3A_1056 : vector<16xf32>
    %sub3A_1077 = arith.subf %gather3A_1052, %gather3A_1050 : vector<16xf32>
    %sub3A_1078 = arith.subf %gather3A_1055, %gather3A_1053 : vector<16xf32>
    %sub3A_1079 = arith.subf %gather3A_1058, %gather3A_1056 : vector<16xf32>
    %mul3A_1080 = arith.mulf %sub3A_1075, %sub3A_1079 : vector<16xf32>
    %mul3A_1081 = arith.mulf %sub3A_1076, %sub3A_1078 : vector<16xf32>
    %sub3A_1082 = arith.subf %mul3A_1080, %mul3A_1081 : vector<16xf32>
    %mul3A_1083 = arith.mulf %sub3A_1076, %sub3A_1077 : vector<16xf32>
    %mul3A_1084 = arith.mulf %sub3A_1074, %sub3A_1079 : vector<16xf32>
    %sub3A_1085 = arith.subf %mul3A_1083, %mul3A_1084 : vector<16xf32>
    %mul3A_1086 = arith.mulf %sub3A_1074, %sub3A_1078 : vector<16xf32>
    %mul3A_1087 = arith.mulf %sub3A_1075, %sub3A_1077 : vector<16xf32>
    %sub3A_1088 = arith.subf %mul3A_1086, %mul3A_1087 : vector<16xf32>
    %swap3A_1089 = arith.constant 144 : index
    %swap3A_1090 = tpu.vector_load %arg33[%swap3A_1089] {strides = array<i32>} : memref<256xf32, #tpu.memory_space<vmem>>, vector<16xf32>,
    tpu.vector_store %arg33[%swap3A_1089], %sub3A_1082 {strides = array<i32>} : memref<256xf32, #tpu.memory_space<vmem>>, vector<16xf32>,
    %swap3A_1091 = arith.constant 144 : index
    %swap3A_1092 = tpu.vector_load %arg34[%swap3A_1091] {strides = array<i32>} : memref<256xf32, #tpu.memory_space<vmem>>, vector<16xf32>,
    tpu.vector_store %arg34[%swap3A_1091], %sub3A_1085 {strides = array<i32>} : memref<256xf32, #tpu.memory_space<vmem>>, vector<16xf32>,
    %swap3A_1093 = arith.constant 144 : index
    %swap3A_1094 = tpu.vector_load %arg35[%swap3A_1093] {strides = array<i32>} : memref<256xf32, #tpu.memory_space<vmem>>, vector<16xf32>,
    tpu.vector_store %arg35[%swap3A_1093], %sub3A_1088 {strides = array<i32>} : memref<256xf32, #tpu.memory_space<vmem>>, vector<16xf32>,
    %mul3A_1095 = arith.mulf %sub3A_1082, %sub3A_1082 : vector<16xf32>
    %mul3A_1096 = arith.mulf %sub3A_1085, %sub3A_1085 : vector<16xf32>
    %add3A_1097 = arith.addf %mul3A_1095, %mul3A_1096 : vector<16xf32>
    %mul3A_1098 = arith.mulf %sub3A_1088, %sub3A_1088 : vector<16xf32>
    %add3A_1099 = arith.addf %add3A_1097, %mul3A_1098 : vector<16xf32>
    %swap3A_1100 = arith.constant 144 : index
    %swap3A_1101 = tpu.vector_load %arg36[%swap3A_1100] {strides = array<i32>} : memref<256xf32, #tpu.memory_space<vmem>>, vector<16xf32>,
    tpu.vector_store %arg36[%swap3A_1100], %add3A_1099 {strides = array<i32>} : memref<256xf32, #tpu.memory_space<vmem>>, vector<16xf32>,
    %mul3A_1102 = arith.mulf %mul3A_1063, %sub3A_1082 : vector<16xf32>
    %mul3A_1103 = arith.mulf %mul3A_1068, %sub3A_1085 : vector<16xf32>
    %add3A_1104 = arith.addf %mul3A_1102, %mul3A_1103 : vector<16xf32>
    %mul3A_1105 = arith.mulf %mul3A_1073, %sub3A_1088 : vector<16xf32>
    %add3A_1106 = arith.addf %add3A_1104, %mul3A_1105 : vector<16xf32>
    %swap3A_1107 = arith.constant 144 : index
    %swap3A_1108 = tpu.vector_load %arg37[%swap3A_1107] {strides = array<i32>} : memref<256xf32, #tpu.memory_space<vmem>>, vector<16xf32>,
    tpu.vector_store %arg37[%swap3A_1107], %add3A_1106 {strides = array<i32>} : memref<256xf32, #tpu.memory_space<vmem>>, vector<16xf32>,
    %get3A_1109 = arith.constant 160 : index
    %get3A_1110 = tpu.vector_load %arg26[%get3A_1109] {strides = array<i32>} : memref<256xi32, #tpu.memory_space<vmem>>, vector<16xi32>,
    %get3A_1111 = arith.constant 160 : index
    %get3A_1112 = tpu.vector_load %arg27[%get3A_1111] {strides = array<i32>} : memref<256xi32, #tpu.memory_space<vmem>>, vector<16xi32>,
    %get3A_1113 = arith.constant 160 : index
    %get3A_1114 = tpu.vector_load %arg28[%get3A_1113] {strides = array<i32>} : memref<256xi32, #tpu.memory_space<vmem>>, vector<16xi32>,
    %gather3A_1115 = tpu.vector_load_idx %arg20[%get3A_1110] : memref<8192xf32, #tpu.memory_space<vmem>>[vector<16xi32>], vector<16xf32>,
    %gather3A_1116 = tpu.vector_load_idx %arg20[%get3A_1112] : memref<8192xf32, #tpu.memory_space<vmem>>[vector<16xi32>], vector<16xf32>,
    %gather3A_1117 = tpu.vector_load_idx %arg20[%get3A_1114] : memref<8192xf32, #tpu.memory_space<vmem>>[vector<16xi32>], vector<16xf32>,
    %gather3A_1118 = tpu.vector_load_idx %arg21[%get3A_1110] : memref<8192xf32, #tpu.memory_space<vmem>>[vector<16xi32>], vector<16xf32>,
    %gather3A_1119 = tpu.vector_load_idx %arg21[%get3A_1112] : memref<8192xf32, #tpu.memory_space<vmem>>[vector<16xi32>], vector<16xf32>,
    %gather3A_1120 = tpu.vector_load_idx %arg21[%get3A_1114] : memref<8192xf32, #tpu.memory_space<vmem>>[vector<16xi32>], vector<16xf32>,
    %gather3A_1121 = tpu.vector_load_idx %arg22[%get3A_1110] : memref<8192xf32, #tpu.memory_space<vmem>>[vector<16xi32>], vector<16xf32>,
    %gather3A_1122 = tpu.vector_load_idx %arg22[%get3A_1112] : memref<8192xf32, #tpu.memory_space<vmem>>[vector<16xi32>], vector<16xf32>,
    %gather3A_1123 = tpu.vector_load_idx %arg22[%get3A_1114] : memref<8192xf32, #tpu.memory_space<vmem>>[vector<16xi32>], vector<16xf32>,
    %add3A_1124 = arith.addf %gather3A_1115, %gather3A_1116 : vector<16xf32>
    %add3A_1125 = arith.addf %add3A_1124, %gather3A_1117 : vector<16xf32>
    %mul3A_1126 = arith.constant 0.333333343 : f32
    %mul3A_1127 = vector.broadcast %mul3A_1126 : f32 to vector<16xf32>
    %mul3A_1128 = arith.mulf %add3A_1125, %mul3A_1127 : vector<16xf32>
    %add3A_1129 = arith.addf %gather3A_1118, %gather3A_1119 : vector<16xf32>
    %add3A_1130 = arith.addf %add3A_1129, %gather3A_1120 : vector<16xf32>
    %mul3A_1131 = arith.constant 0.333333343 : f32
    %mul3A_1132 = vector.broadcast %mul3A_1131 : f32 to vector<16xf32>
    %mul3A_1133 = arith.mulf %add3A_1130, %mul3A_1132 : vector<16xf32>
    %add3A_1134 = arith.addf %gather3A_1121, %gather3A_1122 : vector<16xf32>
    %add3A_1135 = arith.addf %add3A_1134, %gather3A_1123 : vector<16xf32>
    %mul3A_1136 = arith.constant 0.333333343 : f32
    %mul3A_1137 = vector.broadcast %mul3A_1136 : f32 to vector<16xf32>
    %mul3A_1138 = arith.mulf %add3A_1135, %mul3A_1137 : vector<16xf32>
    %mul3A_1139 = arith.constant -2.000000e+00 : f32
    %mul3A_1140 = vector.broadcast %mul3A_1139 : f32 to vector<16xf32>
    %mul3A_1141 = arith.mulf %mul3A_1140, %mul3A_1128 : vector<16xf32>
    %swap3A_1142 = arith.constant 160 : index
    %swap3A_1143 = tpu.vector_load %arg29[%swap3A_1142] {strides = array<i32>} : memref<256xf32, #tpu.memory_space<vmem>>, vector<16xf32>,
    tpu.vector_store %arg29[%swap3A_1142], %mul3A_1141 {strides = array<i32>} : memref<256xf32, #tpu.memory_space<vmem>>, vector<16xf32>,
    %mul3A_1144 = arith.constant -2.000000e+00 : f32
    %mul3A_1145 = vector.broadcast %mul3A_1144 : f32 to vector<16xf32>
    %mul3A_1146 = arith.mulf %mul3A_1145, %mul3A_1133 : vector<16xf32>
    %swap3A_1147 = arith.constant 160 : index
    %swap3A_1148 = tpu.vector_load %arg30[%swap3A_1147] {strides = array<i32>} : memref<256xf32, #tpu.memory_space<vmem>>, vector<16xf32>,
    tpu.vector_store %arg30[%swap3A_1147], %mul3A_1146 {strides = array<i32>} : memref<256xf32, #tpu.memory_space<vmem>>, vector<16xf32>,
    %mul3A_1149 = arith.constant -2.000000e+00 : f32
    %mul3A_1150 = vector.broadcast %mul3A_1149 : f32 to vector<16xf32>
    %mul3A_1151 = arith.mulf %mul3A_1150, %mul3A_1138 : vector<16xf32>
    %swap3A_1152 = arith.constant 160 : index
    %swap3A_1153 = tpu.vector_load %arg31[%swap3A_1152] {strides = array<i32>} : memref<256xf32, #tpu.memory_space<vmem>>, vector<16xf32>,
    tpu.vector_store %arg31[%swap3A_1152], %mul3A_1151 {strides = array<i32>} : memref<256xf32, #tpu.memory_space<vmem>>, vector<16xf32>,
    %mul3A_1154 = arith.mulf %mul3A_1128, %mul3A_1128 : vector<16xf32>
    %mul3A_1155 = arith.mulf %mul3A_1133, %mul3A_1133 : vector<16xf32>
    %add3A_1156 = arith.addf %mul3A_1154, %mul3A_1155 : vector<16xf32>
    %mul3A_1157 = arith.mulf %mul3A_1138, %mul3A_1138 : vector<16xf32>
    %add3A_1158 = arith.addf %add3A_1156, %mul3A_1157 : vector<16xf32>
    %swap3A_1159 = arith.constant 160 : index
    %swap3A_1160 = tpu.vector_load %arg32[%swap3A_1159] {strides = array<i32>} : memref<256xf32, #tpu.memory_space<vmem>>, vector<16xf32>,
    tpu.vector_store %arg32[%swap3A_1159], %add3A_1158 {strides = array<i32>} : memref<256xf32, #tpu.memory_space<vmem>>, vector<16xf32>,
    %gather3A_1161 = tpu.vector_load_idx %arg23[%get3A_1110] : memref<8192xf32, #tpu.memory_space<vmem>>[vector<16xi32>], vector<16xf32>,
    %gather3A_1162 = tpu.vector_load_idx %arg23[%get3A_1112] : memref<8192xf32, #tpu.memory_space<vmem>>[vector<16xi32>], vector<16xf32>,
    %gather3A_1163 = tpu.vector_load_idx %arg23[%get3A_1114] : memref<8192xf32, #tpu.memory_space<vmem>>[vector<16xi32>], vector<16xf32>,
    %gather3A_1164 = tpu.vector_load_idx %arg24[%get3A_1110] : memref<8192xf32, #tpu.memory_space<vmem>>[vector<16xi32>], vector<16xf32>,
    %gather3A_1165 = tpu.vector_load_idx %arg24[%get3A_1112] : memref<8192xf32, #tpu.memory_space<vmem>>[vector<16xi32>], vector<16xf32>,
    %gather3A_1166 = tpu.vector_load_idx %arg24[%get3A_1114] : memref<8192xf32, #tpu.memory_space<vmem>>[vector<16xi32>], vector<16xf32>,
    %gather3A_1167 = tpu.vector_load_idx %arg25[%get3A_1110] : memref<8192xf32, #tpu.memory_space<vmem>>[vector<16xi32>], vector<16xf32>,
    %gather3A_1168 = tpu.vector_load_idx %arg25[%get3A_1112] : memref<8192xf32, #tpu.memory_space<vmem>>[vector<16xi32>], vector<16xf32>,
    %gather3A_1169 = tpu.vector_load_idx %arg25[%get3A_1114] : memref<8192xf32, #tpu.memory_space<vmem>>[vector<16xi32>], vector<16xf32>,
    %add3A_1170 = arith.addf %gather3A_1161, %gather3A_1162 : vector<16xf32>
    %add3A_1171 = arith.addf %add3A_1170, %gather3A_1163 : vector<16xf32>
    %mul3A_1172 = arith.constant 0.333333343 : f32
    %mul3A_1173 = vector.broadcast %mul3A_1172 : f32 to vector<16xf32>
    %mul3A_1174 = arith.mulf %add3A_1171, %mul3A_1173 : vector<16xf32>
    %add3A_1175 = arith.addf %gather3A_1164, %gather3A_1165 : vector<16xf32>
    %add3A_1176 = arith.addf %add3A_1175, %gather3A_1166 : vector<16xf32>
    %mul3A_1177 = arith.constant 0.333333343 : f32
    %mul3A_1178 = vector.broadcast %mul3A_1177 : f32 to vector<16xf32>
    %mul3A_1179 = arith.mulf %add3A_1176, %mul3A_1178 : vector<16xf32>
    %add3A_1180 = arith.addf %gather3A_1167, %gather3A_1168 : vector<16xf32>
    %add3A_1181 = arith.addf %add3A_1180, %gather3A_1169 : vector<16xf32>
    %mul3A_1182 = arith.constant 0.333333343 : f32
    %mul3A_1183 = vector.broadcast %mul3A_1182 : f32 to vector<16xf32>
    %mul3A_1184 = arith.mulf %add3A_1181, %mul3A_1183 : vector<16xf32>
    %sub3A_1185 = arith.subf %gather3A_1162, %gather3A_1161 : vector<16xf32>
    %sub3A_1186 = arith.subf %gather3A_1165, %gather3A_1164 : vector<16xf32>
    %sub3A_1187 = arith.subf %gather3A_1168, %gather3A_1167 : vector<16xf32>
    %sub3A_1188 = arith.subf %gather3A_1163, %gather3A_1161 : vector<16xf32>
    %sub3A_1189 = arith.subf %gather3A_1166, %gather3A_1164 : vector<16xf32>
    %sub3A_1190 = arith.subf %gather3A_1169, %gather3A_1167 : vector<16xf32>
    %mul3A_1191 = arith.mulf %sub3A_1186, %sub3A_1190 : vector<16xf32>
    %mul3A_1192 = arith.mulf %sub3A_1187, %sub3A_1189 : vector<16xf32>
    %sub3A_1193 = arith.subf %mul3A_1191, %mul3A_1192 : vector<16xf32>
    %mul3A_1194 = arith.mulf %sub3A_1187, %sub3A_1188 : vector<16xf32>
    %mul3A_1195 = arith.mulf %sub3A_1185, %sub3A_1190 : vector<16xf32>
    %sub3A_1196 = arith.subf %mul3A_1194, %mul3A_1195 : vector<16xf32>
    %mul3A_1197 = arith.mulf %sub3A_1185, %sub3A_1189 : vector<16xf32>
    %mul3A_1198 = arith.mulf %sub3A_1186, %sub3A_1188 : vector<16xf32>
    %sub3A_1199 = arith.subf %mul3A_1197, %mul3A_1198 : vector<16xf32>
    %swap3A_1200 = arith.constant 160 : index
    %swap3A_1201 = tpu.vector_load %arg33[%swap3A_1200] {strides = array<i32>} : memref<256xf32, #tpu.memory_space<vmem>>, vector<16xf32>,
    tpu.vector_store %arg33[%swap3A_1200], %sub3A_1193 {strides = array<i32>} : memref<256xf32, #tpu.memory_space<vmem>>, vector<16xf32>,
    %swap3A_1202 = arith.constant 160 : index
    %swap3A_1203 = tpu.vector_load %arg34[%swap3A_1202] {strides = array<i32>} : memref<256xf32, #tpu.memory_space<vmem>>, vector<16xf32>,
    tpu.vector_store %arg34[%swap3A_1202], %sub3A_1196 {strides = array<i32>} : memref<256xf32, #tpu.memory_space<vmem>>, vector<16xf32>,
    %swap3A_1204 = arith.constant 160 : index
    %swap3A_1205 = tpu.vector_load %arg35[%swap3A_1204] {strides = array<i32>} : memref<256xf32, #tpu.memory_space<vmem>>, vector<16xf32>,
    tpu.vector_store %arg35[%swap3A_1204], %sub3A_1199 {strides = array<i32>} : memref<256xf32, #tpu.memory_space<vmem>>, vector<16xf32>,
    %mul3A_1206 = arith.mulf %sub3A_1193, %sub3A_1193 : vector<16xf32>
    %mul3A_1207 = arith.mulf %sub3A_1196, %sub3A_1196 : vector<16xf32>
    %add3A_1208 = arith.addf %mul3A_1206, %mul3A_1207 : vector<16xf32>
    %mul3A_1209 = arith.mulf %sub3A_1199, %sub3A_1199 : vector<16xf32>
    %add3A_1210 = arith.addf %add3A_1208, %mul3A_1209 : vector<16xf32>
    %swap3A_1211 = arith.constant 160 : index
    %swap3A_1212 = tpu.vector_load %arg36[%swap3A_1211] {strides = array<i32>} : memref<256xf32, #tpu.memory_space<vmem>>, vector<16xf32>,
    tpu.vector_store %arg36[%swap3A_1211], %add3A_1210 {strides = array<i32>} : memref<256xf32, #tpu.memory_space<vmem>>, vector<16xf32>,
    %mul3A_1213 = arith.mulf %mul3A_1174, %sub3A_1193 : vector<16xf32>
    %mul3A_1214 = arith.mulf %mul3A_1179, %sub3A_1196 : vector<16xf32>
    %add3A_1215 = arith.addf %mul3A_1213, %mul3A_1214 : vector<16xf32>
    %mul3A_1216 = arith.mulf %mul3A_1184, %sub3A_1199 : vector<16xf32>
    %add3A_1217 = arith.addf %add3A_1215, %mul3A_1216 : vector<16xf32>
    %swap3A_1218 = arith.constant 160 : index
    %swap3A_1219 = tpu.vector_load %arg37[%swap3A_1218] {strides = array<i32>} : memref<256xf32, #tpu.memory_space<vmem>>, vector<16xf32>,
    tpu.vector_store %arg37[%swap3A_1218], %add3A_1217 {strides = array<i32>} : memref<256xf32, #tpu.memory_space<vmem>>, vector<16xf32>,
    %get3A_1220 = arith.constant 176 : index
    %get3A_1221 = tpu.vector_load %arg26[%get3A_1220] {strides = array<i32>} : memref<256xi32, #tpu.memory_space<vmem>>, vector<16xi32>,
    %get3A_1222 = arith.constant 176 : index
    %get3A_1223 = tpu.vector_load %arg27[%get3A_1222] {strides = array<i32>} : memref<256xi32, #tpu.memory_space<vmem>>, vector<16xi32>,
    %get3A_1224 = arith.constant 176 : index
    %get3A_1225 = tpu.vector_load %arg28[%get3A_1224] {strides = array<i32>} : memref<256xi32, #tpu.memory_space<vmem>>, vector<16xi32>,
    %gather3A_1226 = tpu.vector_load_idx %arg20[%get3A_1221] : memref<8192xf32, #tpu.memory_space<vmem>>[vector<16xi32>], vector<16xf32>,
    %gather3A_1227 = tpu.vector_load_idx %arg20[%get3A_1223] : memref<8192xf32, #tpu.memory_space<vmem>>[vector<16xi32>], vector<16xf32>,
    %gather3A_1228 = tpu.vector_load_idx %arg20[%get3A_1225] : memref<8192xf32, #tpu.memory_space<vmem>>[vector<16xi32>], vector<16xf32>,
    %gather3A_1229 = tpu.vector_load_idx %arg21[%get3A_1221] : memref<8192xf32, #tpu.memory_space<vmem>>[vector<16xi32>], vector<16xf32>,
    %gather3A_1230 = tpu.vector_load_idx %arg21[%get3A_1223] : memref<8192xf32, #tpu.memory_space<vmem>>[vector<16xi32>], vector<16xf32>,
    %gather3A_1231 = tpu.vector_load_idx %arg21[%get3A_1225] : memref<8192xf32, #tpu.memory_space<vmem>>[vector<16xi32>], vector<16xf32>,
    %gather3A_1232 = tpu.vector_load_idx %arg22[%get3A_1221] : memref<8192xf32, #tpu.memory_space<vmem>>[vector<16xi32>], vector<16xf32>,
    %gather3A_1233 = tpu.vector_load_idx %arg22[%get3A_1223] : memref<8192xf32, #tpu.memory_space<vmem>>[vector<16xi32>], vector<16xf32>,
    %gather3A_1234 = tpu.vector_load_idx %arg22[%get3A_1225] : memref<8192xf32, #tpu.memory_space<vmem>>[vector<16xi32>], vector<16xf32>,
    %add3A_1235 = arith.addf %gather3A_1226, %gather3A_1227 : vector<16xf32>
    %add3A_1236 = arith.addf %add3A_1235, %gather3A_1228 : vector<16xf32>
    %mul3A_1237 = arith.constant 0.333333343 : f32
    %mul3A_1238 = vector.broadcast %mul3A_1237 : f32 to vector<16xf32>
    %mul3A_1239 = arith.mulf %add3A_1236, %mul3A_1238 : vector<16xf32>
    %add3A_1240 = arith.addf %gather3A_1229, %gather3A_1230 : vector<16xf32>
    %add3A_1241 = arith.addf %add3A_1240, %gather3A_1231 : vector<16xf32>
    %mul3A_1242 = arith.constant 0.333333343 : f32
    %mul3A_1243 = vector.broadcast %mul3A_1242 : f32 to vector<16xf32>
    %mul3A_1244 = arith.mulf %add3A_1241, %mul3A_1243 : vector<16xf32>
    %add3A_1245 = arith.addf %gather3A_1232, %gather3A_1233 : vector<16xf32>
    %add3A_1246 = arith.addf %add3A_1245, %gather3A_1234 : vector<16xf32>
    %mul3A_1247 = arith.constant 0.333333343 : f32
    %mul3A_1248 = vector.broadcast %mul3A_1247 : f32 to vector<16xf32>
    %mul3A_1249 = arith.mulf %add3A_1246, %mul3A_1248 : vector<16xf32>
    %mul3A_1250 = arith.constant -2.000000e+00 : f32
    %mul3A_1251 = vector.broadcast %mul3A_1250 : f32 to vector<16xf32>
    %mul3A_1252 = arith.mulf %mul3A_1251, %mul3A_1239 : vector<16xf32>
    %swap3A_1253 = arith.constant 176 : index
    %swap3A_1254 = tpu.vector_load %arg29[%swap3A_1253] {strides = array<i32>} : memref<256xf32, #tpu.memory_space<vmem>>, vector<16xf32>,
    tpu.vector_store %arg29[%swap3A_1253], %mul3A_1252 {strides = array<i32>} : memref<256xf32, #tpu.memory_space<vmem>>, vector<16xf32>,
    %mul3A_1255 = arith.constant -2.000000e+00 : f32
    %mul3A_1256 = vector.broadcast %mul3A_1255 : f32 to vector<16xf32>
    %mul3A_1257 = arith.mulf %mul3A_1256, %mul3A_1244 : vector<16xf32>
    %swap3A_1258 = arith.constant 176 : index
    %swap3A_1259 = tpu.vector_load %arg30[%swap3A_1258] {strides = array<i32>} : memref<256xf32, #tpu.memory_space<vmem>>, vector<16xf32>,
    tpu.vector_store %arg30[%swap3A_1258], %mul3A_1257 {strides = array<i32>} : memref<256xf32, #tpu.memory_space<vmem>>, vector<16xf32>,
    %mul3A_1260 = arith.constant -2.000000e+00 : f32
    %mul3A_1261 = vector.broadcast %mul3A_1260 : f32 to vector<16xf32>
    %mul3A_1262 = arith.mulf %mul3A_1261, %mul3A_1249 : vector<16xf32>
    %swap3A_1263 = arith.constant 176 : index
    %swap3A_1264 = tpu.vector_load %arg31[%swap3A_1263] {strides = array<i32>} : memref<256xf32, #tpu.memory_space<vmem>>, vector<16xf32>,
    tpu.vector_store %arg31[%swap3A_1263], %mul3A_1262 {strides = array<i32>} : memref<256xf32, #tpu.memory_space<vmem>>, vector<16xf32>,
    %mul3A_1265 = arith.mulf %mul3A_1239, %mul3A_1239 : vector<16xf32>
    %mul3A_1266 = arith.mulf %mul3A_1244, %mul3A_1244 : vector<16xf32>
    %add3A_1267 = arith.addf %mul3A_1265, %mul3A_1266 : vector<16xf32>
    %mul3A_1268 = arith.mulf %mul3A_1249, %mul3A_1249 : vector<16xf32>
    %add3A_1269 = arith.addf %add3A_1267, %mul3A_1268 : vector<16xf32>
    %swap3A_1270 = arith.constant 176 : index
    %swap3A_1271 = tpu.vector_load %arg32[%swap3A_1270] {strides = array<i32>} : memref<256xf32, #tpu.memory_space<vmem>>, vector<16xf32>,
    tpu.vector_store %arg32[%swap3A_1270], %add3A_1269 {strides = array<i32>} : memref<256xf32, #tpu.memory_space<vmem>>, vector<16xf32>,
    %gather3A_1272 = tpu.vector_load_idx %arg23[%get3A_1221] : memref<8192xf32, #tpu.memory_space<vmem>>[vector<16xi32>], vector<16xf32>,
    %gather3A_1273 = tpu.vector_load_idx %arg23[%get3A_1223] : memref<8192xf32, #tpu.memory_space<vmem>>[vector<16xi32>], vector<16xf32>,
    %gather3A_1274 = tpu.vector_load_idx %arg23[%get3A_1225] : memref<8192xf32, #tpu.memory_space<vmem>>[vector<16xi32>], vector<16xf32>,
    %gather3A_1275 = tpu.vector_load_idx %arg24[%get3A_1221] : memref<8192xf32, #tpu.memory_space<vmem>>[vector<16xi32>], vector<16xf32>,
    %gather3A_1276 = tpu.vector_load_idx %arg24[%get3A_1223] : memref<8192xf32, #tpu.memory_space<vmem>>[vector<16xi32>], vector<16xf32>,
    %gather3A_1277 = tpu.vector_load_idx %arg24[%get3A_1225] : memref<8192xf32, #tpu.memory_space<vmem>>[vector<16xi32>], vector<16xf32>,
    %gather3A_1278 = tpu.vector_load_idx %arg25[%get3A_1221] : memref<8192xf32, #tpu.memory_space<vmem>>[vector<16xi32>], vector<16xf32>,
    %gather3A_1279 = tpu.vector_load_idx %arg25[%get3A_1223] : memref<8192xf32, #tpu.memory_space<vmem>>[vector<16xi32>], vector<16xf32>,
    %gather3A_1280 = tpu.vector_load_idx %arg25[%get3A_1225] : memref<8192xf32, #tpu.memory_space<vmem>>[vector<16xi32>], vector<16xf32>,
    %add3A_1281 = arith.addf %gather3A_1272, %gather3A_1273 : vector<16xf32>
    %add3A_1282 = arith.addf %add3A_1281, %gather3A_1274 : vector<16xf32>
    %mul3A_1283 = arith.constant 0.333333343 : f32
    %mul3A_1284 = vector.broadcast %mul3A_1283 : f32 to vector<16xf32>
    %mul3A_1285 = arith.mulf %add3A_1282, %mul3A_1284 : vector<16xf32>
    %add3A_1286 = arith.addf %gather3A_1275, %gather3A_1276 : vector<16xf32>
    %add3A_1287 = arith.addf %add3A_1286, %gather3A_1277 : vector<16xf32>
    %mul3A_1288 = arith.constant 0.333333343 : f32
    %mul3A_1289 = vector.broadcast %mul3A_1288 : f32 to vector<16xf32>
    %mul3A_1290 = arith.mulf %add3A_1287, %mul3A_1289 : vector<16xf32>
    %add3A_1291 = arith.addf %gather3A_1278, %gather3A_1279 : vector<16xf32>
    %add3A_1292 = arith.addf %add3A_1291, %gather3A_1280 : vector<16xf32>
    %mul3A_1293 = arith.constant 0.333333343 : f32
    %mul3A_1294 = vector.broadcast %mul3A_1293 : f32 to vector<16xf32>
    %mul3A_1295 = arith.mulf %add3A_1292, %mul3A_1294 : vector<16xf32>
    %sub3A_1296 = arith.subf %gather3A_1273, %gather3A_1272 : vector<16xf32>
    %sub3A_1297 = arith.subf %gather3A_1276, %gather3A_1275 : vector<16xf32>
    %sub3A_1298 = arith.subf %gather3A_1279, %gather3A_1278 : vector<16xf32>
    %sub3A_1299 = arith.subf %gather3A_1274, %gather3A_1272 : vector<16xf32>
    %sub3A_1300 = arith.subf %gather3A_1277, %gather3A_1275 : vector<16xf32>
    %sub3A_1301 = arith.subf %gather3A_1280, %gather3A_1278 : vector<16xf32>
    %mul3A_1302 = arith.mulf %sub3A_1297, %sub3A_1301 : vector<16xf32>
    %mul3A_1303 = arith.mulf %sub3A_1298, %sub3A_1300 : vector<16xf32>
    %sub3A_1304 = arith.subf %mul3A_1302, %mul3A_1303 : vector<16xf32>
    %mul3A_1305 = arith.mulf %sub3A_1298, %sub3A_1299 : vector<16xf32>
    %mul3A_1306 = arith.mulf %sub3A_1296, %sub3A_1301 : vector<16xf32>
    %sub3A_1307 = arith.subf %mul3A_1305, %mul3A_1306 : vector<16xf32>
    %mul3A_1308 = arith.mulf %sub3A_1296, %sub3A_1300 : vector<16xf32>
    %mul3A_1309 = arith.mulf %sub3A_1297, %sub3A_1299 : vector<16xf32>
    %sub3A_1310 = arith.subf %mul3A_1308, %mul3A_1309 : vector<16xf32>
    %swap3A_1311 = arith.constant 176 : index
    %swap3A_1312 = tpu.vector_load %arg33[%swap3A_1311] {strides = array<i32>} : memref<256xf32, #tpu.memory_space<vmem>>, vector<16xf32>,
    tpu.vector_store %arg33[%swap3A_1311], %sub3A_1304 {strides = array<i32>} : memref<256xf32, #tpu.memory_space<vmem>>, vector<16xf32>,
    %swap3A_1313 = arith.constant 176 : index
    %swap3A_1314 = tpu.vector_load %arg34[%swap3A_1313] {strides = array<i32>} : memref<256xf32, #tpu.memory_space<vmem>>, vector<16xf32>,
    tpu.vector_store %arg34[%swap3A_1313], %sub3A_1307 {strides = array<i32>} : memref<256xf32, #tpu.memory_space<vmem>>, vector<16xf32>,
    %swap3A_1315 = arith.constant 176 : index
    %swap3A_1316 = tpu.vector_load %arg35[%swap3A_1315] {strides = array<i32>} : memref<256xf32, #tpu.memory_space<vmem>>, vector<16xf32>,
    tpu.vector_store %arg35[%swap3A_1315], %sub3A_1310 {strides = array<i32>} : memref<256xf32, #tpu.memory_space<vmem>>, vector<16xf32>,
    %mul3A_1317 = arith.mulf %sub3A_1304, %sub3A_1304 : vector<16xf32>
    %mul3A_1318 = arith.mulf %sub3A_1307, %sub3A_1307 : vector<16xf32>
    %add3A_1319 = arith.addf %mul3A_1317, %mul3A_1318 : vector<16xf32>
    %mul3A_1320 = arith.mulf %sub3A_1310, %sub3A_1310 : vector<16xf32>
    %add3A_1321 = arith.addf %add3A_1319, %mul3A_1320 : vector<16xf32>
    %swap3A_1322 = arith.constant 176 : index
    %swap3A_1323 = tpu.vector_load %arg36[%swap3A_1322] {strides = array<i32>} : memref<256xf32, #tpu.memory_space<vmem>>, vector<16xf32>,
    tpu.vector_store %arg36[%swap3A_1322], %add3A_1321 {strides = array<i32>} : memref<256xf32, #tpu.memory_space<vmem>>, vector<16xf32>,
    %mul3A_1324 = arith.mulf %mul3A_1285, %sub3A_1304 : vector<16xf32>
    %mul3A_1325 = arith.mulf %mul3A_1290, %sub3A_1307 : vector<16xf32>
    %add3A_1326 = arith.addf %mul3A_1324, %mul3A_1325 : vector<16xf32>
    %mul3A_1327 = arith.mulf %mul3A_1295, %sub3A_1310 : vector<16xf32>
    %add3A_1328 = arith.addf %add3A_1326, %mul3A_1327 : vector<16xf32>
    %swap3A_1329 = arith.constant 176 : index
    %swap3A_1330 = tpu.vector_load %arg37[%swap3A_1329] {strides = array<i32>} : memref<256xf32, #tpu.memory_space<vmem>>, vector<16xf32>,
    tpu.vector_store %arg37[%swap3A_1329], %add3A_1328 {strides = array<i32>} : memref<256xf32, #tpu.memory_space<vmem>>, vector<16xf32>,
    %get3A_1331 = arith.constant 192 : index
    %get3A_1332 = tpu.vector_load %arg26[%get3A_1331] {strides = array<i32>} : memref<256xi32, #tpu.memory_space<vmem>>, vector<16xi32>,
    %get3A_1333 = arith.constant 192 : index
    %get3A_1334 = tpu.vector_load %arg27[%get3A_1333] {strides = array<i32>} : memref<256xi32, #tpu.memory_space<vmem>>, vector<16xi32>,
    %get3A_1335 = arith.constant 192 : index
    %get3A_1336 = tpu.vector_load %arg28[%get3A_1335] {strides = array<i32>} : memref<256xi32, #tpu.memory_space<vmem>>, vector<16xi32>,
    %gather3A_1337 = tpu.vector_load_idx %arg20[%get3A_1332] : memref<8192xf32, #tpu.memory_space<vmem>>[vector<16xi32>], vector<16xf32>,
    %gather3A_1338 = tpu.vector_load_idx %arg20[%get3A_1334] : memref<8192xf32, #tpu.memory_space<vmem>>[vector<16xi32>], vector<16xf32>,
    %gather3A_1339 = tpu.vector_load_idx %arg20[%get3A_1336] : memref<8192xf32, #tpu.memory_space<vmem>>[vector<16xi32>], vector<16xf32>,
    %gather3A_1340 = tpu.vector_load_idx %arg21[%get3A_1332] : memref<8192xf32, #tpu.memory_space<vmem>>[vector<16xi32>], vector<16xf32>,
    %gather3A_1341 = tpu.vector_load_idx %arg21[%get3A_1334] : memref<8192xf32, #tpu.memory_space<vmem>>[vector<16xi32>], vector<16xf32>,
    %gather3A_1342 = tpu.vector_load_idx %arg21[%get3A_1336] : memref<8192xf32, #tpu.memory_space<vmem>>[vector<16xi32>], vector<16xf32>,
    %gather3A_1343 = tpu.vector_load_idx %arg22[%get3A_1332] : memref<8192xf32, #tpu.memory_space<vmem>>[vector<16xi32>], vector<16xf32>,
    %gather3A_1344 = tpu.vector_load_idx %arg22[%get3A_1334] : memref<8192xf32, #tpu.memory_space<vmem>>[vector<16xi32>], vector<16xf32>,
    %gather3A_1345 = tpu.vector_load_idx %arg22[%get3A_1336] : memref<8192xf32, #tpu.memory_space<vmem>>[vector<16xi32>], vector<16xf32>,
    %add3A_1346 = arith.addf %gather3A_1337, %gather3A_1338 : vector<16xf32>
    %add3A_1347 = arith.addf %add3A_1346, %gather3A_1339 : vector<16xf32>
    %mul3A_1348 = arith.constant 0.333333343 : f32
    %mul3A_1349 = vector.broadcast %mul3A_1348 : f32 to vector<16xf32>
    %mul3A_1350 = arith.mulf %add3A_1347, %mul3A_1349 : vector<16xf32>
    %add3A_1351 = arith.addf %gather3A_1340, %gather3A_1341 : vector<16xf32>
    %add3A_1352 = arith.addf %add3A_1351, %gather3A_1342 : vector<16xf32>
    %mul3A_1353 = arith.constant 0.333333343 : f32
    %mul3A_1354 = vector.broadcast %mul3A_1353 : f32 to vector<16xf32>
    %mul3A_1355 = arith.mulf %add3A_1352, %mul3A_1354 : vector<16xf32>
    %add3A_1356 = arith.addf %gather3A_1343, %gather3A_1344 : vector<16xf32>
    %add3A_1357 = arith.addf %add3A_1356, %gather3A_1345 : vector<16xf32>
    %mul3A_1358 = arith.constant 0.333333343 : f32
    %mul3A_1359 = vector.broadcast %mul3A_1358 : f32 to vector<16xf32>
    %mul3A_1360 = arith.mulf %add3A_1357, %mul3A_1359 : vector<16xf32>
    %mul3A_1361 = arith.constant -2.000000e+00 : f32
    %mul3A_1362 = vector.broadcast %mul3A_1361 : f32 to vector<16xf32>
    %mul3A_1363 = arith.mulf %mul3A_1362, %mul3A_1350 : vector<16xf32>
    %swap3A_1364 = arith.constant 192 : index
    %swap3A_1365 = tpu.vector_load %arg29[%swap3A_1364] {strides = array<i32>} : memref<256xf32, #tpu.memory_space<vmem>>, vector<16xf32>,
    tpu.vector_store %arg29[%swap3A_1364], %mul3A_1363 {strides = array<i32>} : memref<256xf32, #tpu.memory_space<vmem>>, vector<16xf32>,
    %mul3A_1366 = arith.constant -2.000000e+00 : f32
    %mul3A_1367 = vector.broadcast %mul3A_1366 : f32 to vector<16xf32>
    %mul3A_1368 = arith.mulf %mul3A_1367, %mul3A_1355 : vector<16xf32>
    %swap3A_1369 = arith.constant 192 : index
    %swap3A_1370 = tpu.vector_load %arg30[%swap3A_1369] {strides = array<i32>} : memref<256xf32, #tpu.memory_space<vmem>>, vector<16xf32>,
    tpu.vector_store %arg30[%swap3A_1369], %mul3A_1368 {strides = array<i32>} : memref<256xf32, #tpu.memory_space<vmem>>, vector<16xf32>,
    %mul3A_1371 = arith.constant -2.000000e+00 : f32
    %mul3A_1372 = vector.broadcast %mul3A_1371 : f32 to vector<16xf32>
    %mul3A_1373 = arith.mulf %mul3A_1372, %mul3A_1360 : vector<16xf32>
    %swap3A_1374 = arith.constant 192 : index
    %swap3A_1375 = tpu.vector_load %arg31[%swap3A_1374] {strides = array<i32>} : memref<256xf32, #tpu.memory_space<vmem>>, vector<16xf32>,
    tpu.vector_store %arg31[%swap3A_1374], %mul3A_1373 {strides = array<i32>} : memref<256xf32, #tpu.memory_space<vmem>>, vector<16xf32>,
    %mul3A_1376 = arith.mulf %mul3A_1350, %mul3A_1350 : vector<16xf32>
    %mul3A_1377 = arith.mulf %mul3A_1355, %mul3A_1355 : vector<16xf32>
    %add3A_1378 = arith.addf %mul3A_1376, %mul3A_1377 : vector<16xf32>
    %mul3A_1379 = arith.mulf %mul3A_1360, %mul3A_1360 : vector<16xf32>
    %add3A_1380 = arith.addf %add3A_1378, %mul3A_1379 : vector<16xf32>
    %swap3A_1381 = arith.constant 192 : index
    %swap3A_1382 = tpu.vector_load %arg32[%swap3A_1381] {strides = array<i32>} : memref<256xf32, #tpu.memory_space<vmem>>, vector<16xf32>,
    tpu.vector_store %arg32[%swap3A_1381], %add3A_1380 {strides = array<i32>} : memref<256xf32, #tpu.memory_space<vmem>>, vector<16xf32>,
    %gather3A_1383 = tpu.vector_load_idx %arg23[%get3A_1332] : memref<8192xf32, #tpu.memory_space<vmem>>[vector<16xi32>], vector<16xf32>,
    %gather3A_1384 = tpu.vector_load_idx %arg23[%get3A_1334] : memref<8192xf32, #tpu.memory_space<vmem>>[vector<16xi32>], vector<16xf32>,
    %gather3A_1385 = tpu.vector_load_idx %arg23[%get3A_1336] : memref<8192xf32, #tpu.memory_space<vmem>>[vector<16xi32>], vector<16xf32>,
    %gather3A_1386 = tpu.vector_load_idx %arg24[%get3A_1332] : memref<8192xf32, #tpu.memory_space<vmem>>[vector<16xi32>], vector<16xf32>,
    %gather3A_1387 = tpu.vector_load_idx %arg24[%get3A_1334] : memref<8192xf32, #tpu.memory_space<vmem>>[vector<16xi32>], vector<16xf32>,
    %gather3A_1388 = tpu.vector_load_idx %arg24[%get3A_1336] : memref<8192xf32, #tpu.memory_space<vmem>>[vector<16xi32>], vector<16xf32>,
    %gather3A_1389 = tpu.vector_load_idx %arg25[%get3A_1332] : memref<8192xf32, #tpu.memory_space<vmem>>[vector<16xi32>], vector<16xf32>,
    %gather3A_1390 = tpu.vector_load_idx %arg25[%get3A_1334] : memref<8192xf32, #tpu.memory_space<vmem>>[vector<16xi32>], vector<16xf32>,
    %gather3A_1391 = tpu.vector_load_idx %arg25[%get3A_1336] : memref<8192xf32, #tpu.memory_space<vmem>>[vector<16xi32>], vector<16xf32>,
    %add3A_1392 = arith.addf %gather3A_1383, %gather3A_1384 : vector<16xf32>
    %add3A_1393 = arith.addf %add3A_1392, %gather3A_1385 : vector<16xf32>
    %mul3A_1394 = arith.constant 0.333333343 : f32
    %mul3A_1395 = vector.broadcast %mul3A_1394 : f32 to vector<16xf32>
    %mul3A_1396 = arith.mulf %add3A_1393, %mul3A_1395 : vector<16xf32>
    %add3A_1397 = arith.addf %gather3A_1386, %gather3A_1387 : vector<16xf32>
    %add3A_1398 = arith.addf %add3A_1397, %gather3A_1388 : vector<16xf32>
    %mul3A_1399 = arith.constant 0.333333343 : f32
    %mul3A_1400 = vector.broadcast %mul3A_1399 : f32 to vector<16xf32>
    %mul3A_1401 = arith.mulf %add3A_1398, %mul3A_1400 : vector<16xf32>
    %add3A_1402 = arith.addf %gather3A_1389, %gather3A_1390 : vector<16xf32>
    %add3A_1403 = arith.addf %add3A_1402, %gather3A_1391 : vector<16xf32>
    %mul3A_1404 = arith.constant 0.333333343 : f32
    %mul3A_1405 = vector.broadcast %mul3A_1404 : f32 to vector<16xf32>
    %mul3A_1406 = arith.mulf %add3A_1403, %mul3A_1405 : vector<16xf32>
    %sub3A_1407 = arith.subf %gather3A_1384, %gather3A_1383 : vector<16xf32>
    %sub3A_1408 = arith.subf %gather3A_1387, %gather3A_1386 : vector<16xf32>
    %sub3A_1409 = arith.subf %gather3A_1390, %gather3A_1389 : vector<16xf32>
    %sub3A_1410 = arith.subf %gather3A_1385, %gather3A_1383 : vector<16xf32>
    %sub3A_1411 = arith.subf %gather3A_1388, %gather3A_1386 : vector<16xf32>
    %sub3A_1412 = arith.subf %gather3A_1391, %gather3A_1389 : vector<16xf32>
    %mul3A_1413 = arith.mulf %sub3A_1408, %sub3A_1412 : vector<16xf32>
    %mul3A_1414 = arith.mulf %sub3A_1409, %sub3A_1411 : vector<16xf32>
    %sub3A_1415 = arith.subf %mul3A_1413, %mul3A_1414 : vector<16xf32>
    %mul3A_1416 = arith.mulf %sub3A_1409, %sub3A_1410 : vector<16xf32>
    %mul3A_1417 = arith.mulf %sub3A_1407, %sub3A_1412 : vector<16xf32>
    %sub3A_1418 = arith.subf %mul3A_1416, %mul3A_1417 : vector<16xf32>
    %mul3A_1419 = arith.mulf %sub3A_1407, %sub3A_1411 : vector<16xf32>
    %mul3A_1420 = arith.mulf %sub3A_1408, %sub3A_1410 : vector<16xf32>
    %sub3A_1421 = arith.subf %mul3A_1419, %mul3A_1420 : vector<16xf32>
    %swap3A_1422 = arith.constant 192 : index
    %swap3A_1423 = tpu.vector_load %arg33[%swap3A_1422] {strides = array<i32>} : memref<256xf32, #tpu.memory_space<vmem>>, vector<16xf32>,
    tpu.vector_store %arg33[%swap3A_1422], %sub3A_1415 {strides = array<i32>} : memref<256xf32, #tpu.memory_space<vmem>>, vector<16xf32>,
    %swap3A_1424 = arith.constant 192 : index
    %swap3A_1425 = tpu.vector_load %arg34[%swap3A_1424] {strides = array<i32>} : memref<256xf32, #tpu.memory_space<vmem>>, vector<16xf32>,
    tpu.vector_store %arg34[%swap3A_1424], %sub3A_1418 {strides = array<i32>} : memref<256xf32, #tpu.memory_space<vmem>>, vector<16xf32>,
    %swap3A_1426 = arith.constant 192 : index
    %swap3A_1427 = tpu.vector_load %arg35[%swap3A_1426] {strides = array<i32>} : memref<256xf32, #tpu.memory_space<vmem>>, vector<16xf32>,
    tpu.vector_store %arg35[%swap3A_1426], %sub3A_1421 {strides = array<i32>} : memref<256xf32, #tpu.memory_space<vmem>>, vector<16xf32>,
    %mul3A_1428 = arith.mulf %sub3A_1415, %sub3A_1415 : vector<16xf32>
    %mul3A_1429 = arith.mulf %sub3A_1418, %sub3A_1418 : vector<16xf32>
    %add3A_1430 = arith.addf %mul3A_1428, %mul3A_1429 : vector<16xf32>
    %mul3A_1431 = arith.mulf %sub3A_1421, %sub3A_1421 : vector<16xf32>
    %add3A_1432 = arith.addf %add3A_1430, %mul3A_1431 : vector<16xf32>
    %swap3A_1433 = arith.constant 192 : index
    %swap3A_1434 = tpu.vector_load %arg36[%swap3A_1433] {strides = array<i32>} : memref<256xf32, #tpu.memory_space<vmem>>, vector<16xf32>,
    tpu.vector_store %arg36[%swap3A_1433], %add3A_1432 {strides = array<i32>} : memref<256xf32, #tpu.memory_space<vmem>>, vector<16xf32>,
    %mul3A_1435 = arith.mulf %mul3A_1396, %sub3A_1415 : vector<16xf32>
    %mul3A_1436 = arith.mulf %mul3A_1401, %sub3A_1418 : vector<16xf32>
    %add3A_1437 = arith.addf %mul3A_1435, %mul3A_1436 : vector<16xf32>
    %mul3A_1438 = arith.mulf %mul3A_1406, %sub3A_1421 : vector<16xf32>
    %add3A_1439 = arith.addf %add3A_1437, %mul3A_1438 : vector<16xf32>
    %swap3A_1440 = arith.constant 192 : index
    %swap3A_1441 = tpu.vector_load %arg37[%swap3A_1440] {strides = array<i32>} : memref<256xf32, #tpu.memory_space<vmem>>, vector<16xf32>,
    tpu.vector_store %arg37[%swap3A_1440], %add3A_1439 {strides = array<i32>} : memref<256xf32, #tpu.memory_space<vmem>>, vector<16xf32>,
    %get3A_1442 = arith.constant 208 : index
    %get3A_1443 = tpu.vector_load %arg26[%get3A_1442] {strides = array<i32>} : memref<256xi32, #tpu.memory_space<vmem>>, vector<16xi32>,
    %get3A_1444 = arith.constant 208 : index
    %get3A_1445 = tpu.vector_load %arg27[%get3A_1444] {strides = array<i32>} : memref<256xi32, #tpu.memory_space<vmem>>, vector<16xi32>,
    %get3A_1446 = arith.constant 208 : index
    %get3A_1447 = tpu.vector_load %arg28[%get3A_1446] {strides = array<i32>} : memref<256xi32, #tpu.memory_space<vmem>>, vector<16xi32>,
    %gather3A_1448 = tpu.vector_load_idx %arg20[%get3A_1443] : memref<8192xf32, #tpu.memory_space<vmem>>[vector<16xi32>], vector<16xf32>,
    %gather3A_1449 = tpu.vector_load_idx %arg20[%get3A_1445] : memref<8192xf32, #tpu.memory_space<vmem>>[vector<16xi32>], vector<16xf32>,
    %gather3A_1450 = tpu.vector_load_idx %arg20[%get3A_1447] : memref<8192xf32, #tpu.memory_space<vmem>>[vector<16xi32>], vector<16xf32>,
    %gather3A_1451 = tpu.vector_load_idx %arg21[%get3A_1443] : memref<8192xf32, #tpu.memory_space<vmem>>[vector<16xi32>], vector<16xf32>,
    %gather3A_1452 = tpu.vector_load_idx %arg21[%get3A_1445] : memref<8192xf32, #tpu.memory_space<vmem>>[vector<16xi32>], vector<16xf32>,
    %gather3A_1453 = tpu.vector_load_idx %arg21[%get3A_1447] : memref<8192xf32, #tpu.memory_space<vmem>>[vector<16xi32>], vector<16xf32>,
    %gather3A_1454 = tpu.vector_load_idx %arg22[%get3A_1443] : memref<8192xf32, #tpu.memory_space<vmem>>[vector<16xi32>], vector<16xf32>,
    %gather3A_1455 = tpu.vector_load_idx %arg22[%get3A_1445] : memref<8192xf32, #tpu.memory_space<vmem>>[vector<16xi32>], vector<16xf32>,
    %gather3A_1456 = tpu.vector_load_idx %arg22[%get3A_1447] : memref<8192xf32, #tpu.memory_space<vmem>>[vector<16xi32>], vector<16xf32>,
    %add3A_1457 = arith.addf %gather3A_1448, %gather3A_1449 : vector<16xf32>
    %add3A_1458 = arith.addf %add3A_1457, %gather3A_1450 : vector<16xf32>
    %mul3A_1459 = arith.constant 0.333333343 : f32
    %mul3A_1460 = vector.broadcast %mul3A_1459 : f32 to vector<16xf32>
    %mul3A_1461 = arith.mulf %add3A_1458, %mul3A_1460 : vector<16xf32>
    %add3A_1462 = arith.addf %gather3A_1451, %gather3A_1452 : vector<16xf32>
    %add3A_1463 = arith.addf %add3A_1462, %gather3A_1453 : vector<16xf32>
    %mul3A_1464 = arith.constant 0.333333343 : f32
    %mul3A_1465 = vector.broadcast %mul3A_1464 : f32 to vector<16xf32>
    %mul3A_1466 = arith.mulf %add3A_1463, %mul3A_1465 : vector<16xf32>
    %add3A_1467 = arith.addf %gather3A_1454, %gather3A_1455 : vector<16xf32>
    %add3A_1468 = arith.addf %add3A_1467, %gather3A_1456 : vector<16xf32>
    %mul3A_1469 = arith.constant 0.333333343 : f32
    %mul3A_1470 = vector.broadcast %mul3A_1469 : f32 to vector<16xf32>
    %mul3A_1471 = arith.mulf %add3A_1468, %mul3A_1470 : vector<16xf32>
    %mul3A_1472 = arith.constant -2.000000e+00 : f32
    %mul3A_1473 = vector.broadcast %mul3A_1472 : f32 to vector<16xf32>
    %mul3A_1474 = arith.mulf %mul3A_1473, %mul3A_1461 : vector<16xf32>
    %swap3A_1475 = arith.constant 208 : index
    %swap3A_1476 = tpu.vector_load %arg29[%swap3A_1475] {strides = array<i32>} : memref<256xf32, #tpu.memory_space<vmem>>, vector<16xf32>,
    tpu.vector_store %arg29[%swap3A_1475], %mul3A_1474 {strides = array<i32>} : memref<256xf32, #tpu.memory_space<vmem>>, vector<16xf32>,
    %mul3A_1477 = arith.constant -2.000000e+00 : f32
    %mul3A_1478 = vector.broadcast %mul3A_1477 : f32 to vector<16xf32>
    %mul3A_1479 = arith.mulf %mul3A_1478, %mul3A_1466 : vector<16xf32>
    %swap3A_1480 = arith.constant 208 : index
    %swap3A_1481 = tpu.vector_load %arg30[%swap3A_1480] {strides = array<i32>} : memref<256xf32, #tpu.memory_space<vmem>>, vector<16xf32>,
    tpu.vector_store %arg30[%swap3A_1480], %mul3A_1479 {strides = array<i32>} : memref<256xf32, #tpu.memory_space<vmem>>, vector<16xf32>,
    %mul3A_1482 = arith.constant -2.000000e+00 : f32
    %mul3A_1483 = vector.broadcast %mul3A_1482 : f32 to vector<16xf32>
    %mul3A_1484 = arith.mulf %mul3A_1483, %mul3A_1471 : vector<16xf32>
    %swap3A_1485 = arith.constant 208 : index
    %swap3A_1486 = tpu.vector_load %arg31[%swap3A_1485] {strides = array<i32>} : memref<256xf32, #tpu.memory_space<vmem>>, vector<16xf32>,
    tpu.vector_store %arg31[%swap3A_1485], %mul3A_1484 {strides = array<i32>} : memref<256xf32, #tpu.memory_space<vmem>>, vector<16xf32>,
    %mul3A_1487 = arith.mulf %mul3A_1461, %mul3A_1461 : vector<16xf32>
    %mul3A_1488 = arith.mulf %mul3A_1466, %mul3A_1466 : vector<16xf32>
    %add3A_1489 = arith.addf %mul3A_1487, %mul3A_1488 : vector<16xf32>
    %mul3A_1490 = arith.mulf %mul3A_1471, %mul3A_1471 : vector<16xf32>
    %add3A_1491 = arith.addf %add3A_1489, %mul3A_1490 : vector<16xf32>
    %swap3A_1492 = arith.constant 208 : index
    %swap3A_1493 = tpu.vector_load %arg32[%swap3A_1492] {strides = array<i32>} : memref<256xf32, #tpu.memory_space<vmem>>, vector<16xf32>,
    tpu.vector_store %arg32[%swap3A_1492], %add3A_1491 {strides = array<i32>} : memref<256xf32, #tpu.memory_space<vmem>>, vector<16xf32>,
    %gather3A_1494 = tpu.vector_load_idx %arg23[%get3A_1443] : memref<8192xf32, #tpu.memory_space<vmem>>[vector<16xi32>], vector<16xf32>,
    %gather3A_1495 = tpu.vector_load_idx %arg23[%get3A_1445] : memref<8192xf32, #tpu.memory_space<vmem>>[vector<16xi32>], vector<16xf32>,
    %gather3A_1496 = tpu.vector_load_idx %arg23[%get3A_1447] : memref<8192xf32, #tpu.memory_space<vmem>>[vector<16xi32>], vector<16xf32>,
    %gather3A_1497 = tpu.vector_load_idx %arg24[%get3A_1443] : memref<8192xf32, #tpu.memory_space<vmem>>[vector<16xi32>], vector<16xf32>,
    %gather3A_1498 = tpu.vector_load_idx %arg24[%get3A_1445] : memref<8192xf32, #tpu.memory_space<vmem>>[vector<16xi32>], vector<16xf32>,
    %gather3A_1499 = tpu.vector_load_idx %arg24[%get3A_1447] : memref<8192xf32, #tpu.memory_space<vmem>>[vector<16xi32>], vector<16xf32>,
    %gather3A_1500 = tpu.vector_load_idx %arg25[%get3A_1443] : memref<8192xf32, #tpu.memory_space<vmem>>[vector<16xi32>], vector<16xf32>,
    %gather3A_1501 = tpu.vector_load_idx %arg25[%get3A_1445] : memref<8192xf32, #tpu.memory_space<vmem>>[vector<16xi32>], vector<16xf32>,
    %gather3A_1502 = tpu.vector_load_idx %arg25[%get3A_1447] : memref<8192xf32, #tpu.memory_space<vmem>>[vector<16xi32>], vector<16xf32>,
    %add3A_1503 = arith.addf %gather3A_1494, %gather3A_1495 : vector<16xf32>
    %add3A_1504 = arith.addf %add3A_1503, %gather3A_1496 : vector<16xf32>
    %mul3A_1505 = arith.constant 0.333333343 : f32
    %mul3A_1506 = vector.broadcast %mul3A_1505 : f32 to vector<16xf32>
    %mul3A_1507 = arith.mulf %add3A_1504, %mul3A_1506 : vector<16xf32>
    %add3A_1508 = arith.addf %gather3A_1497, %gather3A_1498 : vector<16xf32>
    %add3A_1509 = arith.addf %add3A_1508, %gather3A_1499 : vector<16xf32>
    %mul3A_1510 = arith.constant 0.333333343 : f32
    %mul3A_1511 = vector.broadcast %mul3A_1510 : f32 to vector<16xf32>
    %mul3A_1512 = arith.mulf %add3A_1509, %mul3A_1511 : vector<16xf32>
    %add3A_1513 = arith.addf %gather3A_1500, %gather3A_1501 : vector<16xf32>
    %add3A_1514 = arith.addf %add3A_1513, %gather3A_1502 : vector<16xf32>
    %mul3A_1515 = arith.constant 0.333333343 : f32
    %mul3A_1516 = vector.broadcast %mul3A_1515 : f32 to vector<16xf32>
    %mul3A_1517 = arith.mulf %add3A_1514, %mul3A_1516 : vector<16xf32>
    %sub3A_1518 = arith.subf %gather3A_1495, %gather3A_1494 : vector<16xf32>
    %sub3A_1519 = arith.subf %gather3A_1498, %gather3A_1497 : vector<16xf32>
    %sub3A_1520 = arith.subf %gather3A_1501, %gather3A_1500 : vector<16xf32>
    %sub3A_1521 = arith.subf %gather3A_1496, %gather3A_1494 : vector<16xf32>
    %sub3A_1522 = arith.subf %gather3A_1499, %gather3A_1497 : vector<16xf32>
    %sub3A_1523 = arith.subf %gather3A_1502, %gather3A_1500 : vector<16xf32>
    %mul3A_1524 = arith.mulf %sub3A_1519, %sub3A_1523 : vector<16xf32>
    %mul3A_1525 = arith.mulf %sub3A_1520, %sub3A_1522 : vector<16xf32>
    %sub3A_1526 = arith.subf %mul3A_1524, %mul3A_1525 : vector<16xf32>
    %mul3A_1527 = arith.mulf %sub3A_1520, %sub3A_1521 : vector<16xf32>
    %mul3A_1528 = arith.mulf %sub3A_1518, %sub3A_1523 : vector<16xf32>
    %sub3A_1529 = arith.subf %mul3A_1527, %mul3A_1528 : vector<16xf32>
    %mul3A_1530 = arith.mulf %sub3A_1518, %sub3A_1522 : vector<16xf32>
    %mul3A_1531 = arith.mulf %sub3A_1519, %sub3A_1521 : vector<16xf32>
    %sub3A_1532 = arith.subf %mul3A_1530, %mul3A_1531 : vector<16xf32>
    %swap3A_1533 = arith.constant 208 : index
    %swap3A_1534 = tpu.vector_load %arg33[%swap3A_1533] {strides = array<i32>} : memref<256xf32, #tpu.memory_space<vmem>>, vector<16xf32>,
    tpu.vector_store %arg33[%swap3A_1533], %sub3A_1526 {strides = array<i32>} : memref<256xf32, #tpu.memory_space<vmem>>, vector<16xf32>,
    %swap3A_1535 = arith.constant 208 : index
    %swap3A_1536 = tpu.vector_load %arg34[%swap3A_1535] {strides = array<i32>} : memref<256xf32, #tpu.memory_space<vmem>>, vector<16xf32>,
    tpu.vector_store %arg34[%swap3A_1535], %sub3A_1529 {strides = array<i32>} : memref<256xf32, #tpu.memory_space<vmem>>, vector<16xf32>,
    %swap3A_1537 = arith.constant 208 : index
    %swap3A_1538 = tpu.vector_load %arg35[%swap3A_1537] {strides = array<i32>} : memref<256xf32, #tpu.memory_space<vmem>>, vector<16xf32>,
    tpu.vector_store %arg35[%swap3A_1537], %sub3A_1532 {strides = array<i32>} : memref<256xf32, #tpu.memory_space<vmem>>, vector<16xf32>,
    %mul3A_1539 = arith.mulf %sub3A_1526, %sub3A_1526 : vector<16xf32>
    %mul3A_1540 = arith.mulf %sub3A_1529, %sub3A_1529 : vector<16xf32>
    %add3A_1541 = arith.addf %mul3A_1539, %mul3A_1540 : vector<16xf32>
    %mul3A_1542 = arith.mulf %sub3A_1532, %sub3A_1532 : vector<16xf32>
    %add3A_1543 = arith.addf %add3A_1541, %mul3A_1542 : vector<16xf32>
    %swap3A_1544 = arith.constant 208 : index
    %swap3A_1545 = tpu.vector_load %arg36[%swap3A_1544] {strides = array<i32>} : memref<256xf32, #tpu.memory_space<vmem>>, vector<16xf32>,
    tpu.vector_store %arg36[%swap3A_1544], %add3A_1543 {strides = array<i32>} : memref<256xf32, #tpu.memory_space<vmem>>, vector<16xf32>,
    %mul3A_1546 = arith.mulf %mul3A_1507, %sub3A_1526 : vector<16xf32>
    %mul3A_1547 = arith.mulf %mul3A_1512, %sub3A_1529 : vector<16xf32>
    %add3A_1548 = arith.addf %mul3A_1546, %mul3A_1547 : vector<16xf32>
    %mul3A_1549 = arith.mulf %mul3A_1517, %sub3A_1532 : vector<16xf32>
    %add3A_1550 = arith.addf %add3A_1548, %mul3A_1549 : vector<16xf32>
    %swap3A_1551 = arith.constant 208 : index
    %swap3A_1552 = tpu.vector_load %arg37[%swap3A_1551] {strides = array<i32>} : memref<256xf32, #tpu.memory_space<vmem>>, vector<16xf32>,
    tpu.vector_store %arg37[%swap3A_1551], %add3A_1550 {strides = array<i32>} : memref<256xf32, #tpu.memory_space<vmem>>, vector<16xf32>,
    %get3A_1553 = arith.constant 224 : index
    %get3A_1554 = tpu.vector_load %arg26[%get3A_1553] {strides = array<i32>} : memref<256xi32, #tpu.memory_space<vmem>>, vector<16xi32>,
    %get3A_1555 = arith.constant 224 : index
    %get3A_1556 = tpu.vector_load %arg27[%get3A_1555] {strides = array<i32>} : memref<256xi32, #tpu.memory_space<vmem>>, vector<16xi32>,
    %get3A_1557 = arith.constant 224 : index
    %get3A_1558 = tpu.vector_load %arg28[%get3A_1557] {strides = array<i32>} : memref<256xi32, #tpu.memory_space<vmem>>, vector<16xi32>,
    %gather3A_1559 = tpu.vector_load_idx %arg20[%get3A_1554] : memref<8192xf32, #tpu.memory_space<vmem>>[vector<16xi32>], vector<16xf32>,
    %gather3A_1560 = tpu.vector_load_idx %arg20[%get3A_1556] : memref<8192xf32, #tpu.memory_space<vmem>>[vector<16xi32>], vector<16xf32>,
    %gather3A_1561 = tpu.vector_load_idx %arg20[%get3A_1558] : memref<8192xf32, #tpu.memory_space<vmem>>[vector<16xi32>], vector<16xf32>,
    %gather3A_1562 = tpu.vector_load_idx %arg21[%get3A_1554] : memref<8192xf32, #tpu.memory_space<vmem>>[vector<16xi32>], vector<16xf32>,
    %gather3A_1563 = tpu.vector_load_idx %arg21[%get3A_1556] : memref<8192xf32, #tpu.memory_space<vmem>>[vector<16xi32>], vector<16xf32>,
    %gather3A_1564 = tpu.vector_load_idx %arg21[%get3A_1558] : memref<8192xf32, #tpu.memory_space<vmem>>[vector<16xi32>], vector<16xf32>,
    %gather3A_1565 = tpu.vector_load_idx %arg22[%get3A_1554] : memref<8192xf32, #tpu.memory_space<vmem>>[vector<16xi32>], vector<16xf32>,
    %gather3A_1566 = tpu.vector_load_idx %arg22[%get3A_1556] : memref<8192xf32, #tpu.memory_space<vmem>>[vector<16xi32>], vector<16xf32>,
    %gather3A_1567 = tpu.vector_load_idx %arg22[%get3A_1558] : memref<8192xf32, #tpu.memory_space<vmem>>[vector<16xi32>], vector<16xf32>,
    %add3A_1568 = arith.addf %gather3A_1559, %gather3A_1560 : vector<16xf32>
    %add3A_1569 = arith.addf %add3A_1568, %gather3A_1561 : vector<16xf32>
    %mul3A_1570 = arith.constant 0.333333343 : f32
    %mul3A_1571 = vector.broadcast %mul3A_1570 : f32 to vector<16xf32>
    %mul3A_1572 = arith.mulf %add3A_1569, %mul3A_1571 : vector<16xf32>
    %add3A_1573 = arith.addf %gather3A_1562, %gather3A_1563 : vector<16xf32>
    %add3A_1574 = arith.addf %add3A_1573, %gather3A_1564 : vector<16xf32>
    %mul3A_1575 = arith.constant 0.333333343 : f32
    %mul3A_1576 = vector.broadcast %mul3A_1575 : f32 to vector<16xf32>
    %mul3A_1577 = arith.mulf %add3A_1574, %mul3A_1576 : vector<16xf32>
    %add3A_1578 = arith.addf %gather3A_1565, %gather3A_1566 : vector<16xf32>
    %add3A_1579 = arith.addf %add3A_1578, %gather3A_1567 : vector<16xf32>
    %mul3A_1580 = arith.constant 0.333333343 : f32
    %mul3A_1581 = vector.broadcast %mul3A_1580 : f32 to vector<16xf32>
    %mul3A_1582 = arith.mulf %add3A_1579, %mul3A_1581 : vector<16xf32>
    %mul3A_1583 = arith.constant -2.000000e+00 : f32
    %mul3A_1584 = vector.broadcast %mul3A_1583 : f32 to vector<16xf32>
    %mul3A_1585 = arith.mulf %mul3A_1584, %mul3A_1572 : vector<16xf32>
    %swap3A_1586 = arith.constant 224 : index
    %swap3A_1587 = tpu.vector_load %arg29[%swap3A_1586] {strides = array<i32>} : memref<256xf32, #tpu.memory_space<vmem>>, vector<16xf32>,
    tpu.vector_store %arg29[%swap3A_1586], %mul3A_1585 {strides = array<i32>} : memref<256xf32, #tpu.memory_space<vmem>>, vector<16xf32>,
    %mul3A_1588 = arith.constant -2.000000e+00 : f32
    %mul3A_1589 = vector.broadcast %mul3A_1588 : f32 to vector<16xf32>
    %mul3A_1590 = arith.mulf %mul3A_1589, %mul3A_1577 : vector<16xf32>
    %swap3A_1591 = arith.constant 224 : index
    %swap3A_1592 = tpu.vector_load %arg30[%swap3A_1591] {strides = array<i32>} : memref<256xf32, #tpu.memory_space<vmem>>, vector<16xf32>,
    tpu.vector_store %arg30[%swap3A_1591], %mul3A_1590 {strides = array<i32>} : memref<256xf32, #tpu.memory_space<vmem>>, vector<16xf32>,
    %mul3A_1593 = arith.constant -2.000000e+00 : f32
    %mul3A_1594 = vector.broadcast %mul3A_1593 : f32 to vector<16xf32>
    %mul3A_1595 = arith.mulf %mul3A_1594, %mul3A_1582 : vector<16xf32>
    %swap3A_1596 = arith.constant 224 : index
    %swap3A_1597 = tpu.vector_load %arg31[%swap3A_1596] {strides = array<i32>} : memref<256xf32, #tpu.memory_space<vmem>>, vector<16xf32>,
    tpu.vector_store %arg31[%swap3A_1596], %mul3A_1595 {strides = array<i32>} : memref<256xf32, #tpu.memory_space<vmem>>, vector<16xf32>,
    %mul3A_1598 = arith.mulf %mul3A_1572, %mul3A_1572 : vector<16xf32>
    %mul3A_1599 = arith.mulf %mul3A_1577, %mul3A_1577 : vector<16xf32>
    %add3A_1600 = arith.addf %mul3A_1598, %mul3A_1599 : vector<16xf32>
    %mul3A_1601 = arith.mulf %mul3A_1582, %mul3A_1582 : vector<16xf32>
    %add3A_1602 = arith.addf %add3A_1600, %mul3A_1601 : vector<16xf32>
    %swap3A_1603 = arith.constant 224 : index
    %swap3A_1604 = tpu.vector_load %arg32[%swap3A_1603] {strides = array<i32>} : memref<256xf32, #tpu.memory_space<vmem>>, vector<16xf32>,
    tpu.vector_store %arg32[%swap3A_1603], %add3A_1602 {strides = array<i32>} : memref<256xf32, #tpu.memory_space<vmem>>, vector<16xf32>,
    %gather3A_1605 = tpu.vector_load_idx %arg23[%get3A_1554] : memref<8192xf32, #tpu.memory_space<vmem>>[vector<16xi32>], vector<16xf32>,
    %gather3A_1606 = tpu.vector_load_idx %arg23[%get3A_1556] : memref<8192xf32, #tpu.memory_space<vmem>>[vector<16xi32>], vector<16xf32>,
    %gather3A_1607 = tpu.vector_load_idx %arg23[%get3A_1558] : memref<8192xf32, #tpu.memory_space<vmem>>[vector<16xi32>], vector<16xf32>,
    %gather3A_1608 = tpu.vector_load_idx %arg24[%get3A_1554] : memref<8192xf32, #tpu.memory_space<vmem>>[vector<16xi32>], vector<16xf32>,
    %gather3A_1609 = tpu.vector_load_idx %arg24[%get3A_1556] : memref<8192xf32, #tpu.memory_space<vmem>>[vector<16xi32>], vector<16xf32>,
    %gather3A_1610 = tpu.vector_load_idx %arg24[%get3A_1558] : memref<8192xf32, #tpu.memory_space<vmem>>[vector<16xi32>], vector<16xf32>,
    %gather3A_1611 = tpu.vector_load_idx %arg25[%get3A_1554] : memref<8192xf32, #tpu.memory_space<vmem>>[vector<16xi32>], vector<16xf32>,
    %gather3A_1612 = tpu.vector_load_idx %arg25[%get3A_1556] : memref<8192xf32, #tpu.memory_space<vmem>>[vector<16xi32>], vector<16xf32>,
    %gather3A_1613 = tpu.vector_load_idx %arg25[%get3A_1558] : memref<8192xf32, #tpu.memory_space<vmem>>[vector<16xi32>], vector<16xf32>,
    %add3A_1614 = arith.addf %gather3A_1605, %gather3A_1606 : vector<16xf32>
    %add3A_1615 = arith.addf %add3A_1614, %gather3A_1607 : vector<16xf32>
    %mul3A_1616 = arith.constant 0.333333343 : f32
    %mul3A_1617 = vector.broadcast %mul3A_1616 : f32 to vector<16xf32>
    %mul3A_1618 = arith.mulf %add3A_1615, %mul3A_1617 : vector<16xf32>
    %add3A_1619 = arith.addf %gather3A_1608, %gather3A_1609 : vector<16xf32>
    %add3A_1620 = arith.addf %add3A_1619, %gather3A_1610 : vector<16xf32>
    %mul3A_1621 = arith.constant 0.333333343 : f32
    %mul3A_1622 = vector.broadcast %mul3A_1621 : f32 to vector<16xf32>
    %mul3A_1623 = arith.mulf %add3A_1620, %mul3A_1622 : vector<16xf32>
    %add3A_1624 = arith.addf %gather3A_1611, %gather3A_1612 : vector<16xf32>
    %add3A_1625 = arith.addf %add3A_1624, %gather3A_1613 : vector<16xf32>
    %mul3A_1626 = arith.constant 0.333333343 : f32
    %mul3A_1627 = vector.broadcast %mul3A_1626 : f32 to vector<16xf32>
    %mul3A_1628 = arith.mulf %add3A_1625, %mul3A_1627 : vector<16xf32>
    %sub3A_1629 = arith.subf %gather3A_1606, %gather3A_1605 : vector<16xf32>
    %sub3A_1630 = arith.subf %gather3A_1609, %gather3A_1608 : vector<16xf32>
    %sub3A_1631 = arith.subf %gather3A_1612, %gather3A_1611 : vector<16xf32>
    %sub3A_1632 = arith.subf %gather3A_1607, %gather3A_1605 : vector<16xf32>
    %sub3A_1633 = arith.subf %gather3A_1610, %gather3A_1608 : vector<16xf32>
    %sub3A_1634 = arith.subf %gather3A_1613, %gather3A_1611 : vector<16xf32>
    %mul3A_1635 = arith.mulf %sub3A_1630, %sub3A_1634 : vector<16xf32>
    %mul3A_1636 = arith.mulf %sub3A_1631, %sub3A_1633 : vector<16xf32>
    %sub3A_1637 = arith.subf %mul3A_1635, %mul3A_1636 : vector<16xf32>
    %mul3A_1638 = arith.mulf %sub3A_1631, %sub3A_1632 : vector<16xf32>
    %mul3A_1639 = arith.mulf %sub3A_1629, %sub3A_1634 : vector<16xf32>
    %sub3A_1640 = arith.subf %mul3A_1638, %mul3A_1639 : vector<16xf32>
    %mul3A_1641 = arith.mulf %sub3A_1629, %sub3A_1633 : vector<16xf32>
    %mul3A_1642 = arith.mulf %sub3A_1630, %sub3A_1632 : vector<16xf32>
    %sub3A_1643 = arith.subf %mul3A_1641, %mul3A_1642 : vector<16xf32>
    %swap3A_1644 = arith.constant 224 : index
    %swap3A_1645 = tpu.vector_load %arg33[%swap3A_1644] {strides = array<i32>} : memref<256xf32, #tpu.memory_space<vmem>>, vector<16xf32>,
    tpu.vector_store %arg33[%swap3A_1644], %sub3A_1637 {strides = array<i32>} : memref<256xf32, #tpu.memory_space<vmem>>, vector<16xf32>,
    %swap3A_1646 = arith.constant 224 : index
    %swap3A_1647 = tpu.vector_load %arg34[%swap3A_1646] {strides = array<i32>} : memref<256xf32, #tpu.memory_space<vmem>>, vector<16xf32>,
    tpu.vector_store %arg34[%swap3A_1646], %sub3A_1640 {strides = array<i32>} : memref<256xf32, #tpu.memory_space<vmem>>, vector<16xf32>,
    %swap3A_1648 = arith.constant 224 : index
    %swap3A_1649 = tpu.vector_load %arg35[%swap3A_1648] {strides = array<i32>} : memref<256xf32, #tpu.memory_space<vmem>>, vector<16xf32>,
    tpu.vector_store %arg35[%swap3A_1648], %sub3A_1643 {strides = array<i32>} : memref<256xf32, #tpu.memory_space<vmem>>, vector<16xf32>,
    %mul3A_1650 = arith.mulf %sub3A_1637, %sub3A_1637 : vector<16xf32>
    %mul3A_1651 = arith.mulf %sub3A_1640, %sub3A_1640 : vector<16xf32>
    %add3A_1652 = arith.addf %mul3A_1650, %mul3A_1651 : vector<16xf32>
    %mul3A_1653 = arith.mulf %sub3A_1643, %sub3A_1643 : vector<16xf32>
    %add3A_1654 = arith.addf %add3A_1652, %mul3A_1653 : vector<16xf32>
    %swap3A_1655 = arith.constant 224 : index
    %swap3A_1656 = tpu.vector_load %arg36[%swap3A_1655] {strides = array<i32>} : memref<256xf32, #tpu.memory_space<vmem>>, vector<16xf32>,
    tpu.vector_store %arg36[%swap3A_1655], %add3A_1654 {strides = array<i32>} : memref<256xf32, #tpu.memory_space<vmem>>, vector<16xf32>,
    %mul3A_1657 = arith.mulf %mul3A_1618, %sub3A_1637 : vector<16xf32>
    %mul3A_1658 = arith.mulf %mul3A_1623, %sub3A_1640 : vector<16xf32>
    %add3A_1659 = arith.addf %mul3A_1657, %mul3A_1658 : vector<16xf32>
    %mul3A_1660 = arith.mulf %mul3A_1628, %sub3A_1643 : vector<16xf32>
    %add3A_1661 = arith.addf %add3A_1659, %mul3A_1660 : vector<16xf32>
    %swap3A_1662 = arith.constant 224 : index
    %swap3A_1663 = tpu.vector_load %arg37[%swap3A_1662] {strides = array<i32>} : memref<256xf32, #tpu.memory_space<vmem>>, vector<16xf32>,
    tpu.vector_store %arg37[%swap3A_1662], %add3A_1661 {strides = array<i32>} : memref<256xf32, #tpu.memory_space<vmem>>, vector<16xf32>,
    %get3A_1664 = arith.constant 240 : index
    %get3A_1665 = tpu.vector_load %arg26[%get3A_1664] {strides = array<i32>} : memref<256xi32, #tpu.memory_space<vmem>>, vector<16xi32>,
    %get3A_1666 = arith.constant 240 : index
    %get3A_1667 = tpu.vector_load %arg27[%get3A_1666] {strides = array<i32>} : memref<256xi32, #tpu.memory_space<vmem>>, vector<16xi32>,
    %get3A_1668 = arith.constant 240 : index
    %get3A_1669 = tpu.vector_load %arg28[%get3A_1668] {strides = array<i32>} : memref<256xi32, #tpu.memory_space<vmem>>, vector<16xi32>,
    %gather3A_1670 = tpu.vector_load_idx %arg20[%get3A_1665] : memref<8192xf32, #tpu.memory_space<vmem>>[vector<16xi32>], vector<16xf32>,
    %gather3A_1671 = tpu.vector_load_idx %arg20[%get3A_1667] : memref<8192xf32, #tpu.memory_space<vmem>>[vector<16xi32>], vector<16xf32>,
    %gather3A_1672 = tpu.vector_load_idx %arg20[%get3A_1669] : memref<8192xf32, #tpu.memory_space<vmem>>[vector<16xi32>], vector<16xf32>,
    %gather3A_1673 = tpu.vector_load_idx %arg21[%get3A_1665] : memref<8192xf32, #tpu.memory_space<vmem>>[vector<16xi32>], vector<16xf32>,
    %gather3A_1674 = tpu.vector_load_idx %arg21[%get3A_1667] : memref<8192xf32, #tpu.memory_space<vmem>>[vector<16xi32>], vector<16xf32>,
    %gather3A_1675 = tpu.vector_load_idx %arg21[%get3A_1669] : memref<8192xf32, #tpu.memory_space<vmem>>[vector<16xi32>], vector<16xf32>,
    %gather3A_1676 = tpu.vector_load_idx %arg22[%get3A_1665] : memref<8192xf32, #tpu.memory_space<vmem>>[vector<16xi32>], vector<16xf32>,
    %gather3A_1677 = tpu.vector_load_idx %arg22[%get3A_1667] : memref<8192xf32, #tpu.memory_space<vmem>>[vector<16xi32>], vector<16xf32>,
    %gather3A_1678 = tpu.vector_load_idx %arg22[%get3A_1669] : memref<8192xf32, #tpu.memory_space<vmem>>[vector<16xi32>], vector<16xf32>,
    %add3A_1679 = arith.addf %gather3A_1670, %gather3A_1671 : vector<16xf32>
    %add3A_1680 = arith.addf %add3A_1679, %gather3A_1672 : vector<16xf32>
    %mul3A_1681 = arith.constant 0.333333343 : f32
    %mul3A_1682 = vector.broadcast %mul3A_1681 : f32 to vector<16xf32>
    %mul3A_1683 = arith.mulf %add3A_1680, %mul3A_1682 : vector<16xf32>
    %add3A_1684 = arith.addf %gather3A_1673, %gather3A_1674 : vector<16xf32>
    %add3A_1685 = arith.addf %add3A_1684, %gather3A_1675 : vector<16xf32>
    %mul3A_1686 = arith.constant 0.333333343 : f32
    %mul3A_1687 = vector.broadcast %mul3A_1686 : f32 to vector<16xf32>
    %mul3A_1688 = arith.mulf %add3A_1685, %mul3A_1687 : vector<16xf32>
    %add3A_1689 = arith.addf %gather3A_1676, %gather3A_1677 : vector<16xf32>
    %add3A_1690 = arith.addf %add3A_1689, %gather3A_1678 : vector<16xf32>
    %mul3A_1691 = arith.constant 0.333333343 : f32
    %mul3A_1692 = vector.broadcast %mul3A_1691 : f32 to vector<16xf32>
    %mul3A_1693 = arith.mulf %add3A_1690, %mul3A_1692 : vector<16xf32>
    %mul3A_1694 = arith.constant -2.000000e+00 : f32
    %mul3A_1695 = vector.broadcast %mul3A_1694 : f32 to vector<16xf32>
    %mul3A_1696 = arith.mulf %mul3A_1695, %mul3A_1683 : vector<16xf32>
    %swap3A_1697 = arith.constant 240 : index
    %swap3A_1698 = tpu.vector_load %arg29[%swap3A_1697] {strides = array<i32>} : memref<256xf32, #tpu.memory_space<vmem>>, vector<16xf32>,
    tpu.vector_store %arg29[%swap3A_1697], %mul3A_1696 {strides = array<i32>} : memref<256xf32, #tpu.memory_space<vmem>>, vector<16xf32>,
    %mul3A_1699 = arith.constant -2.000000e+00 : f32
    %mul3A_1700 = vector.broadcast %mul3A_1699 : f32 to vector<16xf32>
    %mul3A_1701 = arith.mulf %mul3A_1700, %mul3A_1688 : vector<16xf32>
    %swap3A_1702 = arith.constant 240 : index
    %swap3A_1703 = tpu.vector_load %arg30[%swap3A_1702] {strides = array<i32>} : memref<256xf32, #tpu.memory_space<vmem>>, vector<16xf32>,
    tpu.vector_store %arg30[%swap3A_1702], %mul3A_1701 {strides = array<i32>} : memref<256xf32, #tpu.memory_space<vmem>>, vector<16xf32>,
    %mul3A_1704 = arith.constant -2.000000e+00 : f32
    %mul3A_1705 = vector.broadcast %mul3A_1704 : f32 to vector<16xf32>
    %mul3A_1706 = arith.mulf %mul3A_1705, %mul3A_1693 : vector<16xf32>
    %swap3A_1707 = arith.constant 240 : index
    %swap3A_1708 = tpu.vector_load %arg31[%swap3A_1707] {strides = array<i32>} : memref<256xf32, #tpu.memory_space<vmem>>, vector<16xf32>,
    tpu.vector_store %arg31[%swap3A_1707], %mul3A_1706 {strides = array<i32>} : memref<256xf32, #tpu.memory_space<vmem>>, vector<16xf32>,
    %mul3A_1709 = arith.mulf %mul3A_1683, %mul3A_1683 : vector<16xf32>
    %mul3A_1710 = arith.mulf %mul3A_1688, %mul3A_1688 : vector<16xf32>
    %add3A_1711 = arith.addf %mul3A_1709, %mul3A_1710 : vector<16xf32>
    %mul3A_1712 = arith.mulf %mul3A_1693, %mul3A_1693 : vector<16xf32>
    %add3A_1713 = arith.addf %add3A_1711, %mul3A_1712 : vector<16xf32>
    %swap3A_1714 = arith.constant 240 : index
    %swap3A_1715 = tpu.vector_load %arg32[%swap3A_1714] {strides = array<i32>} : memref<256xf32, #tpu.memory_space<vmem>>, vector<16xf32>,
    tpu.vector_store %arg32[%swap3A_1714], %add3A_1713 {strides = array<i32>} : memref<256xf32, #tpu.memory_space<vmem>>, vector<16xf32>,
    %gather3A_1716 = tpu.vector_load_idx %arg23[%get3A_1665] : memref<8192xf32, #tpu.memory_space<vmem>>[vector<16xi32>], vector<16xf32>,
    %gather3A_1717 = tpu.vector_load_idx %arg23[%get3A_1667] : memref<8192xf32, #tpu.memory_space<vmem>>[vector<16xi32>], vector<16xf32>,
    %gather3A_1718 = tpu.vector_load_idx %arg23[%get3A_1669] : memref<8192xf32, #tpu.memory_space<vmem>>[vector<16xi32>], vector<16xf32>,
    %gather3A_1719 = tpu.vector_load_idx %arg24[%get3A_1665] : memref<8192xf32, #tpu.memory_space<vmem>>[vector<16xi32>], vector<16xf32>,
    %gather3A_1720 = tpu.vector_load_idx %arg24[%get3A_1667] : memref<8192xf32, #tpu.memory_space<vmem>>[vector<16xi32>], vector<16xf32>,
    %gather3A_1721 = tpu.vector_load_idx %arg24[%get3A_1669] : memref<8192xf32, #tpu.memory_space<vmem>>[vector<16xi32>], vector<16xf32>,
    %gather3A_1722 = tpu.vector_load_idx %arg25[%get3A_1665] : memref<8192xf32, #tpu.memory_space<vmem>>[vector<16xi32>], vector<16xf32>,
    %gather3A_1723 = tpu.vector_load_idx %arg25[%get3A_1667] : memref<8192xf32, #tpu.memory_space<vmem>>[vector<16xi32>], vector<16xf32>,
    %gather3A_1724 = tpu.vector_load_idx %arg25[%get3A_1669] : memref<8192xf32, #tpu.memory_space<vmem>>[vector<16xi32>], vector<16xf32>,
    %add3A_1725 = arith.addf %gather3A_1716, %gather3A_1717 : vector<16xf32>
    %add3A_1726 = arith.addf %add3A_1725, %gather3A_1718 : vector<16xf32>
    %mul3A_1727 = arith.constant 0.333333343 : f32
    %mul3A_1728 = vector.broadcast %mul3A_1727 : f32 to vector<16xf32>
    %mul3A_1729 = arith.mulf %add3A_1726, %mul3A_1728 : vector<16xf32>
    %add3A_1730 = arith.addf %gather3A_1719, %gather3A_1720 : vector<16xf32>
    %add3A_1731 = arith.addf %add3A_1730, %gather3A_1721 : vector<16xf32>
    %mul3A_1732 = arith.constant 0.333333343 : f32
    %mul3A_1733 = vector.broadcast %mul3A_1732 : f32 to vector<16xf32>
    %mul3A_1734 = arith.mulf %add3A_1731, %mul3A_1733 : vector<16xf32>
    %add3A_1735 = arith.addf %gather3A_1722, %gather3A_1723 : vector<16xf32>
    %add3A_1736 = arith.addf %add3A_1735, %gather3A_1724 : vector<16xf32>
    %mul3A_1737 = arith.constant 0.333333343 : f32
    %mul3A_1738 = vector.broadcast %mul3A_1737 : f32 to vector<16xf32>
    %mul3A_1739 = arith.mulf %add3A_1736, %mul3A_1738 : vector<16xf32>
    %sub3A_1740 = arith.subf %gather3A_1717, %gather3A_1716 : vector<16xf32>
    %sub3A_1741 = arith.subf %gather3A_1720, %gather3A_1719 : vector<16xf32>
    %sub3A_1742 = arith.subf %gather3A_1723, %gather3A_1722 : vector<16xf32>
    %sub3A_1743 = arith.subf %gather3A_1718, %gather3A_1716 : vector<16xf32>
    %sub3A_1744 = arith.subf %gather3A_1721, %gather3A_1719 : vector<16xf32>
    %sub3A_1745 = arith.subf %gather3A_1724, %gather3A_1722 : vector<16xf32>
    %mul3A_1746 = arith.mulf %sub3A_1741, %sub3A_1745 : vector<16xf32>
    %mul3A_1747 = arith.mulf %sub3A_1742, %sub3A_1744 : vector<16xf32>
    %sub3A_1748 = arith.subf %mul3A_1746, %mul3A_1747 : vector<16xf32>
    %mul3A_1749 = arith.mulf %sub3A_1742, %sub3A_1743 : vector<16xf32>
    %mul3A_1750 = arith.mulf %sub3A_1740, %sub3A_1745 : vector<16xf32>
    %sub3A_1751 = arith.subf %mul3A_1749, %mul3A_1750 : vector<16xf32>
    %mul3A_1752 = arith.mulf %sub3A_1740, %sub3A_1744 : vector<16xf32>
    %mul3A_1753 = arith.mulf %sub3A_1741, %sub3A_1743 : vector<16xf32>
    %sub3A_1754 = arith.subf %mul3A_1752, %mul3A_1753 : vector<16xf32>
    %swap3A_1755 = arith.constant 240 : index
    %swap3A_1756 = tpu.vector_load %arg33[%swap3A_1755] {strides = array<i32>} : memref<256xf32, #tpu.memory_space<vmem>>, vector<16xf32>,
    tpu.vector_store %arg33[%swap3A_1755], %sub3A_1748 {strides = array<i32>} : memref<256xf32, #tpu.memory_space<vmem>>, vector<16xf32>,
    %swap3A_1757 = arith.constant 240 : index
    %swap3A_1758 = tpu.vector_load %arg34[%swap3A_1757] {strides = array<i32>} : memref<256xf32, #tpu.memory_space<vmem>>, vector<16xf32>,
    tpu.vector_store %arg34[%swap3A_1757], %sub3A_1751 {strides = array<i32>} : memref<256xf32, #tpu.memory_space<vmem>>, vector<16xf32>,
    %swap3A_1759 = arith.constant 240 : index
    %swap3A_1760 = tpu.vector_load %arg35[%swap3A_1759] {strides = array<i32>} : memref<256xf32, #tpu.memory_space<vmem>>, vector<16xf32>,
    tpu.vector_store %arg35[%swap3A_1759], %sub3A_1754 {strides = array<i32>} : memref<256xf32, #tpu.memory_space<vmem>>, vector<16xf32>,
    %mul3A_1761 = arith.mulf %sub3A_1748, %sub3A_1748 : vector<16xf32>
    %mul3A_1762 = arith.mulf %sub3A_1751, %sub3A_1751 : vector<16xf32>
    %add3A_1763 = arith.addf %mul3A_1761, %mul3A_1762 : vector<16xf32>
    %mul3A_1764 = arith.mulf %sub3A_1754, %sub3A_1754 : vector<16xf32>
    %add3A_1765 = arith.addf %add3A_1763, %mul3A_1764 : vector<16xf32>
    %swap3A_1766 = arith.constant 240 : index
    %swap3A_1767 = tpu.vector_load %arg36[%swap3A_1766] {strides = array<i32>} : memref<256xf32, #tpu.memory_space<vmem>>, vector<16xf32>,
    tpu.vector_store %arg36[%swap3A_1766], %add3A_1765 {strides = array<i32>} : memref<256xf32, #tpu.memory_space<vmem>>, vector<16xf32>,
    %mul3A_1768 = arith.mulf %mul3A_1729, %sub3A_1748 : vector<16xf32>
    %mul3A_1769 = arith.mulf %mul3A_1734, %sub3A_1751 : vector<16xf32>
    %add3A_1770 = arith.addf %mul3A_1768, %mul3A_1769 : vector<16xf32>
    %mul3A_1771 = arith.mulf %mul3A_1739, %sub3A_1754 : vector<16xf32>
    %add3A_1772 = arith.addf %add3A_1770, %mul3A_1771 : vector<16xf32>
    %swap3A_1773 = arith.constant 240 : index
    %swap3A_1774 = tpu.vector_load %arg37[%swap3A_1773] {strides = array<i32>} : memref<256xf32, #tpu.memory_space<vmem>>, vector<16xf32>,
    tpu.vector_store %arg37[%swap3A_1773], %add3A_1772 {strides = array<i32>} : memref<256xf32, #tpu.memory_space<vmem>>, vector<16xf32>,
    "tpu.region"() ({
      %run_scoped3A = tpu.sem_alloc : memref<!tpu.dma_semaphore, #tpu.memory_space<semaphore_mem>>
      %dma_start3A = tpu.memref_slice %arg11[%mul3A_2] : memref<8192xf32, #tpu.memory_space<hbm>> -> memref<256xf32, #tpu.memory_space<hbm>>
      %dma_start3A_1775 = tpu.memref_slice %arg11[%mul3A_2] : memref<8192xf32, #tpu.memory_space<hbm>> -> memref<256xf32, #tpu.memory_space<hbm>>
      tpu.enqueue_dma source(%arg29 : memref<256xf32, #tpu.memory_space<vmem>>) target(%dma_start3A_1775 : memref<256xf32, #tpu.memory_space<hbm>>) target_semaphore(%run_scoped3A : memref<!tpu.dma_semaphore, #tpu.memory_space<semaphore_mem>>)
      %dma_wait3A = tpu.memref_slice %arg11[%mul3A_2] : memref<8192xf32, #tpu.memory_space<hbm>> -> memref<256xf32, #tpu.memory_space<hbm>>
      %dma_wait3A_1776 = tpu.memref_slice %arg11[%mul3A_2] : memref<8192xf32, #tpu.memory_space<hbm>> -> memref<256xf32, #tpu.memory_space<hbm>>
      tpu.wait_dma2 semaphore(%run_scoped3A : memref<!tpu.dma_semaphore, #tpu.memory_space<semaphore_mem>>) src(%arg29 : memref<256xf32, #tpu.memory_space<vmem>>) dst(%dma_wait3A_1776 : memref<256xf32, #tpu.memory_space<hbm>>)
      tpu.yield
    }) : () -> ()
    "tpu.region"() ({
      %run_scoped3A = tpu.sem_alloc : memref<!tpu.dma_semaphore, #tpu.memory_space<semaphore_mem>>
      %dma_start3A = tpu.memref_slice %arg12[%mul3A_2] : memref<8192xf32, #tpu.memory_space<hbm>> -> memref<256xf32, #tpu.memory_space<hbm>>
      %dma_start3A_1775 = tpu.memref_slice %arg12[%mul3A_2] : memref<8192xf32, #tpu.memory_space<hbm>> -> memref<256xf32, #tpu.memory_space<hbm>>
      tpu.enqueue_dma source(%arg30 : memref<256xf32, #tpu.memory_space<vmem>>) target(%dma_start3A_1775 : memref<256xf32, #tpu.memory_space<hbm>>) target_semaphore(%run_scoped3A : memref<!tpu.dma_semaphore, #tpu.memory_space<semaphore_mem>>)
      %dma_wait3A = tpu.memref_slice %arg12[%mul3A_2] : memref<8192xf32, #tpu.memory_space<hbm>> -> memref<256xf32, #tpu.memory_space<hbm>>
      %dma_wait3A_1776 = tpu.memref_slice %arg12[%mul3A_2] : memref<8192xf32, #tpu.memory_space<hbm>> -> memref<256xf32, #tpu.memory_space<hbm>>
      tpu.wait_dma2 semaphore(%run_scoped3A : memref<!tpu.dma_semaphore, #tpu.memory_space<semaphore_mem>>) src(%arg30 : memref<256xf32, #tpu.memory_space<vmem>>) dst(%dma_wait3A_1776 : memref<256xf32, #tpu.memory_space<hbm>>)
      tpu.yield
    }) : () -> ()
    "tpu.region"() ({
      %run_scoped3A = tpu.sem_alloc : memref<!tpu.dma_semaphore, #tpu.memory_space<semaphore_mem>>
      %dma_start3A = tpu.memref_slice %arg13[%mul3A_2] : memref<8192xf32, #tpu.memory_space<hbm>> -> memref<256xf32, #tpu.memory_space<hbm>>
      %dma_start3A_1775 = tpu.memref_slice %arg13[%mul3A_2] : memref<8192xf32, #tpu.memory_space<hbm>> -> memref<256xf32, #tpu.memory_space<hbm>>
      tpu.enqueue_dma source(%arg31 : memref<256xf32, #tpu.memory_space<vmem>>) target(%dma_start3A_1775 : memref<256xf32, #tpu.memory_space<hbm>>) target_semaphore(%run_scoped3A : memref<!tpu.dma_semaphore, #tpu.memory_space<semaphore_mem>>)
      %dma_wait3A = tpu.memref_slice %arg13[%mul3A_2] : memref<8192xf32, #tpu.memory_space<hbm>> -> memref<256xf32, #tpu.memory_space<hbm>>
      %dma_wait3A_1776 = tpu.memref_slice %arg13[%mul3A_2] : memref<8192xf32, #tpu.memory_space<hbm>> -> memref<256xf32, #tpu.memory_space<hbm>>
      tpu.wait_dma2 semaphore(%run_scoped3A : memref<!tpu.dma_semaphore, #tpu.memory_space<semaphore_mem>>) src(%arg31 : memref<256xf32, #tpu.memory_space<vmem>>) dst(%dma_wait3A_1776 : memref<256xf32, #tpu.memory_space<hbm>>)
      tpu.yield
    }) : () -> ()
    "tpu.region"() ({
      %run_scoped3A = tpu.sem_alloc : memref<!tpu.dma_semaphore, #tpu.memory_space<semaphore_mem>>
      %dma_start3A = tpu.memref_slice %arg14[%mul3A_2] : memref<8192xf32, #tpu.memory_space<hbm>> -> memref<256xf32, #tpu.memory_space<hbm>>
      %dma_start3A_1775 = tpu.memref_slice %arg14[%mul3A_2] : memref<8192xf32, #tpu.memory_space<hbm>> -> memref<256xf32, #tpu.memory_space<hbm>>
      tpu.enqueue_dma source(%arg32 : memref<256xf32, #tpu.memory_space<vmem>>) target(%dma_start3A_1775 : memref<256xf32, #tpu.memory_space<hbm>>) target_semaphore(%run_scoped3A : memref<!tpu.dma_semaphore, #tpu.memory_space<semaphore_mem>>)
      %dma_wait3A = tpu.memref_slice %arg14[%mul3A_2] : memref<8192xf32, #tpu.memory_space<hbm>> -> memref<256xf32, #tpu.memory_space<hbm>>
      %dma_wait3A_1776 = tpu.memref_slice %arg14[%mul3A_2] : memref<8192xf32, #tpu.memory_space<hbm>> -> memref<256xf32, #tpu.memory_space<hbm>>
      tpu.wait_dma2 semaphore(%run_scoped3A : memref<!tpu.dma_semaphore, #tpu.memory_space<semaphore_mem>>) src(%arg32 : memref<256xf32, #tpu.memory_space<vmem>>) dst(%dma_wait3A_1776 : memref<256xf32, #tpu.memory_space<hbm>>)
      tpu.yield
    }) : () -> ()
    "tpu.region"() ({
      %run_scoped3A = tpu.sem_alloc : memref<!tpu.dma_semaphore, #tpu.memory_space<semaphore_mem>>
      %dma_start3A = tpu.memref_slice %arg15[%mul3A_2] : memref<8192xf32, #tpu.memory_space<hbm>> -> memref<256xf32, #tpu.memory_space<hbm>>
      %dma_start3A_1775 = tpu.memref_slice %arg15[%mul3A_2] : memref<8192xf32, #tpu.memory_space<hbm>> -> memref<256xf32, #tpu.memory_space<hbm>>
      tpu.enqueue_dma source(%arg33 : memref<256xf32, #tpu.memory_space<vmem>>) target(%dma_start3A_1775 : memref<256xf32, #tpu.memory_space<hbm>>) target_semaphore(%run_scoped3A : memref<!tpu.dma_semaphore, #tpu.memory_space<semaphore_mem>>)
      %dma_wait3A = tpu.memref_slice %arg15[%mul3A_2] : memref<8192xf32, #tpu.memory_space<hbm>> -> memref<256xf32, #tpu.memory_space<hbm>>
      %dma_wait3A_1776 = tpu.memref_slice %arg15[%mul3A_2] : memref<8192xf32, #tpu.memory_space<hbm>> -> memref<256xf32, #tpu.memory_space<hbm>>
      tpu.wait_dma2 semaphore(%run_scoped3A : memref<!tpu.dma_semaphore, #tpu.memory_space<semaphore_mem>>) src(%arg33 : memref<256xf32, #tpu.memory_space<vmem>>) dst(%dma_wait3A_1776 : memref<256xf32, #tpu.memory_space<hbm>>)
      tpu.yield
    }) : () -> ()
    "tpu.region"() ({
      %run_scoped3A = tpu.sem_alloc : memref<!tpu.dma_semaphore, #tpu.memory_space<semaphore_mem>>
      %dma_start3A = tpu.memref_slice %arg16[%mul3A_2] : memref<8192xf32, #tpu.memory_space<hbm>> -> memref<256xf32, #tpu.memory_space<hbm>>
      %dma_start3A_1775 = tpu.memref_slice %arg16[%mul3A_2] : memref<8192xf32, #tpu.memory_space<hbm>> -> memref<256xf32, #tpu.memory_space<hbm>>
      tpu.enqueue_dma source(%arg34 : memref<256xf32, #tpu.memory_space<vmem>>) target(%dma_start3A_1775 : memref<256xf32, #tpu.memory_space<hbm>>) target_semaphore(%run_scoped3A : memref<!tpu.dma_semaphore, #tpu.memory_space<semaphore_mem>>)
      %dma_wait3A = tpu.memref_slice %arg16[%mul3A_2] : memref<8192xf32, #tpu.memory_space<hbm>> -> memref<256xf32, #tpu.memory_space<hbm>>
      %dma_wait3A_1776 = tpu.memref_slice %arg16[%mul3A_2] : memref<8192xf32, #tpu.memory_space<hbm>> -> memref<256xf32, #tpu.memory_space<hbm>>
      tpu.wait_dma2 semaphore(%run_scoped3A : memref<!tpu.dma_semaphore, #tpu.memory_space<semaphore_mem>>) src(%arg34 : memref<256xf32, #tpu.memory_space<vmem>>) dst(%dma_wait3A_1776 : memref<256xf32, #tpu.memory_space<hbm>>)
      tpu.yield
    }) : () -> ()
    "tpu.region"() ({
      %run_scoped3A = tpu.sem_alloc : memref<!tpu.dma_semaphore, #tpu.memory_space<semaphore_mem>>
      %dma_start3A = tpu.memref_slice %arg17[%mul3A_2] : memref<8192xf32, #tpu.memory_space<hbm>> -> memref<256xf32, #tpu.memory_space<hbm>>
      %dma_start3A_1775 = tpu.memref_slice %arg17[%mul3A_2] : memref<8192xf32, #tpu.memory_space<hbm>> -> memref<256xf32, #tpu.memory_space<hbm>>
      tpu.enqueue_dma source(%arg35 : memref<256xf32, #tpu.memory_space<vmem>>) target(%dma_start3A_1775 : memref<256xf32, #tpu.memory_space<hbm>>) target_semaphore(%run_scoped3A : memref<!tpu.dma_semaphore, #tpu.memory_space<semaphore_mem>>)
      %dma_wait3A = tpu.memref_slice %arg17[%mul3A_2] : memref<8192xf32, #tpu.memory_space<hbm>> -> memref<256xf32, #tpu.memory_space<hbm>>
      %dma_wait3A_1776 = tpu.memref_slice %arg17[%mul3A_2] : memref<8192xf32, #tpu.memory_space<hbm>> -> memref<256xf32, #tpu.memory_space<hbm>>
      tpu.wait_dma2 semaphore(%run_scoped3A : memref<!tpu.dma_semaphore, #tpu.memory_space<semaphore_mem>>) src(%arg35 : memref<256xf32, #tpu.memory_space<vmem>>) dst(%dma_wait3A_1776 : memref<256xf32, #tpu.memory_space<hbm>>)
      tpu.yield
    }) : () -> ()
    "tpu.region"() ({
      %run_scoped3A = tpu.sem_alloc : memref<!tpu.dma_semaphore, #tpu.memory_space<semaphore_mem>>
      %dma_start3A = tpu.memref_slice %arg18[%mul3A_2] : memref<8192xf32, #tpu.memory_space<hbm>> -> memref<256xf32, #tpu.memory_space<hbm>>
      %dma_start3A_1775 = tpu.memref_slice %arg18[%mul3A_2] : memref<8192xf32, #tpu.memory_space<hbm>> -> memref<256xf32, #tpu.memory_space<hbm>>
      tpu.enqueue_dma source(%arg36 : memref<256xf32, #tpu.memory_space<vmem>>) target(%dma_start3A_1775 : memref<256xf32, #tpu.memory_space<hbm>>) target_semaphore(%run_scoped3A : memref<!tpu.dma_semaphore, #tpu.memory_space<semaphore_mem>>)
      %dma_wait3A = tpu.memref_slice %arg18[%mul3A_2] : memref<8192xf32, #tpu.memory_space<hbm>> -> memref<256xf32, #tpu.memory_space<hbm>>
      %dma_wait3A_1776 = tpu.memref_slice %arg18[%mul3A_2] : memref<8192xf32, #tpu.memory_space<hbm>> -> memref<256xf32, #tpu.memory_space<hbm>>
      tpu.wait_dma2 semaphore(%run_scoped3A : memref<!tpu.dma_semaphore, #tpu.memory_space<semaphore_mem>>) src(%arg36 : memref<256xf32, #tpu.memory_space<vmem>>) dst(%dma_wait3A_1776 : memref<256xf32, #tpu.memory_space<hbm>>)
      tpu.yield
    }) : () -> ()
    "tpu.region"() ({
      %run_scoped3A = tpu.sem_alloc : memref<!tpu.dma_semaphore, #tpu.memory_space<semaphore_mem>>
      %dma_start3A = tpu.memref_slice %arg19[%mul3A_2] : memref<8192xf32, #tpu.memory_space<hbm>> -> memref<256xf32, #tpu.memory_space<hbm>>
      %dma_start3A_1775 = tpu.memref_slice %arg19[%mul3A_2] : memref<8192xf32, #tpu.memory_space<hbm>> -> memref<256xf32, #tpu.memory_space<hbm>>
      tpu.enqueue_dma source(%arg37 : memref<256xf32, #tpu.memory_space<vmem>>) target(%dma_start3A_1775 : memref<256xf32, #tpu.memory_space<hbm>>) target_semaphore(%run_scoped3A : memref<!tpu.dma_semaphore, #tpu.memory_space<semaphore_mem>>)
      %dma_wait3A = tpu.memref_slice %arg19[%mul3A_2] : memref<8192xf32, #tpu.memory_space<hbm>> -> memref<256xf32, #tpu.memory_space<hbm>>
      %dma_wait3A_1776 = tpu.memref_slice %arg19[%mul3A_2] : memref<8192xf32, #tpu.memory_space<hbm>> -> memref<256xf32, #tpu.memory_space<hbm>>
      tpu.wait_dma2 semaphore(%run_scoped3A : memref<!tpu.dma_semaphore, #tpu.memory_space<semaphore_mem>>) src(%arg37 : memref<256xf32, #tpu.memory_space<vmem>>) dst(%dma_wait3A_1776 : memref<256xf32, #tpu.memory_space<hbm>>)
      tpu.yield
    }) : () -> ()
    return
  }
}

#map = affine_map<(d0, d1) -> (0)>
#map1 = affine_map<(d0, d1) -> (0, 0)>
module attributes {stable_mosaic.version = 14 : i64} {
  func.func @body(%arg0: i32, %arg1: i32, %arg2: memref<8192xi32, #tpu.memory_space<hbm>>, %arg3: memref<8192xf32, #tpu.memory_space<hbm>>, %arg4: memref<8192xf32, #tpu.memory_space<hbm>>, %arg5: memref<8192xf32, #tpu.memory_space<hbm>>, %arg6: memref<8192xf32, #tpu.memory_space<hbm>>, %arg7: memref<8192xf32, #tpu.memory_space<hbm>>, %arg8: memref<8192xf32, #tpu.memory_space<hbm>>, %arg9: memref<8192xf32, #tpu.memory_space<hbm>>, %arg10: memref<8192xf32, #tpu.memory_space<hbm>>, %arg11: memref<32x16xf32, #tpu.memory_space<hbm>>, %arg12: memref<8192xf32, #tpu.memory_space<vmem>>, %arg13: memref<8192xf32, #tpu.memory_space<vmem>>, %arg14: memref<8192xf32, #tpu.memory_space<vmem>>, %arg15: memref<8192xf32, #tpu.memory_space<vmem>>, %arg16: memref<8192xf32, #tpu.memory_space<vmem>>, %arg17: memref<256xi32, #tpu.memory_space<vmem>>, %arg18: memref<256xf32, #tpu.memory_space<vmem>>, %arg19: memref<256xf32, #tpu.memory_space<vmem>>, %arg20: memref<256xf32, #tpu.memory_space<vmem>>, %arg21: memref<16xf32, #tpu.memory_space<vmem>>) attributes {dimension_semantics = [#tpu.dimension_semantics<core_parallel>, #tpu.dimension_semantics<subcore_parallel>], iteration_bounds = array<i64: 2, 16>, scalar_prefetch = 0 : i64, scratch_operands = 10 : i64, tpu.core_type = #tpu.core_type<sc_vector_subcore>, window_params = [{transform_indices = #map}, {transform_indices = #map}, {transform_indices = #map}, {transform_indices = #map}, {transform_indices = #map}, {transform_indices = #map}, {transform_indices = #map}, {transform_indices = #map}, {transform_indices = #map}, {transform_indices = #map1}]} {
    %mul3A = arith.constant 2 : i32
    %mul3A_0 = arith.muli %arg1, %mul3A : i32
    %add3A = arith.addi %mul3A_0, %arg0 : i32
    %mul3A_1 = arith.constant 256 : i32
    %mul3A_2 = arith.muli %add3A, %mul3A_1 : i32
    "tpu.region"() ({
      %run_scoped3A = tpu.sem_alloc : memref<!tpu.dma_semaphore, #tpu.memory_space<semaphore_mem>>
      tpu.enqueue_dma source(%arg3 : memref<8192xf32, #tpu.memory_space<hbm>>) target(%arg12 : memref<8192xf32, #tpu.memory_space<vmem>>) target_semaphore(%run_scoped3A : memref<!tpu.dma_semaphore, #tpu.memory_space<semaphore_mem>>)
      tpu.wait_dma2 semaphore(%run_scoped3A : memref<!tpu.dma_semaphore, #tpu.memory_space<semaphore_mem>>) src(%arg3 : memref<8192xf32, #tpu.memory_space<hbm>>) dst(%arg12 : memref<8192xf32, #tpu.memory_space<vmem>>)
      tpu.yield
    }) : () -> ()
    "tpu.region"() ({
      %run_scoped3A = tpu.sem_alloc : memref<!tpu.dma_semaphore, #tpu.memory_space<semaphore_mem>>
      tpu.enqueue_dma source(%arg4 : memref<8192xf32, #tpu.memory_space<hbm>>) target(%arg13 : memref<8192xf32, #tpu.memory_space<vmem>>) target_semaphore(%run_scoped3A : memref<!tpu.dma_semaphore, #tpu.memory_space<semaphore_mem>>)
      tpu.wait_dma2 semaphore(%run_scoped3A : memref<!tpu.dma_semaphore, #tpu.memory_space<semaphore_mem>>) src(%arg4 : memref<8192xf32, #tpu.memory_space<hbm>>) dst(%arg13 : memref<8192xf32, #tpu.memory_space<vmem>>)
      tpu.yield
    }) : () -> ()
    "tpu.region"() ({
      %run_scoped3A = tpu.sem_alloc : memref<!tpu.dma_semaphore, #tpu.memory_space<semaphore_mem>>
      tpu.enqueue_dma source(%arg5 : memref<8192xf32, #tpu.memory_space<hbm>>) target(%arg14 : memref<8192xf32, #tpu.memory_space<vmem>>) target_semaphore(%run_scoped3A : memref<!tpu.dma_semaphore, #tpu.memory_space<semaphore_mem>>)
      tpu.wait_dma2 semaphore(%run_scoped3A : memref<!tpu.dma_semaphore, #tpu.memory_space<semaphore_mem>>) src(%arg5 : memref<8192xf32, #tpu.memory_space<hbm>>) dst(%arg14 : memref<8192xf32, #tpu.memory_space<vmem>>)
      tpu.yield
    }) : () -> ()
    "tpu.region"() ({
      %run_scoped3A = tpu.sem_alloc : memref<!tpu.dma_semaphore, #tpu.memory_space<semaphore_mem>>
      tpu.enqueue_dma source(%arg6 : memref<8192xf32, #tpu.memory_space<hbm>>) target(%arg15 : memref<8192xf32, #tpu.memory_space<vmem>>) target_semaphore(%run_scoped3A : memref<!tpu.dma_semaphore, #tpu.memory_space<semaphore_mem>>)
      tpu.wait_dma2 semaphore(%run_scoped3A : memref<!tpu.dma_semaphore, #tpu.memory_space<semaphore_mem>>) src(%arg6 : memref<8192xf32, #tpu.memory_space<hbm>>) dst(%arg15 : memref<8192xf32, #tpu.memory_space<vmem>>)
      tpu.yield
    }) : () -> ()
    "tpu.region"() ({
      %run_scoped3A = tpu.sem_alloc : memref<!tpu.dma_semaphore, #tpu.memory_space<semaphore_mem>>
      tpu.enqueue_dma source(%arg7 : memref<8192xf32, #tpu.memory_space<hbm>>) target(%arg16 : memref<8192xf32, #tpu.memory_space<vmem>>) target_semaphore(%run_scoped3A : memref<!tpu.dma_semaphore, #tpu.memory_space<semaphore_mem>>)
      tpu.wait_dma2 semaphore(%run_scoped3A : memref<!tpu.dma_semaphore, #tpu.memory_space<semaphore_mem>>) src(%arg7 : memref<8192xf32, #tpu.memory_space<hbm>>) dst(%arg16 : memref<8192xf32, #tpu.memory_space<vmem>>)
      tpu.yield
    }) : () -> ()
    "tpu.region"() ({
      %run_scoped3A = tpu.sem_alloc : memref<!tpu.dma_semaphore, #tpu.memory_space<semaphore_mem>>
      %dma_start3A = tpu.memref_slice %arg2[%mul3A_2] : memref<8192xi32, #tpu.memory_space<hbm>> -> memref<256xi32, #tpu.memory_space<hbm>>
      %dma_start3A_1134 = tpu.memref_slice %arg2[%mul3A_2] : memref<8192xi32, #tpu.memory_space<hbm>> -> memref<256xi32, #tpu.memory_space<hbm>>
      tpu.enqueue_dma source(%dma_start3A_1134 : memref<256xi32, #tpu.memory_space<hbm>>) target(%arg17 : memref<256xi32, #tpu.memory_space<vmem>>) target_semaphore(%run_scoped3A : memref<!tpu.dma_semaphore, #tpu.memory_space<semaphore_mem>>)
      %dma_wait3A = tpu.memref_slice %arg2[%mul3A_2] : memref<8192xi32, #tpu.memory_space<hbm>> -> memref<256xi32, #tpu.memory_space<hbm>>
      %dma_wait3A_1135 = tpu.memref_slice %arg2[%mul3A_2] : memref<8192xi32, #tpu.memory_space<hbm>> -> memref<256xi32, #tpu.memory_space<hbm>>
      tpu.wait_dma2 semaphore(%run_scoped3A : memref<!tpu.dma_semaphore, #tpu.memory_space<semaphore_mem>>) src(%dma_wait3A_1135 : memref<256xi32, #tpu.memory_space<hbm>>) dst(%arg17 : memref<256xi32, #tpu.memory_space<vmem>>)
      tpu.yield
    }) : () -> ()
    "tpu.region"() ({
      %run_scoped3A = tpu.sem_alloc : memref<!tpu.dma_semaphore, #tpu.memory_space<semaphore_mem>>
      %dma_start3A = tpu.memref_slice %arg8[%mul3A_2] : memref<8192xf32, #tpu.memory_space<hbm>> -> memref<256xf32, #tpu.memory_space<hbm>>
      %dma_start3A_1134 = tpu.memref_slice %arg8[%mul3A_2] : memref<8192xf32, #tpu.memory_space<hbm>> -> memref<256xf32, #tpu.memory_space<hbm>>
      tpu.enqueue_dma source(%dma_start3A_1134 : memref<256xf32, #tpu.memory_space<hbm>>) target(%arg18 : memref<256xf32, #tpu.memory_space<vmem>>) target_semaphore(%run_scoped3A : memref<!tpu.dma_semaphore, #tpu.memory_space<semaphore_mem>>)
      %dma_wait3A = tpu.memref_slice %arg8[%mul3A_2] : memref<8192xf32, #tpu.memory_space<hbm>> -> memref<256xf32, #tpu.memory_space<hbm>>
      %dma_wait3A_1135 = tpu.memref_slice %arg8[%mul3A_2] : memref<8192xf32, #tpu.memory_space<hbm>> -> memref<256xf32, #tpu.memory_space<hbm>>
      tpu.wait_dma2 semaphore(%run_scoped3A : memref<!tpu.dma_semaphore, #tpu.memory_space<semaphore_mem>>) src(%dma_wait3A_1135 : memref<256xf32, #tpu.memory_space<hbm>>) dst(%arg18 : memref<256xf32, #tpu.memory_space<vmem>>)
      tpu.yield
    }) : () -> ()
    "tpu.region"() ({
      %run_scoped3A = tpu.sem_alloc : memref<!tpu.dma_semaphore, #tpu.memory_space<semaphore_mem>>
      %dma_start3A = tpu.memref_slice %arg9[%mul3A_2] : memref<8192xf32, #tpu.memory_space<hbm>> -> memref<256xf32, #tpu.memory_space<hbm>>
      %dma_start3A_1134 = tpu.memref_slice %arg9[%mul3A_2] : memref<8192xf32, #tpu.memory_space<hbm>> -> memref<256xf32, #tpu.memory_space<hbm>>
      tpu.enqueue_dma source(%dma_start3A_1134 : memref<256xf32, #tpu.memory_space<hbm>>) target(%arg19 : memref<256xf32, #tpu.memory_space<vmem>>) target_semaphore(%run_scoped3A : memref<!tpu.dma_semaphore, #tpu.memory_space<semaphore_mem>>)
      %dma_wait3A = tpu.memref_slice %arg9[%mul3A_2] : memref<8192xf32, #tpu.memory_space<hbm>> -> memref<256xf32, #tpu.memory_space<hbm>>
      %dma_wait3A_1135 = tpu.memref_slice %arg9[%mul3A_2] : memref<8192xf32, #tpu.memory_space<hbm>> -> memref<256xf32, #tpu.memory_space<hbm>>
      tpu.wait_dma2 semaphore(%run_scoped3A : memref<!tpu.dma_semaphore, #tpu.memory_space<semaphore_mem>>) src(%dma_wait3A_1135 : memref<256xf32, #tpu.memory_space<hbm>>) dst(%arg19 : memref<256xf32, #tpu.memory_space<vmem>>)
      tpu.yield
    }) : () -> ()
    "tpu.region"() ({
      %run_scoped3A = tpu.sem_alloc : memref<!tpu.dma_semaphore, #tpu.memory_space<semaphore_mem>>
      %dma_start3A = tpu.memref_slice %arg10[%mul3A_2] : memref<8192xf32, #tpu.memory_space<hbm>> -> memref<256xf32, #tpu.memory_space<hbm>>
      %dma_start3A_1134 = tpu.memref_slice %arg10[%mul3A_2] : memref<8192xf32, #tpu.memory_space<hbm>> -> memref<256xf32, #tpu.memory_space<hbm>>
      tpu.enqueue_dma source(%dma_start3A_1134 : memref<256xf32, #tpu.memory_space<hbm>>) target(%arg20 : memref<256xf32, #tpu.memory_space<vmem>>) target_semaphore(%run_scoped3A : memref<!tpu.dma_semaphore, #tpu.memory_space<semaphore_mem>>)
      %dma_wait3A = tpu.memref_slice %arg10[%mul3A_2] : memref<8192xf32, #tpu.memory_space<hbm>> -> memref<256xf32, #tpu.memory_space<hbm>>
      %dma_wait3A_1135 = tpu.memref_slice %arg10[%mul3A_2] : memref<8192xf32, #tpu.memory_space<hbm>> -> memref<256xf32, #tpu.memory_space<hbm>>
      tpu.wait_dma2 semaphore(%run_scoped3A : memref<!tpu.dma_semaphore, #tpu.memory_space<semaphore_mem>>) src(%dma_wait3A_1135 : memref<256xf32, #tpu.memory_space<hbm>>) dst(%arg20 : memref<256xf32, #tpu.memory_space<vmem>>)
      tpu.yield
    }) : () -> ()
    %broadcast_in_dim3A = arith.constant 0.000000e+00 : f32
    %broadcast_in_dim3A_3 = vector.broadcast %broadcast_in_dim3A : f32 to vector<16xf32>
    %get3A = arith.constant 0 : index
    %get3A_4 = tpu.vector_load %arg17[%get3A] {strides = array<i32>} : memref<256xi32, #tpu.memory_space<vmem>>, vector<16xi32>,
    %gather3A = tpu.vector_load_idx %arg12[%get3A_4] : memref<8192xf32, #tpu.memory_space<vmem>>[vector<16xi32>], vector<16xf32>,
    %gather3A_5 = tpu.vector_load_idx %arg13[%get3A_4] : memref<8192xf32, #tpu.memory_space<vmem>>[vector<16xi32>], vector<16xf32>,
    %gather3A_6 = tpu.vector_load_idx %arg14[%get3A_4] : memref<8192xf32, #tpu.memory_space<vmem>>[vector<16xi32>], vector<16xf32>,
    %gather3A_7 = tpu.vector_load_idx %arg15[%get3A_4] : memref<8192xf32, #tpu.memory_space<vmem>>[vector<16xi32>], vector<16xf32>,
    %gather3A_8 = tpu.vector_load_idx %arg16[%get3A_4] : memref<8192xf32, #tpu.memory_space<vmem>>[vector<16xi32>], vector<16xf32>,
    %get3A_9 = arith.constant 0 : index
    %get3A_10 = tpu.vector_load %arg18[%get3A_9] {strides = array<i32>} : memref<256xf32, #tpu.memory_space<vmem>>, vector<16xf32>,
    %mul3A_11 = arith.mulf %get3A_10, %gather3A : vector<16xf32>
    %get3A_12 = arith.constant 0 : index
    %get3A_13 = tpu.vector_load %arg19[%get3A_12] {strides = array<i32>} : memref<256xf32, #tpu.memory_space<vmem>>, vector<16xf32>,
    %mul3A_14 = arith.mulf %get3A_13, %gather3A_5 : vector<16xf32>
    %add3A_15 = arith.addf %mul3A_11, %mul3A_14 : vector<16xf32>
    %get3A_16 = arith.constant 0 : index
    %get3A_17 = tpu.vector_load %arg20[%get3A_16] {strides = array<i32>} : memref<256xf32, #tpu.memory_space<vmem>>, vector<16xf32>,
    %mul3A_18 = arith.mulf %get3A_17, %gather3A_6 : vector<16xf32>
    %add3A_19 = arith.addf %add3A_15, %mul3A_18 : vector<16xf32>
    %sub3A = arith.subf %add3A_19, %gather3A_8 : vector<16xf32>
    %max3A = arith.constant 1.000000e-36 : f32
    %max3A_20 = vector.broadcast %max3A : f32 to vector<16xf32>
    %max3A_21 = arith.maximumf %gather3A_7, %max3A_20 : vector<16xf32>
    %bitcast3A = vector.bitcast %max3A_21 : vector<16xf32> to vector<16xi32>
    %shift_right_arithmetic3A = arith.constant 1 : i32
    %shift_right_arithmetic3A_22 = vector.broadcast %shift_right_arithmetic3A : i32 to vector<16xi32>
    %shift_right_arithmetic3A_23 = arith.shrsi %bitcast3A, %shift_right_arithmetic3A_22 : vector<16xi32>
    %sub3A_24 = arith.constant 1597463007 : i32
    %sub3A_25 = vector.broadcast %sub3A_24 : i32 to vector<16xi32>
    %sub3A_26 = arith.subi %sub3A_25, %shift_right_arithmetic3A_23 : vector<16xi32>
    %bitcast3A_27 = vector.bitcast %sub3A_26 : vector<16xi32> to vector<16xf32>
    %mul3A_28 = arith.constant 5.000000e-01 : f32
    %mul3A_29 = vector.broadcast %mul3A_28 : f32 to vector<16xf32>
    %mul3A_30 = arith.mulf %mul3A_29, %max3A_21 : vector<16xf32>
    %mul3A_31 = arith.mulf %mul3A_30, %bitcast3A_27 : vector<16xf32>
    %mul3A_32 = arith.mulf %mul3A_31, %bitcast3A_27 : vector<16xf32>
    %sub3A_33 = arith.constant 1.500000e+00 : f32
    %sub3A_34 = vector.broadcast %sub3A_33 : f32 to vector<16xf32>
    %sub3A_35 = arith.subf %sub3A_34, %mul3A_32 : vector<16xf32>
    %mul3A_36 = arith.mulf %bitcast3A_27, %sub3A_35 : vector<16xf32>
    %mul3A_37 = arith.constant 5.000000e-01 : f32
    %mul3A_38 = vector.broadcast %mul3A_37 : f32 to vector<16xf32>
    %mul3A_39 = arith.mulf %mul3A_38, %max3A_21 : vector<16xf32>
    %mul3A_40 = arith.mulf %mul3A_39, %mul3A_36 : vector<16xf32>
    %mul3A_41 = arith.mulf %mul3A_40, %mul3A_36 : vector<16xf32>
    %sub3A_42 = arith.constant 1.500000e+00 : f32
    %sub3A_43 = vector.broadcast %sub3A_42 : f32 to vector<16xf32>
    %sub3A_44 = arith.subf %sub3A_43, %mul3A_41 : vector<16xf32>
    %mul3A_45 = arith.mulf %mul3A_36, %sub3A_44 : vector<16xf32>
    %mul3A_46 = arith.constant 5.000000e-01 : f32
    %mul3A_47 = vector.broadcast %mul3A_46 : f32 to vector<16xf32>
    %mul3A_48 = arith.mulf %mul3A_47, %max3A_21 : vector<16xf32>
    %mul3A_49 = arith.mulf %mul3A_48, %mul3A_45 : vector<16xf32>
    %mul3A_50 = arith.mulf %mul3A_49, %mul3A_45 : vector<16xf32>
    %sub3A_51 = arith.constant 1.500000e+00 : f32
    %sub3A_52 = vector.broadcast %sub3A_51 : f32 to vector<16xf32>
    %sub3A_53 = arith.subf %sub3A_52, %mul3A_50 : vector<16xf32>
    %mul3A_54 = arith.mulf %mul3A_45, %sub3A_53 : vector<16xf32>
    %mul3A_55 = arith.mulf %gather3A_7, %mul3A_54 : vector<16xf32>
    %add3A_56 = arith.constant 9.99999996E-13 : f32
    %add3A_57 = vector.broadcast %add3A_56 : f32 to vector<16xf32>
    %add3A_58 = arith.addf %mul3A_55, %add3A_57 : vector<16xf32>
    %div3A = arith.divf %sub3A, %add3A_58 : vector<16xf32>
    %sub3A_59 = arith.constant 1.000000e-03 : f32
    %sub3A_60 = vector.broadcast %sub3A_59 : f32 to vector<16xf32>
    %sub3A_61 = arith.subf %sub3A_60, %div3A : vector<16xf32>
    %max3A_62 = arith.constant 0.000000e+00 : f32
    %max3A_63 = vector.broadcast %max3A_62 : f32 to vector<16xf32>
    %max3A_64 = arith.maximumf %sub3A_61, %max3A_63 : vector<16xf32>
    %mul3A_65 = arith.mulf %max3A_64, %max3A_64 : vector<16xf32>
    %mul3A_66 = arith.mulf %mul3A_65, %max3A_64 : vector<16xf32>
    %add3A_67 = arith.addf %broadcast_in_dim3A_3, %mul3A_66 : vector<16xf32>
    %get3A_68 = arith.constant 16 : index
    %get3A_69 = tpu.vector_load %arg17[%get3A_68] {strides = array<i32>} : memref<256xi32, #tpu.memory_space<vmem>>, vector<16xi32>,
    %gather3A_70 = tpu.vector_load_idx %arg12[%get3A_69] : memref<8192xf32, #tpu.memory_space<vmem>>[vector<16xi32>], vector<16xf32>,
    %gather3A_71 = tpu.vector_load_idx %arg13[%get3A_69] : memref<8192xf32, #tpu.memory_space<vmem>>[vector<16xi32>], vector<16xf32>,
    %gather3A_72 = tpu.vector_load_idx %arg14[%get3A_69] : memref<8192xf32, #tpu.memory_space<vmem>>[vector<16xi32>], vector<16xf32>,
    %gather3A_73 = tpu.vector_load_idx %arg15[%get3A_69] : memref<8192xf32, #tpu.memory_space<vmem>>[vector<16xi32>], vector<16xf32>,
    %gather3A_74 = tpu.vector_load_idx %arg16[%get3A_69] : memref<8192xf32, #tpu.memory_space<vmem>>[vector<16xi32>], vector<16xf32>,
    %get3A_75 = arith.constant 16 : index
    %get3A_76 = tpu.vector_load %arg18[%get3A_75] {strides = array<i32>} : memref<256xf32, #tpu.memory_space<vmem>>, vector<16xf32>,
    %mul3A_77 = arith.mulf %get3A_76, %gather3A_70 : vector<16xf32>
    %get3A_78 = arith.constant 16 : index
    %get3A_79 = tpu.vector_load %arg19[%get3A_78] {strides = array<i32>} : memref<256xf32, #tpu.memory_space<vmem>>, vector<16xf32>,
    %mul3A_80 = arith.mulf %get3A_79, %gather3A_71 : vector<16xf32>
    %add3A_81 = arith.addf %mul3A_77, %mul3A_80 : vector<16xf32>
    %get3A_82 = arith.constant 16 : index
    %get3A_83 = tpu.vector_load %arg20[%get3A_82] {strides = array<i32>} : memref<256xf32, #tpu.memory_space<vmem>>, vector<16xf32>,
    %mul3A_84 = arith.mulf %get3A_83, %gather3A_72 : vector<16xf32>
    %add3A_85 = arith.addf %add3A_81, %mul3A_84 : vector<16xf32>
    %sub3A_86 = arith.subf %add3A_85, %gather3A_74 : vector<16xf32>
    %max3A_87 = arith.constant 1.000000e-36 : f32
    %max3A_88 = vector.broadcast %max3A_87 : f32 to vector<16xf32>
    %max3A_89 = arith.maximumf %gather3A_73, %max3A_88 : vector<16xf32>
    %bitcast3A_90 = vector.bitcast %max3A_89 : vector<16xf32> to vector<16xi32>
    %shift_right_arithmetic3A_91 = arith.constant 1 : i32
    %shift_right_arithmetic3A_92 = vector.broadcast %shift_right_arithmetic3A_91 : i32 to vector<16xi32>
    %shift_right_arithmetic3A_93 = arith.shrsi %bitcast3A_90, %shift_right_arithmetic3A_92 : vector<16xi32>
    %sub3A_94 = arith.constant 1597463007 : i32
    %sub3A_95 = vector.broadcast %sub3A_94 : i32 to vector<16xi32>
    %sub3A_96 = arith.subi %sub3A_95, %shift_right_arithmetic3A_93 : vector<16xi32>
    %bitcast3A_97 = vector.bitcast %sub3A_96 : vector<16xi32> to vector<16xf32>
    %mul3A_98 = arith.constant 5.000000e-01 : f32
    %mul3A_99 = vector.broadcast %mul3A_98 : f32 to vector<16xf32>
    %mul3A_100 = arith.mulf %mul3A_99, %max3A_89 : vector<16xf32>
    %mul3A_101 = arith.mulf %mul3A_100, %bitcast3A_97 : vector<16xf32>
    %mul3A_102 = arith.mulf %mul3A_101, %bitcast3A_97 : vector<16xf32>
    %sub3A_103 = arith.constant 1.500000e+00 : f32
    %sub3A_104 = vector.broadcast %sub3A_103 : f32 to vector<16xf32>
    %sub3A_105 = arith.subf %sub3A_104, %mul3A_102 : vector<16xf32>
    %mul3A_106 = arith.mulf %bitcast3A_97, %sub3A_105 : vector<16xf32>
    %mul3A_107 = arith.constant 5.000000e-01 : f32
    %mul3A_108 = vector.broadcast %mul3A_107 : f32 to vector<16xf32>
    %mul3A_109 = arith.mulf %mul3A_108, %max3A_89 : vector<16xf32>
    %mul3A_110 = arith.mulf %mul3A_109, %mul3A_106 : vector<16xf32>
    %mul3A_111 = arith.mulf %mul3A_110, %mul3A_106 : vector<16xf32>
    %sub3A_112 = arith.constant 1.500000e+00 : f32
    %sub3A_113 = vector.broadcast %sub3A_112 : f32 to vector<16xf32>
    %sub3A_114 = arith.subf %sub3A_113, %mul3A_111 : vector<16xf32>
    %mul3A_115 = arith.mulf %mul3A_106, %sub3A_114 : vector<16xf32>
    %mul3A_116 = arith.constant 5.000000e-01 : f32
    %mul3A_117 = vector.broadcast %mul3A_116 : f32 to vector<16xf32>
    %mul3A_118 = arith.mulf %mul3A_117, %max3A_89 : vector<16xf32>
    %mul3A_119 = arith.mulf %mul3A_118, %mul3A_115 : vector<16xf32>
    %mul3A_120 = arith.mulf %mul3A_119, %mul3A_115 : vector<16xf32>
    %sub3A_121 = arith.constant 1.500000e+00 : f32
    %sub3A_122 = vector.broadcast %sub3A_121 : f32 to vector<16xf32>
    %sub3A_123 = arith.subf %sub3A_122, %mul3A_120 : vector<16xf32>
    %mul3A_124 = arith.mulf %mul3A_115, %sub3A_123 : vector<16xf32>
    %mul3A_125 = arith.mulf %gather3A_73, %mul3A_124 : vector<16xf32>
    %add3A_126 = arith.constant 9.99999996E-13 : f32
    %add3A_127 = vector.broadcast %add3A_126 : f32 to vector<16xf32>
    %add3A_128 = arith.addf %mul3A_125, %add3A_127 : vector<16xf32>
    %div3A_129 = arith.divf %sub3A_86, %add3A_128 : vector<16xf32>
    %sub3A_130 = arith.constant 1.000000e-03 : f32
    %sub3A_131 = vector.broadcast %sub3A_130 : f32 to vector<16xf32>
    %sub3A_132 = arith.subf %sub3A_131, %div3A_129 : vector<16xf32>
    %max3A_133 = arith.constant 0.000000e+00 : f32
    %max3A_134 = vector.broadcast %max3A_133 : f32 to vector<16xf32>
    %max3A_135 = arith.maximumf %sub3A_132, %max3A_134 : vector<16xf32>
    %mul3A_136 = arith.mulf %max3A_135, %max3A_135 : vector<16xf32>
    %mul3A_137 = arith.mulf %mul3A_136, %max3A_135 : vector<16xf32>
    %add3A_138 = arith.addf %add3A_67, %mul3A_137 : vector<16xf32>
    %get3A_139 = arith.constant 32 : index
    %get3A_140 = tpu.vector_load %arg17[%get3A_139] {strides = array<i32>} : memref<256xi32, #tpu.memory_space<vmem>>, vector<16xi32>,
    %gather3A_141 = tpu.vector_load_idx %arg12[%get3A_140] : memref<8192xf32, #tpu.memory_space<vmem>>[vector<16xi32>], vector<16xf32>,
    %gather3A_142 = tpu.vector_load_idx %arg13[%get3A_140] : memref<8192xf32, #tpu.memory_space<vmem>>[vector<16xi32>], vector<16xf32>,
    %gather3A_143 = tpu.vector_load_idx %arg14[%get3A_140] : memref<8192xf32, #tpu.memory_space<vmem>>[vector<16xi32>], vector<16xf32>,
    %gather3A_144 = tpu.vector_load_idx %arg15[%get3A_140] : memref<8192xf32, #tpu.memory_space<vmem>>[vector<16xi32>], vector<16xf32>,
    %gather3A_145 = tpu.vector_load_idx %arg16[%get3A_140] : memref<8192xf32, #tpu.memory_space<vmem>>[vector<16xi32>], vector<16xf32>,
    %get3A_146 = arith.constant 32 : index
    %get3A_147 = tpu.vector_load %arg18[%get3A_146] {strides = array<i32>} : memref<256xf32, #tpu.memory_space<vmem>>, vector<16xf32>,
    %mul3A_148 = arith.mulf %get3A_147, %gather3A_141 : vector<16xf32>
    %get3A_149 = arith.constant 32 : index
    %get3A_150 = tpu.vector_load %arg19[%get3A_149] {strides = array<i32>} : memref<256xf32, #tpu.memory_space<vmem>>, vector<16xf32>,
    %mul3A_151 = arith.mulf %get3A_150, %gather3A_142 : vector<16xf32>
    %add3A_152 = arith.addf %mul3A_148, %mul3A_151 : vector<16xf32>
    %get3A_153 = arith.constant 32 : index
    %get3A_154 = tpu.vector_load %arg20[%get3A_153] {strides = array<i32>} : memref<256xf32, #tpu.memory_space<vmem>>, vector<16xf32>,
    %mul3A_155 = arith.mulf %get3A_154, %gather3A_143 : vector<16xf32>
    %add3A_156 = arith.addf %add3A_152, %mul3A_155 : vector<16xf32>
    %sub3A_157 = arith.subf %add3A_156, %gather3A_145 : vector<16xf32>
    %max3A_158 = arith.constant 1.000000e-36 : f32
    %max3A_159 = vector.broadcast %max3A_158 : f32 to vector<16xf32>
    %max3A_160 = arith.maximumf %gather3A_144, %max3A_159 : vector<16xf32>
    %bitcast3A_161 = vector.bitcast %max3A_160 : vector<16xf32> to vector<16xi32>
    %shift_right_arithmetic3A_162 = arith.constant 1 : i32
    %shift_right_arithmetic3A_163 = vector.broadcast %shift_right_arithmetic3A_162 : i32 to vector<16xi32>
    %shift_right_arithmetic3A_164 = arith.shrsi %bitcast3A_161, %shift_right_arithmetic3A_163 : vector<16xi32>
    %sub3A_165 = arith.constant 1597463007 : i32
    %sub3A_166 = vector.broadcast %sub3A_165 : i32 to vector<16xi32>
    %sub3A_167 = arith.subi %sub3A_166, %shift_right_arithmetic3A_164 : vector<16xi32>
    %bitcast3A_168 = vector.bitcast %sub3A_167 : vector<16xi32> to vector<16xf32>
    %mul3A_169 = arith.constant 5.000000e-01 : f32
    %mul3A_170 = vector.broadcast %mul3A_169 : f32 to vector<16xf32>
    %mul3A_171 = arith.mulf %mul3A_170, %max3A_160 : vector<16xf32>
    %mul3A_172 = arith.mulf %mul3A_171, %bitcast3A_168 : vector<16xf32>
    %mul3A_173 = arith.mulf %mul3A_172, %bitcast3A_168 : vector<16xf32>
    %sub3A_174 = arith.constant 1.500000e+00 : f32
    %sub3A_175 = vector.broadcast %sub3A_174 : f32 to vector<16xf32>
    %sub3A_176 = arith.subf %sub3A_175, %mul3A_173 : vector<16xf32>
    %mul3A_177 = arith.mulf %bitcast3A_168, %sub3A_176 : vector<16xf32>
    %mul3A_178 = arith.constant 5.000000e-01 : f32
    %mul3A_179 = vector.broadcast %mul3A_178 : f32 to vector<16xf32>
    %mul3A_180 = arith.mulf %mul3A_179, %max3A_160 : vector<16xf32>
    %mul3A_181 = arith.mulf %mul3A_180, %mul3A_177 : vector<16xf32>
    %mul3A_182 = arith.mulf %mul3A_181, %mul3A_177 : vector<16xf32>
    %sub3A_183 = arith.constant 1.500000e+00 : f32
    %sub3A_184 = vector.broadcast %sub3A_183 : f32 to vector<16xf32>
    %sub3A_185 = arith.subf %sub3A_184, %mul3A_182 : vector<16xf32>
    %mul3A_186 = arith.mulf %mul3A_177, %sub3A_185 : vector<16xf32>
    %mul3A_187 = arith.constant 5.000000e-01 : f32
    %mul3A_188 = vector.broadcast %mul3A_187 : f32 to vector<16xf32>
    %mul3A_189 = arith.mulf %mul3A_188, %max3A_160 : vector<16xf32>
    %mul3A_190 = arith.mulf %mul3A_189, %mul3A_186 : vector<16xf32>
    %mul3A_191 = arith.mulf %mul3A_190, %mul3A_186 : vector<16xf32>
    %sub3A_192 = arith.constant 1.500000e+00 : f32
    %sub3A_193 = vector.broadcast %sub3A_192 : f32 to vector<16xf32>
    %sub3A_194 = arith.subf %sub3A_193, %mul3A_191 : vector<16xf32>
    %mul3A_195 = arith.mulf %mul3A_186, %sub3A_194 : vector<16xf32>
    %mul3A_196 = arith.mulf %gather3A_144, %mul3A_195 : vector<16xf32>
    %add3A_197 = arith.constant 9.99999996E-13 : f32
    %add3A_198 = vector.broadcast %add3A_197 : f32 to vector<16xf32>
    %add3A_199 = arith.addf %mul3A_196, %add3A_198 : vector<16xf32>
    %div3A_200 = arith.divf %sub3A_157, %add3A_199 : vector<16xf32>
    %sub3A_201 = arith.constant 1.000000e-03 : f32
    %sub3A_202 = vector.broadcast %sub3A_201 : f32 to vector<16xf32>
    %sub3A_203 = arith.subf %sub3A_202, %div3A_200 : vector<16xf32>
    %max3A_204 = arith.constant 0.000000e+00 : f32
    %max3A_205 = vector.broadcast %max3A_204 : f32 to vector<16xf32>
    %max3A_206 = arith.maximumf %sub3A_203, %max3A_205 : vector<16xf32>
    %mul3A_207 = arith.mulf %max3A_206, %max3A_206 : vector<16xf32>
    %mul3A_208 = arith.mulf %mul3A_207, %max3A_206 : vector<16xf32>
    %add3A_209 = arith.addf %add3A_138, %mul3A_208 : vector<16xf32>
    %get3A_210 = arith.constant 48 : index
    %get3A_211 = tpu.vector_load %arg17[%get3A_210] {strides = array<i32>} : memref<256xi32, #tpu.memory_space<vmem>>, vector<16xi32>,
    %gather3A_212 = tpu.vector_load_idx %arg12[%get3A_211] : memref<8192xf32, #tpu.memory_space<vmem>>[vector<16xi32>], vector<16xf32>,
    %gather3A_213 = tpu.vector_load_idx %arg13[%get3A_211] : memref<8192xf32, #tpu.memory_space<vmem>>[vector<16xi32>], vector<16xf32>,
    %gather3A_214 = tpu.vector_load_idx %arg14[%get3A_211] : memref<8192xf32, #tpu.memory_space<vmem>>[vector<16xi32>], vector<16xf32>,
    %gather3A_215 = tpu.vector_load_idx %arg15[%get3A_211] : memref<8192xf32, #tpu.memory_space<vmem>>[vector<16xi32>], vector<16xf32>,
    %gather3A_216 = tpu.vector_load_idx %arg16[%get3A_211] : memref<8192xf32, #tpu.memory_space<vmem>>[vector<16xi32>], vector<16xf32>,
    %get3A_217 = arith.constant 48 : index
    %get3A_218 = tpu.vector_load %arg18[%get3A_217] {strides = array<i32>} : memref<256xf32, #tpu.memory_space<vmem>>, vector<16xf32>,
    %mul3A_219 = arith.mulf %get3A_218, %gather3A_212 : vector<16xf32>
    %get3A_220 = arith.constant 48 : index
    %get3A_221 = tpu.vector_load %arg19[%get3A_220] {strides = array<i32>} : memref<256xf32, #tpu.memory_space<vmem>>, vector<16xf32>,
    %mul3A_222 = arith.mulf %get3A_221, %gather3A_213 : vector<16xf32>
    %add3A_223 = arith.addf %mul3A_219, %mul3A_222 : vector<16xf32>
    %get3A_224 = arith.constant 48 : index
    %get3A_225 = tpu.vector_load %arg20[%get3A_224] {strides = array<i32>} : memref<256xf32, #tpu.memory_space<vmem>>, vector<16xf32>,
    %mul3A_226 = arith.mulf %get3A_225, %gather3A_214 : vector<16xf32>
    %add3A_227 = arith.addf %add3A_223, %mul3A_226 : vector<16xf32>
    %sub3A_228 = arith.subf %add3A_227, %gather3A_216 : vector<16xf32>
    %max3A_229 = arith.constant 1.000000e-36 : f32
    %max3A_230 = vector.broadcast %max3A_229 : f32 to vector<16xf32>
    %max3A_231 = arith.maximumf %gather3A_215, %max3A_230 : vector<16xf32>
    %bitcast3A_232 = vector.bitcast %max3A_231 : vector<16xf32> to vector<16xi32>
    %shift_right_arithmetic3A_233 = arith.constant 1 : i32
    %shift_right_arithmetic3A_234 = vector.broadcast %shift_right_arithmetic3A_233 : i32 to vector<16xi32>
    %shift_right_arithmetic3A_235 = arith.shrsi %bitcast3A_232, %shift_right_arithmetic3A_234 : vector<16xi32>
    %sub3A_236 = arith.constant 1597463007 : i32
    %sub3A_237 = vector.broadcast %sub3A_236 : i32 to vector<16xi32>
    %sub3A_238 = arith.subi %sub3A_237, %shift_right_arithmetic3A_235 : vector<16xi32>
    %bitcast3A_239 = vector.bitcast %sub3A_238 : vector<16xi32> to vector<16xf32>
    %mul3A_240 = arith.constant 5.000000e-01 : f32
    %mul3A_241 = vector.broadcast %mul3A_240 : f32 to vector<16xf32>
    %mul3A_242 = arith.mulf %mul3A_241, %max3A_231 : vector<16xf32>
    %mul3A_243 = arith.mulf %mul3A_242, %bitcast3A_239 : vector<16xf32>
    %mul3A_244 = arith.mulf %mul3A_243, %bitcast3A_239 : vector<16xf32>
    %sub3A_245 = arith.constant 1.500000e+00 : f32
    %sub3A_246 = vector.broadcast %sub3A_245 : f32 to vector<16xf32>
    %sub3A_247 = arith.subf %sub3A_246, %mul3A_244 : vector<16xf32>
    %mul3A_248 = arith.mulf %bitcast3A_239, %sub3A_247 : vector<16xf32>
    %mul3A_249 = arith.constant 5.000000e-01 : f32
    %mul3A_250 = vector.broadcast %mul3A_249 : f32 to vector<16xf32>
    %mul3A_251 = arith.mulf %mul3A_250, %max3A_231 : vector<16xf32>
    %mul3A_252 = arith.mulf %mul3A_251, %mul3A_248 : vector<16xf32>
    %mul3A_253 = arith.mulf %mul3A_252, %mul3A_248 : vector<16xf32>
    %sub3A_254 = arith.constant 1.500000e+00 : f32
    %sub3A_255 = vector.broadcast %sub3A_254 : f32 to vector<16xf32>
    %sub3A_256 = arith.subf %sub3A_255, %mul3A_253 : vector<16xf32>
    %mul3A_257 = arith.mulf %mul3A_248, %sub3A_256 : vector<16xf32>
    %mul3A_258 = arith.constant 5.000000e-01 : f32
    %mul3A_259 = vector.broadcast %mul3A_258 : f32 to vector<16xf32>
    %mul3A_260 = arith.mulf %mul3A_259, %max3A_231 : vector<16xf32>
    %mul3A_261 = arith.mulf %mul3A_260, %mul3A_257 : vector<16xf32>
    %mul3A_262 = arith.mulf %mul3A_261, %mul3A_257 : vector<16xf32>
    %sub3A_263 = arith.constant 1.500000e+00 : f32
    %sub3A_264 = vector.broadcast %sub3A_263 : f32 to vector<16xf32>
    %sub3A_265 = arith.subf %sub3A_264, %mul3A_262 : vector<16xf32>
    %mul3A_266 = arith.mulf %mul3A_257, %sub3A_265 : vector<16xf32>
    %mul3A_267 = arith.mulf %gather3A_215, %mul3A_266 : vector<16xf32>
    %add3A_268 = arith.constant 9.99999996E-13 : f32
    %add3A_269 = vector.broadcast %add3A_268 : f32 to vector<16xf32>
    %add3A_270 = arith.addf %mul3A_267, %add3A_269 : vector<16xf32>
    %div3A_271 = arith.divf %sub3A_228, %add3A_270 : vector<16xf32>
    %sub3A_272 = arith.constant 1.000000e-03 : f32
    %sub3A_273 = vector.broadcast %sub3A_272 : f32 to vector<16xf32>
    %sub3A_274 = arith.subf %sub3A_273, %div3A_271 : vector<16xf32>
    %max3A_275 = arith.constant 0.000000e+00 : f32
    %max3A_276 = vector.broadcast %max3A_275 : f32 to vector<16xf32>
    %max3A_277 = arith.maximumf %sub3A_274, %max3A_276 : vector<16xf32>
    %mul3A_278 = arith.mulf %max3A_277, %max3A_277 : vector<16xf32>
    %mul3A_279 = arith.mulf %mul3A_278, %max3A_277 : vector<16xf32>
    %add3A_280 = arith.addf %add3A_209, %mul3A_279 : vector<16xf32>
    %get3A_281 = arith.constant 64 : index
    %get3A_282 = tpu.vector_load %arg17[%get3A_281] {strides = array<i32>} : memref<256xi32, #tpu.memory_space<vmem>>, vector<16xi32>,
    %gather3A_283 = tpu.vector_load_idx %arg12[%get3A_282] : memref<8192xf32, #tpu.memory_space<vmem>>[vector<16xi32>], vector<16xf32>,
    %gather3A_284 = tpu.vector_load_idx %arg13[%get3A_282] : memref<8192xf32, #tpu.memory_space<vmem>>[vector<16xi32>], vector<16xf32>,
    %gather3A_285 = tpu.vector_load_idx %arg14[%get3A_282] : memref<8192xf32, #tpu.memory_space<vmem>>[vector<16xi32>], vector<16xf32>,
    %gather3A_286 = tpu.vector_load_idx %arg15[%get3A_282] : memref<8192xf32, #tpu.memory_space<vmem>>[vector<16xi32>], vector<16xf32>,
    %gather3A_287 = tpu.vector_load_idx %arg16[%get3A_282] : memref<8192xf32, #tpu.memory_space<vmem>>[vector<16xi32>], vector<16xf32>,
    %get3A_288 = arith.constant 64 : index
    %get3A_289 = tpu.vector_load %arg18[%get3A_288] {strides = array<i32>} : memref<256xf32, #tpu.memory_space<vmem>>, vector<16xf32>,
    %mul3A_290 = arith.mulf %get3A_289, %gather3A_283 : vector<16xf32>
    %get3A_291 = arith.constant 64 : index
    %get3A_292 = tpu.vector_load %arg19[%get3A_291] {strides = array<i32>} : memref<256xf32, #tpu.memory_space<vmem>>, vector<16xf32>,
    %mul3A_293 = arith.mulf %get3A_292, %gather3A_284 : vector<16xf32>
    %add3A_294 = arith.addf %mul3A_290, %mul3A_293 : vector<16xf32>
    %get3A_295 = arith.constant 64 : index
    %get3A_296 = tpu.vector_load %arg20[%get3A_295] {strides = array<i32>} : memref<256xf32, #tpu.memory_space<vmem>>, vector<16xf32>,
    %mul3A_297 = arith.mulf %get3A_296, %gather3A_285 : vector<16xf32>
    %add3A_298 = arith.addf %add3A_294, %mul3A_297 : vector<16xf32>
    %sub3A_299 = arith.subf %add3A_298, %gather3A_287 : vector<16xf32>
    %max3A_300 = arith.constant 1.000000e-36 : f32
    %max3A_301 = vector.broadcast %max3A_300 : f32 to vector<16xf32>
    %max3A_302 = arith.maximumf %gather3A_286, %max3A_301 : vector<16xf32>
    %bitcast3A_303 = vector.bitcast %max3A_302 : vector<16xf32> to vector<16xi32>
    %shift_right_arithmetic3A_304 = arith.constant 1 : i32
    %shift_right_arithmetic3A_305 = vector.broadcast %shift_right_arithmetic3A_304 : i32 to vector<16xi32>
    %shift_right_arithmetic3A_306 = arith.shrsi %bitcast3A_303, %shift_right_arithmetic3A_305 : vector<16xi32>
    %sub3A_307 = arith.constant 1597463007 : i32
    %sub3A_308 = vector.broadcast %sub3A_307 : i32 to vector<16xi32>
    %sub3A_309 = arith.subi %sub3A_308, %shift_right_arithmetic3A_306 : vector<16xi32>
    %bitcast3A_310 = vector.bitcast %sub3A_309 : vector<16xi32> to vector<16xf32>
    %mul3A_311 = arith.constant 5.000000e-01 : f32
    %mul3A_312 = vector.broadcast %mul3A_311 : f32 to vector<16xf32>
    %mul3A_313 = arith.mulf %mul3A_312, %max3A_302 : vector<16xf32>
    %mul3A_314 = arith.mulf %mul3A_313, %bitcast3A_310 : vector<16xf32>
    %mul3A_315 = arith.mulf %mul3A_314, %bitcast3A_310 : vector<16xf32>
    %sub3A_316 = arith.constant 1.500000e+00 : f32
    %sub3A_317 = vector.broadcast %sub3A_316 : f32 to vector<16xf32>
    %sub3A_318 = arith.subf %sub3A_317, %mul3A_315 : vector<16xf32>
    %mul3A_319 = arith.mulf %bitcast3A_310, %sub3A_318 : vector<16xf32>
    %mul3A_320 = arith.constant 5.000000e-01 : f32
    %mul3A_321 = vector.broadcast %mul3A_320 : f32 to vector<16xf32>
    %mul3A_322 = arith.mulf %mul3A_321, %max3A_302 : vector<16xf32>
    %mul3A_323 = arith.mulf %mul3A_322, %mul3A_319 : vector<16xf32>
    %mul3A_324 = arith.mulf %mul3A_323, %mul3A_319 : vector<16xf32>
    %sub3A_325 = arith.constant 1.500000e+00 : f32
    %sub3A_326 = vector.broadcast %sub3A_325 : f32 to vector<16xf32>
    %sub3A_327 = arith.subf %sub3A_326, %mul3A_324 : vector<16xf32>
    %mul3A_328 = arith.mulf %mul3A_319, %sub3A_327 : vector<16xf32>
    %mul3A_329 = arith.constant 5.000000e-01 : f32
    %mul3A_330 = vector.broadcast %mul3A_329 : f32 to vector<16xf32>
    %mul3A_331 = arith.mulf %mul3A_330, %max3A_302 : vector<16xf32>
    %mul3A_332 = arith.mulf %mul3A_331, %mul3A_328 : vector<16xf32>
    %mul3A_333 = arith.mulf %mul3A_332, %mul3A_328 : vector<16xf32>
    %sub3A_334 = arith.constant 1.500000e+00 : f32
    %sub3A_335 = vector.broadcast %sub3A_334 : f32 to vector<16xf32>
    %sub3A_336 = arith.subf %sub3A_335, %mul3A_333 : vector<16xf32>
    %mul3A_337 = arith.mulf %mul3A_328, %sub3A_336 : vector<16xf32>
    %mul3A_338 = arith.mulf %gather3A_286, %mul3A_337 : vector<16xf32>
    %add3A_339 = arith.constant 9.99999996E-13 : f32
    %add3A_340 = vector.broadcast %add3A_339 : f32 to vector<16xf32>
    %add3A_341 = arith.addf %mul3A_338, %add3A_340 : vector<16xf32>
    %div3A_342 = arith.divf %sub3A_299, %add3A_341 : vector<16xf32>
    %sub3A_343 = arith.constant 1.000000e-03 : f32
    %sub3A_344 = vector.broadcast %sub3A_343 : f32 to vector<16xf32>
    %sub3A_345 = arith.subf %sub3A_344, %div3A_342 : vector<16xf32>
    %max3A_346 = arith.constant 0.000000e+00 : f32
    %max3A_347 = vector.broadcast %max3A_346 : f32 to vector<16xf32>
    %max3A_348 = arith.maximumf %sub3A_345, %max3A_347 : vector<16xf32>
    %mul3A_349 = arith.mulf %max3A_348, %max3A_348 : vector<16xf32>
    %mul3A_350 = arith.mulf %mul3A_349, %max3A_348 : vector<16xf32>
    %add3A_351 = arith.addf %add3A_280, %mul3A_350 : vector<16xf32>
    %get3A_352 = arith.constant 80 : index
    %get3A_353 = tpu.vector_load %arg17[%get3A_352] {strides = array<i32>} : memref<256xi32, #tpu.memory_space<vmem>>, vector<16xi32>,
    %gather3A_354 = tpu.vector_load_idx %arg12[%get3A_353] : memref<8192xf32, #tpu.memory_space<vmem>>[vector<16xi32>], vector<16xf32>,
    %gather3A_355 = tpu.vector_load_idx %arg13[%get3A_353] : memref<8192xf32, #tpu.memory_space<vmem>>[vector<16xi32>], vector<16xf32>,
    %gather3A_356 = tpu.vector_load_idx %arg14[%get3A_353] : memref<8192xf32, #tpu.memory_space<vmem>>[vector<16xi32>], vector<16xf32>,
    %gather3A_357 = tpu.vector_load_idx %arg15[%get3A_353] : memref<8192xf32, #tpu.memory_space<vmem>>[vector<16xi32>], vector<16xf32>,
    %gather3A_358 = tpu.vector_load_idx %arg16[%get3A_353] : memref<8192xf32, #tpu.memory_space<vmem>>[vector<16xi32>], vector<16xf32>,
    %get3A_359 = arith.constant 80 : index
    %get3A_360 = tpu.vector_load %arg18[%get3A_359] {strides = array<i32>} : memref<256xf32, #tpu.memory_space<vmem>>, vector<16xf32>,
    %mul3A_361 = arith.mulf %get3A_360, %gather3A_354 : vector<16xf32>
    %get3A_362 = arith.constant 80 : index
    %get3A_363 = tpu.vector_load %arg19[%get3A_362] {strides = array<i32>} : memref<256xf32, #tpu.memory_space<vmem>>, vector<16xf32>,
    %mul3A_364 = arith.mulf %get3A_363, %gather3A_355 : vector<16xf32>
    %add3A_365 = arith.addf %mul3A_361, %mul3A_364 : vector<16xf32>
    %get3A_366 = arith.constant 80 : index
    %get3A_367 = tpu.vector_load %arg20[%get3A_366] {strides = array<i32>} : memref<256xf32, #tpu.memory_space<vmem>>, vector<16xf32>,
    %mul3A_368 = arith.mulf %get3A_367, %gather3A_356 : vector<16xf32>
    %add3A_369 = arith.addf %add3A_365, %mul3A_368 : vector<16xf32>
    %sub3A_370 = arith.subf %add3A_369, %gather3A_358 : vector<16xf32>
    %max3A_371 = arith.constant 1.000000e-36 : f32
    %max3A_372 = vector.broadcast %max3A_371 : f32 to vector<16xf32>
    %max3A_373 = arith.maximumf %gather3A_357, %max3A_372 : vector<16xf32>
    %bitcast3A_374 = vector.bitcast %max3A_373 : vector<16xf32> to vector<16xi32>
    %shift_right_arithmetic3A_375 = arith.constant 1 : i32
    %shift_right_arithmetic3A_376 = vector.broadcast %shift_right_arithmetic3A_375 : i32 to vector<16xi32>
    %shift_right_arithmetic3A_377 = arith.shrsi %bitcast3A_374, %shift_right_arithmetic3A_376 : vector<16xi32>
    %sub3A_378 = arith.constant 1597463007 : i32
    %sub3A_379 = vector.broadcast %sub3A_378 : i32 to vector<16xi32>
    %sub3A_380 = arith.subi %sub3A_379, %shift_right_arithmetic3A_377 : vector<16xi32>
    %bitcast3A_381 = vector.bitcast %sub3A_380 : vector<16xi32> to vector<16xf32>
    %mul3A_382 = arith.constant 5.000000e-01 : f32
    %mul3A_383 = vector.broadcast %mul3A_382 : f32 to vector<16xf32>
    %mul3A_384 = arith.mulf %mul3A_383, %max3A_373 : vector<16xf32>
    %mul3A_385 = arith.mulf %mul3A_384, %bitcast3A_381 : vector<16xf32>
    %mul3A_386 = arith.mulf %mul3A_385, %bitcast3A_381 : vector<16xf32>
    %sub3A_387 = arith.constant 1.500000e+00 : f32
    %sub3A_388 = vector.broadcast %sub3A_387 : f32 to vector<16xf32>
    %sub3A_389 = arith.subf %sub3A_388, %mul3A_386 : vector<16xf32>
    %mul3A_390 = arith.mulf %bitcast3A_381, %sub3A_389 : vector<16xf32>
    %mul3A_391 = arith.constant 5.000000e-01 : f32
    %mul3A_392 = vector.broadcast %mul3A_391 : f32 to vector<16xf32>
    %mul3A_393 = arith.mulf %mul3A_392, %max3A_373 : vector<16xf32>
    %mul3A_394 = arith.mulf %mul3A_393, %mul3A_390 : vector<16xf32>
    %mul3A_395 = arith.mulf %mul3A_394, %mul3A_390 : vector<16xf32>
    %sub3A_396 = arith.constant 1.500000e+00 : f32
    %sub3A_397 = vector.broadcast %sub3A_396 : f32 to vector<16xf32>
    %sub3A_398 = arith.subf %sub3A_397, %mul3A_395 : vector<16xf32>
    %mul3A_399 = arith.mulf %mul3A_390, %sub3A_398 : vector<16xf32>
    %mul3A_400 = arith.constant 5.000000e-01 : f32
    %mul3A_401 = vector.broadcast %mul3A_400 : f32 to vector<16xf32>
    %mul3A_402 = arith.mulf %mul3A_401, %max3A_373 : vector<16xf32>
    %mul3A_403 = arith.mulf %mul3A_402, %mul3A_399 : vector<16xf32>
    %mul3A_404 = arith.mulf %mul3A_403, %mul3A_399 : vector<16xf32>
    %sub3A_405 = arith.constant 1.500000e+00 : f32
    %sub3A_406 = vector.broadcast %sub3A_405 : f32 to vector<16xf32>
    %sub3A_407 = arith.subf %sub3A_406, %mul3A_404 : vector<16xf32>
    %mul3A_408 = arith.mulf %mul3A_399, %sub3A_407 : vector<16xf32>
    %mul3A_409 = arith.mulf %gather3A_357, %mul3A_408 : vector<16xf32>
    %add3A_410 = arith.constant 9.99999996E-13 : f32
    %add3A_411 = vector.broadcast %add3A_410 : f32 to vector<16xf32>
    %add3A_412 = arith.addf %mul3A_409, %add3A_411 : vector<16xf32>
    %div3A_413 = arith.divf %sub3A_370, %add3A_412 : vector<16xf32>
    %sub3A_414 = arith.constant 1.000000e-03 : f32
    %sub3A_415 = vector.broadcast %sub3A_414 : f32 to vector<16xf32>
    %sub3A_416 = arith.subf %sub3A_415, %div3A_413 : vector<16xf32>
    %max3A_417 = arith.constant 0.000000e+00 : f32
    %max3A_418 = vector.broadcast %max3A_417 : f32 to vector<16xf32>
    %max3A_419 = arith.maximumf %sub3A_416, %max3A_418 : vector<16xf32>
    %mul3A_420 = arith.mulf %max3A_419, %max3A_419 : vector<16xf32>
    %mul3A_421 = arith.mulf %mul3A_420, %max3A_419 : vector<16xf32>
    %add3A_422 = arith.addf %add3A_351, %mul3A_421 : vector<16xf32>
    %get3A_423 = arith.constant 96 : index
    %get3A_424 = tpu.vector_load %arg17[%get3A_423] {strides = array<i32>} : memref<256xi32, #tpu.memory_space<vmem>>, vector<16xi32>,
    %gather3A_425 = tpu.vector_load_idx %arg12[%get3A_424] : memref<8192xf32, #tpu.memory_space<vmem>>[vector<16xi32>], vector<16xf32>,
    %gather3A_426 = tpu.vector_load_idx %arg13[%get3A_424] : memref<8192xf32, #tpu.memory_space<vmem>>[vector<16xi32>], vector<16xf32>,
    %gather3A_427 = tpu.vector_load_idx %arg14[%get3A_424] : memref<8192xf32, #tpu.memory_space<vmem>>[vector<16xi32>], vector<16xf32>,
    %gather3A_428 = tpu.vector_load_idx %arg15[%get3A_424] : memref<8192xf32, #tpu.memory_space<vmem>>[vector<16xi32>], vector<16xf32>,
    %gather3A_429 = tpu.vector_load_idx %arg16[%get3A_424] : memref<8192xf32, #tpu.memory_space<vmem>>[vector<16xi32>], vector<16xf32>,
    %get3A_430 = arith.constant 96 : index
    %get3A_431 = tpu.vector_load %arg18[%get3A_430] {strides = array<i32>} : memref<256xf32, #tpu.memory_space<vmem>>, vector<16xf32>,
    %mul3A_432 = arith.mulf %get3A_431, %gather3A_425 : vector<16xf32>
    %get3A_433 = arith.constant 96 : index
    %get3A_434 = tpu.vector_load %arg19[%get3A_433] {strides = array<i32>} : memref<256xf32, #tpu.memory_space<vmem>>, vector<16xf32>,
    %mul3A_435 = arith.mulf %get3A_434, %gather3A_426 : vector<16xf32>
    %add3A_436 = arith.addf %mul3A_432, %mul3A_435 : vector<16xf32>
    %get3A_437 = arith.constant 96 : index
    %get3A_438 = tpu.vector_load %arg20[%get3A_437] {strides = array<i32>} : memref<256xf32, #tpu.memory_space<vmem>>, vector<16xf32>,
    %mul3A_439 = arith.mulf %get3A_438, %gather3A_427 : vector<16xf32>
    %add3A_440 = arith.addf %add3A_436, %mul3A_439 : vector<16xf32>
    %sub3A_441 = arith.subf %add3A_440, %gather3A_429 : vector<16xf32>
    %max3A_442 = arith.constant 1.000000e-36 : f32
    %max3A_443 = vector.broadcast %max3A_442 : f32 to vector<16xf32>
    %max3A_444 = arith.maximumf %gather3A_428, %max3A_443 : vector<16xf32>
    %bitcast3A_445 = vector.bitcast %max3A_444 : vector<16xf32> to vector<16xi32>
    %shift_right_arithmetic3A_446 = arith.constant 1 : i32
    %shift_right_arithmetic3A_447 = vector.broadcast %shift_right_arithmetic3A_446 : i32 to vector<16xi32>
    %shift_right_arithmetic3A_448 = arith.shrsi %bitcast3A_445, %shift_right_arithmetic3A_447 : vector<16xi32>
    %sub3A_449 = arith.constant 1597463007 : i32
    %sub3A_450 = vector.broadcast %sub3A_449 : i32 to vector<16xi32>
    %sub3A_451 = arith.subi %sub3A_450, %shift_right_arithmetic3A_448 : vector<16xi32>
    %bitcast3A_452 = vector.bitcast %sub3A_451 : vector<16xi32> to vector<16xf32>
    %mul3A_453 = arith.constant 5.000000e-01 : f32
    %mul3A_454 = vector.broadcast %mul3A_453 : f32 to vector<16xf32>
    %mul3A_455 = arith.mulf %mul3A_454, %max3A_444 : vector<16xf32>
    %mul3A_456 = arith.mulf %mul3A_455, %bitcast3A_452 : vector<16xf32>
    %mul3A_457 = arith.mulf %mul3A_456, %bitcast3A_452 : vector<16xf32>
    %sub3A_458 = arith.constant 1.500000e+00 : f32
    %sub3A_459 = vector.broadcast %sub3A_458 : f32 to vector<16xf32>
    %sub3A_460 = arith.subf %sub3A_459, %mul3A_457 : vector<16xf32>
    %mul3A_461 = arith.mulf %bitcast3A_452, %sub3A_460 : vector<16xf32>
    %mul3A_462 = arith.constant 5.000000e-01 : f32
    %mul3A_463 = vector.broadcast %mul3A_462 : f32 to vector<16xf32>
    %mul3A_464 = arith.mulf %mul3A_463, %max3A_444 : vector<16xf32>
    %mul3A_465 = arith.mulf %mul3A_464, %mul3A_461 : vector<16xf32>
    %mul3A_466 = arith.mulf %mul3A_465, %mul3A_461 : vector<16xf32>
    %sub3A_467 = arith.constant 1.500000e+00 : f32
    %sub3A_468 = vector.broadcast %sub3A_467 : f32 to vector<16xf32>
    %sub3A_469 = arith.subf %sub3A_468, %mul3A_466 : vector<16xf32>
    %mul3A_470 = arith.mulf %mul3A_461, %sub3A_469 : vector<16xf32>
    %mul3A_471 = arith.constant 5.000000e-01 : f32
    %mul3A_472 = vector.broadcast %mul3A_471 : f32 to vector<16xf32>
    %mul3A_473 = arith.mulf %mul3A_472, %max3A_444 : vector<16xf32>
    %mul3A_474 = arith.mulf %mul3A_473, %mul3A_470 : vector<16xf32>
    %mul3A_475 = arith.mulf %mul3A_474, %mul3A_470 : vector<16xf32>
    %sub3A_476 = arith.constant 1.500000e+00 : f32
    %sub3A_477 = vector.broadcast %sub3A_476 : f32 to vector<16xf32>
    %sub3A_478 = arith.subf %sub3A_477, %mul3A_475 : vector<16xf32>
    %mul3A_479 = arith.mulf %mul3A_470, %sub3A_478 : vector<16xf32>
    %mul3A_480 = arith.mulf %gather3A_428, %mul3A_479 : vector<16xf32>
    %add3A_481 = arith.constant 9.99999996E-13 : f32
    %add3A_482 = vector.broadcast %add3A_481 : f32 to vector<16xf32>
    %add3A_483 = arith.addf %mul3A_480, %add3A_482 : vector<16xf32>
    %div3A_484 = arith.divf %sub3A_441, %add3A_483 : vector<16xf32>
    %sub3A_485 = arith.constant 1.000000e-03 : f32
    %sub3A_486 = vector.broadcast %sub3A_485 : f32 to vector<16xf32>
    %sub3A_487 = arith.subf %sub3A_486, %div3A_484 : vector<16xf32>
    %max3A_488 = arith.constant 0.000000e+00 : f32
    %max3A_489 = vector.broadcast %max3A_488 : f32 to vector<16xf32>
    %max3A_490 = arith.maximumf %sub3A_487, %max3A_489 : vector<16xf32>
    %mul3A_491 = arith.mulf %max3A_490, %max3A_490 : vector<16xf32>
    %mul3A_492 = arith.mulf %mul3A_491, %max3A_490 : vector<16xf32>
    %add3A_493 = arith.addf %add3A_422, %mul3A_492 : vector<16xf32>
    %get3A_494 = arith.constant 112 : index
    %get3A_495 = tpu.vector_load %arg17[%get3A_494] {strides = array<i32>} : memref<256xi32, #tpu.memory_space<vmem>>, vector<16xi32>,
    %gather3A_496 = tpu.vector_load_idx %arg12[%get3A_495] : memref<8192xf32, #tpu.memory_space<vmem>>[vector<16xi32>], vector<16xf32>,
    %gather3A_497 = tpu.vector_load_idx %arg13[%get3A_495] : memref<8192xf32, #tpu.memory_space<vmem>>[vector<16xi32>], vector<16xf32>,
    %gather3A_498 = tpu.vector_load_idx %arg14[%get3A_495] : memref<8192xf32, #tpu.memory_space<vmem>>[vector<16xi32>], vector<16xf32>,
    %gather3A_499 = tpu.vector_load_idx %arg15[%get3A_495] : memref<8192xf32, #tpu.memory_space<vmem>>[vector<16xi32>], vector<16xf32>,
    %gather3A_500 = tpu.vector_load_idx %arg16[%get3A_495] : memref<8192xf32, #tpu.memory_space<vmem>>[vector<16xi32>], vector<16xf32>,
    %get3A_501 = arith.constant 112 : index
    %get3A_502 = tpu.vector_load %arg18[%get3A_501] {strides = array<i32>} : memref<256xf32, #tpu.memory_space<vmem>>, vector<16xf32>,
    %mul3A_503 = arith.mulf %get3A_502, %gather3A_496 : vector<16xf32>
    %get3A_504 = arith.constant 112 : index
    %get3A_505 = tpu.vector_load %arg19[%get3A_504] {strides = array<i32>} : memref<256xf32, #tpu.memory_space<vmem>>, vector<16xf32>,
    %mul3A_506 = arith.mulf %get3A_505, %gather3A_497 : vector<16xf32>
    %add3A_507 = arith.addf %mul3A_503, %mul3A_506 : vector<16xf32>
    %get3A_508 = arith.constant 112 : index
    %get3A_509 = tpu.vector_load %arg20[%get3A_508] {strides = array<i32>} : memref<256xf32, #tpu.memory_space<vmem>>, vector<16xf32>,
    %mul3A_510 = arith.mulf %get3A_509, %gather3A_498 : vector<16xf32>
    %add3A_511 = arith.addf %add3A_507, %mul3A_510 : vector<16xf32>
    %sub3A_512 = arith.subf %add3A_511, %gather3A_500 : vector<16xf32>
    %max3A_513 = arith.constant 1.000000e-36 : f32
    %max3A_514 = vector.broadcast %max3A_513 : f32 to vector<16xf32>
    %max3A_515 = arith.maximumf %gather3A_499, %max3A_514 : vector<16xf32>
    %bitcast3A_516 = vector.bitcast %max3A_515 : vector<16xf32> to vector<16xi32>
    %shift_right_arithmetic3A_517 = arith.constant 1 : i32
    %shift_right_arithmetic3A_518 = vector.broadcast %shift_right_arithmetic3A_517 : i32 to vector<16xi32>
    %shift_right_arithmetic3A_519 = arith.shrsi %bitcast3A_516, %shift_right_arithmetic3A_518 : vector<16xi32>
    %sub3A_520 = arith.constant 1597463007 : i32
    %sub3A_521 = vector.broadcast %sub3A_520 : i32 to vector<16xi32>
    %sub3A_522 = arith.subi %sub3A_521, %shift_right_arithmetic3A_519 : vector<16xi32>
    %bitcast3A_523 = vector.bitcast %sub3A_522 : vector<16xi32> to vector<16xf32>
    %mul3A_524 = arith.constant 5.000000e-01 : f32
    %mul3A_525 = vector.broadcast %mul3A_524 : f32 to vector<16xf32>
    %mul3A_526 = arith.mulf %mul3A_525, %max3A_515 : vector<16xf32>
    %mul3A_527 = arith.mulf %mul3A_526, %bitcast3A_523 : vector<16xf32>
    %mul3A_528 = arith.mulf %mul3A_527, %bitcast3A_523 : vector<16xf32>
    %sub3A_529 = arith.constant 1.500000e+00 : f32
    %sub3A_530 = vector.broadcast %sub3A_529 : f32 to vector<16xf32>
    %sub3A_531 = arith.subf %sub3A_530, %mul3A_528 : vector<16xf32>
    %mul3A_532 = arith.mulf %bitcast3A_523, %sub3A_531 : vector<16xf32>
    %mul3A_533 = arith.constant 5.000000e-01 : f32
    %mul3A_534 = vector.broadcast %mul3A_533 : f32 to vector<16xf32>
    %mul3A_535 = arith.mulf %mul3A_534, %max3A_515 : vector<16xf32>
    %mul3A_536 = arith.mulf %mul3A_535, %mul3A_532 : vector<16xf32>
    %mul3A_537 = arith.mulf %mul3A_536, %mul3A_532 : vector<16xf32>
    %sub3A_538 = arith.constant 1.500000e+00 : f32
    %sub3A_539 = vector.broadcast %sub3A_538 : f32 to vector<16xf32>
    %sub3A_540 = arith.subf %sub3A_539, %mul3A_537 : vector<16xf32>
    %mul3A_541 = arith.mulf %mul3A_532, %sub3A_540 : vector<16xf32>
    %mul3A_542 = arith.constant 5.000000e-01 : f32
    %mul3A_543 = vector.broadcast %mul3A_542 : f32 to vector<16xf32>
    %mul3A_544 = arith.mulf %mul3A_543, %max3A_515 : vector<16xf32>
    %mul3A_545 = arith.mulf %mul3A_544, %mul3A_541 : vector<16xf32>
    %mul3A_546 = arith.mulf %mul3A_545, %mul3A_541 : vector<16xf32>
    %sub3A_547 = arith.constant 1.500000e+00 : f32
    %sub3A_548 = vector.broadcast %sub3A_547 : f32 to vector<16xf32>
    %sub3A_549 = arith.subf %sub3A_548, %mul3A_546 : vector<16xf32>
    %mul3A_550 = arith.mulf %mul3A_541, %sub3A_549 : vector<16xf32>
    %mul3A_551 = arith.mulf %gather3A_499, %mul3A_550 : vector<16xf32>
    %add3A_552 = arith.constant 9.99999996E-13 : f32
    %add3A_553 = vector.broadcast %add3A_552 : f32 to vector<16xf32>
    %add3A_554 = arith.addf %mul3A_551, %add3A_553 : vector<16xf32>
    %div3A_555 = arith.divf %sub3A_512, %add3A_554 : vector<16xf32>
    %sub3A_556 = arith.constant 1.000000e-03 : f32
    %sub3A_557 = vector.broadcast %sub3A_556 : f32 to vector<16xf32>
    %sub3A_558 = arith.subf %sub3A_557, %div3A_555 : vector<16xf32>
    %max3A_559 = arith.constant 0.000000e+00 : f32
    %max3A_560 = vector.broadcast %max3A_559 : f32 to vector<16xf32>
    %max3A_561 = arith.maximumf %sub3A_558, %max3A_560 : vector<16xf32>
    %mul3A_562 = arith.mulf %max3A_561, %max3A_561 : vector<16xf32>
    %mul3A_563 = arith.mulf %mul3A_562, %max3A_561 : vector<16xf32>
    %add3A_564 = arith.addf %add3A_493, %mul3A_563 : vector<16xf32>
    %get3A_565 = arith.constant 128 : index
    %get3A_566 = tpu.vector_load %arg17[%get3A_565] {strides = array<i32>} : memref<256xi32, #tpu.memory_space<vmem>>, vector<16xi32>,
    %gather3A_567 = tpu.vector_load_idx %arg12[%get3A_566] : memref<8192xf32, #tpu.memory_space<vmem>>[vector<16xi32>], vector<16xf32>,
    %gather3A_568 = tpu.vector_load_idx %arg13[%get3A_566] : memref<8192xf32, #tpu.memory_space<vmem>>[vector<16xi32>], vector<16xf32>,
    %gather3A_569 = tpu.vector_load_idx %arg14[%get3A_566] : memref<8192xf32, #tpu.memory_space<vmem>>[vector<16xi32>], vector<16xf32>,
    %gather3A_570 = tpu.vector_load_idx %arg15[%get3A_566] : memref<8192xf32, #tpu.memory_space<vmem>>[vector<16xi32>], vector<16xf32>,
    %gather3A_571 = tpu.vector_load_idx %arg16[%get3A_566] : memref<8192xf32, #tpu.memory_space<vmem>>[vector<16xi32>], vector<16xf32>,
    %get3A_572 = arith.constant 128 : index
    %get3A_573 = tpu.vector_load %arg18[%get3A_572] {strides = array<i32>} : memref<256xf32, #tpu.memory_space<vmem>>, vector<16xf32>,
    %mul3A_574 = arith.mulf %get3A_573, %gather3A_567 : vector<16xf32>
    %get3A_575 = arith.constant 128 : index
    %get3A_576 = tpu.vector_load %arg19[%get3A_575] {strides = array<i32>} : memref<256xf32, #tpu.memory_space<vmem>>, vector<16xf32>,
    %mul3A_577 = arith.mulf %get3A_576, %gather3A_568 : vector<16xf32>
    %add3A_578 = arith.addf %mul3A_574, %mul3A_577 : vector<16xf32>
    %get3A_579 = arith.constant 128 : index
    %get3A_580 = tpu.vector_load %arg20[%get3A_579] {strides = array<i32>} : memref<256xf32, #tpu.memory_space<vmem>>, vector<16xf32>,
    %mul3A_581 = arith.mulf %get3A_580, %gather3A_569 : vector<16xf32>
    %add3A_582 = arith.addf %add3A_578, %mul3A_581 : vector<16xf32>
    %sub3A_583 = arith.subf %add3A_582, %gather3A_571 : vector<16xf32>
    %max3A_584 = arith.constant 1.000000e-36 : f32
    %max3A_585 = vector.broadcast %max3A_584 : f32 to vector<16xf32>
    %max3A_586 = arith.maximumf %gather3A_570, %max3A_585 : vector<16xf32>
    %bitcast3A_587 = vector.bitcast %max3A_586 : vector<16xf32> to vector<16xi32>
    %shift_right_arithmetic3A_588 = arith.constant 1 : i32
    %shift_right_arithmetic3A_589 = vector.broadcast %shift_right_arithmetic3A_588 : i32 to vector<16xi32>
    %shift_right_arithmetic3A_590 = arith.shrsi %bitcast3A_587, %shift_right_arithmetic3A_589 : vector<16xi32>
    %sub3A_591 = arith.constant 1597463007 : i32
    %sub3A_592 = vector.broadcast %sub3A_591 : i32 to vector<16xi32>
    %sub3A_593 = arith.subi %sub3A_592, %shift_right_arithmetic3A_590 : vector<16xi32>
    %bitcast3A_594 = vector.bitcast %sub3A_593 : vector<16xi32> to vector<16xf32>
    %mul3A_595 = arith.constant 5.000000e-01 : f32
    %mul3A_596 = vector.broadcast %mul3A_595 : f32 to vector<16xf32>
    %mul3A_597 = arith.mulf %mul3A_596, %max3A_586 : vector<16xf32>
    %mul3A_598 = arith.mulf %mul3A_597, %bitcast3A_594 : vector<16xf32>
    %mul3A_599 = arith.mulf %mul3A_598, %bitcast3A_594 : vector<16xf32>
    %sub3A_600 = arith.constant 1.500000e+00 : f32
    %sub3A_601 = vector.broadcast %sub3A_600 : f32 to vector<16xf32>
    %sub3A_602 = arith.subf %sub3A_601, %mul3A_599 : vector<16xf32>
    %mul3A_603 = arith.mulf %bitcast3A_594, %sub3A_602 : vector<16xf32>
    %mul3A_604 = arith.constant 5.000000e-01 : f32
    %mul3A_605 = vector.broadcast %mul3A_604 : f32 to vector<16xf32>
    %mul3A_606 = arith.mulf %mul3A_605, %max3A_586 : vector<16xf32>
    %mul3A_607 = arith.mulf %mul3A_606, %mul3A_603 : vector<16xf32>
    %mul3A_608 = arith.mulf %mul3A_607, %mul3A_603 : vector<16xf32>
    %sub3A_609 = arith.constant 1.500000e+00 : f32
    %sub3A_610 = vector.broadcast %sub3A_609 : f32 to vector<16xf32>
    %sub3A_611 = arith.subf %sub3A_610, %mul3A_608 : vector<16xf32>
    %mul3A_612 = arith.mulf %mul3A_603, %sub3A_611 : vector<16xf32>
    %mul3A_613 = arith.constant 5.000000e-01 : f32
    %mul3A_614 = vector.broadcast %mul3A_613 : f32 to vector<16xf32>
    %mul3A_615 = arith.mulf %mul3A_614, %max3A_586 : vector<16xf32>
    %mul3A_616 = arith.mulf %mul3A_615, %mul3A_612 : vector<16xf32>
    %mul3A_617 = arith.mulf %mul3A_616, %mul3A_612 : vector<16xf32>
    %sub3A_618 = arith.constant 1.500000e+00 : f32
    %sub3A_619 = vector.broadcast %sub3A_618 : f32 to vector<16xf32>
    %sub3A_620 = arith.subf %sub3A_619, %mul3A_617 : vector<16xf32>
    %mul3A_621 = arith.mulf %mul3A_612, %sub3A_620 : vector<16xf32>
    %mul3A_622 = arith.mulf %gather3A_570, %mul3A_621 : vector<16xf32>
    %add3A_623 = arith.constant 9.99999996E-13 : f32
    %add3A_624 = vector.broadcast %add3A_623 : f32 to vector<16xf32>
    %add3A_625 = arith.addf %mul3A_622, %add3A_624 : vector<16xf32>
    %div3A_626 = arith.divf %sub3A_583, %add3A_625 : vector<16xf32>
    %sub3A_627 = arith.constant 1.000000e-03 : f32
    %sub3A_628 = vector.broadcast %sub3A_627 : f32 to vector<16xf32>
    %sub3A_629 = arith.subf %sub3A_628, %div3A_626 : vector<16xf32>
    %max3A_630 = arith.constant 0.000000e+00 : f32
    %max3A_631 = vector.broadcast %max3A_630 : f32 to vector<16xf32>
    %max3A_632 = arith.maximumf %sub3A_629, %max3A_631 : vector<16xf32>
    %mul3A_633 = arith.mulf %max3A_632, %max3A_632 : vector<16xf32>
    %mul3A_634 = arith.mulf %mul3A_633, %max3A_632 : vector<16xf32>
    %add3A_635 = arith.addf %add3A_564, %mul3A_634 : vector<16xf32>
    %get3A_636 = arith.constant 144 : index
    %get3A_637 = tpu.vector_load %arg17[%get3A_636] {strides = array<i32>} : memref<256xi32, #tpu.memory_space<vmem>>, vector<16xi32>,
    %gather3A_638 = tpu.vector_load_idx %arg12[%get3A_637] : memref<8192xf32, #tpu.memory_space<vmem>>[vector<16xi32>], vector<16xf32>,
    %gather3A_639 = tpu.vector_load_idx %arg13[%get3A_637] : memref<8192xf32, #tpu.memory_space<vmem>>[vector<16xi32>], vector<16xf32>,
    %gather3A_640 = tpu.vector_load_idx %arg14[%get3A_637] : memref<8192xf32, #tpu.memory_space<vmem>>[vector<16xi32>], vector<16xf32>,
    %gather3A_641 = tpu.vector_load_idx %arg15[%get3A_637] : memref<8192xf32, #tpu.memory_space<vmem>>[vector<16xi32>], vector<16xf32>,
    %gather3A_642 = tpu.vector_load_idx %arg16[%get3A_637] : memref<8192xf32, #tpu.memory_space<vmem>>[vector<16xi32>], vector<16xf32>,
    %get3A_643 = arith.constant 144 : index
    %get3A_644 = tpu.vector_load %arg18[%get3A_643] {strides = array<i32>} : memref<256xf32, #tpu.memory_space<vmem>>, vector<16xf32>,
    %mul3A_645 = arith.mulf %get3A_644, %gather3A_638 : vector<16xf32>
    %get3A_646 = arith.constant 144 : index
    %get3A_647 = tpu.vector_load %arg19[%get3A_646] {strides = array<i32>} : memref<256xf32, #tpu.memory_space<vmem>>, vector<16xf32>,
    %mul3A_648 = arith.mulf %get3A_647, %gather3A_639 : vector<16xf32>
    %add3A_649 = arith.addf %mul3A_645, %mul3A_648 : vector<16xf32>
    %get3A_650 = arith.constant 144 : index
    %get3A_651 = tpu.vector_load %arg20[%get3A_650] {strides = array<i32>} : memref<256xf32, #tpu.memory_space<vmem>>, vector<16xf32>,
    %mul3A_652 = arith.mulf %get3A_651, %gather3A_640 : vector<16xf32>
    %add3A_653 = arith.addf %add3A_649, %mul3A_652 : vector<16xf32>
    %sub3A_654 = arith.subf %add3A_653, %gather3A_642 : vector<16xf32>
    %max3A_655 = arith.constant 1.000000e-36 : f32
    %max3A_656 = vector.broadcast %max3A_655 : f32 to vector<16xf32>
    %max3A_657 = arith.maximumf %gather3A_641, %max3A_656 : vector<16xf32>
    %bitcast3A_658 = vector.bitcast %max3A_657 : vector<16xf32> to vector<16xi32>
    %shift_right_arithmetic3A_659 = arith.constant 1 : i32
    %shift_right_arithmetic3A_660 = vector.broadcast %shift_right_arithmetic3A_659 : i32 to vector<16xi32>
    %shift_right_arithmetic3A_661 = arith.shrsi %bitcast3A_658, %shift_right_arithmetic3A_660 : vector<16xi32>
    %sub3A_662 = arith.constant 1597463007 : i32
    %sub3A_663 = vector.broadcast %sub3A_662 : i32 to vector<16xi32>
    %sub3A_664 = arith.subi %sub3A_663, %shift_right_arithmetic3A_661 : vector<16xi32>
    %bitcast3A_665 = vector.bitcast %sub3A_664 : vector<16xi32> to vector<16xf32>
    %mul3A_666 = arith.constant 5.000000e-01 : f32
    %mul3A_667 = vector.broadcast %mul3A_666 : f32 to vector<16xf32>
    %mul3A_668 = arith.mulf %mul3A_667, %max3A_657 : vector<16xf32>
    %mul3A_669 = arith.mulf %mul3A_668, %bitcast3A_665 : vector<16xf32>
    %mul3A_670 = arith.mulf %mul3A_669, %bitcast3A_665 : vector<16xf32>
    %sub3A_671 = arith.constant 1.500000e+00 : f32
    %sub3A_672 = vector.broadcast %sub3A_671 : f32 to vector<16xf32>
    %sub3A_673 = arith.subf %sub3A_672, %mul3A_670 : vector<16xf32>
    %mul3A_674 = arith.mulf %bitcast3A_665, %sub3A_673 : vector<16xf32>
    %mul3A_675 = arith.constant 5.000000e-01 : f32
    %mul3A_676 = vector.broadcast %mul3A_675 : f32 to vector<16xf32>
    %mul3A_677 = arith.mulf %mul3A_676, %max3A_657 : vector<16xf32>
    %mul3A_678 = arith.mulf %mul3A_677, %mul3A_674 : vector<16xf32>
    %mul3A_679 = arith.mulf %mul3A_678, %mul3A_674 : vector<16xf32>
    %sub3A_680 = arith.constant 1.500000e+00 : f32
    %sub3A_681 = vector.broadcast %sub3A_680 : f32 to vector<16xf32>
    %sub3A_682 = arith.subf %sub3A_681, %mul3A_679 : vector<16xf32>
    %mul3A_683 = arith.mulf %mul3A_674, %sub3A_682 : vector<16xf32>
    %mul3A_684 = arith.constant 5.000000e-01 : f32
    %mul3A_685 = vector.broadcast %mul3A_684 : f32 to vector<16xf32>
    %mul3A_686 = arith.mulf %mul3A_685, %max3A_657 : vector<16xf32>
    %mul3A_687 = arith.mulf %mul3A_686, %mul3A_683 : vector<16xf32>
    %mul3A_688 = arith.mulf %mul3A_687, %mul3A_683 : vector<16xf32>
    %sub3A_689 = arith.constant 1.500000e+00 : f32
    %sub3A_690 = vector.broadcast %sub3A_689 : f32 to vector<16xf32>
    %sub3A_691 = arith.subf %sub3A_690, %mul3A_688 : vector<16xf32>
    %mul3A_692 = arith.mulf %mul3A_683, %sub3A_691 : vector<16xf32>
    %mul3A_693 = arith.mulf %gather3A_641, %mul3A_692 : vector<16xf32>
    %add3A_694 = arith.constant 9.99999996E-13 : f32
    %add3A_695 = vector.broadcast %add3A_694 : f32 to vector<16xf32>
    %add3A_696 = arith.addf %mul3A_693, %add3A_695 : vector<16xf32>
    %div3A_697 = arith.divf %sub3A_654, %add3A_696 : vector<16xf32>
    %sub3A_698 = arith.constant 1.000000e-03 : f32
    %sub3A_699 = vector.broadcast %sub3A_698 : f32 to vector<16xf32>
    %sub3A_700 = arith.subf %sub3A_699, %div3A_697 : vector<16xf32>
    %max3A_701 = arith.constant 0.000000e+00 : f32
    %max3A_702 = vector.broadcast %max3A_701 : f32 to vector<16xf32>
    %max3A_703 = arith.maximumf %sub3A_700, %max3A_702 : vector<16xf32>
    %mul3A_704 = arith.mulf %max3A_703, %max3A_703 : vector<16xf32>
    %mul3A_705 = arith.mulf %mul3A_704, %max3A_703 : vector<16xf32>
    %add3A_706 = arith.addf %add3A_635, %mul3A_705 : vector<16xf32>
    %get3A_707 = arith.constant 160 : index
    %get3A_708 = tpu.vector_load %arg17[%get3A_707] {strides = array<i32>} : memref<256xi32, #tpu.memory_space<vmem>>, vector<16xi32>,
    %gather3A_709 = tpu.vector_load_idx %arg12[%get3A_708] : memref<8192xf32, #tpu.memory_space<vmem>>[vector<16xi32>], vector<16xf32>,
    %gather3A_710 = tpu.vector_load_idx %arg13[%get3A_708] : memref<8192xf32, #tpu.memory_space<vmem>>[vector<16xi32>], vector<16xf32>,
    %gather3A_711 = tpu.vector_load_idx %arg14[%get3A_708] : memref<8192xf32, #tpu.memory_space<vmem>>[vector<16xi32>], vector<16xf32>,
    %gather3A_712 = tpu.vector_load_idx %arg15[%get3A_708] : memref<8192xf32, #tpu.memory_space<vmem>>[vector<16xi32>], vector<16xf32>,
    %gather3A_713 = tpu.vector_load_idx %arg16[%get3A_708] : memref<8192xf32, #tpu.memory_space<vmem>>[vector<16xi32>], vector<16xf32>,
    %get3A_714 = arith.constant 160 : index
    %get3A_715 = tpu.vector_load %arg18[%get3A_714] {strides = array<i32>} : memref<256xf32, #tpu.memory_space<vmem>>, vector<16xf32>,
    %mul3A_716 = arith.mulf %get3A_715, %gather3A_709 : vector<16xf32>
    %get3A_717 = arith.constant 160 : index
    %get3A_718 = tpu.vector_load %arg19[%get3A_717] {strides = array<i32>} : memref<256xf32, #tpu.memory_space<vmem>>, vector<16xf32>,
    %mul3A_719 = arith.mulf %get3A_718, %gather3A_710 : vector<16xf32>
    %add3A_720 = arith.addf %mul3A_716, %mul3A_719 : vector<16xf32>
    %get3A_721 = arith.constant 160 : index
    %get3A_722 = tpu.vector_load %arg20[%get3A_721] {strides = array<i32>} : memref<256xf32, #tpu.memory_space<vmem>>, vector<16xf32>,
    %mul3A_723 = arith.mulf %get3A_722, %gather3A_711 : vector<16xf32>
    %add3A_724 = arith.addf %add3A_720, %mul3A_723 : vector<16xf32>
    %sub3A_725 = arith.subf %add3A_724, %gather3A_713 : vector<16xf32>
    %max3A_726 = arith.constant 1.000000e-36 : f32
    %max3A_727 = vector.broadcast %max3A_726 : f32 to vector<16xf32>
    %max3A_728 = arith.maximumf %gather3A_712, %max3A_727 : vector<16xf32>
    %bitcast3A_729 = vector.bitcast %max3A_728 : vector<16xf32> to vector<16xi32>
    %shift_right_arithmetic3A_730 = arith.constant 1 : i32
    %shift_right_arithmetic3A_731 = vector.broadcast %shift_right_arithmetic3A_730 : i32 to vector<16xi32>
    %shift_right_arithmetic3A_732 = arith.shrsi %bitcast3A_729, %shift_right_arithmetic3A_731 : vector<16xi32>
    %sub3A_733 = arith.constant 1597463007 : i32
    %sub3A_734 = vector.broadcast %sub3A_733 : i32 to vector<16xi32>
    %sub3A_735 = arith.subi %sub3A_734, %shift_right_arithmetic3A_732 : vector<16xi32>
    %bitcast3A_736 = vector.bitcast %sub3A_735 : vector<16xi32> to vector<16xf32>
    %mul3A_737 = arith.constant 5.000000e-01 : f32
    %mul3A_738 = vector.broadcast %mul3A_737 : f32 to vector<16xf32>
    %mul3A_739 = arith.mulf %mul3A_738, %max3A_728 : vector<16xf32>
    %mul3A_740 = arith.mulf %mul3A_739, %bitcast3A_736 : vector<16xf32>
    %mul3A_741 = arith.mulf %mul3A_740, %bitcast3A_736 : vector<16xf32>
    %sub3A_742 = arith.constant 1.500000e+00 : f32
    %sub3A_743 = vector.broadcast %sub3A_742 : f32 to vector<16xf32>
    %sub3A_744 = arith.subf %sub3A_743, %mul3A_741 : vector<16xf32>
    %mul3A_745 = arith.mulf %bitcast3A_736, %sub3A_744 : vector<16xf32>
    %mul3A_746 = arith.constant 5.000000e-01 : f32
    %mul3A_747 = vector.broadcast %mul3A_746 : f32 to vector<16xf32>
    %mul3A_748 = arith.mulf %mul3A_747, %max3A_728 : vector<16xf32>
    %mul3A_749 = arith.mulf %mul3A_748, %mul3A_745 : vector<16xf32>
    %mul3A_750 = arith.mulf %mul3A_749, %mul3A_745 : vector<16xf32>
    %sub3A_751 = arith.constant 1.500000e+00 : f32
    %sub3A_752 = vector.broadcast %sub3A_751 : f32 to vector<16xf32>
    %sub3A_753 = arith.subf %sub3A_752, %mul3A_750 : vector<16xf32>
    %mul3A_754 = arith.mulf %mul3A_745, %sub3A_753 : vector<16xf32>
    %mul3A_755 = arith.constant 5.000000e-01 : f32
    %mul3A_756 = vector.broadcast %mul3A_755 : f32 to vector<16xf32>
    %mul3A_757 = arith.mulf %mul3A_756, %max3A_728 : vector<16xf32>
    %mul3A_758 = arith.mulf %mul3A_757, %mul3A_754 : vector<16xf32>
    %mul3A_759 = arith.mulf %mul3A_758, %mul3A_754 : vector<16xf32>
    %sub3A_760 = arith.constant 1.500000e+00 : f32
    %sub3A_761 = vector.broadcast %sub3A_760 : f32 to vector<16xf32>
    %sub3A_762 = arith.subf %sub3A_761, %mul3A_759 : vector<16xf32>
    %mul3A_763 = arith.mulf %mul3A_754, %sub3A_762 : vector<16xf32>
    %mul3A_764 = arith.mulf %gather3A_712, %mul3A_763 : vector<16xf32>
    %add3A_765 = arith.constant 9.99999996E-13 : f32
    %add3A_766 = vector.broadcast %add3A_765 : f32 to vector<16xf32>
    %add3A_767 = arith.addf %mul3A_764, %add3A_766 : vector<16xf32>
    %div3A_768 = arith.divf %sub3A_725, %add3A_767 : vector<16xf32>
    %sub3A_769 = arith.constant 1.000000e-03 : f32
    %sub3A_770 = vector.broadcast %sub3A_769 : f32 to vector<16xf32>
    %sub3A_771 = arith.subf %sub3A_770, %div3A_768 : vector<16xf32>
    %max3A_772 = arith.constant 0.000000e+00 : f32
    %max3A_773 = vector.broadcast %max3A_772 : f32 to vector<16xf32>
    %max3A_774 = arith.maximumf %sub3A_771, %max3A_773 : vector<16xf32>
    %mul3A_775 = arith.mulf %max3A_774, %max3A_774 : vector<16xf32>
    %mul3A_776 = arith.mulf %mul3A_775, %max3A_774 : vector<16xf32>
    %add3A_777 = arith.addf %add3A_706, %mul3A_776 : vector<16xf32>
    %get3A_778 = arith.constant 176 : index
    %get3A_779 = tpu.vector_load %arg17[%get3A_778] {strides = array<i32>} : memref<256xi32, #tpu.memory_space<vmem>>, vector<16xi32>,
    %gather3A_780 = tpu.vector_load_idx %arg12[%get3A_779] : memref<8192xf32, #tpu.memory_space<vmem>>[vector<16xi32>], vector<16xf32>,
    %gather3A_781 = tpu.vector_load_idx %arg13[%get3A_779] : memref<8192xf32, #tpu.memory_space<vmem>>[vector<16xi32>], vector<16xf32>,
    %gather3A_782 = tpu.vector_load_idx %arg14[%get3A_779] : memref<8192xf32, #tpu.memory_space<vmem>>[vector<16xi32>], vector<16xf32>,
    %gather3A_783 = tpu.vector_load_idx %arg15[%get3A_779] : memref<8192xf32, #tpu.memory_space<vmem>>[vector<16xi32>], vector<16xf32>,
    %gather3A_784 = tpu.vector_load_idx %arg16[%get3A_779] : memref<8192xf32, #tpu.memory_space<vmem>>[vector<16xi32>], vector<16xf32>,
    %get3A_785 = arith.constant 176 : index
    %get3A_786 = tpu.vector_load %arg18[%get3A_785] {strides = array<i32>} : memref<256xf32, #tpu.memory_space<vmem>>, vector<16xf32>,
    %mul3A_787 = arith.mulf %get3A_786, %gather3A_780 : vector<16xf32>
    %get3A_788 = arith.constant 176 : index
    %get3A_789 = tpu.vector_load %arg19[%get3A_788] {strides = array<i32>} : memref<256xf32, #tpu.memory_space<vmem>>, vector<16xf32>,
    %mul3A_790 = arith.mulf %get3A_789, %gather3A_781 : vector<16xf32>
    %add3A_791 = arith.addf %mul3A_787, %mul3A_790 : vector<16xf32>
    %get3A_792 = arith.constant 176 : index
    %get3A_793 = tpu.vector_load %arg20[%get3A_792] {strides = array<i32>} : memref<256xf32, #tpu.memory_space<vmem>>, vector<16xf32>,
    %mul3A_794 = arith.mulf %get3A_793, %gather3A_782 : vector<16xf32>
    %add3A_795 = arith.addf %add3A_791, %mul3A_794 : vector<16xf32>
    %sub3A_796 = arith.subf %add3A_795, %gather3A_784 : vector<16xf32>
    %max3A_797 = arith.constant 1.000000e-36 : f32
    %max3A_798 = vector.broadcast %max3A_797 : f32 to vector<16xf32>
    %max3A_799 = arith.maximumf %gather3A_783, %max3A_798 : vector<16xf32>
    %bitcast3A_800 = vector.bitcast %max3A_799 : vector<16xf32> to vector<16xi32>
    %shift_right_arithmetic3A_801 = arith.constant 1 : i32
    %shift_right_arithmetic3A_802 = vector.broadcast %shift_right_arithmetic3A_801 : i32 to vector<16xi32>
    %shift_right_arithmetic3A_803 = arith.shrsi %bitcast3A_800, %shift_right_arithmetic3A_802 : vector<16xi32>
    %sub3A_804 = arith.constant 1597463007 : i32
    %sub3A_805 = vector.broadcast %sub3A_804 : i32 to vector<16xi32>
    %sub3A_806 = arith.subi %sub3A_805, %shift_right_arithmetic3A_803 : vector<16xi32>
    %bitcast3A_807 = vector.bitcast %sub3A_806 : vector<16xi32> to vector<16xf32>
    %mul3A_808 = arith.constant 5.000000e-01 : f32
    %mul3A_809 = vector.broadcast %mul3A_808 : f32 to vector<16xf32>
    %mul3A_810 = arith.mulf %mul3A_809, %max3A_799 : vector<16xf32>
    %mul3A_811 = arith.mulf %mul3A_810, %bitcast3A_807 : vector<16xf32>
    %mul3A_812 = arith.mulf %mul3A_811, %bitcast3A_807 : vector<16xf32>
    %sub3A_813 = arith.constant 1.500000e+00 : f32
    %sub3A_814 = vector.broadcast %sub3A_813 : f32 to vector<16xf32>
    %sub3A_815 = arith.subf %sub3A_814, %mul3A_812 : vector<16xf32>
    %mul3A_816 = arith.mulf %bitcast3A_807, %sub3A_815 : vector<16xf32>
    %mul3A_817 = arith.constant 5.000000e-01 : f32
    %mul3A_818 = vector.broadcast %mul3A_817 : f32 to vector<16xf32>
    %mul3A_819 = arith.mulf %mul3A_818, %max3A_799 : vector<16xf32>
    %mul3A_820 = arith.mulf %mul3A_819, %mul3A_816 : vector<16xf32>
    %mul3A_821 = arith.mulf %mul3A_820, %mul3A_816 : vector<16xf32>
    %sub3A_822 = arith.constant 1.500000e+00 : f32
    %sub3A_823 = vector.broadcast %sub3A_822 : f32 to vector<16xf32>
    %sub3A_824 = arith.subf %sub3A_823, %mul3A_821 : vector<16xf32>
    %mul3A_825 = arith.mulf %mul3A_816, %sub3A_824 : vector<16xf32>
    %mul3A_826 = arith.constant 5.000000e-01 : f32
    %mul3A_827 = vector.broadcast %mul3A_826 : f32 to vector<16xf32>
    %mul3A_828 = arith.mulf %mul3A_827, %max3A_799 : vector<16xf32>
    %mul3A_829 = arith.mulf %mul3A_828, %mul3A_825 : vector<16xf32>
    %mul3A_830 = arith.mulf %mul3A_829, %mul3A_825 : vector<16xf32>
    %sub3A_831 = arith.constant 1.500000e+00 : f32
    %sub3A_832 = vector.broadcast %sub3A_831 : f32 to vector<16xf32>
    %sub3A_833 = arith.subf %sub3A_832, %mul3A_830 : vector<16xf32>
    %mul3A_834 = arith.mulf %mul3A_825, %sub3A_833 : vector<16xf32>
    %mul3A_835 = arith.mulf %gather3A_783, %mul3A_834 : vector<16xf32>
    %add3A_836 = arith.constant 9.99999996E-13 : f32
    %add3A_837 = vector.broadcast %add3A_836 : f32 to vector<16xf32>
    %add3A_838 = arith.addf %mul3A_835, %add3A_837 : vector<16xf32>
    %div3A_839 = arith.divf %sub3A_796, %add3A_838 : vector<16xf32>
    %sub3A_840 = arith.constant 1.000000e-03 : f32
    %sub3A_841 = vector.broadcast %sub3A_840 : f32 to vector<16xf32>
    %sub3A_842 = arith.subf %sub3A_841, %div3A_839 : vector<16xf32>
    %max3A_843 = arith.constant 0.000000e+00 : f32
    %max3A_844 = vector.broadcast %max3A_843 : f32 to vector<16xf32>
    %max3A_845 = arith.maximumf %sub3A_842, %max3A_844 : vector<16xf32>
    %mul3A_846 = arith.mulf %max3A_845, %max3A_845 : vector<16xf32>
    %mul3A_847 = arith.mulf %mul3A_846, %max3A_845 : vector<16xf32>
    %add3A_848 = arith.addf %add3A_777, %mul3A_847 : vector<16xf32>
    %get3A_849 = arith.constant 192 : index
    %get3A_850 = tpu.vector_load %arg17[%get3A_849] {strides = array<i32>} : memref<256xi32, #tpu.memory_space<vmem>>, vector<16xi32>,
    %gather3A_851 = tpu.vector_load_idx %arg12[%get3A_850] : memref<8192xf32, #tpu.memory_space<vmem>>[vector<16xi32>], vector<16xf32>,
    %gather3A_852 = tpu.vector_load_idx %arg13[%get3A_850] : memref<8192xf32, #tpu.memory_space<vmem>>[vector<16xi32>], vector<16xf32>,
    %gather3A_853 = tpu.vector_load_idx %arg14[%get3A_850] : memref<8192xf32, #tpu.memory_space<vmem>>[vector<16xi32>], vector<16xf32>,
    %gather3A_854 = tpu.vector_load_idx %arg15[%get3A_850] : memref<8192xf32, #tpu.memory_space<vmem>>[vector<16xi32>], vector<16xf32>,
    %gather3A_855 = tpu.vector_load_idx %arg16[%get3A_850] : memref<8192xf32, #tpu.memory_space<vmem>>[vector<16xi32>], vector<16xf32>,
    %get3A_856 = arith.constant 192 : index
    %get3A_857 = tpu.vector_load %arg18[%get3A_856] {strides = array<i32>} : memref<256xf32, #tpu.memory_space<vmem>>, vector<16xf32>,
    %mul3A_858 = arith.mulf %get3A_857, %gather3A_851 : vector<16xf32>
    %get3A_859 = arith.constant 192 : index
    %get3A_860 = tpu.vector_load %arg19[%get3A_859] {strides = array<i32>} : memref<256xf32, #tpu.memory_space<vmem>>, vector<16xf32>,
    %mul3A_861 = arith.mulf %get3A_860, %gather3A_852 : vector<16xf32>
    %add3A_862 = arith.addf %mul3A_858, %mul3A_861 : vector<16xf32>
    %get3A_863 = arith.constant 192 : index
    %get3A_864 = tpu.vector_load %arg20[%get3A_863] {strides = array<i32>} : memref<256xf32, #tpu.memory_space<vmem>>, vector<16xf32>,
    %mul3A_865 = arith.mulf %get3A_864, %gather3A_853 : vector<16xf32>
    %add3A_866 = arith.addf %add3A_862, %mul3A_865 : vector<16xf32>
    %sub3A_867 = arith.subf %add3A_866, %gather3A_855 : vector<16xf32>
    %max3A_868 = arith.constant 1.000000e-36 : f32
    %max3A_869 = vector.broadcast %max3A_868 : f32 to vector<16xf32>
    %max3A_870 = arith.maximumf %gather3A_854, %max3A_869 : vector<16xf32>
    %bitcast3A_871 = vector.bitcast %max3A_870 : vector<16xf32> to vector<16xi32>
    %shift_right_arithmetic3A_872 = arith.constant 1 : i32
    %shift_right_arithmetic3A_873 = vector.broadcast %shift_right_arithmetic3A_872 : i32 to vector<16xi32>
    %shift_right_arithmetic3A_874 = arith.shrsi %bitcast3A_871, %shift_right_arithmetic3A_873 : vector<16xi32>
    %sub3A_875 = arith.constant 1597463007 : i32
    %sub3A_876 = vector.broadcast %sub3A_875 : i32 to vector<16xi32>
    %sub3A_877 = arith.subi %sub3A_876, %shift_right_arithmetic3A_874 : vector<16xi32>
    %bitcast3A_878 = vector.bitcast %sub3A_877 : vector<16xi32> to vector<16xf32>
    %mul3A_879 = arith.constant 5.000000e-01 : f32
    %mul3A_880 = vector.broadcast %mul3A_879 : f32 to vector<16xf32>
    %mul3A_881 = arith.mulf %mul3A_880, %max3A_870 : vector<16xf32>
    %mul3A_882 = arith.mulf %mul3A_881, %bitcast3A_878 : vector<16xf32>
    %mul3A_883 = arith.mulf %mul3A_882, %bitcast3A_878 : vector<16xf32>
    %sub3A_884 = arith.constant 1.500000e+00 : f32
    %sub3A_885 = vector.broadcast %sub3A_884 : f32 to vector<16xf32>
    %sub3A_886 = arith.subf %sub3A_885, %mul3A_883 : vector<16xf32>
    %mul3A_887 = arith.mulf %bitcast3A_878, %sub3A_886 : vector<16xf32>
    %mul3A_888 = arith.constant 5.000000e-01 : f32
    %mul3A_889 = vector.broadcast %mul3A_888 : f32 to vector<16xf32>
    %mul3A_890 = arith.mulf %mul3A_889, %max3A_870 : vector<16xf32>
    %mul3A_891 = arith.mulf %mul3A_890, %mul3A_887 : vector<16xf32>
    %mul3A_892 = arith.mulf %mul3A_891, %mul3A_887 : vector<16xf32>
    %sub3A_893 = arith.constant 1.500000e+00 : f32
    %sub3A_894 = vector.broadcast %sub3A_893 : f32 to vector<16xf32>
    %sub3A_895 = arith.subf %sub3A_894, %mul3A_892 : vector<16xf32>
    %mul3A_896 = arith.mulf %mul3A_887, %sub3A_895 : vector<16xf32>
    %mul3A_897 = arith.constant 5.000000e-01 : f32
    %mul3A_898 = vector.broadcast %mul3A_897 : f32 to vector<16xf32>
    %mul3A_899 = arith.mulf %mul3A_898, %max3A_870 : vector<16xf32>
    %mul3A_900 = arith.mulf %mul3A_899, %mul3A_896 : vector<16xf32>
    %mul3A_901 = arith.mulf %mul3A_900, %mul3A_896 : vector<16xf32>
    %sub3A_902 = arith.constant 1.500000e+00 : f32
    %sub3A_903 = vector.broadcast %sub3A_902 : f32 to vector<16xf32>
    %sub3A_904 = arith.subf %sub3A_903, %mul3A_901 : vector<16xf32>
    %mul3A_905 = arith.mulf %mul3A_896, %sub3A_904 : vector<16xf32>
    %mul3A_906 = arith.mulf %gather3A_854, %mul3A_905 : vector<16xf32>
    %add3A_907 = arith.constant 9.99999996E-13 : f32
    %add3A_908 = vector.broadcast %add3A_907 : f32 to vector<16xf32>
    %add3A_909 = arith.addf %mul3A_906, %add3A_908 : vector<16xf32>
    %div3A_910 = arith.divf %sub3A_867, %add3A_909 : vector<16xf32>
    %sub3A_911 = arith.constant 1.000000e-03 : f32
    %sub3A_912 = vector.broadcast %sub3A_911 : f32 to vector<16xf32>
    %sub3A_913 = arith.subf %sub3A_912, %div3A_910 : vector<16xf32>
    %max3A_914 = arith.constant 0.000000e+00 : f32
    %max3A_915 = vector.broadcast %max3A_914 : f32 to vector<16xf32>
    %max3A_916 = arith.maximumf %sub3A_913, %max3A_915 : vector<16xf32>
    %mul3A_917 = arith.mulf %max3A_916, %max3A_916 : vector<16xf32>
    %mul3A_918 = arith.mulf %mul3A_917, %max3A_916 : vector<16xf32>
    %add3A_919 = arith.addf %add3A_848, %mul3A_918 : vector<16xf32>
    %get3A_920 = arith.constant 208 : index
    %get3A_921 = tpu.vector_load %arg17[%get3A_920] {strides = array<i32>} : memref<256xi32, #tpu.memory_space<vmem>>, vector<16xi32>,
    %gather3A_922 = tpu.vector_load_idx %arg12[%get3A_921] : memref<8192xf32, #tpu.memory_space<vmem>>[vector<16xi32>], vector<16xf32>,
    %gather3A_923 = tpu.vector_load_idx %arg13[%get3A_921] : memref<8192xf32, #tpu.memory_space<vmem>>[vector<16xi32>], vector<16xf32>,
    %gather3A_924 = tpu.vector_load_idx %arg14[%get3A_921] : memref<8192xf32, #tpu.memory_space<vmem>>[vector<16xi32>], vector<16xf32>,
    %gather3A_925 = tpu.vector_load_idx %arg15[%get3A_921] : memref<8192xf32, #tpu.memory_space<vmem>>[vector<16xi32>], vector<16xf32>,
    %gather3A_926 = tpu.vector_load_idx %arg16[%get3A_921] : memref<8192xf32, #tpu.memory_space<vmem>>[vector<16xi32>], vector<16xf32>,
    %get3A_927 = arith.constant 208 : index
    %get3A_928 = tpu.vector_load %arg18[%get3A_927] {strides = array<i32>} : memref<256xf32, #tpu.memory_space<vmem>>, vector<16xf32>,
    %mul3A_929 = arith.mulf %get3A_928, %gather3A_922 : vector<16xf32>
    %get3A_930 = arith.constant 208 : index
    %get3A_931 = tpu.vector_load %arg19[%get3A_930] {strides = array<i32>} : memref<256xf32, #tpu.memory_space<vmem>>, vector<16xf32>,
    %mul3A_932 = arith.mulf %get3A_931, %gather3A_923 : vector<16xf32>
    %add3A_933 = arith.addf %mul3A_929, %mul3A_932 : vector<16xf32>
    %get3A_934 = arith.constant 208 : index
    %get3A_935 = tpu.vector_load %arg20[%get3A_934] {strides = array<i32>} : memref<256xf32, #tpu.memory_space<vmem>>, vector<16xf32>,
    %mul3A_936 = arith.mulf %get3A_935, %gather3A_924 : vector<16xf32>
    %add3A_937 = arith.addf %add3A_933, %mul3A_936 : vector<16xf32>
    %sub3A_938 = arith.subf %add3A_937, %gather3A_926 : vector<16xf32>
    %max3A_939 = arith.constant 1.000000e-36 : f32
    %max3A_940 = vector.broadcast %max3A_939 : f32 to vector<16xf32>
    %max3A_941 = arith.maximumf %gather3A_925, %max3A_940 : vector<16xf32>
    %bitcast3A_942 = vector.bitcast %max3A_941 : vector<16xf32> to vector<16xi32>
    %shift_right_arithmetic3A_943 = arith.constant 1 : i32
    %shift_right_arithmetic3A_944 = vector.broadcast %shift_right_arithmetic3A_943 : i32 to vector<16xi32>
    %shift_right_arithmetic3A_945 = arith.shrsi %bitcast3A_942, %shift_right_arithmetic3A_944 : vector<16xi32>
    %sub3A_946 = arith.constant 1597463007 : i32
    %sub3A_947 = vector.broadcast %sub3A_946 : i32 to vector<16xi32>
    %sub3A_948 = arith.subi %sub3A_947, %shift_right_arithmetic3A_945 : vector<16xi32>
    %bitcast3A_949 = vector.bitcast %sub3A_948 : vector<16xi32> to vector<16xf32>
    %mul3A_950 = arith.constant 5.000000e-01 : f32
    %mul3A_951 = vector.broadcast %mul3A_950 : f32 to vector<16xf32>
    %mul3A_952 = arith.mulf %mul3A_951, %max3A_941 : vector<16xf32>
    %mul3A_953 = arith.mulf %mul3A_952, %bitcast3A_949 : vector<16xf32>
    %mul3A_954 = arith.mulf %mul3A_953, %bitcast3A_949 : vector<16xf32>
    %sub3A_955 = arith.constant 1.500000e+00 : f32
    %sub3A_956 = vector.broadcast %sub3A_955 : f32 to vector<16xf32>
    %sub3A_957 = arith.subf %sub3A_956, %mul3A_954 : vector<16xf32>
    %mul3A_958 = arith.mulf %bitcast3A_949, %sub3A_957 : vector<16xf32>
    %mul3A_959 = arith.constant 5.000000e-01 : f32
    %mul3A_960 = vector.broadcast %mul3A_959 : f32 to vector<16xf32>
    %mul3A_961 = arith.mulf %mul3A_960, %max3A_941 : vector<16xf32>
    %mul3A_962 = arith.mulf %mul3A_961, %mul3A_958 : vector<16xf32>
    %mul3A_963 = arith.mulf %mul3A_962, %mul3A_958 : vector<16xf32>
    %sub3A_964 = arith.constant 1.500000e+00 : f32
    %sub3A_965 = vector.broadcast %sub3A_964 : f32 to vector<16xf32>
    %sub3A_966 = arith.subf %sub3A_965, %mul3A_963 : vector<16xf32>
    %mul3A_967 = arith.mulf %mul3A_958, %sub3A_966 : vector<16xf32>
    %mul3A_968 = arith.constant 5.000000e-01 : f32
    %mul3A_969 = vector.broadcast %mul3A_968 : f32 to vector<16xf32>
    %mul3A_970 = arith.mulf %mul3A_969, %max3A_941 : vector<16xf32>
    %mul3A_971 = arith.mulf %mul3A_970, %mul3A_967 : vector<16xf32>
    %mul3A_972 = arith.mulf %mul3A_971, %mul3A_967 : vector<16xf32>
    %sub3A_973 = arith.constant 1.500000e+00 : f32
    %sub3A_974 = vector.broadcast %sub3A_973 : f32 to vector<16xf32>
    %sub3A_975 = arith.subf %sub3A_974, %mul3A_972 : vector<16xf32>
    %mul3A_976 = arith.mulf %mul3A_967, %sub3A_975 : vector<16xf32>
    %mul3A_977 = arith.mulf %gather3A_925, %mul3A_976 : vector<16xf32>
    %add3A_978 = arith.constant 9.99999996E-13 : f32
    %add3A_979 = vector.broadcast %add3A_978 : f32 to vector<16xf32>
    %add3A_980 = arith.addf %mul3A_977, %add3A_979 : vector<16xf32>
    %div3A_981 = arith.divf %sub3A_938, %add3A_980 : vector<16xf32>
    %sub3A_982 = arith.constant 1.000000e-03 : f32
    %sub3A_983 = vector.broadcast %sub3A_982 : f32 to vector<16xf32>
    %sub3A_984 = arith.subf %sub3A_983, %div3A_981 : vector<16xf32>
    %max3A_985 = arith.constant 0.000000e+00 : f32
    %max3A_986 = vector.broadcast %max3A_985 : f32 to vector<16xf32>
    %max3A_987 = arith.maximumf %sub3A_984, %max3A_986 : vector<16xf32>
    %mul3A_988 = arith.mulf %max3A_987, %max3A_987 : vector<16xf32>
    %mul3A_989 = arith.mulf %mul3A_988, %max3A_987 : vector<16xf32>
    %add3A_990 = arith.addf %add3A_919, %mul3A_989 : vector<16xf32>
    %get3A_991 = arith.constant 224 : index
    %get3A_992 = tpu.vector_load %arg17[%get3A_991] {strides = array<i32>} : memref<256xi32, #tpu.memory_space<vmem>>, vector<16xi32>,
    %gather3A_993 = tpu.vector_load_idx %arg12[%get3A_992] : memref<8192xf32, #tpu.memory_space<vmem>>[vector<16xi32>], vector<16xf32>,
    %gather3A_994 = tpu.vector_load_idx %arg13[%get3A_992] : memref<8192xf32, #tpu.memory_space<vmem>>[vector<16xi32>], vector<16xf32>,
    %gather3A_995 = tpu.vector_load_idx %arg14[%get3A_992] : memref<8192xf32, #tpu.memory_space<vmem>>[vector<16xi32>], vector<16xf32>,
    %gather3A_996 = tpu.vector_load_idx %arg15[%get3A_992] : memref<8192xf32, #tpu.memory_space<vmem>>[vector<16xi32>], vector<16xf32>,
    %gather3A_997 = tpu.vector_load_idx %arg16[%get3A_992] : memref<8192xf32, #tpu.memory_space<vmem>>[vector<16xi32>], vector<16xf32>,
    %get3A_998 = arith.constant 224 : index
    %get3A_999 = tpu.vector_load %arg18[%get3A_998] {strides = array<i32>} : memref<256xf32, #tpu.memory_space<vmem>>, vector<16xf32>,
    %mul3A_1000 = arith.mulf %get3A_999, %gather3A_993 : vector<16xf32>
    %get3A_1001 = arith.constant 224 : index
    %get3A_1002 = tpu.vector_load %arg19[%get3A_1001] {strides = array<i32>} : memref<256xf32, #tpu.memory_space<vmem>>, vector<16xf32>,
    %mul3A_1003 = arith.mulf %get3A_1002, %gather3A_994 : vector<16xf32>
    %add3A_1004 = arith.addf %mul3A_1000, %mul3A_1003 : vector<16xf32>
    %get3A_1005 = arith.constant 224 : index
    %get3A_1006 = tpu.vector_load %arg20[%get3A_1005] {strides = array<i32>} : memref<256xf32, #tpu.memory_space<vmem>>, vector<16xf32>,
    %mul3A_1007 = arith.mulf %get3A_1006, %gather3A_995 : vector<16xf32>
    %add3A_1008 = arith.addf %add3A_1004, %mul3A_1007 : vector<16xf32>
    %sub3A_1009 = arith.subf %add3A_1008, %gather3A_997 : vector<16xf32>
    %max3A_1010 = arith.constant 1.000000e-36 : f32
    %max3A_1011 = vector.broadcast %max3A_1010 : f32 to vector<16xf32>
    %max3A_1012 = arith.maximumf %gather3A_996, %max3A_1011 : vector<16xf32>
    %bitcast3A_1013 = vector.bitcast %max3A_1012 : vector<16xf32> to vector<16xi32>
    %shift_right_arithmetic3A_1014 = arith.constant 1 : i32
    %shift_right_arithmetic3A_1015 = vector.broadcast %shift_right_arithmetic3A_1014 : i32 to vector<16xi32>
    %shift_right_arithmetic3A_1016 = arith.shrsi %bitcast3A_1013, %shift_right_arithmetic3A_1015 : vector<16xi32>
    %sub3A_1017 = arith.constant 1597463007 : i32
    %sub3A_1018 = vector.broadcast %sub3A_1017 : i32 to vector<16xi32>
    %sub3A_1019 = arith.subi %sub3A_1018, %shift_right_arithmetic3A_1016 : vector<16xi32>
    %bitcast3A_1020 = vector.bitcast %sub3A_1019 : vector<16xi32> to vector<16xf32>
    %mul3A_1021 = arith.constant 5.000000e-01 : f32
    %mul3A_1022 = vector.broadcast %mul3A_1021 : f32 to vector<16xf32>
    %mul3A_1023 = arith.mulf %mul3A_1022, %max3A_1012 : vector<16xf32>
    %mul3A_1024 = arith.mulf %mul3A_1023, %bitcast3A_1020 : vector<16xf32>
    %mul3A_1025 = arith.mulf %mul3A_1024, %bitcast3A_1020 : vector<16xf32>
    %sub3A_1026 = arith.constant 1.500000e+00 : f32
    %sub3A_1027 = vector.broadcast %sub3A_1026 : f32 to vector<16xf32>
    %sub3A_1028 = arith.subf %sub3A_1027, %mul3A_1025 : vector<16xf32>
    %mul3A_1029 = arith.mulf %bitcast3A_1020, %sub3A_1028 : vector<16xf32>
    %mul3A_1030 = arith.constant 5.000000e-01 : f32
    %mul3A_1031 = vector.broadcast %mul3A_1030 : f32 to vector<16xf32>
    %mul3A_1032 = arith.mulf %mul3A_1031, %max3A_1012 : vector<16xf32>
    %mul3A_1033 = arith.mulf %mul3A_1032, %mul3A_1029 : vector<16xf32>
    %mul3A_1034 = arith.mulf %mul3A_1033, %mul3A_1029 : vector<16xf32>
    %sub3A_1035 = arith.constant 1.500000e+00 : f32
    %sub3A_1036 = vector.broadcast %sub3A_1035 : f32 to vector<16xf32>
    %sub3A_1037 = arith.subf %sub3A_1036, %mul3A_1034 : vector<16xf32>
    %mul3A_1038 = arith.mulf %mul3A_1029, %sub3A_1037 : vector<16xf32>
    %mul3A_1039 = arith.constant 5.000000e-01 : f32
    %mul3A_1040 = vector.broadcast %mul3A_1039 : f32 to vector<16xf32>
    %mul3A_1041 = arith.mulf %mul3A_1040, %max3A_1012 : vector<16xf32>
    %mul3A_1042 = arith.mulf %mul3A_1041, %mul3A_1038 : vector<16xf32>
    %mul3A_1043 = arith.mulf %mul3A_1042, %mul3A_1038 : vector<16xf32>
    %sub3A_1044 = arith.constant 1.500000e+00 : f32
    %sub3A_1045 = vector.broadcast %sub3A_1044 : f32 to vector<16xf32>
    %sub3A_1046 = arith.subf %sub3A_1045, %mul3A_1043 : vector<16xf32>
    %mul3A_1047 = arith.mulf %mul3A_1038, %sub3A_1046 : vector<16xf32>
    %mul3A_1048 = arith.mulf %gather3A_996, %mul3A_1047 : vector<16xf32>
    %add3A_1049 = arith.constant 9.99999996E-13 : f32
    %add3A_1050 = vector.broadcast %add3A_1049 : f32 to vector<16xf32>
    %add3A_1051 = arith.addf %mul3A_1048, %add3A_1050 : vector<16xf32>
    %div3A_1052 = arith.divf %sub3A_1009, %add3A_1051 : vector<16xf32>
    %sub3A_1053 = arith.constant 1.000000e-03 : f32
    %sub3A_1054 = vector.broadcast %sub3A_1053 : f32 to vector<16xf32>
    %sub3A_1055 = arith.subf %sub3A_1054, %div3A_1052 : vector<16xf32>
    %max3A_1056 = arith.constant 0.000000e+00 : f32
    %max3A_1057 = vector.broadcast %max3A_1056 : f32 to vector<16xf32>
    %max3A_1058 = arith.maximumf %sub3A_1055, %max3A_1057 : vector<16xf32>
    %mul3A_1059 = arith.mulf %max3A_1058, %max3A_1058 : vector<16xf32>
    %mul3A_1060 = arith.mulf %mul3A_1059, %max3A_1058 : vector<16xf32>
    %add3A_1061 = arith.addf %add3A_990, %mul3A_1060 : vector<16xf32>
    %get3A_1062 = arith.constant 240 : index
    %get3A_1063 = tpu.vector_load %arg17[%get3A_1062] {strides = array<i32>} : memref<256xi32, #tpu.memory_space<vmem>>, vector<16xi32>,
    %gather3A_1064 = tpu.vector_load_idx %arg12[%get3A_1063] : memref<8192xf32, #tpu.memory_space<vmem>>[vector<16xi32>], vector<16xf32>,
    %gather3A_1065 = tpu.vector_load_idx %arg13[%get3A_1063] : memref<8192xf32, #tpu.memory_space<vmem>>[vector<16xi32>], vector<16xf32>,
    %gather3A_1066 = tpu.vector_load_idx %arg14[%get3A_1063] : memref<8192xf32, #tpu.memory_space<vmem>>[vector<16xi32>], vector<16xf32>,
    %gather3A_1067 = tpu.vector_load_idx %arg15[%get3A_1063] : memref<8192xf32, #tpu.memory_space<vmem>>[vector<16xi32>], vector<16xf32>,
    %gather3A_1068 = tpu.vector_load_idx %arg16[%get3A_1063] : memref<8192xf32, #tpu.memory_space<vmem>>[vector<16xi32>], vector<16xf32>,
    %get3A_1069 = arith.constant 240 : index
    %get3A_1070 = tpu.vector_load %arg18[%get3A_1069] {strides = array<i32>} : memref<256xf32, #tpu.memory_space<vmem>>, vector<16xf32>,
    %mul3A_1071 = arith.mulf %get3A_1070, %gather3A_1064 : vector<16xf32>
    %get3A_1072 = arith.constant 240 : index
    %get3A_1073 = tpu.vector_load %arg19[%get3A_1072] {strides = array<i32>} : memref<256xf32, #tpu.memory_space<vmem>>, vector<16xf32>,
    %mul3A_1074 = arith.mulf %get3A_1073, %gather3A_1065 : vector<16xf32>
    %add3A_1075 = arith.addf %mul3A_1071, %mul3A_1074 : vector<16xf32>
    %get3A_1076 = arith.constant 240 : index
    %get3A_1077 = tpu.vector_load %arg20[%get3A_1076] {strides = array<i32>} : memref<256xf32, #tpu.memory_space<vmem>>, vector<16xf32>,
    %mul3A_1078 = arith.mulf %get3A_1077, %gather3A_1066 : vector<16xf32>
    %add3A_1079 = arith.addf %add3A_1075, %mul3A_1078 : vector<16xf32>
    %sub3A_1080 = arith.subf %add3A_1079, %gather3A_1068 : vector<16xf32>
    %max3A_1081 = arith.constant 1.000000e-36 : f32
    %max3A_1082 = vector.broadcast %max3A_1081 : f32 to vector<16xf32>
    %max3A_1083 = arith.maximumf %gather3A_1067, %max3A_1082 : vector<16xf32>
    %bitcast3A_1084 = vector.bitcast %max3A_1083 : vector<16xf32> to vector<16xi32>
    %shift_right_arithmetic3A_1085 = arith.constant 1 : i32
    %shift_right_arithmetic3A_1086 = vector.broadcast %shift_right_arithmetic3A_1085 : i32 to vector<16xi32>
    %shift_right_arithmetic3A_1087 = arith.shrsi %bitcast3A_1084, %shift_right_arithmetic3A_1086 : vector<16xi32>
    %sub3A_1088 = arith.constant 1597463007 : i32
    %sub3A_1089 = vector.broadcast %sub3A_1088 : i32 to vector<16xi32>
    %sub3A_1090 = arith.subi %sub3A_1089, %shift_right_arithmetic3A_1087 : vector<16xi32>
    %bitcast3A_1091 = vector.bitcast %sub3A_1090 : vector<16xi32> to vector<16xf32>
    %mul3A_1092 = arith.constant 5.000000e-01 : f32
    %mul3A_1093 = vector.broadcast %mul3A_1092 : f32 to vector<16xf32>
    %mul3A_1094 = arith.mulf %mul3A_1093, %max3A_1083 : vector<16xf32>
    %mul3A_1095 = arith.mulf %mul3A_1094, %bitcast3A_1091 : vector<16xf32>
    %mul3A_1096 = arith.mulf %mul3A_1095, %bitcast3A_1091 : vector<16xf32>
    %sub3A_1097 = arith.constant 1.500000e+00 : f32
    %sub3A_1098 = vector.broadcast %sub3A_1097 : f32 to vector<16xf32>
    %sub3A_1099 = arith.subf %sub3A_1098, %mul3A_1096 : vector<16xf32>
    %mul3A_1100 = arith.mulf %bitcast3A_1091, %sub3A_1099 : vector<16xf32>
    %mul3A_1101 = arith.constant 5.000000e-01 : f32
    %mul3A_1102 = vector.broadcast %mul3A_1101 : f32 to vector<16xf32>
    %mul3A_1103 = arith.mulf %mul3A_1102, %max3A_1083 : vector<16xf32>
    %mul3A_1104 = arith.mulf %mul3A_1103, %mul3A_1100 : vector<16xf32>
    %mul3A_1105 = arith.mulf %mul3A_1104, %mul3A_1100 : vector<16xf32>
    %sub3A_1106 = arith.constant 1.500000e+00 : f32
    %sub3A_1107 = vector.broadcast %sub3A_1106 : f32 to vector<16xf32>
    %sub3A_1108 = arith.subf %sub3A_1107, %mul3A_1105 : vector<16xf32>
    %mul3A_1109 = arith.mulf %mul3A_1100, %sub3A_1108 : vector<16xf32>
    %mul3A_1110 = arith.constant 5.000000e-01 : f32
    %mul3A_1111 = vector.broadcast %mul3A_1110 : f32 to vector<16xf32>
    %mul3A_1112 = arith.mulf %mul3A_1111, %max3A_1083 : vector<16xf32>
    %mul3A_1113 = arith.mulf %mul3A_1112, %mul3A_1109 : vector<16xf32>
    %mul3A_1114 = arith.mulf %mul3A_1113, %mul3A_1109 : vector<16xf32>
    %sub3A_1115 = arith.constant 1.500000e+00 : f32
    %sub3A_1116 = vector.broadcast %sub3A_1115 : f32 to vector<16xf32>
    %sub3A_1117 = arith.subf %sub3A_1116, %mul3A_1114 : vector<16xf32>
    %mul3A_1118 = arith.mulf %mul3A_1109, %sub3A_1117 : vector<16xf32>
    %mul3A_1119 = arith.mulf %gather3A_1067, %mul3A_1118 : vector<16xf32>
    %add3A_1120 = arith.constant 9.99999996E-13 : f32
    %add3A_1121 = vector.broadcast %add3A_1120 : f32 to vector<16xf32>
    %add3A_1122 = arith.addf %mul3A_1119, %add3A_1121 : vector<16xf32>
    %div3A_1123 = arith.divf %sub3A_1080, %add3A_1122 : vector<16xf32>
    %sub3A_1124 = arith.constant 1.000000e-03 : f32
    %sub3A_1125 = vector.broadcast %sub3A_1124 : f32 to vector<16xf32>
    %sub3A_1126 = arith.subf %sub3A_1125, %div3A_1123 : vector<16xf32>
    %max3A_1127 = arith.constant 0.000000e+00 : f32
    %max3A_1128 = vector.broadcast %max3A_1127 : f32 to vector<16xf32>
    %max3A_1129 = arith.maximumf %sub3A_1126, %max3A_1128 : vector<16xf32>
    %mul3A_1130 = arith.mulf %max3A_1129, %max3A_1129 : vector<16xf32>
    %mul3A_1131 = arith.mulf %mul3A_1130, %max3A_1129 : vector<16xf32>
    %add3A_1132 = arith.addf %add3A_1061, %mul3A_1131 : vector<16xf32>
    %swap3A = arith.constant 0 : index
    %swap3A_1133 = tpu.vector_load %arg21[%swap3A] {strides = array<i32>} : memref<16xf32, #tpu.memory_space<vmem>>, vector<16xf32>,
    tpu.vector_store %arg21[%swap3A], %add3A_1132 {strides = array<i32>} : memref<16xf32, #tpu.memory_space<vmem>>, vector<16xf32>,
    "tpu.region"() ({
      %run_scoped3A = tpu.sem_alloc : memref<!tpu.dma_semaphore, #tpu.memory_space<semaphore_mem>>
      %dma_start3A = arith.constant 0 : i32
      %dma_start3A_1134 = tpu.memref_slice %arg11[%add3A, %dma_start3A] : memref<32x16xf32, #tpu.memory_space<hbm>> -> memref<1x16xf32, #tpu.memory_space<hbm>>
      %dma_start3A_1135 = tpu.memref_squeeze %dma_start3A_1134 : memref<1x16xf32, #tpu.memory_space<hbm>> -> memref<16xf32, #tpu.memory_space<hbm>>
      %dma_start3A_1136 = arith.constant 0 : i32
      %dma_start3A_1137 = tpu.memref_slice %arg11[%add3A, %dma_start3A_1136] : memref<32x16xf32, #tpu.memory_space<hbm>> -> memref<1x16xf32, #tpu.memory_space<hbm>>
      %dma_start3A_1138 = tpu.memref_squeeze %dma_start3A_1137 : memref<1x16xf32, #tpu.memory_space<hbm>> -> memref<16xf32, #tpu.memory_space<hbm>>
      tpu.enqueue_dma source(%arg21 : memref<16xf32, #tpu.memory_space<vmem>>) target(%dma_start3A_1138 : memref<16xf32, #tpu.memory_space<hbm>>) target_semaphore(%run_scoped3A : memref<!tpu.dma_semaphore, #tpu.memory_space<semaphore_mem>>)
      %dma_wait3A = arith.constant 0 : i32
      %dma_wait3A_1139 = tpu.memref_slice %arg11[%add3A, %dma_wait3A] : memref<32x16xf32, #tpu.memory_space<hbm>> -> memref<1x16xf32, #tpu.memory_space<hbm>>
      %dma_wait3A_1140 = tpu.memref_squeeze %dma_wait3A_1139 : memref<1x16xf32, #tpu.memory_space<hbm>> -> memref<16xf32, #tpu.memory_space<hbm>>
      %dma_wait3A_1141 = arith.constant 0 : i32
      %dma_wait3A_1142 = tpu.memref_slice %arg11[%add3A, %dma_wait3A_1141] : memref<32x16xf32, #tpu.memory_space<hbm>> -> memref<1x16xf32, #tpu.memory_space<hbm>>
      %dma_wait3A_1143 = tpu.memref_squeeze %dma_wait3A_1142 : memref<1x16xf32, #tpu.memory_space<hbm>> -> memref<16xf32, #tpu.memory_space<hbm>>
      tpu.wait_dma2 semaphore(%run_scoped3A : memref<!tpu.dma_semaphore, #tpu.memory_space<semaphore_mem>>) src(%arg21 : memref<16xf32, #tpu.memory_space<vmem>>) dst(%dma_wait3A_1143 : memref<16xf32, #tpu.memory_space<hbm>>)
      tpu.yield
    }) : () -> ()
    return
  }
}

module attributes {stable_mosaic.version = 14 : i64} {
  func.func @body(%arg0: i32, %arg1: memref<1024x8xf32, #tpu.memory_space<vmem>>, %arg2: memref<8x8192xf32, #tpu.memory_space<vmem>>, %arg3: memref<1024x1xi32, #tpu.memory_space<vmem>>) attributes {dimension_semantics = [#tpu.dimension_semantics<arbitrary>], iteration_bounds = array<i64: 8>, scalar_prefetch = 0 : i64, scratch_operands = 0 : i64, tpu.core_type = #tpu.core_type<tc>, window_params = [{transform_indices = @transform_0, window_bounds = array<i64: 1024, 8>}, {pipeline_mode = #tpu.pipeline_mode<synchronous>, transform_indices = @transform_1, window_bounds = array<i64: 8, 8192>}, {transform_indices = @transform_2, window_bounds = array<i64: 1024, 1>}]} {
    %get3A = arith.constant 0 : index
    %get3A_0 = arith.constant 0 : index
    %get3A_1 = vector.load %arg1[%get3A, %get3A_0] : memref<1024x8xf32, #tpu.memory_space<vmem>>, vector<1024x8xf32>
    %convert_element_type3A = arith.truncf %get3A_1 : vector<1024x8xf32> to vector<1024x8xbf16>
    %iota3A = tpu.iota {dimensions = array<i32: 1>} : vector<1024x128xi32>
    %convert_element_type3A_2 = arith.sitofp %iota3A : vector<1024x128xi32> to vector<1024x128xf32>
    %broadcast_in_dim3A = arith.constant 0x7F800000 : f32
    %broadcast_in_dim3A_3 = vector.broadcast %broadcast_in_dim3A : f32 to vector<1024x128xf32>
    %broadcast_in_dim3A_4 = arith.constant 0.000000e+00 : f32
    %broadcast_in_dim3A_5 = vector.broadcast %broadcast_in_dim3A_4 : f32 to vector<1024x128xf32>
    %get3A_6 = arith.constant 0 : index
    %get3A_7 = arith.constant 0 : index
    %get3A_8 = vector.load %arg2[%get3A_6, %get3A_7] : memref<8x8192xf32, #tpu.memory_space<vmem>>, vector<8x2048xf32>
    %convert_element_type3A_9 = arith.truncf %get3A_8 : vector<8x2048xf32> to vector<8x2048xbf16>
    %dot_general3A = arith.constant dense<0.000000e+00> : vector<1024x2048xf32>
    %dot_general3A_10 = tpu.matmul %convert_element_type3A, %convert_element_type3A_9, %dot_general3A {dimension_numbers = #tpu.dot_dimension_numbers<[1], [0], [0], [1], [0, 0, 1, 1], [], []>, transpose_lhs_hint = false} : vector<1024x8xbf16>, vector<8x2048xbf16>, vector<1024x2048xf32> -> vector<1024x2048xf32>
    %slice3A = vector.extract_strided_slice %get3A_8 {offsets = [3, 0], sizes = [1, 128], strides = [1, 1]} : vector<8x2048xf32> to vector<1x128xf32>
    %slice3A_11 = vector.extract_strided_slice %dot_general3A_10 {offsets = [0, 0], sizes = [1024, 128], strides = [1, 1]} : vector<1024x2048xf32> to vector<1024x128xf32>
    %add3A = vector.broadcast %slice3A : vector<1x128xf32> to vector<1024x128xf32>
    %add3A_12 = arith.addf %add3A, %slice3A_11 : vector<1024x128xf32>
    %lt3A = arith.cmpf olt, %add3A_12, %broadcast_in_dim3A_3 : vector<1024x128xf32>
    %jit3A = arith.constant 0.000000e+00 : f32
    %broadcast_in_dim3A_13 = vector.broadcast %jit3A : f32 to vector<1024x128xf32>
    %select_n3A = arith.select %lt3A, %broadcast_in_dim3A_13, %broadcast_in_dim3A_5 : vector<1024x128xi1>, vector<1024x128xf32>
    %select_n3A_14 = arith.select %lt3A, %add3A_12, %broadcast_in_dim3A_3 : vector<1024x128xi1>, vector<1024x128xf32>
    %slice3A_15 = vector.extract_strided_slice %get3A_8 {offsets = [3, 128], sizes = [1, 128], strides = [1, 1]} : vector<8x2048xf32> to vector<1x128xf32>
    %slice3A_16 = vector.extract_strided_slice %dot_general3A_10 {offsets = [0, 128], sizes = [1024, 128], strides = [1, 1]} : vector<1024x2048xf32> to vector<1024x128xf32>
    %add3A_17 = vector.broadcast %slice3A_15 : vector<1x128xf32> to vector<1024x128xf32>
    %add3A_18 = arith.addf %add3A_17, %slice3A_16 : vector<1024x128xf32>
    %lt3A_19 = arith.cmpf olt, %add3A_18, %select_n3A_14 : vector<1024x128xf32>
    %jit3A_20 = arith.constant 1.000000e+00 : f32
    %broadcast_in_dim3A_21 = vector.broadcast %jit3A_20 : f32 to vector<1024x128xf32>
    %select_n3A_22 = arith.select %lt3A_19, %broadcast_in_dim3A_21, %select_n3A : vector<1024x128xi1>, vector<1024x128xf32>
    %select_n3A_23 = arith.select %lt3A_19, %add3A_18, %select_n3A_14 : vector<1024x128xi1>, vector<1024x128xf32>
    %slice3A_24 = vector.extract_strided_slice %get3A_8 {offsets = [3, 256], sizes = [1, 128], strides = [1, 1]} : vector<8x2048xf32> to vector<1x128xf32>
    %slice3A_25 = vector.extract_strided_slice %dot_general3A_10 {offsets = [0, 256], sizes = [1024, 128], strides = [1, 1]} : vector<1024x2048xf32> to vector<1024x128xf32>
    %add3A_26 = vector.broadcast %slice3A_24 : vector<1x128xf32> to vector<1024x128xf32>
    %add3A_27 = arith.addf %add3A_26, %slice3A_25 : vector<1024x128xf32>
    %lt3A_28 = arith.cmpf olt, %add3A_27, %select_n3A_23 : vector<1024x128xf32>
    %jit3A_29 = arith.constant 2.000000e+00 : f32
    %broadcast_in_dim3A_30 = vector.broadcast %jit3A_29 : f32 to vector<1024x128xf32>
    %select_n3A_31 = arith.select %lt3A_28, %broadcast_in_dim3A_30, %select_n3A_22 : vector<1024x128xi1>, vector<1024x128xf32>
    %select_n3A_32 = arith.select %lt3A_28, %add3A_27, %select_n3A_23 : vector<1024x128xi1>, vector<1024x128xf32>
    %slice3A_33 = vector.extract_strided_slice %get3A_8 {offsets = [3, 384], sizes = [1, 128], strides = [1, 1]} : vector<8x2048xf32> to vector<1x128xf32>
    %slice3A_34 = vector.extract_strided_slice %dot_general3A_10 {offsets = [0, 384], sizes = [1024, 128], strides = [1, 1]} : vector<1024x2048xf32> to vector<1024x128xf32>
    %add3A_35 = vector.broadcast %slice3A_33 : vector<1x128xf32> to vector<1024x128xf32>
    %add3A_36 = arith.addf %add3A_35, %slice3A_34 : vector<1024x128xf32>
    %lt3A_37 = arith.cmpf olt, %add3A_36, %select_n3A_32 : vector<1024x128xf32>
    %jit3A_38 = arith.constant 3.000000e+00 : f32
    %broadcast_in_dim3A_39 = vector.broadcast %jit3A_38 : f32 to vector<1024x128xf32>
    %select_n3A_40 = arith.select %lt3A_37, %broadcast_in_dim3A_39, %select_n3A_31 : vector<1024x128xi1>, vector<1024x128xf32>
    %select_n3A_41 = arith.select %lt3A_37, %add3A_36, %select_n3A_32 : vector<1024x128xi1>, vector<1024x128xf32>
    %slice3A_42 = vector.extract_strided_slice %get3A_8 {offsets = [3, 512], sizes = [1, 128], strides = [1, 1]} : vector<8x2048xf32> to vector<1x128xf32>
    %slice3A_43 = vector.extract_strided_slice %dot_general3A_10 {offsets = [0, 512], sizes = [1024, 128], strides = [1, 1]} : vector<1024x2048xf32> to vector<1024x128xf32>
    %add3A_44 = vector.broadcast %slice3A_42 : vector<1x128xf32> to vector<1024x128xf32>
    %add3A_45 = arith.addf %add3A_44, %slice3A_43 : vector<1024x128xf32>
    %lt3A_46 = arith.cmpf olt, %add3A_45, %select_n3A_41 : vector<1024x128xf32>
    %jit3A_47 = arith.constant 4.000000e+00 : f32
    %broadcast_in_dim3A_48 = vector.broadcast %jit3A_47 : f32 to vector<1024x128xf32>
    %select_n3A_49 = arith.select %lt3A_46, %broadcast_in_dim3A_48, %select_n3A_40 : vector<1024x128xi1>, vector<1024x128xf32>
    %select_n3A_50 = arith.select %lt3A_46, %add3A_45, %select_n3A_41 : vector<1024x128xi1>, vector<1024x128xf32>
    %slice3A_51 = vector.extract_strided_slice %get3A_8 {offsets = [3, 640], sizes = [1, 128], strides = [1, 1]} : vector<8x2048xf32> to vector<1x128xf32>
    %slice3A_52 = vector.extract_strided_slice %dot_general3A_10 {offsets = [0, 640], sizes = [1024, 128], strides = [1, 1]} : vector<1024x2048xf32> to vector<1024x128xf32>
    %add3A_53 = vector.broadcast %slice3A_51 : vector<1x128xf32> to vector<1024x128xf32>
    %add3A_54 = arith.addf %add3A_53, %slice3A_52 : vector<1024x128xf32>
    %lt3A_55 = arith.cmpf olt, %add3A_54, %select_n3A_50 : vector<1024x128xf32>
    %jit3A_56 = arith.constant 5.000000e+00 : f32
    %broadcast_in_dim3A_57 = vector.broadcast %jit3A_56 : f32 to vector<1024x128xf32>
    %select_n3A_58 = arith.select %lt3A_55, %broadcast_in_dim3A_57, %select_n3A_49 : vector<1024x128xi1>, vector<1024x128xf32>
    %select_n3A_59 = arith.select %lt3A_55, %add3A_54, %select_n3A_50 : vector<1024x128xi1>, vector<1024x128xf32>
    %slice3A_60 = vector.extract_strided_slice %get3A_8 {offsets = [3, 768], sizes = [1, 128], strides = [1, 1]} : vector<8x2048xf32> to vector<1x128xf32>
    %slice3A_61 = vector.extract_strided_slice %dot_general3A_10 {offsets = [0, 768], sizes = [1024, 128], strides = [1, 1]} : vector<1024x2048xf32> to vector<1024x128xf32>
    %add3A_62 = vector.broadcast %slice3A_60 : vector<1x128xf32> to vector<1024x128xf32>
    %add3A_63 = arith.addf %add3A_62, %slice3A_61 : vector<1024x128xf32>
    %lt3A_64 = arith.cmpf olt, %add3A_63, %select_n3A_59 : vector<1024x128xf32>
    %jit3A_65 = arith.constant 6.000000e+00 : f32
    %broadcast_in_dim3A_66 = vector.broadcast %jit3A_65 : f32 to vector<1024x128xf32>
    %select_n3A_67 = arith.select %lt3A_64, %broadcast_in_dim3A_66, %select_n3A_58 : vector<1024x128xi1>, vector<1024x128xf32>
    %select_n3A_68 = arith.select %lt3A_64, %add3A_63, %select_n3A_59 : vector<1024x128xi1>, vector<1024x128xf32>
    %slice3A_69 = vector.extract_strided_slice %get3A_8 {offsets = [3, 896], sizes = [1, 128], strides = [1, 1]} : vector<8x2048xf32> to vector<1x128xf32>
    %slice3A_70 = vector.extract_strided_slice %dot_general3A_10 {offsets = [0, 896], sizes = [1024, 128], strides = [1, 1]} : vector<1024x2048xf32> to vector<1024x128xf32>
    %add3A_71 = vector.broadcast %slice3A_69 : vector<1x128xf32> to vector<1024x128xf32>
    %add3A_72 = arith.addf %add3A_71, %slice3A_70 : vector<1024x128xf32>
    %lt3A_73 = arith.cmpf olt, %add3A_72, %select_n3A_68 : vector<1024x128xf32>
    %jit3A_74 = arith.constant 7.000000e+00 : f32
    %broadcast_in_dim3A_75 = vector.broadcast %jit3A_74 : f32 to vector<1024x128xf32>
    %select_n3A_76 = arith.select %lt3A_73, %broadcast_in_dim3A_75, %select_n3A_67 : vector<1024x128xi1>, vector<1024x128xf32>
    %select_n3A_77 = arith.select %lt3A_73, %add3A_72, %select_n3A_68 : vector<1024x128xi1>, vector<1024x128xf32>
    %slice3A_78 = vector.extract_strided_slice %get3A_8 {offsets = [3, 1024], sizes = [1, 128], strides = [1, 1]} : vector<8x2048xf32> to vector<1x128xf32>
    %slice3A_79 = vector.extract_strided_slice %dot_general3A_10 {offsets = [0, 1024], sizes = [1024, 128], strides = [1, 1]} : vector<1024x2048xf32> to vector<1024x128xf32>
    %add3A_80 = vector.broadcast %slice3A_78 : vector<1x128xf32> to vector<1024x128xf32>
    %add3A_81 = arith.addf %add3A_80, %slice3A_79 : vector<1024x128xf32>
    %lt3A_82 = arith.cmpf olt, %add3A_81, %select_n3A_77 : vector<1024x128xf32>
    %jit3A_83 = arith.constant 8.000000e+00 : f32
    %broadcast_in_dim3A_84 = vector.broadcast %jit3A_83 : f32 to vector<1024x128xf32>
    %select_n3A_85 = arith.select %lt3A_82, %broadcast_in_dim3A_84, %select_n3A_76 : vector<1024x128xi1>, vector<1024x128xf32>
    %select_n3A_86 = arith.select %lt3A_82, %add3A_81, %select_n3A_77 : vector<1024x128xi1>, vector<1024x128xf32>
    %slice3A_87 = vector.extract_strided_slice %get3A_8 {offsets = [3, 1152], sizes = [1, 128], strides = [1, 1]} : vector<8x2048xf32> to vector<1x128xf32>
    %slice3A_88 = vector.extract_strided_slice %dot_general3A_10 {offsets = [0, 1152], sizes = [1024, 128], strides = [1, 1]} : vector<1024x2048xf32> to vector<1024x128xf32>
    %add3A_89 = vector.broadcast %slice3A_87 : vector<1x128xf32> to vector<1024x128xf32>
    %add3A_90 = arith.addf %add3A_89, %slice3A_88 : vector<1024x128xf32>
    %lt3A_91 = arith.cmpf olt, %add3A_90, %select_n3A_86 : vector<1024x128xf32>
    %jit3A_92 = arith.constant 9.000000e+00 : f32
    %broadcast_in_dim3A_93 = vector.broadcast %jit3A_92 : f32 to vector<1024x128xf32>
    %select_n3A_94 = arith.select %lt3A_91, %broadcast_in_dim3A_93, %select_n3A_85 : vector<1024x128xi1>, vector<1024x128xf32>
    %select_n3A_95 = arith.select %lt3A_91, %add3A_90, %select_n3A_86 : vector<1024x128xi1>, vector<1024x128xf32>
    %slice3A_96 = vector.extract_strided_slice %get3A_8 {offsets = [3, 1280], sizes = [1, 128], strides = [1, 1]} : vector<8x2048xf32> to vector<1x128xf32>
    %slice3A_97 = vector.extract_strided_slice %dot_general3A_10 {offsets = [0, 1280], sizes = [1024, 128], strides = [1, 1]} : vector<1024x2048xf32> to vector<1024x128xf32>
    %add3A_98 = vector.broadcast %slice3A_96 : vector<1x128xf32> to vector<1024x128xf32>
    %add3A_99 = arith.addf %add3A_98, %slice3A_97 : vector<1024x128xf32>
    %lt3A_100 = arith.cmpf olt, %add3A_99, %select_n3A_95 : vector<1024x128xf32>
    %jit3A_101 = arith.constant 1.000000e+01 : f32
    %broadcast_in_dim3A_102 = vector.broadcast %jit3A_101 : f32 to vector<1024x128xf32>
    %select_n3A_103 = arith.select %lt3A_100, %broadcast_in_dim3A_102, %select_n3A_94 : vector<1024x128xi1>, vector<1024x128xf32>
    %select_n3A_104 = arith.select %lt3A_100, %add3A_99, %select_n3A_95 : vector<1024x128xi1>, vector<1024x128xf32>
    %slice3A_105 = vector.extract_strided_slice %get3A_8 {offsets = [3, 1408], sizes = [1, 128], strides = [1, 1]} : vector<8x2048xf32> to vector<1x128xf32>
    %slice3A_106 = vector.extract_strided_slice %dot_general3A_10 {offsets = [0, 1408], sizes = [1024, 128], strides = [1, 1]} : vector<1024x2048xf32> to vector<1024x128xf32>
    %add3A_107 = vector.broadcast %slice3A_105 : vector<1x128xf32> to vector<1024x128xf32>
    %add3A_108 = arith.addf %add3A_107, %slice3A_106 : vector<1024x128xf32>
    %lt3A_109 = arith.cmpf olt, %add3A_108, %select_n3A_104 : vector<1024x128xf32>
    %jit3A_110 = arith.constant 1.100000e+01 : f32
    %broadcast_in_dim3A_111 = vector.broadcast %jit3A_110 : f32 to vector<1024x128xf32>
    %select_n3A_112 = arith.select %lt3A_109, %broadcast_in_dim3A_111, %select_n3A_103 : vector<1024x128xi1>, vector<1024x128xf32>
    %select_n3A_113 = arith.select %lt3A_109, %add3A_108, %select_n3A_104 : vector<1024x128xi1>, vector<1024x128xf32>
    %slice3A_114 = vector.extract_strided_slice %get3A_8 {offsets = [3, 1536], sizes = [1, 128], strides = [1, 1]} : vector<8x2048xf32> to vector<1x128xf32>
    %slice3A_115 = vector.extract_strided_slice %dot_general3A_10 {offsets = [0, 1536], sizes = [1024, 128], strides = [1, 1]} : vector<1024x2048xf32> to vector<1024x128xf32>
    %add3A_116 = vector.broadcast %slice3A_114 : vector<1x128xf32> to vector<1024x128xf32>
    %add3A_117 = arith.addf %add3A_116, %slice3A_115 : vector<1024x128xf32>
    %lt3A_118 = arith.cmpf olt, %add3A_117, %select_n3A_113 : vector<1024x128xf32>
    %jit3A_119 = arith.constant 1.200000e+01 : f32
    %broadcast_in_dim3A_120 = vector.broadcast %jit3A_119 : f32 to vector<1024x128xf32>
    %select_n3A_121 = arith.select %lt3A_118, %broadcast_in_dim3A_120, %select_n3A_112 : vector<1024x128xi1>, vector<1024x128xf32>
    %select_n3A_122 = arith.select %lt3A_118, %add3A_117, %select_n3A_113 : vector<1024x128xi1>, vector<1024x128xf32>
    %slice3A_123 = vector.extract_strided_slice %get3A_8 {offsets = [3, 1664], sizes = [1, 128], strides = [1, 1]} : vector<8x2048xf32> to vector<1x128xf32>
    %slice3A_124 = vector.extract_strided_slice %dot_general3A_10 {offsets = [0, 1664], sizes = [1024, 128], strides = [1, 1]} : vector<1024x2048xf32> to vector<1024x128xf32>
    %add3A_125 = vector.broadcast %slice3A_123 : vector<1x128xf32> to vector<1024x128xf32>
    %add3A_126 = arith.addf %add3A_125, %slice3A_124 : vector<1024x128xf32>
    %lt3A_127 = arith.cmpf olt, %add3A_126, %select_n3A_122 : vector<1024x128xf32>
    %jit3A_128 = arith.constant 1.300000e+01 : f32
    %broadcast_in_dim3A_129 = vector.broadcast %jit3A_128 : f32 to vector<1024x128xf32>
    %select_n3A_130 = arith.select %lt3A_127, %broadcast_in_dim3A_129, %select_n3A_121 : vector<1024x128xi1>, vector<1024x128xf32>
    %select_n3A_131 = arith.select %lt3A_127, %add3A_126, %select_n3A_122 : vector<1024x128xi1>, vector<1024x128xf32>
    %slice3A_132 = vector.extract_strided_slice %get3A_8 {offsets = [3, 1792], sizes = [1, 128], strides = [1, 1]} : vector<8x2048xf32> to vector<1x128xf32>
    %slice3A_133 = vector.extract_strided_slice %dot_general3A_10 {offsets = [0, 1792], sizes = [1024, 128], strides = [1, 1]} : vector<1024x2048xf32> to vector<1024x128xf32>
    %add3A_134 = vector.broadcast %slice3A_132 : vector<1x128xf32> to vector<1024x128xf32>
    %add3A_135 = arith.addf %add3A_134, %slice3A_133 : vector<1024x128xf32>
    %lt3A_136 = arith.cmpf olt, %add3A_135, %select_n3A_131 : vector<1024x128xf32>
    %jit3A_137 = arith.constant 1.400000e+01 : f32
    %broadcast_in_dim3A_138 = vector.broadcast %jit3A_137 : f32 to vector<1024x128xf32>
    %select_n3A_139 = arith.select %lt3A_136, %broadcast_in_dim3A_138, %select_n3A_130 : vector<1024x128xi1>, vector<1024x128xf32>
    %select_n3A_140 = arith.select %lt3A_136, %add3A_135, %select_n3A_131 : vector<1024x128xi1>, vector<1024x128xf32>
    %slice3A_141 = vector.extract_strided_slice %get3A_8 {offsets = [3, 1920], sizes = [1, 128], strides = [1, 1]} : vector<8x2048xf32> to vector<1x128xf32>
    %slice3A_142 = vector.extract_strided_slice %dot_general3A_10 {offsets = [0, 1920], sizes = [1024, 128], strides = [1, 1]} : vector<1024x2048xf32> to vector<1024x128xf32>
    %add3A_143 = vector.broadcast %slice3A_141 : vector<1x128xf32> to vector<1024x128xf32>
    %add3A_144 = arith.addf %add3A_143, %slice3A_142 : vector<1024x128xf32>
    %lt3A_145 = arith.cmpf olt, %add3A_144, %select_n3A_140 : vector<1024x128xf32>
    %jit3A_146 = arith.constant 1.500000e+01 : f32
    %broadcast_in_dim3A_147 = vector.broadcast %jit3A_146 : f32 to vector<1024x128xf32>
    %select_n3A_148 = arith.select %lt3A_145, %broadcast_in_dim3A_147, %select_n3A_139 : vector<1024x128xi1>, vector<1024x128xf32>
    %select_n3A_149 = arith.select %lt3A_145, %add3A_144, %select_n3A_140 : vector<1024x128xi1>, vector<1024x128xf32>
    %get3A_150 = arith.constant 0 : index
    %get3A_151 = arith.constant 2048 : index
    %get3A_152 = vector.load %arg2[%get3A_150, %get3A_151] : memref<8x8192xf32, #tpu.memory_space<vmem>>, vector<8x2048xf32>
    %convert_element_type3A_153 = arith.truncf %get3A_152 : vector<8x2048xf32> to vector<8x2048xbf16>
    %dot_general3A_154 = arith.constant dense<0.000000e+00> : vector<1024x2048xf32>
    %dot_general3A_155 = tpu.matmul %convert_element_type3A, %convert_element_type3A_153, %dot_general3A_154 {dimension_numbers = #tpu.dot_dimension_numbers<[1], [0], [0], [1], [0, 0, 1, 1], [], []>, transpose_lhs_hint = false} : vector<1024x8xbf16>, vector<8x2048xbf16>, vector<1024x2048xf32> -> vector<1024x2048xf32>
    %slice3A_156 = vector.extract_strided_slice %get3A_152 {offsets = [3, 0], sizes = [1, 128], strides = [1, 1]} : vector<8x2048xf32> to vector<1x128xf32>
    %slice3A_157 = vector.extract_strided_slice %dot_general3A_155 {offsets = [0, 0], sizes = [1024, 128], strides = [1, 1]} : vector<1024x2048xf32> to vector<1024x128xf32>
    %add3A_158 = vector.broadcast %slice3A_156 : vector<1x128xf32> to vector<1024x128xf32>
    %add3A_159 = arith.addf %add3A_158, %slice3A_157 : vector<1024x128xf32>
    %lt3A_160 = arith.cmpf olt, %add3A_159, %select_n3A_149 : vector<1024x128xf32>
    %jit3A_161 = arith.constant 1.600000e+01 : f32
    %broadcast_in_dim3A_162 = vector.broadcast %jit3A_161 : f32 to vector<1024x128xf32>
    %select_n3A_163 = arith.select %lt3A_160, %broadcast_in_dim3A_162, %select_n3A_148 : vector<1024x128xi1>, vector<1024x128xf32>
    %select_n3A_164 = arith.select %lt3A_160, %add3A_159, %select_n3A_149 : vector<1024x128xi1>, vector<1024x128xf32>
    %slice3A_165 = vector.extract_strided_slice %get3A_152 {offsets = [3, 128], sizes = [1, 128], strides = [1, 1]} : vector<8x2048xf32> to vector<1x128xf32>
    %slice3A_166 = vector.extract_strided_slice %dot_general3A_155 {offsets = [0, 128], sizes = [1024, 128], strides = [1, 1]} : vector<1024x2048xf32> to vector<1024x128xf32>
    %add3A_167 = vector.broadcast %slice3A_165 : vector<1x128xf32> to vector<1024x128xf32>
    %add3A_168 = arith.addf %add3A_167, %slice3A_166 : vector<1024x128xf32>
    %lt3A_169 = arith.cmpf olt, %add3A_168, %select_n3A_164 : vector<1024x128xf32>
    %jit3A_170 = arith.constant 1.700000e+01 : f32
    %broadcast_in_dim3A_171 = vector.broadcast %jit3A_170 : f32 to vector<1024x128xf32>
    %select_n3A_172 = arith.select %lt3A_169, %broadcast_in_dim3A_171, %select_n3A_163 : vector<1024x128xi1>, vector<1024x128xf32>
    %select_n3A_173 = arith.select %lt3A_169, %add3A_168, %select_n3A_164 : vector<1024x128xi1>, vector<1024x128xf32>
    %slice3A_174 = vector.extract_strided_slice %get3A_152 {offsets = [3, 256], sizes = [1, 128], strides = [1, 1]} : vector<8x2048xf32> to vector<1x128xf32>
    %slice3A_175 = vector.extract_strided_slice %dot_general3A_155 {offsets = [0, 256], sizes = [1024, 128], strides = [1, 1]} : vector<1024x2048xf32> to vector<1024x128xf32>
    %add3A_176 = vector.broadcast %slice3A_174 : vector<1x128xf32> to vector<1024x128xf32>
    %add3A_177 = arith.addf %add3A_176, %slice3A_175 : vector<1024x128xf32>
    %lt3A_178 = arith.cmpf olt, %add3A_177, %select_n3A_173 : vector<1024x128xf32>
    %jit3A_179 = arith.constant 1.800000e+01 : f32
    %broadcast_in_dim3A_180 = vector.broadcast %jit3A_179 : f32 to vector<1024x128xf32>
    %select_n3A_181 = arith.select %lt3A_178, %broadcast_in_dim3A_180, %select_n3A_172 : vector<1024x128xi1>, vector<1024x128xf32>
    %select_n3A_182 = arith.select %lt3A_178, %add3A_177, %select_n3A_173 : vector<1024x128xi1>, vector<1024x128xf32>
    %slice3A_183 = vector.extract_strided_slice %get3A_152 {offsets = [3, 384], sizes = [1, 128], strides = [1, 1]} : vector<8x2048xf32> to vector<1x128xf32>
    %slice3A_184 = vector.extract_strided_slice %dot_general3A_155 {offsets = [0, 384], sizes = [1024, 128], strides = [1, 1]} : vector<1024x2048xf32> to vector<1024x128xf32>
    %add3A_185 = vector.broadcast %slice3A_183 : vector<1x128xf32> to vector<1024x128xf32>
    %add3A_186 = arith.addf %add3A_185, %slice3A_184 : vector<1024x128xf32>
    %lt3A_187 = arith.cmpf olt, %add3A_186, %select_n3A_182 : vector<1024x128xf32>
    %jit3A_188 = arith.constant 1.900000e+01 : f32
    %broadcast_in_dim3A_189 = vector.broadcast %jit3A_188 : f32 to vector<1024x128xf32>
    %select_n3A_190 = arith.select %lt3A_187, %broadcast_in_dim3A_189, %select_n3A_181 : vector<1024x128xi1>, vector<1024x128xf32>
    %select_n3A_191 = arith.select %lt3A_187, %add3A_186, %select_n3A_182 : vector<1024x128xi1>, vector<1024x128xf32>
    %slice3A_192 = vector.extract_strided_slice %get3A_152 {offsets = [3, 512], sizes = [1, 128], strides = [1, 1]} : vector<8x2048xf32> to vector<1x128xf32>
    %slice3A_193 = vector.extract_strided_slice %dot_general3A_155 {offsets = [0, 512], sizes = [1024, 128], strides = [1, 1]} : vector<1024x2048xf32> to vector<1024x128xf32>
    %add3A_194 = vector.broadcast %slice3A_192 : vector<1x128xf32> to vector<1024x128xf32>
    %add3A_195 = arith.addf %add3A_194, %slice3A_193 : vector<1024x128xf32>
    %lt3A_196 = arith.cmpf olt, %add3A_195, %select_n3A_191 : vector<1024x128xf32>
    %jit3A_197 = arith.constant 2.000000e+01 : f32
    %broadcast_in_dim3A_198 = vector.broadcast %jit3A_197 : f32 to vector<1024x128xf32>
    %select_n3A_199 = arith.select %lt3A_196, %broadcast_in_dim3A_198, %select_n3A_190 : vector<1024x128xi1>, vector<1024x128xf32>
    %select_n3A_200 = arith.select %lt3A_196, %add3A_195, %select_n3A_191 : vector<1024x128xi1>, vector<1024x128xf32>
    %slice3A_201 = vector.extract_strided_slice %get3A_152 {offsets = [3, 640], sizes = [1, 128], strides = [1, 1]} : vector<8x2048xf32> to vector<1x128xf32>
    %slice3A_202 = vector.extract_strided_slice %dot_general3A_155 {offsets = [0, 640], sizes = [1024, 128], strides = [1, 1]} : vector<1024x2048xf32> to vector<1024x128xf32>
    %add3A_203 = vector.broadcast %slice3A_201 : vector<1x128xf32> to vector<1024x128xf32>
    %add3A_204 = arith.addf %add3A_203, %slice3A_202 : vector<1024x128xf32>
    %lt3A_205 = arith.cmpf olt, %add3A_204, %select_n3A_200 : vector<1024x128xf32>
    %jit3A_206 = arith.constant 2.100000e+01 : f32
    %broadcast_in_dim3A_207 = vector.broadcast %jit3A_206 : f32 to vector<1024x128xf32>
    %select_n3A_208 = arith.select %lt3A_205, %broadcast_in_dim3A_207, %select_n3A_199 : vector<1024x128xi1>, vector<1024x128xf32>
    %select_n3A_209 = arith.select %lt3A_205, %add3A_204, %select_n3A_200 : vector<1024x128xi1>, vector<1024x128xf32>
    %slice3A_210 = vector.extract_strided_slice %get3A_152 {offsets = [3, 768], sizes = [1, 128], strides = [1, 1]} : vector<8x2048xf32> to vector<1x128xf32>
    %slice3A_211 = vector.extract_strided_slice %dot_general3A_155 {offsets = [0, 768], sizes = [1024, 128], strides = [1, 1]} : vector<1024x2048xf32> to vector<1024x128xf32>
    %add3A_212 = vector.broadcast %slice3A_210 : vector<1x128xf32> to vector<1024x128xf32>
    %add3A_213 = arith.addf %add3A_212, %slice3A_211 : vector<1024x128xf32>
    %lt3A_214 = arith.cmpf olt, %add3A_213, %select_n3A_209 : vector<1024x128xf32>
    %jit3A_215 = arith.constant 2.200000e+01 : f32
    %broadcast_in_dim3A_216 = vector.broadcast %jit3A_215 : f32 to vector<1024x128xf32>
    %select_n3A_217 = arith.select %lt3A_214, %broadcast_in_dim3A_216, %select_n3A_208 : vector<1024x128xi1>, vector<1024x128xf32>
    %select_n3A_218 = arith.select %lt3A_214, %add3A_213, %select_n3A_209 : vector<1024x128xi1>, vector<1024x128xf32>
    %slice3A_219 = vector.extract_strided_slice %get3A_152 {offsets = [3, 896], sizes = [1, 128], strides = [1, 1]} : vector<8x2048xf32> to vector<1x128xf32>
    %slice3A_220 = vector.extract_strided_slice %dot_general3A_155 {offsets = [0, 896], sizes = [1024, 128], strides = [1, 1]} : vector<1024x2048xf32> to vector<1024x128xf32>
    %add3A_221 = vector.broadcast %slice3A_219 : vector<1x128xf32> to vector<1024x128xf32>
    %add3A_222 = arith.addf %add3A_221, %slice3A_220 : vector<1024x128xf32>
    %lt3A_223 = arith.cmpf olt, %add3A_222, %select_n3A_218 : vector<1024x128xf32>
    %jit3A_224 = arith.constant 2.300000e+01 : f32
    %broadcast_in_dim3A_225 = vector.broadcast %jit3A_224 : f32 to vector<1024x128xf32>
    %select_n3A_226 = arith.select %lt3A_223, %broadcast_in_dim3A_225, %select_n3A_217 : vector<1024x128xi1>, vector<1024x128xf32>
    %select_n3A_227 = arith.select %lt3A_223, %add3A_222, %select_n3A_218 : vector<1024x128xi1>, vector<1024x128xf32>
    %slice3A_228 = vector.extract_strided_slice %get3A_152 {offsets = [3, 1024], sizes = [1, 128], strides = [1, 1]} : vector<8x2048xf32> to vector<1x128xf32>
    %slice3A_229 = vector.extract_strided_slice %dot_general3A_155 {offsets = [0, 1024], sizes = [1024, 128], strides = [1, 1]} : vector<1024x2048xf32> to vector<1024x128xf32>
    %add3A_230 = vector.broadcast %slice3A_228 : vector<1x128xf32> to vector<1024x128xf32>
    %add3A_231 = arith.addf %add3A_230, %slice3A_229 : vector<1024x128xf32>
    %lt3A_232 = arith.cmpf olt, %add3A_231, %select_n3A_227 : vector<1024x128xf32>
    %jit3A_233 = arith.constant 2.400000e+01 : f32
    %broadcast_in_dim3A_234 = vector.broadcast %jit3A_233 : f32 to vector<1024x128xf32>
    %select_n3A_235 = arith.select %lt3A_232, %broadcast_in_dim3A_234, %select_n3A_226 : vector<1024x128xi1>, vector<1024x128xf32>
    %select_n3A_236 = arith.select %lt3A_232, %add3A_231, %select_n3A_227 : vector<1024x128xi1>, vector<1024x128xf32>
    %slice3A_237 = vector.extract_strided_slice %get3A_152 {offsets = [3, 1152], sizes = [1, 128], strides = [1, 1]} : vector<8x2048xf32> to vector<1x128xf32>
    %slice3A_238 = vector.extract_strided_slice %dot_general3A_155 {offsets = [0, 1152], sizes = [1024, 128], strides = [1, 1]} : vector<1024x2048xf32> to vector<1024x128xf32>
    %add3A_239 = vector.broadcast %slice3A_237 : vector<1x128xf32> to vector<1024x128xf32>
    %add3A_240 = arith.addf %add3A_239, %slice3A_238 : vector<1024x128xf32>
    %lt3A_241 = arith.cmpf olt, %add3A_240, %select_n3A_236 : vector<1024x128xf32>
    %jit3A_242 = arith.constant 2.500000e+01 : f32
    %broadcast_in_dim3A_243 = vector.broadcast %jit3A_242 : f32 to vector<1024x128xf32>
    %select_n3A_244 = arith.select %lt3A_241, %broadcast_in_dim3A_243, %select_n3A_235 : vector<1024x128xi1>, vector<1024x128xf32>
    %select_n3A_245 = arith.select %lt3A_241, %add3A_240, %select_n3A_236 : vector<1024x128xi1>, vector<1024x128xf32>
    %slice3A_246 = vector.extract_strided_slice %get3A_152 {offsets = [3, 1280], sizes = [1, 128], strides = [1, 1]} : vector<8x2048xf32> to vector<1x128xf32>
    %slice3A_247 = vector.extract_strided_slice %dot_general3A_155 {offsets = [0, 1280], sizes = [1024, 128], strides = [1, 1]} : vector<1024x2048xf32> to vector<1024x128xf32>
    %add3A_248 = vector.broadcast %slice3A_246 : vector<1x128xf32> to vector<1024x128xf32>
    %add3A_249 = arith.addf %add3A_248, %slice3A_247 : vector<1024x128xf32>
    %lt3A_250 = arith.cmpf olt, %add3A_249, %select_n3A_245 : vector<1024x128xf32>
    %jit3A_251 = arith.constant 2.600000e+01 : f32
    %broadcast_in_dim3A_252 = vector.broadcast %jit3A_251 : f32 to vector<1024x128xf32>
    %select_n3A_253 = arith.select %lt3A_250, %broadcast_in_dim3A_252, %select_n3A_244 : vector<1024x128xi1>, vector<1024x128xf32>
    %select_n3A_254 = arith.select %lt3A_250, %add3A_249, %select_n3A_245 : vector<1024x128xi1>, vector<1024x128xf32>
    %slice3A_255 = vector.extract_strided_slice %get3A_152 {offsets = [3, 1408], sizes = [1, 128], strides = [1, 1]} : vector<8x2048xf32> to vector<1x128xf32>
    %slice3A_256 = vector.extract_strided_slice %dot_general3A_155 {offsets = [0, 1408], sizes = [1024, 128], strides = [1, 1]} : vector<1024x2048xf32> to vector<1024x128xf32>
    %add3A_257 = vector.broadcast %slice3A_255 : vector<1x128xf32> to vector<1024x128xf32>
    %add3A_258 = arith.addf %add3A_257, %slice3A_256 : vector<1024x128xf32>
    %lt3A_259 = arith.cmpf olt, %add3A_258, %select_n3A_254 : vector<1024x128xf32>
    %jit3A_260 = arith.constant 2.700000e+01 : f32
    %broadcast_in_dim3A_261 = vector.broadcast %jit3A_260 : f32 to vector<1024x128xf32>
    %select_n3A_262 = arith.select %lt3A_259, %broadcast_in_dim3A_261, %select_n3A_253 : vector<1024x128xi1>, vector<1024x128xf32>
    %select_n3A_263 = arith.select %lt3A_259, %add3A_258, %select_n3A_254 : vector<1024x128xi1>, vector<1024x128xf32>
    %slice3A_264 = vector.extract_strided_slice %get3A_152 {offsets = [3, 1536], sizes = [1, 128], strides = [1, 1]} : vector<8x2048xf32> to vector<1x128xf32>
    %slice3A_265 = vector.extract_strided_slice %dot_general3A_155 {offsets = [0, 1536], sizes = [1024, 128], strides = [1, 1]} : vector<1024x2048xf32> to vector<1024x128xf32>
    %add3A_266 = vector.broadcast %slice3A_264 : vector<1x128xf32> to vector<1024x128xf32>
    %add3A_267 = arith.addf %add3A_266, %slice3A_265 : vector<1024x128xf32>
    %lt3A_268 = arith.cmpf olt, %add3A_267, %select_n3A_263 : vector<1024x128xf32>
    %jit3A_269 = arith.constant 2.800000e+01 : f32
    %broadcast_in_dim3A_270 = vector.broadcast %jit3A_269 : f32 to vector<1024x128xf32>
    %select_n3A_271 = arith.select %lt3A_268, %broadcast_in_dim3A_270, %select_n3A_262 : vector<1024x128xi1>, vector<1024x128xf32>
    %select_n3A_272 = arith.select %lt3A_268, %add3A_267, %select_n3A_263 : vector<1024x128xi1>, vector<1024x128xf32>
    %slice3A_273 = vector.extract_strided_slice %get3A_152 {offsets = [3, 1664], sizes = [1, 128], strides = [1, 1]} : vector<8x2048xf32> to vector<1x128xf32>
    %slice3A_274 = vector.extract_strided_slice %dot_general3A_155 {offsets = [0, 1664], sizes = [1024, 128], strides = [1, 1]} : vector<1024x2048xf32> to vector<1024x128xf32>
    %add3A_275 = vector.broadcast %slice3A_273 : vector<1x128xf32> to vector<1024x128xf32>
    %add3A_276 = arith.addf %add3A_275, %slice3A_274 : vector<1024x128xf32>
    %lt3A_277 = arith.cmpf olt, %add3A_276, %select_n3A_272 : vector<1024x128xf32>
    %jit3A_278 = arith.constant 2.900000e+01 : f32
    %broadcast_in_dim3A_279 = vector.broadcast %jit3A_278 : f32 to vector<1024x128xf32>
    %select_n3A_280 = arith.select %lt3A_277, %broadcast_in_dim3A_279, %select_n3A_271 : vector<1024x128xi1>, vector<1024x128xf32>
    %select_n3A_281 = arith.select %lt3A_277, %add3A_276, %select_n3A_272 : vector<1024x128xi1>, vector<1024x128xf32>
    %slice3A_282 = vector.extract_strided_slice %get3A_152 {offsets = [3, 1792], sizes = [1, 128], strides = [1, 1]} : vector<8x2048xf32> to vector<1x128xf32>
    %slice3A_283 = vector.extract_strided_slice %dot_general3A_155 {offsets = [0, 1792], sizes = [1024, 128], strides = [1, 1]} : vector<1024x2048xf32> to vector<1024x128xf32>
    %add3A_284 = vector.broadcast %slice3A_282 : vector<1x128xf32> to vector<1024x128xf32>
    %add3A_285 = arith.addf %add3A_284, %slice3A_283 : vector<1024x128xf32>
    %lt3A_286 = arith.cmpf olt, %add3A_285, %select_n3A_281 : vector<1024x128xf32>
    %jit3A_287 = arith.constant 3.000000e+01 : f32
    %broadcast_in_dim3A_288 = vector.broadcast %jit3A_287 : f32 to vector<1024x128xf32>
    %select_n3A_289 = arith.select %lt3A_286, %broadcast_in_dim3A_288, %select_n3A_280 : vector<1024x128xi1>, vector<1024x128xf32>
    %select_n3A_290 = arith.select %lt3A_286, %add3A_285, %select_n3A_281 : vector<1024x128xi1>, vector<1024x128xf32>
    %slice3A_291 = vector.extract_strided_slice %get3A_152 {offsets = [3, 1920], sizes = [1, 128], strides = [1, 1]} : vector<8x2048xf32> to vector<1x128xf32>
    %slice3A_292 = vector.extract_strided_slice %dot_general3A_155 {offsets = [0, 1920], sizes = [1024, 128], strides = [1, 1]} : vector<1024x2048xf32> to vector<1024x128xf32>
    %add3A_293 = vector.broadcast %slice3A_291 : vector<1x128xf32> to vector<1024x128xf32>
    %add3A_294 = arith.addf %add3A_293, %slice3A_292 : vector<1024x128xf32>
    %lt3A_295 = arith.cmpf olt, %add3A_294, %select_n3A_290 : vector<1024x128xf32>
    %jit3A_296 = arith.constant 3.100000e+01 : f32
    %broadcast_in_dim3A_297 = vector.broadcast %jit3A_296 : f32 to vector<1024x128xf32>
    %select_n3A_298 = arith.select %lt3A_295, %broadcast_in_dim3A_297, %select_n3A_289 : vector<1024x128xi1>, vector<1024x128xf32>
    %select_n3A_299 = arith.select %lt3A_295, %add3A_294, %select_n3A_290 : vector<1024x128xi1>, vector<1024x128xf32>
    %get3A_300 = arith.constant 0 : index
    %get3A_301 = arith.constant 4096 : index
    %get3A_302 = vector.load %arg2[%get3A_300, %get3A_301] : memref<8x8192xf32, #tpu.memory_space<vmem>>, vector<8x2048xf32>
    %convert_element_type3A_303 = arith.truncf %get3A_302 : vector<8x2048xf32> to vector<8x2048xbf16>
    %dot_general3A_304 = arith.constant dense<0.000000e+00> : vector<1024x2048xf32>
    %dot_general3A_305 = tpu.matmul %convert_element_type3A, %convert_element_type3A_303, %dot_general3A_304 {dimension_numbers = #tpu.dot_dimension_numbers<[1], [0], [0], [1], [0, 0, 1, 1], [], []>, transpose_lhs_hint = false} : vector<1024x8xbf16>, vector<8x2048xbf16>, vector<1024x2048xf32> -> vector<1024x2048xf32>
    %slice3A_306 = vector.extract_strided_slice %get3A_302 {offsets = [3, 0], sizes = [1, 128], strides = [1, 1]} : vector<8x2048xf32> to vector<1x128xf32>
    %slice3A_307 = vector.extract_strided_slice %dot_general3A_305 {offsets = [0, 0], sizes = [1024, 128], strides = [1, 1]} : vector<1024x2048xf32> to vector<1024x128xf32>
    %add3A_308 = vector.broadcast %slice3A_306 : vector<1x128xf32> to vector<1024x128xf32>
    %add3A_309 = arith.addf %add3A_308, %slice3A_307 : vector<1024x128xf32>
    %lt3A_310 = arith.cmpf olt, %add3A_309, %select_n3A_299 : vector<1024x128xf32>
    %jit3A_311 = arith.constant 3.200000e+01 : f32
    %broadcast_in_dim3A_312 = vector.broadcast %jit3A_311 : f32 to vector<1024x128xf32>
    %select_n3A_313 = arith.select %lt3A_310, %broadcast_in_dim3A_312, %select_n3A_298 : vector<1024x128xi1>, vector<1024x128xf32>
    %select_n3A_314 = arith.select %lt3A_310, %add3A_309, %select_n3A_299 : vector<1024x128xi1>, vector<1024x128xf32>
    %slice3A_315 = vector.extract_strided_slice %get3A_302 {offsets = [3, 128], sizes = [1, 128], strides = [1, 1]} : vector<8x2048xf32> to vector<1x128xf32>
    %slice3A_316 = vector.extract_strided_slice %dot_general3A_305 {offsets = [0, 128], sizes = [1024, 128], strides = [1, 1]} : vector<1024x2048xf32> to vector<1024x128xf32>
    %add3A_317 = vector.broadcast %slice3A_315 : vector<1x128xf32> to vector<1024x128xf32>
    %add3A_318 = arith.addf %add3A_317, %slice3A_316 : vector<1024x128xf32>
    %lt3A_319 = arith.cmpf olt, %add3A_318, %select_n3A_314 : vector<1024x128xf32>
    %jit3A_320 = arith.constant 3.300000e+01 : f32
    %broadcast_in_dim3A_321 = vector.broadcast %jit3A_320 : f32 to vector<1024x128xf32>
    %select_n3A_322 = arith.select %lt3A_319, %broadcast_in_dim3A_321, %select_n3A_313 : vector<1024x128xi1>, vector<1024x128xf32>
    %select_n3A_323 = arith.select %lt3A_319, %add3A_318, %select_n3A_314 : vector<1024x128xi1>, vector<1024x128xf32>
    %slice3A_324 = vector.extract_strided_slice %get3A_302 {offsets = [3, 256], sizes = [1, 128], strides = [1, 1]} : vector<8x2048xf32> to vector<1x128xf32>
    %slice3A_325 = vector.extract_strided_slice %dot_general3A_305 {offsets = [0, 256], sizes = [1024, 128], strides = [1, 1]} : vector<1024x2048xf32> to vector<1024x128xf32>
    %add3A_326 = vector.broadcast %slice3A_324 : vector<1x128xf32> to vector<1024x128xf32>
    %add3A_327 = arith.addf %add3A_326, %slice3A_325 : vector<1024x128xf32>
    %lt3A_328 = arith.cmpf olt, %add3A_327, %select_n3A_323 : vector<1024x128xf32>
    %jit3A_329 = arith.constant 3.400000e+01 : f32
    %broadcast_in_dim3A_330 = vector.broadcast %jit3A_329 : f32 to vector<1024x128xf32>
    %select_n3A_331 = arith.select %lt3A_328, %broadcast_in_dim3A_330, %select_n3A_322 : vector<1024x128xi1>, vector<1024x128xf32>
    %select_n3A_332 = arith.select %lt3A_328, %add3A_327, %select_n3A_323 : vector<1024x128xi1>, vector<1024x128xf32>
    %slice3A_333 = vector.extract_strided_slice %get3A_302 {offsets = [3, 384], sizes = [1, 128], strides = [1, 1]} : vector<8x2048xf32> to vector<1x128xf32>
    %slice3A_334 = vector.extract_strided_slice %dot_general3A_305 {offsets = [0, 384], sizes = [1024, 128], strides = [1, 1]} : vector<1024x2048xf32> to vector<1024x128xf32>
    %add3A_335 = vector.broadcast %slice3A_333 : vector<1x128xf32> to vector<1024x128xf32>
    %add3A_336 = arith.addf %add3A_335, %slice3A_334 : vector<1024x128xf32>
    %lt3A_337 = arith.cmpf olt, %add3A_336, %select_n3A_332 : vector<1024x128xf32>
    %jit3A_338 = arith.constant 3.500000e+01 : f32
    %broadcast_in_dim3A_339 = vector.broadcast %jit3A_338 : f32 to vector<1024x128xf32>
    %select_n3A_340 = arith.select %lt3A_337, %broadcast_in_dim3A_339, %select_n3A_331 : vector<1024x128xi1>, vector<1024x128xf32>
    %select_n3A_341 = arith.select %lt3A_337, %add3A_336, %select_n3A_332 : vector<1024x128xi1>, vector<1024x128xf32>
    %slice3A_342 = vector.extract_strided_slice %get3A_302 {offsets = [3, 512], sizes = [1, 128], strides = [1, 1]} : vector<8x2048xf32> to vector<1x128xf32>
    %slice3A_343 = vector.extract_strided_slice %dot_general3A_305 {offsets = [0, 512], sizes = [1024, 128], strides = [1, 1]} : vector<1024x2048xf32> to vector<1024x128xf32>
    %add3A_344 = vector.broadcast %slice3A_342 : vector<1x128xf32> to vector<1024x128xf32>
    %add3A_345 = arith.addf %add3A_344, %slice3A_343 : vector<1024x128xf32>
    %lt3A_346 = arith.cmpf olt, %add3A_345, %select_n3A_341 : vector<1024x128xf32>
    %jit3A_347 = arith.constant 3.600000e+01 : f32
    %broadcast_in_dim3A_348 = vector.broadcast %jit3A_347 : f32 to vector<1024x128xf32>
    %select_n3A_349 = arith.select %lt3A_346, %broadcast_in_dim3A_348, %select_n3A_340 : vector<1024x128xi1>, vector<1024x128xf32>
    %select_n3A_350 = arith.select %lt3A_346, %add3A_345, %select_n3A_341 : vector<1024x128xi1>, vector<1024x128xf32>
    %slice3A_351 = vector.extract_strided_slice %get3A_302 {offsets = [3, 640], sizes = [1, 128], strides = [1, 1]} : vector<8x2048xf32> to vector<1x128xf32>
    %slice3A_352 = vector.extract_strided_slice %dot_general3A_305 {offsets = [0, 640], sizes = [1024, 128], strides = [1, 1]} : vector<1024x2048xf32> to vector<1024x128xf32>
    %add3A_353 = vector.broadcast %slice3A_351 : vector<1x128xf32> to vector<1024x128xf32>
    %add3A_354 = arith.addf %add3A_353, %slice3A_352 : vector<1024x128xf32>
    %lt3A_355 = arith.cmpf olt, %add3A_354, %select_n3A_350 : vector<1024x128xf32>
    %jit3A_356 = arith.constant 3.700000e+01 : f32
    %broadcast_in_dim3A_357 = vector.broadcast %jit3A_356 : f32 to vector<1024x128xf32>
    %select_n3A_358 = arith.select %lt3A_355, %broadcast_in_dim3A_357, %select_n3A_349 : vector<1024x128xi1>, vector<1024x128xf32>
    %select_n3A_359 = arith.select %lt3A_355, %add3A_354, %select_n3A_350 : vector<1024x128xi1>, vector<1024x128xf32>
    %slice3A_360 = vector.extract_strided_slice %get3A_302 {offsets = [3, 768], sizes = [1, 128], strides = [1, 1]} : vector<8x2048xf32> to vector<1x128xf32>
    %slice3A_361 = vector.extract_strided_slice %dot_general3A_305 {offsets = [0, 768], sizes = [1024, 128], strides = [1, 1]} : vector<1024x2048xf32> to vector<1024x128xf32>
    %add3A_362 = vector.broadcast %slice3A_360 : vector<1x128xf32> to vector<1024x128xf32>
    %add3A_363 = arith.addf %add3A_362, %slice3A_361 : vector<1024x128xf32>
    %lt3A_364 = arith.cmpf olt, %add3A_363, %select_n3A_359 : vector<1024x128xf32>
    %jit3A_365 = arith.constant 3.800000e+01 : f32
    %broadcast_in_dim3A_366 = vector.broadcast %jit3A_365 : f32 to vector<1024x128xf32>
    %select_n3A_367 = arith.select %lt3A_364, %broadcast_in_dim3A_366, %select_n3A_358 : vector<1024x128xi1>, vector<1024x128xf32>
    %select_n3A_368 = arith.select %lt3A_364, %add3A_363, %select_n3A_359 : vector<1024x128xi1>, vector<1024x128xf32>
    %slice3A_369 = vector.extract_strided_slice %get3A_302 {offsets = [3, 896], sizes = [1, 128], strides = [1, 1]} : vector<8x2048xf32> to vector<1x128xf32>
    %slice3A_370 = vector.extract_strided_slice %dot_general3A_305 {offsets = [0, 896], sizes = [1024, 128], strides = [1, 1]} : vector<1024x2048xf32> to vector<1024x128xf32>
    %add3A_371 = vector.broadcast %slice3A_369 : vector<1x128xf32> to vector<1024x128xf32>
    %add3A_372 = arith.addf %add3A_371, %slice3A_370 : vector<1024x128xf32>
    %lt3A_373 = arith.cmpf olt, %add3A_372, %select_n3A_368 : vector<1024x128xf32>
    %jit3A_374 = arith.constant 3.900000e+01 : f32
    %broadcast_in_dim3A_375 = vector.broadcast %jit3A_374 : f32 to vector<1024x128xf32>
    %select_n3A_376 = arith.select %lt3A_373, %broadcast_in_dim3A_375, %select_n3A_367 : vector<1024x128xi1>, vector<1024x128xf32>
    %select_n3A_377 = arith.select %lt3A_373, %add3A_372, %select_n3A_368 : vector<1024x128xi1>, vector<1024x128xf32>
    %slice3A_378 = vector.extract_strided_slice %get3A_302 {offsets = [3, 1024], sizes = [1, 128], strides = [1, 1]} : vector<8x2048xf32> to vector<1x128xf32>
    %slice3A_379 = vector.extract_strided_slice %dot_general3A_305 {offsets = [0, 1024], sizes = [1024, 128], strides = [1, 1]} : vector<1024x2048xf32> to vector<1024x128xf32>
    %add3A_380 = vector.broadcast %slice3A_378 : vector<1x128xf32> to vector<1024x128xf32>
    %add3A_381 = arith.addf %add3A_380, %slice3A_379 : vector<1024x128xf32>
    %lt3A_382 = arith.cmpf olt, %add3A_381, %select_n3A_377 : vector<1024x128xf32>
    %jit3A_383 = arith.constant 4.000000e+01 : f32
    %broadcast_in_dim3A_384 = vector.broadcast %jit3A_383 : f32 to vector<1024x128xf32>
    %select_n3A_385 = arith.select %lt3A_382, %broadcast_in_dim3A_384, %select_n3A_376 : vector<1024x128xi1>, vector<1024x128xf32>
    %select_n3A_386 = arith.select %lt3A_382, %add3A_381, %select_n3A_377 : vector<1024x128xi1>, vector<1024x128xf32>
    %slice3A_387 = vector.extract_strided_slice %get3A_302 {offsets = [3, 1152], sizes = [1, 128], strides = [1, 1]} : vector<8x2048xf32> to vector<1x128xf32>
    %slice3A_388 = vector.extract_strided_slice %dot_general3A_305 {offsets = [0, 1152], sizes = [1024, 128], strides = [1, 1]} : vector<1024x2048xf32> to vector<1024x128xf32>
    %add3A_389 = vector.broadcast %slice3A_387 : vector<1x128xf32> to vector<1024x128xf32>
    %add3A_390 = arith.addf %add3A_389, %slice3A_388 : vector<1024x128xf32>
    %lt3A_391 = arith.cmpf olt, %add3A_390, %select_n3A_386 : vector<1024x128xf32>
    %jit3A_392 = arith.constant 4.100000e+01 : f32
    %broadcast_in_dim3A_393 = vector.broadcast %jit3A_392 : f32 to vector<1024x128xf32>
    %select_n3A_394 = arith.select %lt3A_391, %broadcast_in_dim3A_393, %select_n3A_385 : vector<1024x128xi1>, vector<1024x128xf32>
    %select_n3A_395 = arith.select %lt3A_391, %add3A_390, %select_n3A_386 : vector<1024x128xi1>, vector<1024x128xf32>
    %slice3A_396 = vector.extract_strided_slice %get3A_302 {offsets = [3, 1280], sizes = [1, 128], strides = [1, 1]} : vector<8x2048xf32> to vector<1x128xf32>
    %slice3A_397 = vector.extract_strided_slice %dot_general3A_305 {offsets = [0, 1280], sizes = [1024, 128], strides = [1, 1]} : vector<1024x2048xf32> to vector<1024x128xf32>
    %add3A_398 = vector.broadcast %slice3A_396 : vector<1x128xf32> to vector<1024x128xf32>
    %add3A_399 = arith.addf %add3A_398, %slice3A_397 : vector<1024x128xf32>
    %lt3A_400 = arith.cmpf olt, %add3A_399, %select_n3A_395 : vector<1024x128xf32>
    %jit3A_401 = arith.constant 4.200000e+01 : f32
    %broadcast_in_dim3A_402 = vector.broadcast %jit3A_401 : f32 to vector<1024x128xf32>
    %select_n3A_403 = arith.select %lt3A_400, %broadcast_in_dim3A_402, %select_n3A_394 : vector<1024x128xi1>, vector<1024x128xf32>
    %select_n3A_404 = arith.select %lt3A_400, %add3A_399, %select_n3A_395 : vector<1024x128xi1>, vector<1024x128xf32>
    %slice3A_405 = vector.extract_strided_slice %get3A_302 {offsets = [3, 1408], sizes = [1, 128], strides = [1, 1]} : vector<8x2048xf32> to vector<1x128xf32>
    %slice3A_406 = vector.extract_strided_slice %dot_general3A_305 {offsets = [0, 1408], sizes = [1024, 128], strides = [1, 1]} : vector<1024x2048xf32> to vector<1024x128xf32>
    %add3A_407 = vector.broadcast %slice3A_405 : vector<1x128xf32> to vector<1024x128xf32>
    %add3A_408 = arith.addf %add3A_407, %slice3A_406 : vector<1024x128xf32>
    %lt3A_409 = arith.cmpf olt, %add3A_408, %select_n3A_404 : vector<1024x128xf32>
    %jit3A_410 = arith.constant 4.300000e+01 : f32
    %broadcast_in_dim3A_411 = vector.broadcast %jit3A_410 : f32 to vector<1024x128xf32>
    %select_n3A_412 = arith.select %lt3A_409, %broadcast_in_dim3A_411, %select_n3A_403 : vector<1024x128xi1>, vector<1024x128xf32>
    %select_n3A_413 = arith.select %lt3A_409, %add3A_408, %select_n3A_404 : vector<1024x128xi1>, vector<1024x128xf32>
    %slice3A_414 = vector.extract_strided_slice %get3A_302 {offsets = [3, 1536], sizes = [1, 128], strides = [1, 1]} : vector<8x2048xf32> to vector<1x128xf32>
    %slice3A_415 = vector.extract_strided_slice %dot_general3A_305 {offsets = [0, 1536], sizes = [1024, 128], strides = [1, 1]} : vector<1024x2048xf32> to vector<1024x128xf32>
    %add3A_416 = vector.broadcast %slice3A_414 : vector<1x128xf32> to vector<1024x128xf32>
    %add3A_417 = arith.addf %add3A_416, %slice3A_415 : vector<1024x128xf32>
    %lt3A_418 = arith.cmpf olt, %add3A_417, %select_n3A_413 : vector<1024x128xf32>
    %jit3A_419 = arith.constant 4.400000e+01 : f32
    %broadcast_in_dim3A_420 = vector.broadcast %jit3A_419 : f32 to vector<1024x128xf32>
    %select_n3A_421 = arith.select %lt3A_418, %broadcast_in_dim3A_420, %select_n3A_412 : vector<1024x128xi1>, vector<1024x128xf32>
    %select_n3A_422 = arith.select %lt3A_418, %add3A_417, %select_n3A_413 : vector<1024x128xi1>, vector<1024x128xf32>
    %slice3A_423 = vector.extract_strided_slice %get3A_302 {offsets = [3, 1664], sizes = [1, 128], strides = [1, 1]} : vector<8x2048xf32> to vector<1x128xf32>
    %slice3A_424 = vector.extract_strided_slice %dot_general3A_305 {offsets = [0, 1664], sizes = [1024, 128], strides = [1, 1]} : vector<1024x2048xf32> to vector<1024x128xf32>
    %add3A_425 = vector.broadcast %slice3A_423 : vector<1x128xf32> to vector<1024x128xf32>
    %add3A_426 = arith.addf %add3A_425, %slice3A_424 : vector<1024x128xf32>
    %lt3A_427 = arith.cmpf olt, %add3A_426, %select_n3A_422 : vector<1024x128xf32>
    %jit3A_428 = arith.constant 4.500000e+01 : f32
    %broadcast_in_dim3A_429 = vector.broadcast %jit3A_428 : f32 to vector<1024x128xf32>
    %select_n3A_430 = arith.select %lt3A_427, %broadcast_in_dim3A_429, %select_n3A_421 : vector<1024x128xi1>, vector<1024x128xf32>
    %select_n3A_431 = arith.select %lt3A_427, %add3A_426, %select_n3A_422 : vector<1024x128xi1>, vector<1024x128xf32>
    %slice3A_432 = vector.extract_strided_slice %get3A_302 {offsets = [3, 1792], sizes = [1, 128], strides = [1, 1]} : vector<8x2048xf32> to vector<1x128xf32>
    %slice3A_433 = vector.extract_strided_slice %dot_general3A_305 {offsets = [0, 1792], sizes = [1024, 128], strides = [1, 1]} : vector<1024x2048xf32> to vector<1024x128xf32>
    %add3A_434 = vector.broadcast %slice3A_432 : vector<1x128xf32> to vector<1024x128xf32>
    %add3A_435 = arith.addf %add3A_434, %slice3A_433 : vector<1024x128xf32>
    %lt3A_436 = arith.cmpf olt, %add3A_435, %select_n3A_431 : vector<1024x128xf32>
    %jit3A_437 = arith.constant 4.600000e+01 : f32
    %broadcast_in_dim3A_438 = vector.broadcast %jit3A_437 : f32 to vector<1024x128xf32>
    %select_n3A_439 = arith.select %lt3A_436, %broadcast_in_dim3A_438, %select_n3A_430 : vector<1024x128xi1>, vector<1024x128xf32>
    %select_n3A_440 = arith.select %lt3A_436, %add3A_435, %select_n3A_431 : vector<1024x128xi1>, vector<1024x128xf32>
    %slice3A_441 = vector.extract_strided_slice %get3A_302 {offsets = [3, 1920], sizes = [1, 128], strides = [1, 1]} : vector<8x2048xf32> to vector<1x128xf32>
    %slice3A_442 = vector.extract_strided_slice %dot_general3A_305 {offsets = [0, 1920], sizes = [1024, 128], strides = [1, 1]} : vector<1024x2048xf32> to vector<1024x128xf32>
    %add3A_443 = vector.broadcast %slice3A_441 : vector<1x128xf32> to vector<1024x128xf32>
    %add3A_444 = arith.addf %add3A_443, %slice3A_442 : vector<1024x128xf32>
    %lt3A_445 = arith.cmpf olt, %add3A_444, %select_n3A_440 : vector<1024x128xf32>
    %jit3A_446 = arith.constant 4.700000e+01 : f32
    %broadcast_in_dim3A_447 = vector.broadcast %jit3A_446 : f32 to vector<1024x128xf32>
    %select_n3A_448 = arith.select %lt3A_445, %broadcast_in_dim3A_447, %select_n3A_439 : vector<1024x128xi1>, vector<1024x128xf32>
    %select_n3A_449 = arith.select %lt3A_445, %add3A_444, %select_n3A_440 : vector<1024x128xi1>, vector<1024x128xf32>
    %get3A_450 = arith.constant 0 : index
    %get3A_451 = arith.constant 6144 : index
    %get3A_452 = vector.load %arg2[%get3A_450, %get3A_451] : memref<8x8192xf32, #tpu.memory_space<vmem>>, vector<8x2048xf32>
    %convert_element_type3A_453 = arith.truncf %get3A_452 : vector<8x2048xf32> to vector<8x2048xbf16>
    %dot_general3A_454 = arith.constant dense<0.000000e+00> : vector<1024x2048xf32>
    %dot_general3A_455 = tpu.matmul %convert_element_type3A, %convert_element_type3A_453, %dot_general3A_454 {dimension_numbers = #tpu.dot_dimension_numbers<[1], [0], [0], [1], [0, 0, 1, 1], [], []>, transpose_lhs_hint = false} : vector<1024x8xbf16>, vector<8x2048xbf16>, vector<1024x2048xf32> -> vector<1024x2048xf32>
    %slice3A_456 = vector.extract_strided_slice %get3A_452 {offsets = [3, 0], sizes = [1, 128], strides = [1, 1]} : vector<8x2048xf32> to vector<1x128xf32>
    %slice3A_457 = vector.extract_strided_slice %dot_general3A_455 {offsets = [0, 0], sizes = [1024, 128], strides = [1, 1]} : vector<1024x2048xf32> to vector<1024x128xf32>
    %add3A_458 = vector.broadcast %slice3A_456 : vector<1x128xf32> to vector<1024x128xf32>
    %add3A_459 = arith.addf %add3A_458, %slice3A_457 : vector<1024x128xf32>
    %lt3A_460 = arith.cmpf olt, %add3A_459, %select_n3A_449 : vector<1024x128xf32>
    %jit3A_461 = arith.constant 4.800000e+01 : f32
    %broadcast_in_dim3A_462 = vector.broadcast %jit3A_461 : f32 to vector<1024x128xf32>
    %select_n3A_463 = arith.select %lt3A_460, %broadcast_in_dim3A_462, %select_n3A_448 : vector<1024x128xi1>, vector<1024x128xf32>
    %select_n3A_464 = arith.select %lt3A_460, %add3A_459, %select_n3A_449 : vector<1024x128xi1>, vector<1024x128xf32>
    %slice3A_465 = vector.extract_strided_slice %get3A_452 {offsets = [3, 128], sizes = [1, 128], strides = [1, 1]} : vector<8x2048xf32> to vector<1x128xf32>
    %slice3A_466 = vector.extract_strided_slice %dot_general3A_455 {offsets = [0, 128], sizes = [1024, 128], strides = [1, 1]} : vector<1024x2048xf32> to vector<1024x128xf32>
    %add3A_467 = vector.broadcast %slice3A_465 : vector<1x128xf32> to vector<1024x128xf32>
    %add3A_468 = arith.addf %add3A_467, %slice3A_466 : vector<1024x128xf32>
    %lt3A_469 = arith.cmpf olt, %add3A_468, %select_n3A_464 : vector<1024x128xf32>
    %jit3A_470 = arith.constant 4.900000e+01 : f32
    %broadcast_in_dim3A_471 = vector.broadcast %jit3A_470 : f32 to vector<1024x128xf32>
    %select_n3A_472 = arith.select %lt3A_469, %broadcast_in_dim3A_471, %select_n3A_463 : vector<1024x128xi1>, vector<1024x128xf32>
    %select_n3A_473 = arith.select %lt3A_469, %add3A_468, %select_n3A_464 : vector<1024x128xi1>, vector<1024x128xf32>
    %slice3A_474 = vector.extract_strided_slice %get3A_452 {offsets = [3, 256], sizes = [1, 128], strides = [1, 1]} : vector<8x2048xf32> to vector<1x128xf32>
    %slice3A_475 = vector.extract_strided_slice %dot_general3A_455 {offsets = [0, 256], sizes = [1024, 128], strides = [1, 1]} : vector<1024x2048xf32> to vector<1024x128xf32>
    %add3A_476 = vector.broadcast %slice3A_474 : vector<1x128xf32> to vector<1024x128xf32>
    %add3A_477 = arith.addf %add3A_476, %slice3A_475 : vector<1024x128xf32>
    %lt3A_478 = arith.cmpf olt, %add3A_477, %select_n3A_473 : vector<1024x128xf32>
    %jit3A_479 = arith.constant 5.000000e+01 : f32
    %broadcast_in_dim3A_480 = vector.broadcast %jit3A_479 : f32 to vector<1024x128xf32>
    %select_n3A_481 = arith.select %lt3A_478, %broadcast_in_dim3A_480, %select_n3A_472 : vector<1024x128xi1>, vector<1024x128xf32>
    %select_n3A_482 = arith.select %lt3A_478, %add3A_477, %select_n3A_473 : vector<1024x128xi1>, vector<1024x128xf32>
    %slice3A_483 = vector.extract_strided_slice %get3A_452 {offsets = [3, 384], sizes = [1, 128], strides = [1, 1]} : vector<8x2048xf32> to vector<1x128xf32>
    %slice3A_484 = vector.extract_strided_slice %dot_general3A_455 {offsets = [0, 384], sizes = [1024, 128], strides = [1, 1]} : vector<1024x2048xf32> to vector<1024x128xf32>
    %add3A_485 = vector.broadcast %slice3A_483 : vector<1x128xf32> to vector<1024x128xf32>
    %add3A_486 = arith.addf %add3A_485, %slice3A_484 : vector<1024x128xf32>
    %lt3A_487 = arith.cmpf olt, %add3A_486, %select_n3A_482 : vector<1024x128xf32>
    %jit3A_488 = arith.constant 5.100000e+01 : f32
    %broadcast_in_dim3A_489 = vector.broadcast %jit3A_488 : f32 to vector<1024x128xf32>
    %select_n3A_490 = arith.select %lt3A_487, %broadcast_in_dim3A_489, %select_n3A_481 : vector<1024x128xi1>, vector<1024x128xf32>
    %select_n3A_491 = arith.select %lt3A_487, %add3A_486, %select_n3A_482 : vector<1024x128xi1>, vector<1024x128xf32>
    %slice3A_492 = vector.extract_strided_slice %get3A_452 {offsets = [3, 512], sizes = [1, 128], strides = [1, 1]} : vector<8x2048xf32> to vector<1x128xf32>
    %slice3A_493 = vector.extract_strided_slice %dot_general3A_455 {offsets = [0, 512], sizes = [1024, 128], strides = [1, 1]} : vector<1024x2048xf32> to vector<1024x128xf32>
    %add3A_494 = vector.broadcast %slice3A_492 : vector<1x128xf32> to vector<1024x128xf32>
    %add3A_495 = arith.addf %add3A_494, %slice3A_493 : vector<1024x128xf32>
    %lt3A_496 = arith.cmpf olt, %add3A_495, %select_n3A_491 : vector<1024x128xf32>
    %jit3A_497 = arith.constant 5.200000e+01 : f32
    %broadcast_in_dim3A_498 = vector.broadcast %jit3A_497 : f32 to vector<1024x128xf32>
    %select_n3A_499 = arith.select %lt3A_496, %broadcast_in_dim3A_498, %select_n3A_490 : vector<1024x128xi1>, vector<1024x128xf32>
    %select_n3A_500 = arith.select %lt3A_496, %add3A_495, %select_n3A_491 : vector<1024x128xi1>, vector<1024x128xf32>
    %slice3A_501 = vector.extract_strided_slice %get3A_452 {offsets = [3, 640], sizes = [1, 128], strides = [1, 1]} : vector<8x2048xf32> to vector<1x128xf32>
    %slice3A_502 = vector.extract_strided_slice %dot_general3A_455 {offsets = [0, 640], sizes = [1024, 128], strides = [1, 1]} : vector<1024x2048xf32> to vector<1024x128xf32>
    %add3A_503 = vector.broadcast %slice3A_501 : vector<1x128xf32> to vector<1024x128xf32>
    %add3A_504 = arith.addf %add3A_503, %slice3A_502 : vector<1024x128xf32>
    %lt3A_505 = arith.cmpf olt, %add3A_504, %select_n3A_500 : vector<1024x128xf32>
    %jit3A_506 = arith.constant 5.300000e+01 : f32
    %broadcast_in_dim3A_507 = vector.broadcast %jit3A_506 : f32 to vector<1024x128xf32>
    %select_n3A_508 = arith.select %lt3A_505, %broadcast_in_dim3A_507, %select_n3A_499 : vector<1024x128xi1>, vector<1024x128xf32>
    %select_n3A_509 = arith.select %lt3A_505, %add3A_504, %select_n3A_500 : vector<1024x128xi1>, vector<1024x128xf32>
    %slice3A_510 = vector.extract_strided_slice %get3A_452 {offsets = [3, 768], sizes = [1, 128], strides = [1, 1]} : vector<8x2048xf32> to vector<1x128xf32>
    %slice3A_511 = vector.extract_strided_slice %dot_general3A_455 {offsets = [0, 768], sizes = [1024, 128], strides = [1, 1]} : vector<1024x2048xf32> to vector<1024x128xf32>
    %add3A_512 = vector.broadcast %slice3A_510 : vector<1x128xf32> to vector<1024x128xf32>
    %add3A_513 = arith.addf %add3A_512, %slice3A_511 : vector<1024x128xf32>
    %lt3A_514 = arith.cmpf olt, %add3A_513, %select_n3A_509 : vector<1024x128xf32>
    %jit3A_515 = arith.constant 5.400000e+01 : f32
    %broadcast_in_dim3A_516 = vector.broadcast %jit3A_515 : f32 to vector<1024x128xf32>
    %select_n3A_517 = arith.select %lt3A_514, %broadcast_in_dim3A_516, %select_n3A_508 : vector<1024x128xi1>, vector<1024x128xf32>
    %select_n3A_518 = arith.select %lt3A_514, %add3A_513, %select_n3A_509 : vector<1024x128xi1>, vector<1024x128xf32>
    %slice3A_519 = vector.extract_strided_slice %get3A_452 {offsets = [3, 896], sizes = [1, 128], strides = [1, 1]} : vector<8x2048xf32> to vector<1x128xf32>
    %slice3A_520 = vector.extract_strided_slice %dot_general3A_455 {offsets = [0, 896], sizes = [1024, 128], strides = [1, 1]} : vector<1024x2048xf32> to vector<1024x128xf32>
    %add3A_521 = vector.broadcast %slice3A_519 : vector<1x128xf32> to vector<1024x128xf32>
    %add3A_522 = arith.addf %add3A_521, %slice3A_520 : vector<1024x128xf32>
    %lt3A_523 = arith.cmpf olt, %add3A_522, %select_n3A_518 : vector<1024x128xf32>
    %jit3A_524 = arith.constant 5.500000e+01 : f32
    %broadcast_in_dim3A_525 = vector.broadcast %jit3A_524 : f32 to vector<1024x128xf32>
    %select_n3A_526 = arith.select %lt3A_523, %broadcast_in_dim3A_525, %select_n3A_517 : vector<1024x128xi1>, vector<1024x128xf32>
    %select_n3A_527 = arith.select %lt3A_523, %add3A_522, %select_n3A_518 : vector<1024x128xi1>, vector<1024x128xf32>
    %slice3A_528 = vector.extract_strided_slice %get3A_452 {offsets = [3, 1024], sizes = [1, 128], strides = [1, 1]} : vector<8x2048xf32> to vector<1x128xf32>
    %slice3A_529 = vector.extract_strided_slice %dot_general3A_455 {offsets = [0, 1024], sizes = [1024, 128], strides = [1, 1]} : vector<1024x2048xf32> to vector<1024x128xf32>
    %add3A_530 = vector.broadcast %slice3A_528 : vector<1x128xf32> to vector<1024x128xf32>
    %add3A_531 = arith.addf %add3A_530, %slice3A_529 : vector<1024x128xf32>
    %lt3A_532 = arith.cmpf olt, %add3A_531, %select_n3A_527 : vector<1024x128xf32>
    %jit3A_533 = arith.constant 5.600000e+01 : f32
    %broadcast_in_dim3A_534 = vector.broadcast %jit3A_533 : f32 to vector<1024x128xf32>
    %select_n3A_535 = arith.select %lt3A_532, %broadcast_in_dim3A_534, %select_n3A_526 : vector<1024x128xi1>, vector<1024x128xf32>
    %select_n3A_536 = arith.select %lt3A_532, %add3A_531, %select_n3A_527 : vector<1024x128xi1>, vector<1024x128xf32>
    %slice3A_537 = vector.extract_strided_slice %get3A_452 {offsets = [3, 1152], sizes = [1, 128], strides = [1, 1]} : vector<8x2048xf32> to vector<1x128xf32>
    %slice3A_538 = vector.extract_strided_slice %dot_general3A_455 {offsets = [0, 1152], sizes = [1024, 128], strides = [1, 1]} : vector<1024x2048xf32> to vector<1024x128xf32>
    %add3A_539 = vector.broadcast %slice3A_537 : vector<1x128xf32> to vector<1024x128xf32>
    %add3A_540 = arith.addf %add3A_539, %slice3A_538 : vector<1024x128xf32>
    %lt3A_541 = arith.cmpf olt, %add3A_540, %select_n3A_536 : vector<1024x128xf32>
    %jit3A_542 = arith.constant 5.700000e+01 : f32
    %broadcast_in_dim3A_543 = vector.broadcast %jit3A_542 : f32 to vector<1024x128xf32>
    %select_n3A_544 = arith.select %lt3A_541, %broadcast_in_dim3A_543, %select_n3A_535 : vector<1024x128xi1>, vector<1024x128xf32>
    %select_n3A_545 = arith.select %lt3A_541, %add3A_540, %select_n3A_536 : vector<1024x128xi1>, vector<1024x128xf32>
    %slice3A_546 = vector.extract_strided_slice %get3A_452 {offsets = [3, 1280], sizes = [1, 128], strides = [1, 1]} : vector<8x2048xf32> to vector<1x128xf32>
    %slice3A_547 = vector.extract_strided_slice %dot_general3A_455 {offsets = [0, 1280], sizes = [1024, 128], strides = [1, 1]} : vector<1024x2048xf32> to vector<1024x128xf32>
    %add3A_548 = vector.broadcast %slice3A_546 : vector<1x128xf32> to vector<1024x128xf32>
    %add3A_549 = arith.addf %add3A_548, %slice3A_547 : vector<1024x128xf32>
    %lt3A_550 = arith.cmpf olt, %add3A_549, %select_n3A_545 : vector<1024x128xf32>
    %jit3A_551 = arith.constant 5.800000e+01 : f32
    %broadcast_in_dim3A_552 = vector.broadcast %jit3A_551 : f32 to vector<1024x128xf32>
    %select_n3A_553 = arith.select %lt3A_550, %broadcast_in_dim3A_552, %select_n3A_544 : vector<1024x128xi1>, vector<1024x128xf32>
    %select_n3A_554 = arith.select %lt3A_550, %add3A_549, %select_n3A_545 : vector<1024x128xi1>, vector<1024x128xf32>
    %slice3A_555 = vector.extract_strided_slice %get3A_452 {offsets = [3, 1408], sizes = [1, 128], strides = [1, 1]} : vector<8x2048xf32> to vector<1x128xf32>
    %slice3A_556 = vector.extract_strided_slice %dot_general3A_455 {offsets = [0, 1408], sizes = [1024, 128], strides = [1, 1]} : vector<1024x2048xf32> to vector<1024x128xf32>
    %add3A_557 = vector.broadcast %slice3A_555 : vector<1x128xf32> to vector<1024x128xf32>
    %add3A_558 = arith.addf %add3A_557, %slice3A_556 : vector<1024x128xf32>
    %lt3A_559 = arith.cmpf olt, %add3A_558, %select_n3A_554 : vector<1024x128xf32>
    %jit3A_560 = arith.constant 5.900000e+01 : f32
    %broadcast_in_dim3A_561 = vector.broadcast %jit3A_560 : f32 to vector<1024x128xf32>
    %select_n3A_562 = arith.select %lt3A_559, %broadcast_in_dim3A_561, %select_n3A_553 : vector<1024x128xi1>, vector<1024x128xf32>
    %select_n3A_563 = arith.select %lt3A_559, %add3A_558, %select_n3A_554 : vector<1024x128xi1>, vector<1024x128xf32>
    %slice3A_564 = vector.extract_strided_slice %get3A_452 {offsets = [3, 1536], sizes = [1, 128], strides = [1, 1]} : vector<8x2048xf32> to vector<1x128xf32>
    %slice3A_565 = vector.extract_strided_slice %dot_general3A_455 {offsets = [0, 1536], sizes = [1024, 128], strides = [1, 1]} : vector<1024x2048xf32> to vector<1024x128xf32>
    %add3A_566 = vector.broadcast %slice3A_564 : vector<1x128xf32> to vector<1024x128xf32>
    %add3A_567 = arith.addf %add3A_566, %slice3A_565 : vector<1024x128xf32>
    %lt3A_568 = arith.cmpf olt, %add3A_567, %select_n3A_563 : vector<1024x128xf32>
    %jit3A_569 = arith.constant 6.000000e+01 : f32
    %broadcast_in_dim3A_570 = vector.broadcast %jit3A_569 : f32 to vector<1024x128xf32>
    %select_n3A_571 = arith.select %lt3A_568, %broadcast_in_dim3A_570, %select_n3A_562 : vector<1024x128xi1>, vector<1024x128xf32>
    %select_n3A_572 = arith.select %lt3A_568, %add3A_567, %select_n3A_563 : vector<1024x128xi1>, vector<1024x128xf32>
    %slice3A_573 = vector.extract_strided_slice %get3A_452 {offsets = [3, 1664], sizes = [1, 128], strides = [1, 1]} : vector<8x2048xf32> to vector<1x128xf32>
    %slice3A_574 = vector.extract_strided_slice %dot_general3A_455 {offsets = [0, 1664], sizes = [1024, 128], strides = [1, 1]} : vector<1024x2048xf32> to vector<1024x128xf32>
    %add3A_575 = vector.broadcast %slice3A_573 : vector<1x128xf32> to vector<1024x128xf32>
    %add3A_576 = arith.addf %add3A_575, %slice3A_574 : vector<1024x128xf32>
    %lt3A_577 = arith.cmpf olt, %add3A_576, %select_n3A_572 : vector<1024x128xf32>
    %jit3A_578 = arith.constant 6.100000e+01 : f32
    %broadcast_in_dim3A_579 = vector.broadcast %jit3A_578 : f32 to vector<1024x128xf32>
    %select_n3A_580 = arith.select %lt3A_577, %broadcast_in_dim3A_579, %select_n3A_571 : vector<1024x128xi1>, vector<1024x128xf32>
    %select_n3A_581 = arith.select %lt3A_577, %add3A_576, %select_n3A_572 : vector<1024x128xi1>, vector<1024x128xf32>
    %slice3A_582 = vector.extract_strided_slice %get3A_452 {offsets = [3, 1792], sizes = [1, 128], strides = [1, 1]} : vector<8x2048xf32> to vector<1x128xf32>
    %slice3A_583 = vector.extract_strided_slice %dot_general3A_455 {offsets = [0, 1792], sizes = [1024, 128], strides = [1, 1]} : vector<1024x2048xf32> to vector<1024x128xf32>
    %add3A_584 = vector.broadcast %slice3A_582 : vector<1x128xf32> to vector<1024x128xf32>
    %add3A_585 = arith.addf %add3A_584, %slice3A_583 : vector<1024x128xf32>
    %lt3A_586 = arith.cmpf olt, %add3A_585, %select_n3A_581 : vector<1024x128xf32>
    %jit3A_587 = arith.constant 6.200000e+01 : f32
    %broadcast_in_dim3A_588 = vector.broadcast %jit3A_587 : f32 to vector<1024x128xf32>
    %select_n3A_589 = arith.select %lt3A_586, %broadcast_in_dim3A_588, %select_n3A_580 : vector<1024x128xi1>, vector<1024x128xf32>
    %select_n3A_590 = arith.select %lt3A_586, %add3A_585, %select_n3A_581 : vector<1024x128xi1>, vector<1024x128xf32>
    %slice3A_591 = vector.extract_strided_slice %get3A_452 {offsets = [3, 1920], sizes = [1, 128], strides = [1, 1]} : vector<8x2048xf32> to vector<1x128xf32>
    %slice3A_592 = vector.extract_strided_slice %dot_general3A_455 {offsets = [0, 1920], sizes = [1024, 128], strides = [1, 1]} : vector<1024x2048xf32> to vector<1024x128xf32>
    %add3A_593 = vector.broadcast %slice3A_591 : vector<1x128xf32> to vector<1024x128xf32>
    %add3A_594 = arith.addf %add3A_593, %slice3A_592 : vector<1024x128xf32>
    %lt3A_595 = arith.cmpf olt, %add3A_594, %select_n3A_590 : vector<1024x128xf32>
    %jit3A_596 = arith.constant 6.300000e+01 : f32
    %broadcast_in_dim3A_597 = vector.broadcast %jit3A_596 : f32 to vector<1024x128xf32>
    %select_n3A_598 = arith.select %lt3A_595, %broadcast_in_dim3A_597, %select_n3A_589 : vector<1024x128xi1>, vector<1024x128xf32>
    %select_n3A_599 = arith.select %lt3A_595, %add3A_594, %select_n3A_590 : vector<1024x128xi1>, vector<1024x128xf32>
    %mul3A = arith.constant 1.280000e+02 : f32
    %mul3A_600 = vector.broadcast %mul3A : f32 to vector<1024x128xf32>
    %mul3A_601 = arith.mulf %select_n3A_598, %mul3A_600 : vector<1024x128xf32>
    %add3A_602 = arith.addf %mul3A_601, %convert_element_type3A_2 : vector<1024x128xf32>
    %reduce_min3A = arith.constant dense<0x7F800000> : vector<1024xf32>
    %reduce_min3A_603 = vector.multi_reduction <minimumf>, %select_n3A_599, %reduce_min3A [1] : vector<1024x128xf32> to vector<1024xf32>
    %broadcast_in_dim3A_604 = vector.shape_cast %reduce_min3A_603 : vector<1024xf32> to vector<1024x1xf32>
    %le3A = vector.broadcast %broadcast_in_dim3A_604 : vector<1024x1xf32> to vector<1024x128xf32>
    %le3A_605 = arith.cmpf ole, %select_n3A_599, %le3A : vector<1024x128xf32>
    %jit3A_606 = arith.constant 1.000000e+30 : f32
    %broadcast_in_dim3A_607 = vector.broadcast %jit3A_606 : f32 to vector<1024x128xf32>
    %select_n3A_608 = arith.select %le3A_605, %add3A_602, %broadcast_in_dim3A_607 : vector<1024x128xi1>, vector<1024x128xf32>
    %reduce_min3A_609 = arith.constant dense<0x7F800000> : vector<1024xf32>
    %reduce_min3A_610 = vector.multi_reduction <minimumf>, %select_n3A_608, %reduce_min3A_609 [1] : vector<1024x128xf32> to vector<1024xf32>
    %broadcast_in_dim3A_611 = vector.shape_cast %reduce_min3A_610 : vector<1024xf32> to vector<1024x1xf32>
    %convert_element_type3A_612 = arith.fptosi %broadcast_in_dim3A_611 : vector<1024x1xf32> to vector<1024x1xi32>
    %swap3A = arith.constant 0 : index
    %swap3A_613 = arith.constant 0 : index
    %swap3A_614 = vector.load %arg3[%swap3A, %swap3A_613] : memref<1024x1xi32, #tpu.memory_space<vmem>>, vector<1024x1xi32>
    tpu.vector_store %arg3[%swap3A, %swap3A_613], %convert_element_type3A_612 {strides = array<i32>} : memref<1024x1xi32, #tpu.memory_space<vmem>>, vector<1024x1xi32>,
    return
  }
  func.func @transform_0(%arg0: i32) -> (i32, i32) {
    %c0_i32 = arith.constant 0 : i32
    %c0_i32_0 = arith.constant 0 : i32
    return %arg0, %c0_i32 : i32, i32
  }
  func.func @transform_1(%arg0: i32) -> (i32, i32) {
    %c0_i32 = arith.constant 0 : i32
    %c0_i32_0 = arith.constant 0 : i32
    %c0_i32_1 = arith.constant 0 : i32
    return %c0_i32, %c0_i32_0 : i32, i32
  }
  func.func @transform_2(%arg0: i32) -> (i32, i32) {
    %c0_i32 = arith.constant 0 : i32
    %c0_i32_0 = arith.constant 0 : i32
    return %arg0, %c0_i32 : i32, i32
  }
}

</mosaic_0001>

<sc_bundles>
// kernel: kernel.5.cloned.1.call-start
scs
__scs_entry_jumppad:
0x0: {  	(pc) =	sbr.rel $0x88, $3  }
0x1: {  	(tag) =	ssettag $0x0;
	lr =	simm.s32 $0x1  }
0x2: {  	[smem:$0x3F9B] =	sst lr;
	_ =	strace $0xD0000000  }
0x3: {  	_ = 	snop  }
0x4: {  	_ = 	snop  }
0x5: {  	_ = 	snop  }
0x6: {  	_ = 	snop  }
0x7: {  	_ = 	snop  }
__scs_overlays_trampoline_lowered:
0x8: {  	[smem:$0x3FAA] =	sst s0  }
0x9: {  	[smem:$0x3FAB] =	sst s1  }
0xa: {  	[smem:$0x3FAC] =	sst s2  }
0xb: {  	[smem:$0x3FAD] =	sst s3  }
0xc: {  	[smem:$0x3FAE] =	sst s4  }
0xd: {  	[smem:$0x3FAF] =	sst s5  }
0xe: {  	[smem:$0x3FB0] =	sst s6  }
0xf: {  	[smem:$0x3FB1] =	sst s7  }
0x10: {  	[smem:$0x3FB2] =	sst s8  }
0x11: {  	[smem:$0x3FB3] =	sst s9;
	s0 =	simm.s32 @!p0 $0x0  }
0x12: {  	s1 =	sld [smem:$0x3F99];
	s0 =	simm.s32 @p0 $0x1  }
0x13: {  	[smem:$0x3FB4] =	sst s0;
	s0 =	simm.s32 @!p1 $0x0  }
0x14: {  	s2 =	sld [smem:$0x3F98];
	s0 =	simm.s32 @p1 $0x1  }
0x15: {  	[smem:$0x3FB5] =	sst s0;
	s0 =	simm.s32 @!p2 $0x0  }
0x16: {  	s3 =	sld [smem:$0x3FDB];
	s0 =	simm.s32 @p2 $0x1  }
0x17: {  	s4 =	simm.s32 $0x1BF5;
	[smem:$0x3FB7] =	sst s0  }
0x18: {  	s0 =	sld [smem:$0x3F9A];
	_ =	swait.ge [sflag:s4], $0x0  }
0x19: {  	s7 =	sld [smem:$0x3F9B]  }
0x1a: {  	s8 =	sadd.s32 $0xFFFFE003, lr  }
0x1b: {  	s9 =	sadd.s32 $0xFFFFFEF7, lr;
	s5 =	simm.s32 $0xFFFFFFFF;
	p2 =	slt.u32 s8, $0xFFFFF086  }
0x1c: {  	p1 =	slt.u32 s9, $0xF7A;
	s5 =	simm.s32 @!p2 $0x0  }
0x1d: {  	s5 =	simm.s32 @p1 $0x1;
	p0 =	seq.s32 s7, s2  }
0x1e: {  	s7 =	smul.u32 @!p0 $0xF7A, s2;
	p2 =	seq.s32 @!p0 s5, $0x0  }
0x1f: {  	s9 =	smul.u32 $0xF7A, s1;
	s8 =	simm.s32 @!p0 $0x1BF5;
	p2 =	por !p2, p0  }
0x20: {  	[sflag:s8] =	ssyncset.s32 @!p0 $0xFFFFF086;
	s6 =	sadd.s32 @!p0 s3, s7;
	s7 =	simm.s32 @!p0 $0x108  }
0x21: {  	s3 =	sadd.s32 s3, s9;
	s6 =	sadd.s32 @!p0 $0x88, s6;
	s7 =	simm.s32 @p2 $0x1082  }
0x22: {  	[simem:s7], [sflag:s8] =	dma.local @!p0 [hbm:s6], $0xF7A  }
0x23: {  	s9 =	sor.u32 $0xD0000000, s2;
	s6 =	simm.s32 $0x108;
	_ =	swait.ge @!p0 [sflag:s8], $0x0  }
0x24: {  	s3 =	sadd.s32 $0x88, s3;
	s6 =	simm.s32 @!p1 $0x1082;
	[sflag:s4] =	ssyncset.s32 $0xFFFFF086  }
0x25: {  	[simem:s6], [sflag:s4] =	dma.local [hbm:s3], $0xF7A  }
0x26: {  	[smem:$0x3F9B] =	sst s1;
	(tag) =	ssettag s2;
	_ =	strace s9  }
0x27: {  	s1 =	sld [smem:$0x3FAB]  }
0x28: {  	s2 =	sld [smem:$0x3FAC]  }
0x29: {  	s4 =	sld [smem:$0x3FAE]  }
0x2a: {  	p0 =	seq.s32 s5, $0x0;
	s5 =	sld [smem:$0x3FAF]  }
0x2b: {  	s6 =	sld [smem:$0x3FB0]  }
0x2c: {  	s7 =	sld [smem:$0x3FB1]  }
0x2d: {  	s3 =	simm.s32 $0x108;
	s8 =	sld [smem:$0x3FB2]  }
0x2e: {  	s3 =	simm.s32 @!p0 $0x1082;
	s9 =	sld [smem:$0x3FB3]  }
0x2f: {  	lr =	sadd.s32 s0, s3;
	s0 =	sld [smem:$0x3FAA]  }
0x30: {  	s3 =	sld [smem:$0x3FAD]  }
0x31: {  	[smem:$0x3FB6] =	sst s10  }
0x32: {  	s10 =	sld [smem:$0x3FB4];
	_ =	sdelay $0x3  }
0x33: {  	p0 =	seq.s32 s10, $0x1;
	s10 =	sld [smem:$0x3FB6];
	_ =	sdelay $0x3  }
0x34: {  	[smem:$0x3FB6] =	sst s10  }
0x35: {  	s10 =	sld [smem:$0x3FB5];
	_ =	sdelay $0x3  }
0x36: {  	p1 =	seq.s32 s10, $0x1;
	s10 =	sld [smem:$0x3FB6];
	_ =	sdelay $0x3  }
0x37: {  	[smem:$0x3FB6] =	sst s10  }
0x38: {  	s10 =	sld [smem:$0x3FB7]  }
0x39: {  	_ = 	snop;
	(pc) =	sbr.ind lr, $3  }
0x3a: {  	_ = 	snop  }
0x3b: {  	_ = 	snop  }
0x3c: {  	p2 =	seq.s32 s10, $0x1;
	s10 =	sld [smem:$0x3FB6]  }
0x3d: {  	_ =	shalt  }
0x3e: {  	_ =	shalt  }
0x3f: {  	_ =	shalt  }
0x40: {  	_ =	shalt  }
0x41: {  	_ =	shalt  }
0x42: {  	_ =	shalt  }
0x43: {  	_ =	shalt  }
0x44: {  	_ =	shalt  }
0x45: {  	_ =	shalt  }
0x46: {  	_ =	shalt  }
0x47: {  	_ =	shalt  }
0x48: {  	_ =	shalt  }
0x49: {  	_ =	shalt  }
0x4a: {  	_ =	shalt  }
0x4b: {  	_ =	shalt  }
0x4c: {  	_ =	shalt  }
0x4d: {  	_ =	shalt  }
0x4e: {  	_ =	shalt  }
0x4f: {  	_ =	shalt  }
0x50: {  	_ =	shalt  }
0x51: {  	_ =	shalt  }
0x52: {  	_ =	shalt  }
0x53: {  	_ =	shalt  }
0x54: {  	_ =	shalt  }
0x55: {  	_ =	shalt  }
0x56: {  	_ =	shalt  }
0x57: {  	_ =	shalt  }
0x58: {  	_ =	shalt  }
0x59: {  	_ =	shalt  }
0x5a: {  	_ =	shalt  }
0x5b: {  	_ =	shalt  }
0x5c: {  	_ =	shalt  }
0x5d: {  	_ =	shalt  }
0x5e: {  	_ =	shalt  }
0x5f: {  	_ =	shalt  }
0x60: {  	_ =	shalt  }
0x61: {  	_ =	shalt  }
0x62: {  	_ =	shalt  }
0x63: {  	_ =	shalt  }
0x64: {  	_ =	shalt  }
0x65: {  	_ =	shalt  }
0x66: {  	_ =	shalt  }
0x67: {  	_ =	shalt  }
0x68: {  	_ =	shalt  }
0x69: {  	_ =	shalt  }
0x6a: {  	_ =	shalt  }
0x6b: {  	_ =	shalt  }
0x6c: {  	_ =	shalt  }
0x6d: {  	_ =	shalt  }
0x6e: {  	_ =	shalt  }
0x6f: {  	_ =	shalt  }
0x70: {  	_ =	shalt  }
0x71: {  	_ =	shalt  }
0x72: {  	_ =	shalt  }
0x73: {  	_ =	shalt  }
0x74: {  	_ =	shalt  }
0x75: {  	_ =	shalt  }
0x76: {  	_ =	shalt  }
0x77: {  	_ =	shalt  }
0x78: {  	_ =	shalt  }
0x79: {  	_ =	shalt  }
0x7a: {  	_ =	shalt  }
0x7b: {  	_ =	shalt  }
0x7c: {  	_ =	shalt  }
0x7d: {  	_ =	shalt  }
0x7e: {  	_ =	shalt  }
0x7f: {  	_ =	shalt  }
0x80: {  	_ =	shalt  }
0x81: {  	_ =	shalt  }
0x82: {  	_ =	shalt  }
0x83: {  	_ =	shalt  }
0x84: {  	_ =	shalt  }
0x85: {  	_ =	shalt  }
0x86: {  	_ =	shalt  }
0x87: {  	_ =	shalt  }
.Lfunc_end0:
.L_simem_size_0:
called_computation_lowered:
.L_overlay_start_0:
0x88: {  	s2 =	sld [smem:$0x3FD9]  }
0x89: {  	s3 =	sld [smem:$0x3FFE];
	_ =	sdelay $0x1  }
0x8a: {  	s1 =	srdreg.scid  }
0x8b: {  	s0 =	sand.u32 $0x1, s1  }
0x8c: {  	s16 =	sshll.u32 s0, $0xA;
	s2 =	sadd.s32 s3, s2  }
0x8d: {  	s2 =	sadd.s32 s2, s16  }
0x8e: {  	[smem:$0x3FC2] =	sst s2  }
0x8f: {  	_ = 	snop  }
0x90: {  	(tm) =	ssettm $0x1  }
0x91: {  	s17 =	sld [smem:$0x3FFB];
	_ =	sdelay $0x3  }
0x92: {  	_ =	strace s17  }
0x93: {  	s2 =	sld [smem:$0x3FFC];
	_ =	sdelay $0x3  }
0x94: {  	_ =	strace s2  }
0x95: {  	s2 =	sld [smem:$0x3FFD];
	_ =	sdelay $0x3  }
0x96: {  	_ =	strace s2  }
0x97: {  	_ =	strace $0x8FFFFFFF  }
0x98: {  	s18 =	sld [smem:$0x3FDB];
	_ =	sdelay $0x1  }
0x99: {  	s19 =	simm.s32 $_scs_section_size  }
0x9a: {  	s4 =	simm.s32 $_size__tile_overlayer_lowered;
	s5 =	simm.s32 $_tile_overlayer_lowered  }
0x9b: {  	s22 =	simm.s32 $0x1BFF;
	s21 =	sshll.u32 s5, $0x1;
	s2 =	sadd.s32 s19, s18  }
0x9c: {  	s6 =	simm.s32 $0x0;
	s20 =	sshll.u32 s4, $0x1;
	s4 =	sadd.s32 s21, s2  }
0x9d: {  	[timem:s6], [sflag:s22] =	dma.local [hbm:s4], s20  }
0x9e: {  	_ =	swait.ge [sflag:s22], s20  }
0x9f: {  	s3 =	ssub.s32 $0x0, s20;
	[sflag:s22] =	ssyncset.done $0x0  }
0xa0: {  	[sflag:s22] =	ssyncadd.s32 s3;
	_ =	sdelay $0x1  }
0xa1: {  	s23 =	simm.s32 $0x1B8B  }
0xa2: {  	_ =	swait.ge [sflag:s23], $0x1  }
0xa3: {  	[sflag:s23] =	ssyncset.done $0x0  }
0xa4: {  	s25 =	simm.s32 $0x1B8E;
	s24 =	sld [smem:$0x3FFE];
	[sflag:s23] =	ssyncadd.s32 $0xFFFFFFFF  }
0xa5: {  	s26 =	simm.s32 $execute0_lowered;
	[smem:$0x3FD2] =	sst s25  }
0xa6: {  	s4 =	sshll.u32 s26, $0x1;
	_ =	strace $0x80000046;
	[dreg:$0x1] =	wrdreg $0xFFFFFFFF  }
0xa7: {  	s28 =	simm.s32 $_size_execute0_lowered;
	s2 =	sadd.s32 s2, s4;
	[dreg:$0x0] =	wrdreg $0x0  }
0xa8: {  	s4 =	sshll.u32 s28, $0x1;
	[dreg:$0x2] =	wrdreg s2  }
0xa9: {  	[dreg:$0x3] =	wrdreg s4  }
0xaa: {  	[dreg:$0x4] =	wrdreg $0xC0  }
0xab: {  	_ =	task [dreg:s6], $0x5FFFF  }
0xac: {  	[dreg:$0x1] =	wrdreg $0xFFFFFFFF  }
0xad: {  	[dreg:$0x0] =	wrdreg $0x60  }
0xae: {  	[dreg:$0x2] =	wrdreg s24  }
0xaf: {  	[dreg:$0x3] =	wrdreg $0x9  }
0xb0: {  	_ =	task.clear_ibuf [dreg:s6], $0x4FFFF;
	_ =	strace $0x90000046  }
0xb1: {  	s29 =	simm.s32 $0x9;
	_ =	strace $0x80000048  }
0xb2: {  	_ =	swait.ge [sflag:s29], $0x1  }
0xb3: {  	[sflag:s29] =	ssyncadd.s32 $0xFFFFFFFF  }
0xb4: {  	_ =	strace $0x90000048  }
0xb5: {  	_ =	sfence  }
0xb6: {  	s30 =	sld [smem:$0x0];
	_ =	sdelay $0x2  }
0xb7: {  	s31 =	sshll.u32 s1, $0xD;
	s1 =	sshrl.u32 s1, $0x2  }
0xb8: {  	s3 =	sand.u32 $0x4000, s31;
	s1 =	sadd.s32 s1, s30  }
0xb9: {  	s0 =	sor.u32 s3, s0;
	s1 =	sshll.u32 s1, $0x11  }
0xba: {  	s0 =	sor.u32 s1, s0  }
0xbb: {  	s0 =	sadd.s32 $0x8F2B, s0  }
0xbc: {  	[sflag:s0] =	ssyncadd.remote.s32 $0x1  }
0xbd: {  	_ =	sfence.sel $0xFFFF  }
0xbe: {  	[dreg:$0x0] =	wrdreg $0xFFFFFFFF;
	(pc) =	sbr.abs _section_cstart, $3  }
0xbf: {  	[dreg:$0x1] =	wrdreg $0xFFFFFFFF  }
0xc0: {  	_ =	task.clear_ibuf [dreg:s6], $0x2FFFF;
	_ =	strace $0x9FFFFFFF  }
0xc1: {  	(tm) =	ssettm $0x7FFFFFFF  }
tec
execute0_lowered:
.L_overlay_start_1:
0x0: {  	(tag) =	ssettag $0x1  }
0x1: {  	s0 =	rddreg [dreg:$0x0];
	s1 =	simm.s32 $0x0  }
0x2: {  	s3 =	srdreg.scid;
	s21 =	stileid.u32;
	s14 =	simm.s32 $0x1  }
0x3: {  	s15 =	simm.s32 $0x2000;
	s16 =	simm.s32 $0x4000;
	s17 =	simm.s32 $0x6000  }
0x4: {  	s28 =	simm.s32 $0xC700;
	s29 =	simm.s32 $0xC800;
	s30 =	simm.s32 $0xC900  }
0x5: {  	s31 =	simm.s32 $0xCA00;
	[smem:$0x7FF] =	sst s1;
	s2 =	sadd.s32 $0x1400, s0  }
0x6: {  	s18 =	sadd.s32 $0x1000, s0;
	_ =	strace $0x80000047;
	[dreg:$0x2] =	wrdreg s2  }
0x7: {  	s19 =	sadd.s32 $0xC00, s0;
	s20 =	sadd.s32 $0x2000, s0;
	[dreg:$0x3] =	wrdreg s18  }
0x8: {  	s3 =	sand.u32 $0x1, s3;
	s4 =	sadd.s32 $0x1C00, s0;
	[dreg:$0x4] =	wrdreg s19  }
0x9: {  	s5 =	sshll.u32 s21, $0x6;
	s23 =	sadd.s32 $0x1800, s0;
	[dreg:$0x5] =	wrdreg s20  }
0xa: {  	s21 =	simm.s32 $0xC100;
	s6 =	sshll.u32 s3, $0x5;
	[dreg:$0x6] =	wrdreg s4  }
0xb: {  	s3 =	ssub.s32 $0x2, s3;
	[dreg:$0x7] =	wrdreg s23;
	s18 =	simm.s32 $0x8000  }
0xc: {  	s19 =	simm.s32 $0xA000;
	s20 =	simm.s32 $0xC000;
	s22 =	sor.u32 s6, s5  }
0xd: {  	s23 =	simm.s32 $0xC300;
	s24 =	sshrl.u32 s3, $0x1;
	s0 =	sadd.s32 s22, s0  }
0xe: {  	s13 =	ssub.s32 s3, s24;
	s22 =	simm.s32 $0xC200;
	s24 =	simm.s32 $0xC400  }
0xf: {  	s25 =	sadd.s32 $0x2C00, s0;
	s26 =	sadd.s32 $0x2800, s0;
	s3 =	sadd.s32 $0x2400, s0  }
0x10: {  	s4 =	sadd.s32 $0x3000, s0;
	s5 =	sadd.s32 $0x3400, s0;
	s6 =	sadd.s32 $0x3800, s0  }
0x11: {  	s7 =	sadd.s32 $0x3C00, s0;
	s8 =	sadd.s32 $0x4000, s0;
	s9 =	sadd.s32 $0x4400, s0  }
0x12: {  	s10 =	sadd.s32 $0x4800, s0;
	s11 =	sadd.s32 $0x4C00, s0;
	s12 =	sadd.s32 $0x5000, s0  }
0x13: {  	s13 =	smax.u32 s13, $0x1;
	s0 =	simm.s32 $0xCB00;
	[dreg:$0x8] =	wrdreg s25  }
0x14: {  	[dreg:$0x9] =	wrdreg s26;
	s25 =	simm.s32 $0xC500;
	s26 =	simm.s32 $0xC600  }
.LBB2_1:
0x15: {  	s2 =	rddreg [dreg:$0x2]  }
0x16: {  	[tilespmem:s1], [sflag:$0x1] =	stream.linear.gather [hbm4b:s2+s1], $0x2000, $0x38;
	[tilespmem:$0xCC00] =	vst v63  }
0x17: {  	_ =	swait.ge [sflag:s14], $0x2000  }
0x18: {  	[sflag:s14] =	ssyncset.done $0x0  }
0x19: {  	s2 =	rddreg [dreg:$0x3];
	[sflag:s14] =	ssyncadd.s32 $0xFFFFE000  }
0x1a: {  	[tilespmem:s15], [sflag:$0x1] =	stream.linear.gather [hbm4b:s2+s1], $0x2000, $0x38;
	[tilespmem:$0xCC00] =	vst v63  }
0x1b: {  	_ =	swait.ge [sflag:s14], $0x2000  }
0x1c: {  	[sflag:s14] =	ssyncset.done $0x0  }
0x1d: {  	s2 =	rddreg [dreg:$0x4];
	[sflag:s14] =	ssyncadd.s32 $0xFFFFE000  }
0x1e: {  	[tilespmem:s16], [sflag:$0x1] =	stream.linear.gather [hbm4b:s2+s1], $0x2000, $0x38;
	[tilespmem:$0xCC00] =	vst v63  }
0x1f: {  	_ =	swait.ge [sflag:s14], $0x2000  }
0x20: {  	[sflag:s14] =	ssyncset.done $0x0  }
0x21: {  	s2 =	rddreg [dreg:$0x5];
	[sflag:s14] =	ssyncadd.s32 $0xFFFFE000  }
0x22: {  	[tilespmem:s17], [sflag:$0x1] =	stream.linear.gather [hbm4b:s2+s1], $0x2000, $0x38;
	[tilespmem:$0xCC00] =	vst v63  }
0x23: {  	_ =	swait.ge [sflag:s14], $0x2000  }
0x24: {  	[sflag:s14] =	ssyncset.done $0x0  }
0x25: {  	s2 =	rddreg [dreg:$0x6];
	[sflag:s14] =	ssyncadd.s32 $0xFFFFE000  }
0x26: {  	[tilespmem:s18], [sflag:$0x1] =	stream.linear.gather [hbm4b:s2+s1], $0x2000, $0x38;
	[tilespmem:$0xCC00] =	vst v63  }
0x27: {  	_ =	swait.ge [sflag:s14], $0x2000  }
0x28: {  	[sflag:s14] =	ssyncset.done $0x0  }
0x29: {  	s2 =	rddreg [dreg:$0x7];
	[sflag:s14] =	ssyncadd.s32 $0xFFFFE000  }
0x2a: {  	[tilespmem:s19], [sflag:$0x1] =	stream.linear.gather [hbm4b:s2+s1], $0x2000, $0x38;
	[tilespmem:$0xCC00] =	vst v63  }
0x2b: {  	_ =	swait.ge [sflag:s14], $0x2000  }
0x2c: {  	[sflag:s14] =	ssyncset.done $0x0  }
0x2d: {  	s2 =	rddreg [dreg:$0x8];
	[sflag:s14] =	ssyncadd.s32 $0xFFFFE000  }
0x2e: {  	[tilespmem:s20], [sflag:$0x1] =	stream.linear.gather [hbm4b:s2+s1], $0x100, $0x38;
	[tilespmem:$0xCC00] =	vst v63  }
0x2f: {  	_ =	swait.ge [sflag:s14], $0x100  }
0x30: {  	[sflag:s14] =	ssyncset.done $0x0  }
0x31: {  	s2 =	rddreg [dreg:$0x9];
	[sflag:s14] =	ssyncadd.s32 $0xFFFFFF00  }
0x32: {  	[tilespmem:s21], [sflag:$0x1] =	stream.linear.gather [hbm4b:s2+s1], $0x100, $0x38;
	[tilespmem:$0xCC00] =	vst v63  }
0x33: {  	_ =	swait.ge [sflag:s14], $0x100  }
0x34: {  	[sflag:s14] =	ssyncset.done $0x0  }
0x35: {  	[sflag:s14] =	ssyncadd.s32 $0xFFFFFF00  }
0x36: {  	[tilespmem:s22], [sflag:$0x1] =	stream.linear.gather [hbm4b:s3+s1], $0x100, $0x38;
	[tilespmem:$0xCC00] =	vst v63  }
0x37: {  	_ =	swait.ge [sflag:s14], $0x100  }
0x38: {  	[sflag:s14] =	ssyncset.done $0x0  }
0x39: {  	[sflag:s14] =	ssyncadd.s32 $0xFFFFFF00  }
0x3a: {  	v0 =	vld [tilespmem:$0xC000]  }
0x3b: {  	v1 =	vld [tilespmem:$0xC100]  }
0x3c: {  	v2 =	vld [tilespmem:$0xC200];
	_ =	sdelay $0x5  }
0x3d: {  	v3 =	vld.idx.msk [tilespmem:v0+s1+$0x0], $0xffff  }
0x3e: {  	v4 =	vld.idx.msk [tilespmem:v1+s1+$0x0], $0xffff  }
0x3f: {  	v5 =	vld.idx.msk [tilespmem:v2+s1+$0x0], $0xffff  }
0x40: {  	v6 =	vld.idx.msk [tilespmem:v0+s15+$0x0], $0xffff  }
0x41: {  	v7 =	vld.idx.msk [tilespmem:v1+s15+$0x0], $0xffff  }
0x42: {  	v8 =	vld.idx.msk [tilespmem:v0+s16+$0x0], $0xffff  }
0x43: {  	v9 =	vld.idx.msk [tilespmem:v1+s16+$0x0], $0xffff  }
0x44: {  	v10 =	vld.idx.msk [tilespmem:v2+s15+$0x0], $0xffff  }
0x45: {  	v11 =	vld.idx.msk [tilespmem:v2+s16+$0x0], $0xffff;
	_ =	sdelay $0x1  }
0x46: {  	v3 =	vadd.f32 v4, v3;
	v27 =	vadd.f32 v7, v6  }
0x47: {  	v28 =	vadd.f32 v9, v8  }
0x48: {  	v3 =	vadd.f32 v5, v3;
	v4 =	vadd.f32 v10, v27  }
0x49: {  	v29 =	vadd.f32 v11, v28  }
0x4a: {  	v3 =	vmul.f32 $3.333333430e-01, v3;
	v4 =	vmul.f32 $3.333333430e-01, v4  }
0x4b: {  	v5 =	vmul.f32 $3.333333430e-01, v29  }
0x4c: {  	v30 =	vmul.f32 v3, v3;
	v31 =	vmul.f32 v4, v4  }
0x4d: {  	v3 =	vmul.f32 $-2.000000000e+00, v3  }
0x4e: {  	v4 =	vmul.f32 $-2.000000000e+00, v4;
	v32 =	vmul.f32 v5, v5;
	v6 =	vadd.f32 v31, v30  }
0x4f: {  	v33 =	vmul.f32 $-2.000000000e+00, v5;
	[tilespmem:$0xC300] =	vst v3  }
0x50: {  	[tilespmem:$0xC400] =	vst v4;
	v34 =	vadd.f32 v32, v6  }
0x51: {  	[tilespmem:$0xC500] =	vst v33  }
0x52: {  	[tilespmem:$0xC600] =	vst v34  }
0x53: {  	v3 =	vld.idx.msk [tilespmem:v0+s17+$0x0], $0xffff  }
0x54: {  	v4 =	vld.idx.msk [tilespmem:v1+s17+$0x0], $0xffff  }
0x55: {  	v35 =	vld.idx.msk [tilespmem:v2+s17+$0x0], $0xffff  }
0x56: {  	v36 =	vld.idx.msk [tilespmem:v0+s18+$0x0], $0xffff  }
0x57: {  	v37 =	vld.idx.msk [tilespmem:v1+s18+$0x0], $0xffff  }
0x58: {  	v38 =	vld.idx.msk [tilespmem:v2+s18+$0x0], $0xffff  }
0x59: {  	v0 =	vld.idx.msk [tilespmem:v0+s19+$0x0], $0xffff  }
0x5a: {  	v1 =	vld.idx.msk [tilespmem:v1+s19+$0x0], $0xffff  }
0x5b: {  	v2 =	vld.idx.msk [tilespmem:v2+s19+$0x0], $0xffff;
	_ =	sdelay $0x1  }
0x5c: {  	v39 =	vadd.f32 v4, v3  }
0x5d: {  	v40 =	vadd.f32 v37, v36;
	v7 =	vsub.f32 v37, v36  }
0x5e: {  	v41 =	vsub.f32 v1, v0;
	v6 =	vsub.f32 v38, v36  }
0x5f: {  	v12 =	vsub.f32 v2, v0;
	v4 =	vsub.f32 v4, v3  }
0x60: {  	v3 =	vsub.f32 v35, v3;
	v0 =	vadd.f32 v1, v0  }
0x61: {  	v9 =	vadd.f32 v35, v39;
	v42 =	vmul.f32 v12, v7;
	v43 =	vmul.f32 v41, v6  }
0x62: {  	v8 =	vadd.f32 v38, v40;
	v44 =	vmul.f32 v41, v3;
	v45 =	vmul.f32 v12, v4  }
0x63: {  	v0 =	vadd.f32 v2, v0;
	v4 =	vmul.f32 v6, v4;
	v3 =	vmul.f32 v7, v3  }
0x64: {  	v9 =	vmul.f32 $3.333333430e-01, v9;
	v1 =	vsub.f32 v42, v43;
	v46 =	vsub.f32 v44, v45  }
0x65: {  	v47 =	vmul.f32 $3.333333430e-01, v8;
	v0 =	vmul.f32 $3.333333430e-01, v0  }
0x66: {  	v50 =	vld [tilespmem:$0xC010];
	v3 =	vsub.f32 v4, v3;
	v48 =	vmul.f32 v1, v1;
	v49 =	vmul.f32 v46, v46  }
0x67: {  	v52 =	vld [tilespmem:$0xC110];
	v51 =	vmul.f32 v1, v9;
	v5 =	vmul.f32 v46, v47  }
0x68: {  	v54 =	vld [tilespmem:$0xC210];
	v53 =	vmul.f32 v3, v3;
	v4 =	vadd.f32 v49, v48  }
0x69: {  	[tilespmem:$0xC700] =	vst v1;
	v0 =	vmul.f32 v0, v3;
	v55 =	vadd.f32 v5, v51  }
0x6a: {  	[tilespmem:$0xC800] =	vst v46;
	v56 =	vadd.f32 v4, v53  }
0x6b: {  	[tilespmem:$0xC900] =	vst v3;
	v0 =	vadd.f32 v55, v0  }
0x6c: {  	[tilespmem:$0xCA00] =	vst v56  }
0x6d: {  	[tilespmem:$0xCB00] =	vst v0  }
0x6e: {  	v0 =	vld.idx.msk [tilespmem:v50+s1+$0x0], $0xffff  }
0x6f: {  	v57 =	vld.idx.msk [tilespmem:v52+s1+$0x0], $0xffff  }
0x70: {  	v2 =	vld.idx.msk [tilespmem:v54+s1+$0x0], $0xffff  }
0x71: {  	v3 =	vld.idx.msk [tilespmem:v50+s15+$0x0], $0xffff  }
0x72: {  	v58 =	vld.idx.msk [tilespmem:v52+s15+$0x0], $0xffff  }
0x73: {  	v59 =	vld.idx.msk [tilespmem:v50+s16+$0x0], $0xffff  }
0x74: {  	v60 =	vld.idx.msk [tilespmem:v52+s16+$0x0], $0xffff  }
0x75: {  	v61 =	vld.idx.msk [tilespmem:v54+s15+$0x0], $0xffff  }
0x76: {  	v62 =	vld.idx.msk [tilespmem:v54+s16+$0x0], $0xffff;
	_ =	sdelay $0x1  }
0x77: {  	v0 =	vadd.f32 v57, v0;
	v63 =	vadd.f32 v58, v3  }
0x78: {  	v12 =	vadd.f32 v60, v59  }
0x79: {  	v0 =	vadd.f32 v2, v0;
	v1 =	vadd.f32 v61, v63  }
0x7a: {  	v13 =	vadd.f32 v62, v12  }
0x7b: {  	v0 =	vmul.f32 $3.333333430e-01, v0;
	v1 =	vmul.f32 $3.333333430e-01, v1  }
0x7c: {  	v2 =	vmul.f32 $3.333333430e-01, v13  }
0x7d: {  	v14 =	vmul.f32 v0, v0;
	v15 =	vmul.f32 v1, v1  }
0x7e: {  	v0 =	vmul.f32 $-2.000000000e+00, v0  }
0x7f: {  	v1 =	vmul.f32 $-2.000000000e+00, v1;
	v16 =	vmul.f32 v2, v2;
	v3 =	vadd.f32 v15, v14  }
0x80: {  	v17 =	vmul.f32 $-2.000000000e+00, v2;
	[tilespmem:$0xC310] =	vst v0  }
0x81: {  	[tilespmem:$0xC410] =	vst v1;
	v18 =	vadd.f32 v16, v3  }
0x82: {  	[tilespmem:$0xC510] =	vst v17  }
0x83: {  	[tilespmem:$0xC610] =	vst v18  }
0x84: {  	v0 =	vld.idx.msk [tilespmem:v50+s17+$0x0], $0xffff  }
0x85: {  	v1 =	vld.idx.msk [tilespmem:v52+s17+$0x0], $0xffff  }
0x86: {  	v20 =	vld.idx.msk [tilespmem:v50+s18+$0x0], $0xffff  }
0x87: {  	v21 =	vld.idx.msk [tilespmem:v52+s18+$0x0], $0xffff  }
0x88: {  	v22 =	vld.idx.msk [tilespmem:v54+s18+$0x0], $0xffff  }
0x89: {  	v23 =	vld.idx.msk [tilespmem:v50+s19+$0x0], $0xffff  }
0x8a: {  	v24 =	vld.idx.msk [tilespmem:v52+s19+$0x0], $0xffff  }
0x8b: {  	v25 =	vld.idx.msk [tilespmem:v54+s19+$0x0], $0xffff  }
0x8c: {  	v19 =	vld.idx.msk [tilespmem:v54+s17+$0x0], $0xffff  }
0x8d: {  	v26 =	vadd.f32 v1, v0  }
0x8e: {  	v27 =	vadd.f32 v21, v20;
	v4 =	vsub.f32 v21, v20  }
0x8f: {  	v28 =	vsub.f32 v24, v23;
	v3 =	vsub.f32 v22, v20  }
0x90: {  	v29 =	vsub.f32 v25, v23;
	v1 =	vsub.f32 v1, v0  }
0x91: {  	v0 =	vsub.f32 v19, v0;
	v30 =	vadd.f32 v24, v23  }
0x92: {  	v9 =	vadd.f32 v19, v26;
	v31 =	vmul.f32 v29, v4;
	v32 =	vmul.f32 v28, v3  }
0x93: {  	v5 =	vadd.f32 v22, v27;
	v33 =	vmul.f32 v28, v0;
	v34 =	vmul.f32 v29, v1  }
0x94: {  	v2 =	vadd.f32 v25, v30;
	v1 =	vmul.f32 v3, v1;
	v0 =	vmul.f32 v4, v0  }
0x95: {  	v9 =	vmul.f32 $3.333333430e-01, v9;
	v6 =	vsub.f32 v31, v32;
	v35 =	vsub.f32 v33, v34  }
0x96: {  	v36 =	vmul.f32 $3.333333430e-01, v5;
	v2 =	vmul.f32 $3.333333430e-01, v2  }
0x97: {  	v39 =	vld [tilespmem:$0xC020];
	v0 =	vsub.f32 v1, v0;
	v37 =	vmul.f32 v6, v6;
	v38 =	vmul.f32 v35, v35  }
0x98: {  	v41 =	vld [tilespmem:$0xC120];
	v40 =	vmul.f32 v6, v9;
	v3 =	vmul.f32 v35, v36  }
0x99: {  	v43 =	vld [tilespmem:$0xC220];
	v42 =	vmul.f32 v0, v0;
	v1 =	vadd.f32 v38, v37  }
0x9a: {  	[tilespmem:$0xC710] =	vst v6;
	v2 =	vmul.f32 v2, v0;
	v3 =	vadd.f32 v3, v40  }
0x9b: {  	[tilespmem:$0xC810] =	vst v35;
	v1 =	vadd.f32 v1, v42  }
0x9c: {  	[tilespmem:$0xC910] =	vst v0;
	v44 =	vadd.f32 v3, v2  }
0x9d: {  	[tilespmem:$0xCA10] =	vst v1  }
0x9e: {  	[tilespmem:$0xCB10] =	vst v44  }
0x9f: {  	v0 =	vld.idx.msk [tilespmem:v39+s1+$0x0], $0xffff  }
0xa0: {  	v1 =	vld.idx.msk [tilespmem:v41+s1+$0x0], $0xffff  }
0xa1: {  	v45 =	vld.idx.msk [tilespmem:v43+s1+$0x0], $0xffff  }
0xa2: {  	v46 =	vld.idx.msk [tilespmem:v39+s15+$0x0], $0xffff  }
0xa3: {  	v47 =	vld.idx.msk [tilespmem:v41+s15+$0x0], $0xffff  }
0xa4: {  	v6 =	vld.idx.msk [tilespmem:v39+s16+$0x0], $0xffff  }
0xa5: {  	v7 =	vld.idx.msk [tilespmem:v41+s16+$0x0], $0xffff  }
0xa6: {  	v48 =	vld.idx.msk [tilespmem:v43+s15+$0x0], $0xffff  }
0xa7: {  	v49 =	vld.idx.msk [tilespmem:v43+s16+$0x0], $0xffff;
	_ =	sdelay $0x1  }
0xa8: {  	v0 =	vadd.f32 v1, v0;
	v50 =	vadd.f32 v47, v46  }
0xa9: {  	v51 =	vadd.f32 v7, v6  }
0xaa: {  	v0 =	vadd.f32 v45, v0;
	v1 =	vadd.f32 v48, v50  }
0xab: {  	v52 =	vadd.f32 v49, v51  }
0xac: {  	v0 =	vmul.f32 $3.333333430e-01, v0;
	v1 =	vmul.f32 $3.333333430e-01, v1  }
0xad: {  	v2 =	vmul.f32 $3.333333430e-01, v52  }
0xae: {  	v53 =	vmul.f32 v0, v0;
	v54 =	vmul.f32 v1, v1  }
0xaf: {  	v0 =	vmul.f32 $-2.000000000e+00, v0  }
0xb0: {  	v1 =	vmul.f32 $-2.000000000e+00, v1;
	v55 =	vmul.f32 v2, v2;
	v3 =	vadd.f32 v54, v53  }
0xb1: {  	v56 =	vmul.f32 $-2.000000000e+00, v2;
	[tilespmem:$0xC320] =	vst v0  }
0xb2: {  	[tilespmem:$0xC420] =	vst v1;
	v57 =	vadd.f32 v55, v3  }
0xb3: {  	[tilespmem:$0xC520] =	vst v56  }
0xb4: {  	[tilespmem:$0xC620] =	vst v57  }
0xb5: {  	v0 =	vld.idx.msk [tilespmem:v39+s17+$0x0], $0xffff  }
0xb6: {  	v1 =	vld.idx.msk [tilespmem:v41+s17+$0x0], $0xffff  }
0xb7: {  	v59 =	vld.idx.msk [tilespmem:v39+s18+$0x0], $0xffff  }
0xb8: {  	v60 =	vld.idx.msk [tilespmem:v41+s18+$0x0], $0xffff  }
0xb9: {  	v61 =	vld.idx.msk [tilespmem:v43+s18+$0x0], $0xffff  }
0xba: {  	v5 =	vld.idx.msk [tilespmem:v39+s19+$0x0], $0xffff  }
0xbb: {  	v62 =	vld.idx.msk [tilespmem:v41+s19+$0x0], $0xffff  }
0xbc: {  	v63 =	vld.idx.msk [tilespmem:v43+s19+$0x0], $0xffff  }
0xbd: {  	v58 =	vld.idx.msk [tilespmem:v43+s17+$0x0], $0xffff  }
0xbe: {  	v16 =	vadd.f32 v1, v0  }
0xbf: {  	v17 =	vadd.f32 v60, v59;
	v4 =	vsub.f32 v60, v59  }
0xc0: {  	v18 =	vsub.f32 v62, v5;
	v3 =	vsub.f32 v61, v59  }
0xc1: {  	v19 =	vsub.f32 v63, v5;
	v1 =	vsub.f32 v1, v0  }
0xc2: {  	v0 =	vsub.f32 v58, v0;
	v20 =	vadd.f32 v62, v5  }
0xc3: {  	v9 =	vadd.f32 v58, v16;
	v21 =	vmul.f32 v19, v4;
	v22 =	vmul.f32 v18, v3  }
0xc4: {  	v6 =	vadd.f32 v61, v17;
	v23 =	vmul.f32 v18, v0;
	v24 =	vmul.f32 v19, v1  }
0xc5: {  	v2 =	vadd.f32 v63, v20;
	v1 =	vmul.f32 v3, v1;
	v0 =	vmul.f32 v4, v0  }
0xc6: {  	v9 =	vmul.f32 $3.333333430e-01, v9;
	v5 =	vsub.f32 v21, v22;
	v25 =	vsub.f32 v23, v24  }
0xc7: {  	v26 =	vmul.f32 $3.333333430e-01, v6;
	v2 =	vmul.f32 $3.333333430e-01, v2  }
0xc8: {  	v29 =	vld [tilespmem:$0xC030];
	v0 =	vsub.f32 v1, v0;
	v27 =	vmul.f32 v5, v5;
	v28 =	vmul.f32 v25, v25  }
0xc9: {  	v31 =	vld [tilespmem:$0xC130];
	v30 =	vmul.f32 v5, v9;
	v3 =	vmul.f32 v25, v26  }
0xca: {  	v33 =	vld [tilespmem:$0xC230];
	v32 =	vmul.f32 v0, v0;
	v1 =	vadd.f32 v28, v27  }
0xcb: {  	[tilespmem:$0xC720] =	vst v5;
	v2 =	vmul.f32 v2, v0;
	v3 =	vadd.f32 v3, v30  }
0xcc: {  	[tilespmem:$0xC820] =	vst v25;
	v1 =	vadd.f32 v1, v32  }
0xcd: {  	[tilespmem:$0xC920] =	vst v0;
	v34 =	vadd.f32 v3, v2  }
0xce: {  	[tilespmem:$0xCA20] =	vst v1  }
0xcf: {  	[tilespmem:$0xCB20] =	vst v34  }
0xd0: {  	v0 =	vld.idx.msk [tilespmem:v29+s1+$0x0], $0xffff  }
0xd1: {  	v1 =	vld.idx.msk [tilespmem:v31+s1+$0x0], $0xffff  }
0xd2: {  	v35 =	vld.idx.msk [tilespmem:v33+s1+$0x0], $0xffff  }
0xd3: {  	v36 =	vld.idx.msk [tilespmem:v29+s15+$0x0], $0xffff  }
0xd4: {  	v37 =	vld.idx.msk [tilespmem:v31+s15+$0x0], $0xffff  }
0xd5: {  	v5 =	vld.idx.msk [tilespmem:v29+s16+$0x0], $0xffff  }
0xd6: {  	v7 =	vld.idx.msk [tilespmem:v31+s16+$0x0], $0xffff  }
0xd7: {  	v38 =	vld.idx.msk [tilespmem:v33+s15+$0x0], $0xffff  }
0xd8: {  	v39 =	vld.idx.msk [tilespmem:v33+s16+$0x0], $0xffff;
	_ =	sdelay $0x1  }
0xd9: {  	v0 =	vadd.f32 v1, v0;
	v40 =	vadd.f32 v37, v36  }
0xda: {  	v41 =	vadd.f32 v7, v5  }
0xdb: {  	v0 =	vadd.f32 v35, v0;
	v1 =	vadd.f32 v38, v40  }
0xdc: {  	v42 =	vadd.f32 v39, v41  }
0xdd: {  	v0 =	vmul.f32 $3.333333430e-01, v0;
	v1 =	vmul.f32 $3.333333430e-01, v1  }
0xde: {  	v2 =	vmul.f32 $3.333333430e-01, v42  }
0xdf: {  	v43 =	vmul.f32 v0, v0;
	v44 =	vmul.f32 v1, v1  }
0xe0: {  	v0 =	vmul.f32 $-2.000000000e+00, v0  }
0xe1: {  	v1 =	vmul.f32 $-2.000000000e+00, v1;
	v45 =	vmul.f32 v2, v2;
	v3 =	vadd.f32 v44, v43  }
0xe2: {  	v46 =	vmul.f32 $-2.000000000e+00, v2;
	[tilespmem:$0xC330] =	vst v0  }
0xe3: {  	[tilespmem:$0xC430] =	vst v1;
	v47 =	vadd.f32 v45, v3  }
0xe4: {  	[tilespmem:$0xC530] =	vst v46  }
0xe5: {  	[tilespmem:$0xC630] =	vst v47  }
0xe6: {  	v0 =	vld.idx.msk [tilespmem:v29+s17+$0x0], $0xffff  }
0xe7: {  	v1 =	vld.idx.msk [tilespmem:v31+s17+$0x0], $0xffff  }
0xe8: {  	v49 =	vld.idx.msk [tilespmem:v29+s18+$0x0], $0xffff  }
0xe9: {  	v50 =	vld.idx.msk [tilespmem:v31+s18+$0x0], $0xffff  }
0xea: {  	v51 =	vld.idx.msk [tilespmem:v33+s18+$0x0], $0xffff  }
0xeb: {  	v6 =	vld.idx.msk [tilespmem:v29+s19+$0x0], $0xffff  }
0xec: {  	v52 =	vld.idx.msk [tilespmem:v31+s19+$0x0], $0xffff  }
0xed: {  	v53 =	vld.idx.msk [tilespmem:v33+s19+$0x0], $0xffff  }
0xee: {  	v48 =	vld.idx.msk [tilespmem:v33+s17+$0x0], $0xffff  }
0xef: {  	v54 =	vadd.f32 v1, v0  }
0xf0: {  	v55 =	vadd.f32 v50, v49;
	v4 =	vsub.f32 v50, v49  }
0xf1: {  	v56 =	vsub.f32 v52, v6;
	v3 =	vsub.f32 v51, v49  }
0xf2: {  	v57 =	vsub.f32 v53, v6;
	v1 =	vsub.f32 v1, v0  }
0xf3: {  	v0 =	vsub.f32 v48, v0;
	v58 =	vadd.f32 v52, v6  }
0xf4: {  	v9 =	vadd.f32 v48, v54;
	v59 =	vmul.f32 v57, v4;
	v60 =	vmul.f32 v56, v3  }
0xf5: {  	v5 =	vadd.f32 v51, v55;
	v61 =	vmul.f32 v56, v0;
	v62 =	vmul.f32 v57, v1  }
0xf6: {  	v2 =	vadd.f32 v53, v58;
	v1 =	vmul.f32 v3, v1;
	v0 =	vmul.f32 v4, v0  }
0xf7: {  	v9 =	vmul.f32 $3.333333430e-01, v9;
	v6 =	vsub.f32 v59, v60;
	v63 =	vsub.f32 v61, v62  }
0xf8: {  	v12 =	vmul.f32 $3.333333430e-01, v5;
	v2 =	vmul.f32 $3.333333430e-01, v2  }
0xf9: {  	v15 =	vld [tilespmem:$0xC040];
	v0 =	vsub.f32 v1, v0;
	v13 =	vmul.f32 v6, v6;
	v14 =	vmul.f32 v63, v63  }
0xfa: {  	v17 =	vld [tilespmem:$0xC140];
	v16 =	vmul.f32 v6, v9;
	v3 =	vmul.f32 v63, v12  }
0xfb: {  	v19 =	vld [tilespmem:$0xC240];
	v18 =	vmul.f32 v0, v0;
	v1 =	vadd.f32 v14, v13  }
0xfc: {  	[tilespmem:$0xC730] =	vst v6;
	v2 =	vmul.f32 v2, v0;
	v3 =	vadd.f32 v3, v16  }
0xfd: {  	[tilespmem:$0xC830] =	vst v63;
	v1 =	vadd.f32 v1, v18  }
0xfe: {  	[tilespmem:$0xC930] =	vst v0;
	v20 =	vadd.f32 v3, v2  }
0xff: {  	[tilespmem:$0xCA30] =	vst v1  }
0x100: {  	[tilespmem:$0xCB30] =	vst v20  }
0x101: {  	v0 =	vld.idx.msk [tilespmem:v15+s1+$0x0], $0xffff  }
0x102: {  	v1 =	vld.idx.msk [tilespmem:v17+s1+$0x0], $0xffff  }
0x103: {  	v21 =	vld.idx.msk [tilespmem:v19+s1+$0x0], $0xffff  }
0x104: {  	v22 =	vld.idx.msk [tilespmem:v15+s15+$0x0], $0xffff  }
0x105: {  	v23 =	vld.idx.msk [tilespmem:v17+s15+$0x0], $0xffff  }
0x106: {  	v6 =	vld.idx.msk [tilespmem:v15+s16+$0x0], $0xffff  }
0x107: {  	v7 =	vld.idx.msk [tilespmem:v17+s16+$0x0], $0xffff  }
0x108: {  	v24 =	vld.idx.msk [tilespmem:v19+s15+$0x0], $0xffff  }
0x109: {  	v25 =	vld.idx.msk [tilespmem:v19+s16+$0x0], $0xffff;
	_ =	sdelay $0x1  }
0x10a: {  	v0 =	vadd.f32 v1, v0;
	v26 =	vadd.f32 v23, v22  }
0x10b: {  	v27 =	vadd.f32 v7, v6  }
0x10c: {  	v0 =	vadd.f32 v21, v0;
	v1 =	vadd.f32 v24, v26  }
0x10d: {  	v28 =	vadd.f32 v25, v27  }
0x10e: {  	v0 =	vmul.f32 $3.333333430e-01, v0;
	v1 =	vmul.f32 $3.333333430e-01, v1  }
0x10f: {  	v2 =	vmul.f32 $3.333333430e-01, v28  }
0x110: {  	v29 =	vmul.f32 v0, v0;
	v30 =	vmul.f32 v1, v1  }
0x111: {  	v0 =	vmul.f32 $-2.000000000e+00, v0  }
0x112: {  	v1 =	vmul.f32 $-2.000000000e+00, v1;
	v31 =	vmul.f32 v2, v2;
	v3 =	vadd.f32 v30, v29  }
0x113: {  	v32 =	vmul.f32 $-2.000000000e+00, v2;
	[tilespmem:$0xC340] =	vst v0  }
0x114: {  	[tilespmem:$0xC440] =	vst v1;
	v33 =	vadd.f32 v31, v3  }
0x115: {  	[tilespmem:$0xC540] =	vst v32  }
0x116: {  	[tilespmem:$0xC640] =	vst v33  }
0x117: {  	v0 =	vld.idx.msk [tilespmem:v15+s17+$0x0], $0xffff  }
0x118: {  	v1 =	vld.idx.msk [tilespmem:v17+s17+$0x0], $0xffff  }
0x119: {  	v35 =	vld.idx.msk [tilespmem:v15+s18+$0x0], $0xffff  }
0x11a: {  	v36 =	vld.idx.msk [tilespmem:v17+s18+$0x0], $0xffff  }
0x11b: {  	v37 =	vld.idx.msk [tilespmem:v19+s18+$0x0], $0xffff  }
0x11c: {  	v5 =	vld.idx.msk [tilespmem:v15+s19+$0x0], $0xffff  }
0x11d: {  	v38 =	vld.idx.msk [tilespmem:v17+s19+$0x0], $0xffff  }
0x11e: {  	v39 =	vld.idx.msk [tilespmem:v19+s19+$0x0], $0xffff  }
0x11f: {  	v34 =	vld.idx.msk [tilespmem:v19+s17+$0x0], $0xffff  }
0x120: {  	v40 =	vadd.f32 v1, v0  }
0x121: {  	v41 =	vadd.f32 v36, v35;
	v4 =	vsub.f32 v36, v35  }
0x122: {  	v42 =	vsub.f32 v38, v5;
	v3 =	vsub.f32 v37, v35  }
0x123: {  	v43 =	vsub.f32 v39, v5;
	v1 =	vsub.f32 v1, v0  }
0x124: {  	v0 =	vsub.f32 v34, v0;
	v44 =	vadd.f32 v38, v5  }
0x125: {  	v9 =	vadd.f32 v34, v40;
	v45 =	vmul.f32 v43, v4;
	v46 =	vmul.f32 v42, v3  }
0x126: {  	v6 =	vadd.f32 v37, v41;
	v47 =	vmul.f32 v42, v0;
	v48 =	vmul.f32 v43, v1  }
0x127: {  	v2 =	vadd.f32 v39, v44;
	v1 =	vmul.f32 v3, v1;
	v0 =	vmul.f32 v4, v0  }
0x128: {  	v9 =	vmul.f32 $3.333333430e-01, v9;
	v5 =	vsub.f32 v45, v46;
	v49 =	vsub.f32 v47, v48  }
0x129: {  	v50 =	vmul.f32 $3.333333430e-01, v6;
	v2 =	vmul.f32 $3.333333430e-01, v2  }
0x12a: {  	v53 =	vld [tilespmem:$0xC050];
	v0 =	vsub.f32 v1, v0;
	v51 =	vmul.f32 v5, v5;
	v52 =	vmul.f32 v49, v49  }
0x12b: {  	v55 =	vld [tilespmem:$0xC150];
	v54 =	vmul.f32 v5, v9;
	v3 =	vmul.f32 v49, v50  }
0x12c: {  	v57 =	vld [tilespmem:$0xC250];
	v56 =	vmul.f32 v0, v0;
	v1 =	vadd.f32 v52, v51  }
0x12d: {  	[tilespmem:$0xC740] =	vst v5;
	v2 =	vmul.f32 v2, v0;
	v3 =	vadd.f32 v3, v54  }
0x12e: {  	[tilespmem:$0xC840] =	vst v49;
	v1 =	vadd.f32 v1, v56  }
0x12f: {  	[tilespmem:$0xC940] =	vst v0;
	v58 =	vadd.f32 v3, v2  }
0x130: {  	[tilespmem:$0xCA40] =	vst v1  }
0x131: {  	[tilespmem:$0xCB40] =	vst v58  }
0x132: {  	v0 =	vld.idx.msk [tilespmem:v53+s1+$0x0], $0xffff  }
0x133: {  	v1 =	vld.idx.msk [tilespmem:v55+s1+$0x0], $0xffff  }
0x134: {  	v59 =	vld.idx.msk [tilespmem:v57+s1+$0x0], $0xffff  }
0x135: {  	v60 =	vld.idx.msk [tilespmem:v53+s15+$0x0], $0xffff  }
0x136: {  	v61 =	vld.idx.msk [tilespmem:v55+s15+$0x0], $0xffff  }
0x137: {  	v5 =	vld.idx.msk [tilespmem:v53+s16+$0x0], $0xffff  }
0x138: {  	v7 =	vld.idx.msk [tilespmem:v55+s16+$0x0], $0xffff  }
0x139: {  	v62 =	vld.idx.msk [tilespmem:v57+s15+$0x0], $0xffff  }
0x13a: {  	v63 =	vld.idx.msk [tilespmem:v57+s16+$0x0], $0xffff;
	_ =	sdelay $0x1  }
0x13b: {  	v0 =	vadd.f32 v1, v0;
	v12 =	vadd.f32 v61, v60  }
0x13c: {  	v13 =	vadd.f32 v7, v5  }
0x13d: {  	v0 =	vadd.f32 v59, v0;
	v1 =	vadd.f32 v62, v12  }
0x13e: {  	v14 =	vadd.f32 v63, v13  }
0x13f: {  	v0 =	vmul.f32 $3.333333430e-01, v0;
	v1 =	vmul.f32 $3.333333430e-01, v1  }
0x140: {  	v2 =	vmul.f32 $3.333333430e-01, v14  }
0x141: {  	v15 =	vmul.f32 v0, v0;
	v16 =	vmul.f32 v1, v1  }
0x142: {  	v0 =	vmul.f32 $-2.000000000e+00, v0  }
0x143: {  	v1 =	vmul.f32 $-2.000000000e+00, v1;
	v17 =	vmul.f32 v2, v2;
	v3 =	vadd.f32 v16, v15  }
0x144: {  	v18 =	vmul.f32 $-2.000000000e+00, v2;
	[tilespmem:$0xC350] =	vst v0  }
0x145: {  	[tilespmem:$0xC450] =	vst v1;
	v19 =	vadd.f32 v17, v3  }
0x146: {  	[tilespmem:$0xC550] =	vst v18  }
0x147: {  	[tilespmem:$0xC650] =	vst v19  }
0x148: {  	v0 =	vld.idx.msk [tilespmem:v53+s17+$0x0], $0xffff  }
0x149: {  	v1 =	vld.idx.msk [tilespmem:v55+s17+$0x0], $0xffff  }
0x14a: {  	v21 =	vld.idx.msk [tilespmem:v53+s18+$0x0], $0xffff  }
0x14b: {  	v22 =	vld.idx.msk [tilespmem:v55+s18+$0x0], $0xffff  }
0x14c: {  	v23 =	vld.idx.msk [tilespmem:v57+s18+$0x0], $0xffff  }
0x14d: {  	v6 =	vld.idx.msk [tilespmem:v53+s19+$0x0], $0xffff  }
0x14e: {  	v24 =	vld.idx.msk [tilespmem:v55+s19+$0x0], $0xffff  }
0x14f: {  	v25 =	vld.idx.msk [tilespmem:v57+s19+$0x0], $0xffff  }
0x150: {  	v20 =	vld.idx.msk [tilespmem:v57+s17+$0x0], $0xffff  }
0x151: {  	v26 =	vadd.f32 v1, v0  }
0x152: {  	v27 =	vadd.f32 v22, v21;
	v4 =	vsub.f32 v22, v21  }
0x153: {  	v28 =	vsub.f32 v24, v6;
	v3 =	vsub.f32 v23, v21  }
0x154: {  	v29 =	vsub.f32 v25, v6;
	v1 =	vsub.f32 v1, v0  }
0x155: {  	v0 =	vsub.f32 v20, v0;
	v30 =	vadd.f32 v24, v6  }
0x156: {  	v9 =	vadd.f32 v20, v26;
	v31 =	vmul.f32 v29, v4;
	v32 =	vmul.f32 v28, v3  }
0x157: {  	v5 =	vadd.f32 v23, v27;
	v33 =	vmul.f32 v28, v0;
	v34 =	vmul.f32 v29, v1  }
0x158: {  	v2 =	vadd.f32 v25, v30;
	v1 =	vmul.f32 v3, v1;
	v0 =	vmul.f32 v4, v0  }
0x159: {  	v9 =	vmul.f32 $3.333333430e-01, v9;
	v6 =	vsub.f32 v31, v32;
	v35 =	vsub.f32 v33, v34  }
0x15a: {  	v36 =	vmul.f32 $3.333333430e-01, v5;
	v2 =	vmul.f32 $3.333333430e-01, v2  }
0x15b: {  	v39 =	vld [tilespmem:$0xC060];
	v0 =	vsub.f32 v1, v0;
	v37 =	vmul.f32 v6, v6;
	v38 =	vmul.f32 v35, v35  }
0x15c: {  	v41 =	vld [tilespmem:$0xC160];
	v40 =	vmul.f32 v6, v9;
	v3 =	vmul.f32 v35, v36  }
0x15d: {  	v43 =	vld [tilespmem:$0xC260];
	v42 =	vmul.f32 v0, v0;
	v1 =	vadd.f32 v38, v37  }
0x15e: {  	[tilespmem:$0xC750] =	vst v6;
	v2 =	vmul.f32 v2, v0;
	v3 =	vadd.f32 v3, v40  }
0x15f: {  	[tilespmem:$0xC850] =	vst v35;
	v1 =	vadd.f32 v1, v42  }
0x160: {  	[tilespmem:$0xC950] =	vst v0;
	v44 =	vadd.f32 v3, v2  }
0x161: {  	[tilespmem:$0xCA50] =	vst v1  }
0x162: {  	[tilespmem:$0xCB50] =	vst v44  }
0x163: {  	v0 =	vld.idx.msk [tilespmem:v39+s1+$0x0], $0xffff  }
0x164: {  	v1 =	vld.idx.msk [tilespmem:v41+s1+$0x0], $0xffff  }
0x165: {  	v45 =	vld.idx.msk [tilespmem:v43+s1+$0x0], $0xffff  }
0x166: {  	v46 =	vld.idx.msk [tilespmem:v39+s15+$0x0], $0xffff  }
0x167: {  	v47 =	vld.idx.msk [tilespmem:v41+s15+$0x0], $0xffff  }
0x168: {  	v6 =	vld.idx.msk [tilespmem:v39+s16+$0x0], $0xffff  }
0x169: {  	v7 =	vld.idx.msk [tilespmem:v41+s16+$0x0], $0xffff  }
0x16a: {  	v48 =	vld.idx.msk [tilespmem:v43+s15+$0x0], $0xffff  }
0x16b: {  	v49 =	vld.idx.msk [tilespmem:v43+s16+$0x0], $0xffff;
	_ =	sdelay $0x1  }
0x16c: {  	v0 =	vadd.f32 v1, v0;
	v50 =	vadd.f32 v47, v46  }
0x16d: {  	v51 =	vadd.f32 v7, v6  }
0x16e: {  	v0 =	vadd.f32 v45, v0;
	v1 =	vadd.f32 v48, v50  }
0x16f: {  	v52 =	vadd.f32 v49, v51  }
0x170: {  	v0 =	vmul.f32 $3.333333430e-01, v0;
	v1 =	vmul.f32 $3.333333430e-01, v1  }
0x171: {  	v2 =	vmul.f32 $3.333333430e-01, v52  }
0x172: {  	v53 =	vmul.f32 v0, v0;
	v54 =	vmul.f32 v1, v1  }
0x173: {  	v0 =	vmul.f32 $-2.000000000e+00, v0  }
0x174: {  	v1 =	vmul.f32 $-2.000000000e+00, v1;
	v55 =	vmul.f32 v2, v2;
	v3 =	vadd.f32 v54, v53  }
0x175: {  	v56 =	vmul.f32 $-2.000000000e+00, v2;
	[tilespmem:$0xC360] =	vst v0  }
0x176: {  	[tilespmem:$0xC460] =	vst v1;
	v57 =	vadd.f32 v55, v3  }
0x177: {  	[tilespmem:$0xC560] =	vst v56  }
0x178: {  	[tilespmem:$0xC660] =	vst v57  }
0x179: {  	v0 =	vld.idx.msk [tilespmem:v39+s17+$0x0], $0xffff  }
0x17a: {  	v1 =	vld.idx.msk [tilespmem:v41+s17+$0x0], $0xffff  }
0x17b: {  	v59 =	vld.idx.msk [tilespmem:v39+s18+$0x0], $0xffff  }
0x17c: {  	v60 =	vld.idx.msk [tilespmem:v41+s18+$0x0], $0xffff  }
0x17d: {  	v61 =	vld.idx.msk [tilespmem:v43+s18+$0x0], $0xffff  }
0x17e: {  	v5 =	vld.idx.msk [tilespmem:v39+s19+$0x0], $0xffff  }
0x17f: {  	v62 =	vld.idx.msk [tilespmem:v41+s19+$0x0], $0xffff  }
0x180: {  	v63 =	vld.idx.msk [tilespmem:v43+s19+$0x0], $0xffff  }
0x181: {  	v58 =	vld.idx.msk [tilespmem:v43+s17+$0x0], $0xffff  }
0x182: {  	v16 =	vadd.f32 v1, v0  }
0x183: {  	v17 =	vadd.f32 v60, v59;
	v4 =	vsub.f32 v60, v59  }
0x184: {  	v18 =	vsub.f32 v62, v5;
	v3 =	vsub.f32 v61, v59  }
0x185: {  	v19 =	vsub.f32 v63, v5;
	v1 =	vsub.f32 v1, v0  }
0x186: {  	v0 =	vsub.f32 v58, v0;
	v20 =	vadd.f32 v62, v5  }
0x187: {  	v9 =	vadd.f32 v58, v16;
	v21 =	vmul.f32 v19, v4;
	v22 =	vmul.f32 v18, v3  }
0x188: {  	v6 =	vadd.f32 v61, v17;
	v23 =	vmul.f32 v18, v0;
	v24 =	vmul.f32 v19, v1  }
0x189: {  	v2 =	vadd.f32 v63, v20;
	v1 =	vmul.f32 v3, v1;
	v0 =	vmul.f32 v4, v0  }
0x18a: {  	v9 =	vmul.f32 $3.333333430e-01, v9;
	v5 =	vsub.f32 v21, v22;
	v25 =	vsub.f32 v23, v24  }
0x18b: {  	v26 =	vmul.f32 $3.333333430e-01, v6;
	v2 =	vmul.f32 $3.333333430e-01, v2  }
0x18c: {  	v29 =	vld [tilespmem:$0xC070];
	v0 =	vsub.f32 v1, v0;
	v27 =	vmul.f32 v5, v5;
	v28 =	vmul.f32 v25, v25  }
0x18d: {  	v31 =	vld [tilespmem:$0xC170];
	v30 =	vmul.f32 v5, v9;
	v3 =	vmul.f32 v25, v26  }
0x18e: {  	v33 =	vld [tilespmem:$0xC270];
	v32 =	vmul.f32 v0, v0;
	v1 =	vadd.f32 v28, v27  }
0x18f: {  	[tilespmem:$0xC760] =	vst v5;
	v2 =	vmul.f32 v2, v0;
	v3 =	vadd.f32 v3, v30  }
0x190: {  	[tilespmem:$0xC860] =	vst v25;
	v1 =	vadd.f32 v1, v32  }
0x191: {  	[tilespmem:$0xC960] =	vst v0;
	v34 =	vadd.f32 v3, v2  }
0x192: {  	[tilespmem:$0xCA60] =	vst v1  }
0x193: {  	[tilespmem:$0xCB60] =	vst v34  }
0x194: {  	v0 =	vld.idx.msk [tilespmem:v29+s1+$0x0], $0xffff  }
0x195: {  	v1 =	vld.idx.msk [tilespmem:v31+s1+$0x0], $0xffff  }
0x196: {  	v35 =	vld.idx.msk [tilespmem:v33+s1+$0x0], $0xffff  }
0x197: {  	v36 =	vld.idx.msk [tilespmem:v29+s15+$0x0], $0xffff  }
0x198: {  	v37 =	vld.idx.msk [tilespmem:v31+s15+$0x0], $0xffff  }
0x199: {  	v5 =	vld.idx.msk [tilespmem:v29+s16+$0x0], $0xffff  }
0x19a: {  	v7 =	vld.idx.msk [tilespmem:v31+s16+$0x0], $0xffff  }
0x19b: {  	v38 =	vld.idx.msk [tilespmem:v33+s15+$0x0], $0xffff  }
0x19c: {  	v39 =	vld.idx.msk [tilespmem:v33+s16+$0x0], $0xffff;
	_ =	sdelay $0x1  }
0x19d: {  	v0 =	vadd.f32 v1, v0;
	v40 =	vadd.f32 v37, v36  }
0x19e: {  	v41 =	vadd.f32 v7, v5  }
0x19f: {  	v0 =	vadd.f32 v35, v0;
	v1 =	vadd.f32 v38, v40  }
0x1a0: {  	v42 =	vadd.f32 v39, v41  }
0x1a1: {  	v0 =	vmul.f32 $3.333333430e-01, v0;
	v1 =	vmul.f32 $3.333333430e-01, v1  }
0x1a2: {  	v2 =	vmul.f32 $3.333333430e-01, v42  }
0x1a3: {  	v43 =	vmul.f32 v0, v0;
	v44 =	vmul.f32 v1, v1  }
0x1a4: {  	v0 =	vmul.f32 $-2.000000000e+00, v0  }
0x1a5: {  	v1 =	vmul.f32 $-2.000000000e+00, v1;
	v45 =	vmul.f32 v2, v2;
	v3 =	vadd.f32 v44, v43  }
0x1a6: {  	v46 =	vmul.f32 $-2.000000000e+00, v2;
	[tilespmem:$0xC370] =	vst v0  }
0x1a7: {  	[tilespmem:$0xC470] =	vst v1;
	v47 =	vadd.f32 v45, v3  }
0x1a8: {  	[tilespmem:$0xC570] =	vst v46  }
0x1a9: {  	[tilespmem:$0xC670] =	vst v47  }
0x1aa: {  	v0 =	vld.idx.msk [tilespmem:v29+s17+$0x0], $0xffff  }
0x1ab: {  	v1 =	vld.idx.msk [tilespmem:v31+s17+$0x0], $0xffff  }
0x1ac: {  	v49 =	vld.idx.msk [tilespmem:v29+s18+$0x0], $0xffff  }
0x1ad: {  	v50 =	vld.idx.msk [tilespmem:v31+s18+$0x0], $0xffff  }
0x1ae: {  	v51 =	vld.idx.msk [tilespmem:v33+s18+$0x0], $0xffff  }
0x1af: {  	v6 =	vld.idx.msk [tilespmem:v29+s19+$0x0], $0xffff  }
0x1b0: {  	v52 =	vld.idx.msk [tilespmem:v31+s19+$0x0], $0xffff  }
0x1b1: {  	v53 =	vld.idx.msk [tilespmem:v33+s19+$0x0], $0xffff  }
0x1b2: {  	v48 =	vld.idx.msk [tilespmem:v33+s17+$0x0], $0xffff  }
0x1b3: {  	v54 =	vadd.f32 v1, v0  }
0x1b4: {  	v55 =	vadd.f32 v50, v49;
	v4 =	vsub.f32 v50, v49  }
0x1b5: {  	v56 =	vsub.f32 v52, v6;
	v3 =	vsub.f32 v51, v49  }
0x1b6: {  	v57 =	vsub.f32 v53, v6;
	v1 =	vsub.f32 v1, v0  }
0x1b7: {  	v0 =	vsub.f32 v48, v0;
	v58 =	vadd.f32 v52, v6  }
0x1b8: {  	v9 =	vadd.f32 v48, v54;
	v59 =	vmul.f32 v57, v4;
	v60 =	vmul.f32 v56, v3  }
0x1b9: {  	v5 =	vadd.f32 v51, v55;
	v61 =	vmul.f32 v56, v0;
	v62 =	vmul.f32 v57, v1  }
0x1ba: {  	v2 =	vadd.f32 v53, v58;
	v1 =	vmul.f32 v3, v1;
	v0 =	vmul.f32 v4, v0  }
0x1bb: {  	v9 =	vmul.f32 $3.333333430e-01, v9;
	v6 =	vsub.f32 v59, v60;
	v63 =	vsub.f32 v61, v62  }
0x1bc: {  	v12 =	vmul.f32 $3.333333430e-01, v5;
	v2 =	vmul.f32 $3.333333430e-01, v2  }
0x1bd: {  	v15 =	vld [tilespmem:$0xC080];
	v0 =	vsub.f32 v1, v0;
	v13 =	vmul.f32 v6, v6;
	v14 =	vmul.f32 v63, v63  }
0x1be: {  	v17 =	vld [tilespmem:$0xC180];
	v16 =	vmul.f32 v6, v9;
	v3 =	vmul.f32 v63, v12  }
0x1bf: {  	v19 =	vld [tilespmem:$0xC280];
	v18 =	vmul.f32 v0, v0;
	v1 =	vadd.f32 v14, v13  }
0x1c0: {  	[tilespmem:$0xC770] =	vst v6;
	v2 =	vmul.f32 v2, v0;
	v3 =	vadd.f32 v3, v16  }
0x1c1: {  	[tilespmem:$0xC870] =	vst v63;
	v1 =	vadd.f32 v1, v18  }
0x1c2: {  	[tilespmem:$0xC970] =	vst v0;
	v20 =	vadd.f32 v3, v2  }
0x1c3: {  	[tilespmem:$0xCA70] =	vst v1  }
0x1c4: {  	[tilespmem:$0xCB70] =	vst v20  }
0x1c5: {  	v0 =	vld.idx.msk [tilespmem:v15+s1+$0x0], $0xffff  }
0x1c6: {  	v1 =	vld.idx.msk [tilespmem:v17+s1+$0x0], $0xffff  }
0x1c7: {  	v21 =	vld.idx.msk [tilespmem:v19+s1+$0x0], $0xffff  }
0x1c8: {  	v22 =	vld.idx.msk [tilespmem:v15+s15+$0x0], $0xffff  }
0x1c9: {  	v23 =	vld.idx.msk [tilespmem:v17+s15+$0x0], $0xffff  }
0x1ca: {  	v6 =	vld.idx.msk [tilespmem:v15+s16+$0x0], $0xffff  }
0x1cb: {  	v7 =	vld.idx.msk [tilespmem:v17+s16+$0x0], $0xffff  }
0x1cc: {  	v24 =	vld.idx.msk [tilespmem:v19+s15+$0x0], $0xffff  }
0x1cd: {  	v25 =	vld.idx.msk [tilespmem:v19+s16+$0x0], $0xffff;
	_ =	sdelay $0x1  }
0x1ce: {  	v0 =	vadd.f32 v1, v0;
	v26 =	vadd.f32 v23, v22  }
0x1cf: {  	v27 =	vadd.f32 v7, v6  }
0x1d0: {  	v0 =	vadd.f32 v21, v0;
	v1 =	vadd.f32 v24, v26  }
0x1d1: {  	v28 =	vadd.f32 v25, v27  }
0x1d2: {  	v0 =	vmul.f32 $3.333333430e-01, v0;
	v1 =	vmul.f32 $3.333333430e-01, v1  }
0x1d3: {  	v2 =	vmul.f32 $3.333333430e-01, v28  }
0x1d4: {  	v29 =	vmul.f32 v0, v0;
	v30 =	vmul.f32 v1, v1  }
0x1d5: {  	v0 =	vmul.f32 $-2.000000000e+00, v0  }
0x1d6: {  	v1 =	vmul.f32 $-2.000000000e+00, v1;
	v31 =	vmul.f32 v2, v2;
	v3 =	vadd.f32 v30, v29  }
0x1d7: {  	v32 =	vmul.f32 $-2.000000000e+00, v2;
	[tilespmem:$0xC380] =	vst v0  }
0x1d8: {  	[tilespmem:$0xC480] =	vst v1;
	v33 =	vadd.f32 v31, v3  }
0x1d9: {  	[tilespmem:$0xC580] =	vst v32  }
0x1da: {  	[tilespmem:$0xC680] =	vst v33  }
0x1db: {  	v0 =	vld.idx.msk [tilespmem:v15+s17+$0x0], $0xffff  }
0x1dc: {  	v1 =	vld.idx.msk [tilespmem:v17+s17+$0x0], $0xffff  }
0x1dd: {  	v35 =	vld.idx.msk [tilespmem:v15+s18+$0x0], $0xffff  }
0x1de: {  	v36 =	vld.idx.msk [tilespmem:v17+s18+$0x0], $0xffff  }
0x1df: {  	v37 =	vld.idx.msk [tilespmem:v19+s18+$0x0], $0xffff  }
0x1e0: {  	v5 =	vld.idx.msk [tilespmem:v15+s19+$0x0], $0xffff  }
0x1e1: {  	v38 =	vld.idx.msk [tilespmem:v17+s19+$0x0], $0xffff  }
0x1e2: {  	v39 =	vld.idx.msk [tilespmem:v19+s19+$0x0], $0xffff  }
0x1e3: {  	v34 =	vld.idx.msk [tilespmem:v19+s17+$0x0], $0xffff  }
0x1e4: {  	v40 =	vadd.f32 v1, v0  }
0x1e5: {  	v41 =	vadd.f32 v36, v35;
	v4 =	vsub.f32 v36, v35  }
0x1e6: {  	v42 =	vsub.f32 v38, v5;
	v3 =	vsub.f32 v37, v35  }
0x1e7: {  	v43 =	vsub.f32 v39, v5;
	v1 =	vsub.f32 v1, v0  }
0x1e8: {  	v0 =	vsub.f32 v34, v0;
	v44 =	vadd.f32 v38, v5  }
0x1e9: {  	v9 =	vadd.f32 v34, v40;
	v45 =	vmul.f32 v43, v4;
	v46 =	vmul.f32 v42, v3  }
0x1ea: {  	v6 =	vadd.f32 v37, v41;
	v47 =	vmul.f32 v42, v0;
	v48 =	vmul.f32 v43, v1  }
0x1eb: {  	v2 =	vadd.f32 v39, v44;
	v1 =	vmul.f32 v3, v1;
	v0 =	vmul.f32 v4, v0  }
0x1ec: {  	v9 =	vmul.f32 $3.333333430e-01, v9;
	v5 =	vsub.f32 v45, v46;
	v49 =	vsub.f32 v47, v48  }
0x1ed: {  	v50 =	vmul.f32 $3.333333430e-01, v6;
	v2 =	vmul.f32 $3.333333430e-01, v2  }
0x1ee: {  	v53 =	vld [tilespmem:$0xC090];
	v0 =	vsub.f32 v1, v0;
	v51 =	vmul.f32 v5, v5;
	v52 =	vmul.f32 v49, v49  }
0x1ef: {  	v55 =	vld [tilespmem:$0xC190];
	v54 =	vmul.f32 v5, v9;
	v3 =	vmul.f32 v49, v50  }
0x1f0: {  	v57 =	vld [tilespmem:$0xC290];
	v56 =	vmul.f32 v0, v0;
	v1 =	vadd.f32 v52, v51  }
0x1f1: {  	[tilespmem:$0xC780] =	vst v5;
	v2 =	vmul.f32 v2, v0;
	v3 =	vadd.f32 v3, v54  }
0x1f2: {  	[tilespmem:$0xC880] =	vst v49;
	v1 =	vadd.f32 v1, v56  }
0x1f3: {  	[tilespmem:$0xC980] =	vst v0;
	v58 =	vadd.f32 v3, v2  }
0x1f4: {  	[tilespmem:$0xCA80] =	vst v1  }
0x1f5: {  	[tilespmem:$0xCB80] =	vst v58  }
0x1f6: {  	v0 =	vld.idx.msk [tilespmem:v53+s1+$0x0], $0xffff  }
0x1f7: {  	v1 =	vld.idx.msk [tilespmem:v55+s1+$0x0], $0xffff  }
0x1f8: {  	v59 =	vld.idx.msk [tilespmem:v57+s1+$0x0], $0xffff  }
0x1f9: {  	v60 =	vld.idx.msk [tilespmem:v53+s15+$0x0], $0xffff  }
0x1fa: {  	v61 =	vld.idx.msk [tilespmem:v55+s15+$0x0], $0xffff  }
0x1fb: {  	v5 =	vld.idx.msk [tilespmem:v53+s16+$0x0], $0xffff  }
0x1fc: {  	v7 =	vld.idx.msk [tilespmem:v55+s16+$0x0], $0xffff  }
0x1fd: {  	v62 =	vld.idx.msk [tilespmem:v57+s15+$0x0], $0xffff  }
0x1fe: {  	v63 =	vld.idx.msk [tilespmem:v57+s16+$0x0], $0xffff;
	_ =	sdelay $0x1  }
0x1ff: {  	v0 =	vadd.f32 v1, v0;
	v12 =	vadd.f32 v61, v60  }
0x200: {  	v13 =	vadd.f32 v7, v5  }
0x201: {  	v0 =	vadd.f32 v59, v0;
	v1 =	vadd.f32 v62, v12  }
0x202: {  	v14 =	vadd.f32 v63, v13  }
0x203: {  	v0 =	vmul.f32 $3.333333430e-01, v0;
	v1 =	vmul.f32 $3.333333430e-01, v1  }
0x204: {  	v2 =	vmul.f32 $3.333333430e-01, v14  }
0x205: {  	v15 =	vmul.f32 v0, v0;
	v16 =	vmul.f32 v1, v1  }
0x206: {  	v0 =	vmul.f32 $-2.000000000e+00, v0  }
0x207: {  	v1 =	vmul.f32 $-2.000000000e+00, v1;
	v17 =	vmul.f32 v2, v2;
	v3 =	vadd.f32 v16, v15  }
0x208: {  	v18 =	vmul.f32 $-2.000000000e+00, v2;
	[tilespmem:$0xC390] =	vst v0  }
0x209: {  	[tilespmem:$0xC490] =	vst v1;
	v19 =	vadd.f32 v17, v3  }
0x20a: {  	[tilespmem:$0xC590] =	vst v18  }
0x20b: {  	[tilespmem:$0xC690] =	vst v19  }
0x20c: {  	v0 =	vld.idx.msk [tilespmem:v53+s17+$0x0], $0xffff  }
0x20d: {  	v1 =	vld.idx.msk [tilespmem:v55+s17+$0x0], $0xffff  }
0x20e: {  	v21 =	vld.idx.msk [tilespmem:v53+s18+$0x0], $0xffff  }
0x20f: {  	v22 =	vld.idx.msk [tilespmem:v55+s18+$0x0], $0xffff  }
0x210: {  	v23 =	vld.idx.msk [tilespmem:v57+s18+$0x0], $0xffff  }
0x211: {  	v6 =	vld.idx.msk [tilespmem:v53+s19+$0x0], $0xffff  }
0x212: {  	v24 =	vld.idx.msk [tilespmem:v55+s19+$0x0], $0xffff  }
0x213: {  	v25 =	vld.idx.msk [tilespmem:v57+s19+$0x0], $0xffff  }
0x214: {  	v20 =	vld.idx.msk [tilespmem:v57+s17+$0x0], $0xffff  }
0x215: {  	v26 =	vadd.f32 v1, v0  }
0x216: {  	v27 =	vadd.f32 v22, v21;
	v4 =	vsub.f32 v22, v21  }
0x217: {  	v28 =	vsub.f32 v24, v6;
	v3 =	vsub.f32 v23, v21  }
0x218: {  	v29 =	vsub.f32 v25, v6;
	v1 =	vsub.f32 v1, v0  }
0x219: {  	v0 =	vsub.f32 v20, v0;
	v30 =	vadd.f32 v24, v6  }
0x21a: {  	v9 =	vadd.f32 v20, v26;
	v31 =	vmul.f32 v29, v4;
	v32 =	vmul.f32 v28, v3  }
0x21b: {  	v5 =	vadd.f32 v23, v27;
	v33 =	vmul.f32 v28, v0;
	v34 =	vmul.f32 v29, v1  }
0x21c: {  	v2 =	vadd.f32 v25, v30;
	v1 =	vmul.f32 v3, v1;
	v0 =	vmul.f32 v4, v0  }
0x21d: {  	v9 =	vmul.f32 $3.333333430e-01, v9;
	v6 =	vsub.f32 v31, v32;
	v35 =	vsub.f32 v33, v34  }
0x21e: {  	v36 =	vmul.f32 $3.333333430e-01, v5;
	v2 =	vmul.f32 $3.333333430e-01, v2  }
0x21f: {  	v39 =	vld [tilespmem:$0xC0A0];
	v0 =	vsub.f32 v1, v0;
	v37 =	vmul.f32 v6, v6;
	v38 =	vmul.f32 v35, v35  }
0x220: {  	v41 =	vld [tilespmem:$0xC1A0];
	v40 =	vmul.f32 v6, v9;
	v3 =	vmul.f32 v35, v36  }
0x221: {  	v43 =	vld [tilespmem:$0xC2A0];
	v42 =	vmul.f32 v0, v0;
	v1 =	vadd.f32 v38, v37  }
0x222: {  	[tilespmem:$0xC790] =	vst v6;
	v2 =	vmul.f32 v2, v0;
	v3 =	vadd.f32 v3, v40  }
0x223: {  	[tilespmem:$0xC890] =	vst v35;
	v1 =	vadd.f32 v1, v42  }
0x224: {  	[tilespmem:$0xC990] =	vst v0;
	v44 =	vadd.f32 v3, v2  }
0x225: {  	[tilespmem:$0xCA90] =	vst v1  }
0x226: {  	[tilespmem:$0xCB90] =	vst v44  }
0x227: {  	v0 =	vld.idx.msk [tilespmem:v39+s1+$0x0], $0xffff  }
0x228: {  	v1 =	vld.idx.msk [tilespmem:v41+s1+$0x0], $0xffff  }
0x229: {  	v45 =	vld.idx.msk [tilespmem:v43+s1+$0x0], $0xffff  }
0x22a: {  	v46 =	vld.idx.msk [tilespmem:v39+s15+$0x0], $0xffff  }
0x22b: {  	v47 =	vld.idx.msk [tilespmem:v41+s15+$0x0], $0xffff  }
0x22c: {  	v6 =	vld.idx.msk [tilespmem:v39+s16+$0x0], $0xffff  }
0x22d: {  	v7 =	vld.idx.msk [tilespmem:v41+s16+$0x0], $0xffff  }
0x22e: {  	v48 =	vld.idx.msk [tilespmem:v43+s15+$0x0], $0xffff  }
0x22f: {  	v49 =	vld.idx.msk [tilespmem:v43+s16+$0x0], $0xffff;
	_ =	sdelay $0x1  }
0x230: {  	v0 =	vadd.f32 v1, v0;
	v50 =	vadd.f32 v47, v46  }
0x231: {  	v51 =	vadd.f32 v7, v6  }
0x232: {  	v0 =	vadd.f32 v45, v0;
	v1 =	vadd.f32 v48, v50  }
0x233: {  	v52 =	vadd.f32 v49, v51  }
0x234: {  	v0 =	vmul.f32 $3.333333430e-01, v0;
	v1 =	vmul.f32 $3.333333430e-01, v1  }
0x235: {  	v2 =	vmul.f32 $3.333333430e-01, v52  }
0x236: {  	v53 =	vmul.f32 v0, v0;
	v54 =	vmul.f32 v1, v1  }
0x237: {  	v0 =	vmul.f32 $-2.000000000e+00, v0  }
0x238: {  	v1 =	vmul.f32 $-2.000000000e+00, v1;
	v55 =	vmul.f32 v2, v2;
	v3 =	vadd.f32 v54, v53  }
0x239: {  	v56 =	vmul.f32 $-2.000000000e+00, v2;
	[tilespmem:$0xC3A0] =	vst v0  }
0x23a: {  	[tilespmem:$0xC4A0] =	vst v1;
	v57 =	vadd.f32 v55, v3  }
0x23b: {  	[tilespmem:$0xC5A0] =	vst v56  }
0x23c: {  	[tilespmem:$0xC6A0] =	vst v57  }
0x23d: {  	v0 =	vld.idx.msk [tilespmem:v39+s17+$0x0], $0xffff  }
0x23e: {  	v1 =	vld.idx.msk [tilespmem:v41+s17+$0x0], $0xffff  }
0x23f: {  	v59 =	vld.idx.msk [tilespmem:v39+s18+$0x0], $0xffff  }
0x240: {  	v60 =	vld.idx.msk [tilespmem:v41+s18+$0x0], $0xffff  }
0x241: {  	v61 =	vld.idx.msk [tilespmem:v43+s18+$0x0], $0xffff  }
0x242: {  	v5 =	vld.idx.msk [tilespmem:v39+s19+$0x0], $0xffff  }
0x243: {  	v62 =	vld.idx.msk [tilespmem:v41+s19+$0x0], $0xffff  }
0x244: {  	v63 =	vld.idx.msk [tilespmem:v43+s19+$0x0], $0xffff  }
0x245: {  	v58 =	vld.idx.msk [tilespmem:v43+s17+$0x0], $0xffff  }
0x246: {  	v15 =	vadd.f32 v1, v0  }
0x247: {  	v16 =	vadd.f32 v60, v59;
	v4 =	vsub.f32 v60, v59  }
0x248: {  	v17 =	vsub.f32 v62, v5;
	v3 =	vsub.f32 v61, v59  }
0x249: {  	v18 =	vsub.f32 v63, v5;
	v1 =	vsub.f32 v1, v0  }
0x24a: {  	v0 =	vsub.f32 v58, v0;
	v19 =	vadd.f32 v62, v5  }
0x24b: {  	v9 =	vadd.f32 v58, v15;
	v20 =	vmul.f32 v18, v4;
	v21 =	vmul.f32 v17, v3  }
0x24c: {  	v6 =	vadd.f32 v61, v16;
	v22 =	vmul.f32 v17, v0;
	v23 =	vmul.f32 v18, v1  }
0x24d: {  	v2 =	vadd.f32 v63, v19;
	v1 =	vmul.f32 v3, v1;
	v0 =	vmul.f32 v4, v0  }
0x24e: {  	v9 =	vmul.f32 $3.333333430e-01, v9;
	v5 =	vsub.f32 v20, v21;
	v24 =	vsub.f32 v22, v23  }
0x24f: {  	v25 =	vmul.f32 $3.333333430e-01, v6;
	v2 =	vmul.f32 $3.333333430e-01, v2  }
0x250: {  	v28 =	vld [tilespmem:$0xC0B0];
	v0 =	vsub.f32 v1, v0;
	v26 =	vmul.f32 v5, v5;
	v27 =	vmul.f32 v24, v24  }
0x251: {  	v30 =	vld [tilespmem:$0xC1B0];
	v29 =	vmul.f32 v5, v9;
	v3 =	vmul.f32 v24, v25  }
0x252: {  	v32 =	vld [tilespmem:$0xC2B0];
	v31 =	vmul.f32 v0, v0;
	v1 =	vadd.f32 v27, v26  }
0x253: {  	[tilespmem:$0xC7A0] =	vst v5;
	v2 =	vmul.f32 v2, v0;
	v3 =	vadd.f32 v3, v29  }
0x254: {  	[tilespmem:$0xC8A0] =	vst v24;
	v1 =	vadd.f32 v1, v31  }
0x255: {  	[tilespmem:$0xC9A0] =	vst v0;
	v33 =	vadd.f32 v3, v2  }
0x256: {  	[tilespmem:$0xCAA0] =	vst v1  }
0x257: {  	[tilespmem:$0xCBA0] =	vst v33  }
0x258: {  	v0 =	vld.idx.msk [tilespmem:v28+s1+$0x0], $0xffff  }
0x259: {  	v1 =	vld.idx.msk [tilespmem:v30+s1+$0x0], $0xffff  }
0x25a: {  	v34 =	vld.idx.msk [tilespmem:v32+s1+$0x0], $0xffff  }
0x25b: {  	v35 =	vld.idx.msk [tilespmem:v28+s15+$0x0], $0xffff  }
0x25c: {  	v36 =	vld.idx.msk [tilespmem:v30+s15+$0x0], $0xffff  }
0x25d: {  	v5 =	vld.idx.msk [tilespmem:v28+s16+$0x0], $0xffff  }
0x25e: {  	v7 =	vld.idx.msk [tilespmem:v30+s16+$0x0], $0xffff  }
0x25f: {  	v37 =	vld.idx.msk [tilespmem:v32+s15+$0x0], $0xffff  }
0x260: {  	v38 =	vld.idx.msk [tilespmem:v32+s16+$0x0], $0xffff;
	_ =	sdelay $0x1  }
0x261: {  	v0 =	vadd.f32 v1, v0;
	v39 =	vadd.f32 v36, v35  }
0x262: {  	v40 =	vadd.f32 v7, v5  }
0x263: {  	v0 =	vadd.f32 v34, v0;
	v1 =	vadd.f32 v37, v39  }
0x264: {  	v41 =	vadd.f32 v38, v40  }
0x265: {  	v0 =	vmul.f32 $3.333333430e-01, v0;
	v1 =	vmul.f32 $3.333333430e-01, v1  }
0x266: {  	v2 =	vmul.f32 $3.333333430e-01, v41  }
0x267: {  	v42 =	vmul.f32 v0, v0;
	v43 =	vmul.f32 v1, v1  }
0x268: {  	v0 =	vmul.f32 $-2.000000000e+00, v0  }
0x269: {  	v1 =	vmul.f32 $-2.000000000e+00, v1;
	v44 =	vmul.f32 v2, v2;
	v3 =	vadd.f32 v43, v42  }
0x26a: {  	v45 =	vmul.f32 $-2.000000000e+00, v2;
	[tilespmem:$0xC3B0] =	vst v0  }
0x26b: {  	[tilespmem:$0xC4B0] =	vst v1;
	v46 =	vadd.f32 v44, v3  }
0x26c: {  	[tilespmem:$0xC5B0] =	vst v45  }
0x26d: {  	[tilespmem:$0xC6B0] =	vst v46  }
0x26e: {  	v0 =	vld.idx.msk [tilespmem:v28+s17+$0x0], $0xffff  }
0x26f: {  	v1 =	vld.idx.msk [tilespmem:v30+s17+$0x0], $0xffff  }
0x270: {  	v48 =	vld.idx.msk [tilespmem:v28+s18+$0x0], $0xffff  }
0x271: {  	v49 =	vld.idx.msk [tilespmem:v30+s18+$0x0], $0xffff  }
0x272: {  	v50 =	vld.idx.msk [tilespmem:v32+s18+$0x0], $0xffff  }
0x273: {  	v6 =	vld.idx.msk [tilespmem:v28+s19+$0x0], $0xffff  }
0x274: {  	v51 =	vld.idx.msk [tilespmem:v30+s19+$0x0], $0xffff  }
0x275: {  	v52 =	vld.idx.msk [tilespmem:v32+s19+$0x0], $0xffff  }
0x276: {  	v47 =	vld.idx.msk [tilespmem:v32+s17+$0x0], $0xffff  }
0x277: {  	v53 =	vadd.f32 v1, v0  }
0x278: {  	v54 =	vadd.f32 v49, v48;
	v4 =	vsub.f32 v49, v48  }
0x279: {  	v55 =	vsub.f32 v51, v6;
	v3 =	vsub.f32 v50, v48  }
0x27a: {  	v56 =	vsub.f32 v52, v6;
	v1 =	vsub.f32 v1, v0  }
0x27b: {  	v0 =	vsub.f32 v47, v0;
	v57 =	vadd.f32 v51, v6  }
0x27c: {  	v9 =	vadd.f32 v47, v53;
	v58 =	vmul.f32 v56, v4;
	v59 =	vmul.f32 v55, v3  }
0x27d: {  	v5 =	vadd.f32 v50, v54;
	v60 =	vmul.f32 v55, v0;
	v61 =	vmul.f32 v56, v1  }
0x27e: {  	v2 =	vadd.f32 v52, v57;
	v1 =	vmul.f32 v3, v1;
	v0 =	vmul.f32 v4, v0  }
0x27f: {  	v9 =	vmul.f32 $3.333333430e-01, v9;
	v6 =	vsub.f32 v58, v59;
	v62 =	vsub.f32 v60, v61  }
0x280: {  	v63 =	vmul.f32 $3.333333430e-01, v5;
	v2 =	vmul.f32 $3.333333430e-01, v2  }
0x281: {  	v14 =	vld [tilespmem:$0xC0C0];
	v0 =	vsub.f32 v1, v0;
	v12 =	vmul.f32 v6, v6;
	v13 =	vmul.f32 v62, v62  }
0x282: {  	v16 =	vld [tilespmem:$0xC1C0];
	v15 =	vmul.f32 v6, v9;
	v3 =	vmul.f32 v62, v63  }
0x283: {  	v18 =	vld [tilespmem:$0xC2C0];
	v17 =	vmul.f32 v0, v0;
	v1 =	vadd.f32 v13, v12  }
0x284: {  	[tilespmem:$0xC7B0] =	vst v6;
	v2 =	vmul.f32 v2, v0;
	v3 =	vadd.f32 v3, v15  }
0x285: {  	[tilespmem:$0xC8B0] =	vst v62;
	v1 =	vadd.f32 v1, v17  }
0x286: {  	[tilespmem:$0xC9B0] =	vst v0;
	v19 =	vadd.f32 v3, v2  }
0x287: {  	[tilespmem:$0xCAB0] =	vst v1  }
0x288: {  	[tilespmem:$0xCBB0] =	vst v19  }
0x289: {  	v0 =	vld.idx.msk [tilespmem:v14+s1+$0x0], $0xffff  }
0x28a: {  	v1 =	vld.idx.msk [tilespmem:v16+s1+$0x0], $0xffff  }
0x28b: {  	v20 =	vld.idx.msk [tilespmem:v18+s1+$0x0], $0xffff  }
0x28c: {  	v21 =	vld.idx.msk [tilespmem:v14+s15+$0x0], $0xffff  }
0x28d: {  	v22 =	vld.idx.msk [tilespmem:v16+s15+$0x0], $0xffff  }
0x28e: {  	v6 =	vld.idx.msk [tilespmem:v14+s16+$0x0], $0xffff  }
0x28f: {  	v7 =	vld.idx.msk [tilespmem:v16+s16+$0x0], $0xffff  }
0x290: {  	v23 =	vld.idx.msk [tilespmem:v18+s15+$0x0], $0xffff  }
0x291: {  	v24 =	vld.idx.msk [tilespmem:v18+s16+$0x0], $0xffff;
	_ =	sdelay $0x1  }
0x292: {  	v0 =	vadd.f32 v1, v0;
	v25 =	vadd.f32 v22, v21  }
0x293: {  	v26 =	vadd.f32 v7, v6  }
0x294: {  	v0 =	vadd.f32 v20, v0;
	v1 =	vadd.f32 v23, v25  }
0x295: {  	v27 =	vadd.f32 v24, v26  }
0x296: {  	v0 =	vmul.f32 $3.333333430e-01, v0;
	v1 =	vmul.f32 $3.333333430e-01, v1  }
0x297: {  	v2 =	vmul.f32 $3.333333430e-01, v27  }
0x298: {  	v28 =	vmul.f32 v0, v0;
	v29 =	vmul.f32 v1, v1  }
0x299: {  	v0 =	vmul.f32 $-2.000000000e+00, v0  }
0x29a: {  	v1 =	vmul.f32 $-2.000000000e+00, v1;
	v30 =	vmul.f32 v2, v2;
	v3 =	vadd.f32 v29, v28  }
0x29b: {  	v31 =	vmul.f32 $-2.000000000e+00, v2;
	[tilespmem:$0xC3C0] =	vst v0  }
0x29c: {  	[tilespmem:$0xC4C0] =	vst v1;
	v32 =	vadd.f32 v30, v3  }
0x29d: {  	[tilespmem:$0xC5C0] =	vst v31  }
0x29e: {  	[tilespmem:$0xC6C0] =	vst v32  }
0x29f: {  	v0 =	vld.idx.msk [tilespmem:v14+s17+$0x0], $0xffff  }
0x2a0: {  	v1 =	vld.idx.msk [tilespmem:v16+s17+$0x0], $0xffff  }
0x2a1: {  	v34 =	vld.idx.msk [tilespmem:v14+s18+$0x0], $0xffff  }
0x2a2: {  	v35 =	vld.idx.msk [tilespmem:v16+s18+$0x0], $0xffff  }
0x2a3: {  	v36 =	vld.idx.msk [tilespmem:v18+s18+$0x0], $0xffff  }
0x2a4: {  	v5 =	vld.idx.msk [tilespmem:v14+s19+$0x0], $0xffff  }
0x2a5: {  	v37 =	vld.idx.msk [tilespmem:v16+s19+$0x0], $0xffff  }
0x2a6: {  	v38 =	vld.idx.msk [tilespmem:v18+s19+$0x0], $0xffff  }
0x2a7: {  	v33 =	vld.idx.msk [tilespmem:v18+s17+$0x0], $0xffff  }
0x2a8: {  	v39 =	vadd.f32 v1, v0  }
0x2a9: {  	v40 =	vadd.f32 v35, v34;
	v4 =	vsub.f32 v35, v34  }
0x2aa: {  	v41 =	vsub.f32 v37, v5;
	v3 =	vsub.f32 v36, v34  }
0x2ab: {  	v42 =	vsub.f32 v38, v5;
	v1 =	vsub.f32 v1, v0  }
0x2ac: {  	v0 =	vsub.f32 v33, v0;
	v43 =	vadd.f32 v37, v5  }
0x2ad: {  	v9 =	vadd.f32 v33, v39;
	v44 =	vmul.f32 v42, v4;
	v45 =	vmul.f32 v41, v3  }
0x2ae: {  	v6 =	vadd.f32 v36, v40;
	v46 =	vmul.f32 v41, v0;
	v47 =	vmul.f32 v42, v1  }
0x2af: {  	v2 =	vadd.f32 v38, v43;
	v1 =	vmul.f32 v3, v1;
	v0 =	vmul.f32 v4, v0  }
0x2b0: {  	v9 =	vmul.f32 $3.333333430e-01, v9;
	v5 =	vsub.f32 v44, v45;
	v48 =	vsub.f32 v46, v47  }
0x2b1: {  	v49 =	vmul.f32 $3.333333430e-01, v6;
	v2 =	vmul.f32 $3.333333430e-01, v2  }
0x2b2: {  	v52 =	vld [tilespmem:$0xC0D0];
	v0 =	vsub.f32 v1, v0;
	v50 =	vmul.f32 v5, v5;
	v51 =	vmul.f32 v48, v48  }
0x2b3: {  	v54 =	vld [tilespmem:$0xC1D0];
	v53 =	vmul.f32 v5, v9;
	v3 =	vmul.f32 v48, v49  }
0x2b4: {  	v56 =	vld [tilespmem:$0xC2D0];
	v55 =	vmul.f32 v0, v0;
	v1 =	vadd.f32 v51, v50  }
0x2b5: {  	[tilespmem:$0xC7C0] =	vst v5;
	v2 =	vmul.f32 v2, v0;
	v3 =	vadd.f32 v3, v53  }
0x2b6: {  	[tilespmem:$0xC8C0] =	vst v48;
	v1 =	vadd.f32 v1, v55  }
0x2b7: {  	[tilespmem:$0xC9C0] =	vst v0;
	v57 =	vadd.f32 v3, v2  }
0x2b8: {  	[tilespmem:$0xCAC0] =	vst v1  }
0x2b9: {  	[tilespmem:$0xCBC0] =	vst v57  }
0x2ba: {  	v0 =	vld.idx.msk [tilespmem:v52+s1+$0x0], $0xffff  }
0x2bb: {  	v1 =	vld.idx.msk [tilespmem:v54+s1+$0x0], $0xffff  }
0x2bc: {  	v58 =	vld.idx.msk [tilespmem:v56+s1+$0x0], $0xffff  }
0x2bd: {  	v59 =	vld.idx.msk [tilespmem:v52+s15+$0x0], $0xffff  }
0x2be: {  	v60 =	vld.idx.msk [tilespmem:v54+s15+$0x0], $0xffff  }
0x2bf: {  	v5 =	vld.idx.msk [tilespmem:v52+s16+$0x0], $0xffff  }
0x2c0: {  	v7 =	vld.idx.msk [tilespmem:v54+s16+$0x0], $0xffff  }
0x2c1: {  	v61 =	vld.idx.msk [tilespmem:v56+s15+$0x0], $0xffff  }
0x2c2: {  	v62 =	vld.idx.msk [tilespmem:v56+s16+$0x0], $0xffff;
	_ =	sdelay $0x1  }
0x2c3: {  	v0 =	vadd.f32 v1, v0;
	v63 =	vadd.f32 v60, v59  }
0x2c4: {  	v7 =	vadd.f32 v7, v5  }
0x2c5: {  	v0 =	vadd.f32 v58, v0;
	v1 =	vadd.f32 v61, v63  }
0x2c6: {  	v8 =	vadd.f32 v62, v7  }
0x2c7: {  	v0 =	vmul.f32 $3.333333430e-01, v0;
	v1 =	vmul.f32 $3.333333430e-01, v1  }
0x2c8: {  	v2 =	vmul.f32 $3.333333430e-01, v8  }
0x2c9: {  	v11 =	vmul.f32 v0, v0;
	v12 =	vmul.f32 v1, v1  }
0x2ca: {  	v0 =	vmul.f32 $-2.000000000e+00, v0  }
0x2cb: {  	v1 =	vmul.f32 $-2.000000000e+00, v1;
	v13 =	vmul.f32 v2, v2;
	v3 =	vadd.f32 v12, v11  }
0x2cc: {  	v14 =	vmul.f32 $-2.000000000e+00, v2;
	[tilespmem:$0xC3D0] =	vst v0  }
0x2cd: {  	[tilespmem:$0xC4D0] =	vst v1;
	v15 =	vadd.f32 v13, v3  }
0x2ce: {  	[tilespmem:$0xC5D0] =	vst v14  }
0x2cf: {  	[tilespmem:$0xC6D0] =	vst v15  }
0x2d0: {  	v0 =	vld.idx.msk [tilespmem:v52+s17+$0x0], $0xffff  }
0x2d1: {  	v1 =	vld.idx.msk [tilespmem:v54+s17+$0x0], $0xffff  }
0x2d2: {  	v17 =	vld.idx.msk [tilespmem:v52+s18+$0x0], $0xffff  }
0x2d3: {  	v18 =	vld.idx.msk [tilespmem:v54+s18+$0x0], $0xffff  }
0x2d4: {  	v19 =	vld.idx.msk [tilespmem:v56+s18+$0x0], $0xffff  }
0x2d5: {  	v6 =	vld.idx.msk [tilespmem:v52+s19+$0x0], $0xffff  }
0x2d6: {  	v20 =	vld.idx.msk [tilespmem:v54+s19+$0x0], $0xffff  }
0x2d7: {  	v21 =	vld.idx.msk [tilespmem:v56+s19+$0x0], $0xffff  }
0x2d8: {  	v16 =	vld.idx.msk [tilespmem:v56+s17+$0x0], $0xffff  }
0x2d9: {  	v22 =	vadd.f32 v1, v0  }
0x2da: {  	v23 =	vadd.f32 v18, v17;
	v4 =	vsub.f32 v18, v17  }
0x2db: {  	v24 =	vsub.f32 v20, v6;
	v3 =	vsub.f32 v19, v17  }
0x2dc: {  	v25 =	vsub.f32 v21, v6;
	v1 =	vsub.f32 v1, v0  }
0x2dd: {  	v0 =	vsub.f32 v16, v0;
	v26 =	vadd.f32 v20, v6  }
0x2de: {  	v9 =	vadd.f32 v16, v22;
	v27 =	vmul.f32 v25, v4;
	v28 =	vmul.f32 v24, v3  }
0x2df: {  	v5 =	vadd.f32 v19, v23;
	v29 =	vmul.f32 v24, v0;
	v30 =	vmul.f32 v25, v1  }
0x2e0: {  	v2 =	vadd.f32 v21, v26;
	v1 =	vmul.f32 v3, v1;
	v0 =	vmul.f32 v4, v0  }
0x2e1: {  	v9 =	vmul.f32 $3.333333430e-01, v9;
	v6 =	vsub.f32 v27, v28;
	v31 =	vsub.f32 v29, v30  }
0x2e2: {  	v32 =	vmul.f32 $3.333333430e-01, v5;
	v2 =	vmul.f32 $3.333333430e-01, v2  }
0x2e3: {  	v35 =	vld [tilespmem:$0xC0E0];
	v0 =	vsub.f32 v1, v0;
	v33 =	vmul.f32 v6, v6;
	v34 =	vmul.f32 v31, v31  }
0x2e4: {  	v37 =	vld [tilespmem:$0xC1E0];
	v36 =	vmul.f32 v6, v9;
	v3 =	vmul.f32 v31, v32  }
0x2e5: {  	v39 =	vld [tilespmem:$0xC2E0];
	v38 =	vmul.f32 v0, v0;
	v1 =	vadd.f32 v34, v33  }
0x2e6: {  	[tilespmem:$0xC7D0] =	vst v6;
	v2 =	vmul.f32 v2, v0;
	v3 =	vadd.f32 v3, v36  }
0x2e7: {  	[tilespmem:$0xC8D0] =	vst v31;
	v1 =	vadd.f32 v1, v38  }
0x2e8: {  	[tilespmem:$0xC9D0] =	vst v0;
	v40 =	vadd.f32 v3, v2  }
0x2e9: {  	[tilespmem:$0xCAD0] =	vst v1  }
0x2ea: {  	[tilespmem:$0xCBD0] =	vst v40  }
0x2eb: {  	v0 =	vld.idx.msk [tilespmem:v35+s1+$0x0], $0xffff  }
0x2ec: {  	v1 =	vld.idx.msk [tilespmem:v37+s1+$0x0], $0xffff  }
0x2ed: {  	v41 =	vld.idx.msk [tilespmem:v39+s1+$0x0], $0xffff  }
0x2ee: {  	v42 =	vld.idx.msk [tilespmem:v35+s15+$0x0], $0xffff  }
0x2ef: {  	v43 =	vld.idx.msk [tilespmem:v37+s15+$0x0], $0xffff  }
0x2f0: {  	v6 =	vld.idx.msk [tilespmem:v35+s16+$0x0], $0xffff  }
0x2f1: {  	v7 =	vld.idx.msk [tilespmem:v37+s16+$0x0], $0xffff  }
0x2f2: {  	v44 =	vld.idx.msk [tilespmem:v39+s15+$0x0], $0xffff  }
0x2f3: {  	v45 =	vld.idx.msk [tilespmem:v39+s16+$0x0], $0xffff;
	_ =	sdelay $0x1  }
0x2f4: {  	v0 =	vadd.f32 v1, v0;
	v46 =	vadd.f32 v43, v42  }
0x2f5: {  	v47 =	vadd.f32 v7, v6  }
0x2f6: {  	v0 =	vadd.f32 v41, v0;
	v1 =	vadd.f32 v44, v46  }
0x2f7: {  	v48 =	vadd.f32 v45, v47  }
0x2f8: {  	v0 =	vmul.f32 $3.333333430e-01, v0;
	v1 =	vmul.f32 $3.333333430e-01, v1  }
0x2f9: {  	v2 =	vmul.f32 $3.333333430e-01, v48  }
0x2fa: {  	v49 =	vmul.f32 v0, v0;
	v50 =	vmul.f32 v1, v1  }
0x2fb: {  	v0 =	vmul.f32 $-2.000000000e+00, v0  }
0x2fc: {  	v1 =	vmul.f32 $-2.000000000e+00, v1;
	v51 =	vmul.f32 v2, v2;
	v3 =	vadd.f32 v50, v49  }
0x2fd: {  	v52 =	vmul.f32 $-2.000000000e+00, v2;
	[tilespmem:$0xC3E0] =	vst v0  }
0x2fe: {  	[tilespmem:$0xC4E0] =	vst v1;
	v53 =	vadd.f32 v51, v3  }
0x2ff: {  	[tilespmem:$0xC5E0] =	vst v52  }
0x300: {  	[tilespmem:$0xC6E0] =	vst v53  }
0x301: {  	v0 =	vld.idx.msk [tilespmem:v35+s17+$0x0], $0xffff  }
0x302: {  	v1 =	vld.idx.msk [tilespmem:v37+s17+$0x0], $0xffff  }
0x303: {  	v55 =	vld.idx.msk [tilespmem:v35+s18+$0x0], $0xffff  }
0x304: {  	v56 =	vld.idx.msk [tilespmem:v37+s18+$0x0], $0xffff  }
0x305: {  	v57 =	vld.idx.msk [tilespmem:v39+s18+$0x0], $0xffff  }
0x306: {  	v5 =	vld.idx.msk [tilespmem:v35+s19+$0x0], $0xffff  }
0x307: {  	v58 =	vld.idx.msk [tilespmem:v37+s19+$0x0], $0xffff  }
0x308: {  	v59 =	vld.idx.msk [tilespmem:v39+s19+$0x0], $0xffff  }
0x309: {  	v54 =	vld.idx.msk [tilespmem:v39+s17+$0x0], $0xffff  }
0x30a: {  	v60 =	vadd.f32 v1, v0  }
0x30b: {  	v61 =	vadd.f32 v56, v55;
	v4 =	vsub.f32 v56, v55  }
0x30c: {  	v62 =	vsub.f32 v58, v5;
	v3 =	vsub.f32 v57, v55  }
0x30d: {  	v63 =	vsub.f32 v59, v5;
	v1 =	vsub.f32 v1, v0  }
0x30e: {  	v0 =	vsub.f32 v54, v0;
	v14 =	vadd.f32 v58, v5  }
0x30f: {  	v9 =	vadd.f32 v54, v60;
	v15 =	vmul.f32 v63, v4;
	v16 =	vmul.f32 v62, v3  }
0x310: {  	v6 =	vadd.f32 v57, v61;
	v17 =	vmul.f32 v62, v0;
	v18 =	vmul.f32 v63, v1  }
0x311: {  	v2 =	vadd.f32 v59, v14;
	v1 =	vmul.f32 v3, v1;
	v0 =	vmul.f32 v4, v0  }
0x312: {  	v9 =	vmul.f32 $3.333333430e-01, v9;
	v5 =	vsub.f32 v15, v16;
	v19 =	vsub.f32 v17, v18  }
0x313: {  	v20 =	vmul.f32 $3.333333430e-01, v6;
	v2 =	vmul.f32 $3.333333430e-01, v2  }
0x314: {  	v23 =	vld [tilespmem:$0xC0F0];
	v0 =	vsub.f32 v1, v0;
	v21 =	vmul.f32 v5, v5;
	v22 =	vmul.f32 v19, v19  }
0x315: {  	v25 =	vld [tilespmem:$0xC1F0];
	v24 =	vmul.f32 v5, v9;
	v3 =	vmul.f32 v19, v20  }
0x316: {  	v27 =	vld [tilespmem:$0xC2F0];
	v26 =	vmul.f32 v0, v0;
	v1 =	vadd.f32 v22, v21  }
0x317: {  	[tilespmem:$0xC7E0] =	vst v5;
	v2 =	vmul.f32 v2, v0;
	v3 =	vadd.f32 v3, v24  }
0x318: {  	[tilespmem:$0xC8E0] =	vst v19;
	v1 =	vadd.f32 v1, v26  }
0x319: {  	[tilespmem:$0xC9E0] =	vst v0;
	v28 =	vadd.f32 v3, v2  }
0x31a: {  	[tilespmem:$0xCAE0] =	vst v1  }
0x31b: {  	[tilespmem:$0xCBE0] =	vst v28  }
0x31c: {  	v0 =	vld.idx.msk [tilespmem:v23+s1+$0x0], $0xffff  }
0x31d: {  	v1 =	vld.idx.msk [tilespmem:v25+s1+$0x0], $0xffff  }
0x31e: {  	v29 =	vld.idx.msk [tilespmem:v27+s1+$0x0], $0xffff  }
0x31f: {  	v30 =	vld.idx.msk [tilespmem:v23+s15+$0x0], $0xffff  }
0x320: {  	v31 =	vld.idx.msk [tilespmem:v25+s15+$0x0], $0xffff  }
0x321: {  	v5 =	vld.idx.msk [tilespmem:v23+s16+$0x0], $0xffff  }
0x322: {  	v7 =	vld.idx.msk [tilespmem:v25+s16+$0x0], $0xffff  }
0x323: {  	v32 =	vld.idx.msk [tilespmem:v27+s15+$0x0], $0xffff  }
0x324: {  	v33 =	vld.idx.msk [tilespmem:v27+s16+$0x0], $0xffff;
	_ =	sdelay $0x1  }
0x325: {  	v0 =	vadd.f32 v1, v0;
	v34 =	vadd.f32 v31, v30  }
0x326: {  	v35 =	vadd.f32 v7, v5  }
0x327: {  	v0 =	vadd.f32 v29, v0;
	v1 =	vadd.f32 v32, v34  }
0x328: {  	v36 =	vadd.f32 v33, v35  }
0x329: {  	v0 =	vmul.f32 $3.333333430e-01, v0;
	v1 =	vmul.f32 $3.333333430e-01, v1  }
0x32a: {  	v2 =	vmul.f32 $3.333333430e-01, v36  }
0x32b: {  	v37 =	vmul.f32 v0, v0;
	v38 =	vmul.f32 v1, v1  }
0x32c: {  	v0 =	vmul.f32 $-2.000000000e+00, v0  }
0x32d: {  	v1 =	vmul.f32 $-2.000000000e+00, v1;
	v39 =	vmul.f32 v2, v2;
	v3 =	vadd.f32 v38, v37  }
0x32e: {  	v40 =	vmul.f32 $-2.000000000e+00, v2;
	[tilespmem:$0xC3F0] =	vst v0  }
0x32f: {  	[tilespmem:$0xC4F0] =	vst v1;
	v41 =	vadd.f32 v39, v3  }
0x330: {  	[tilespmem:$0xC5F0] =	vst v40  }
0x331: {  	[tilespmem:$0xC6F0] =	vst v41  }
0x332: {  	v0 =	vld.idx.msk [tilespmem:v23+s17+$0x0], $0xffff  }
0x333: {  	v1 =	vld.idx.msk [tilespmem:v25+s17+$0x0], $0xffff  }
0x334: {  	v43 =	vld.idx.msk [tilespmem:v23+s18+$0x0], $0xffff  }
0x335: {  	v44 =	vld.idx.msk [tilespmem:v25+s18+$0x0], $0xffff  }
0x336: {  	v45 =	vld.idx.msk [tilespmem:v27+s18+$0x0], $0xffff  }
0x337: {  	v6 =	vld.idx.msk [tilespmem:v23+s19+$0x0], $0xffff  }
0x338: {  	v46 =	vld.idx.msk [tilespmem:v25+s19+$0x0], $0xffff  }
0x339: {  	v47 =	vld.idx.msk [tilespmem:v27+s19+$0x0], $0xffff  }
0x33a: {  	v42 =	vld.idx.msk [tilespmem:v27+s17+$0x0], $0xffff  }
0x33b: {  	v48 =	vadd.f32 v1, v0  }
0x33c: {  	v49 =	vadd.f32 v44, v43;
	v4 =	vsub.f32 v44, v43  }
0x33d: {  	v50 =	vsub.f32 v46, v6;
	v3 =	vsub.f32 v45, v43  }
0x33e: {  	v51 =	vsub.f32 v47, v6;
	v1 =	vsub.f32 v1, v0  }
0x33f: {  	v0 =	vsub.f32 v42, v0;
	v52 =	vadd.f32 v46, v6  }
0x340: {  	v9 =	vadd.f32 v42, v48;
	v53 =	vmul.f32 v51, v4;
	v54 =	vmul.f32 v50, v3  }
0x341: {  	v5 =	vadd.f32 v45, v49;
	v55 =	vmul.f32 v50, v0;
	v56 =	vmul.f32 v51, v1  }
0x342: {  	v2 =	vadd.f32 v47, v52;
	v1 =	vmul.f32 v3, v1;
	v0 =	vmul.f32 v4, v0  }
0x343: {  	v9 =	vmul.f32 $3.333333430e-01, v9;
	v6 =	vsub.f32 v53, v54;
	v57 =	vsub.f32 v55, v56  }
0x344: {  	v58 =	vmul.f32 $3.333333430e-01, v5;
	v2 =	vmul.f32 $3.333333430e-01, v2  }
0x345: {  	v0 =	vsub.f32 v1, v0;
	v59 =	vmul.f32 v6, v6;
	v60 =	vmul.f32 v57, v57  }
0x346: {  	v61 =	vmul.f32 v6, v9;
	v3 =	vmul.f32 v57, v58  }
0x347: {  	v62 =	vmul.f32 v0, v0;
	v1 =	vadd.f32 v60, v59  }
0x348: {  	[tilespmem:$0xC7F0] =	vst v6;
	v2 =	vmul.f32 v2, v0;
	v3 =	vadd.f32 v3, v61  }
0x349: {  	[tilespmem:$0xC8F0] =	vst v57;
	v1 =	vadd.f32 v1, v62  }
0x34a: {  	[tilespmem:$0xC9F0] =	vst v0;
	v63 =	vadd.f32 v3, v2  }
0x34b: {  	[tilespmem:$0xCAF0] =	vst v1  }
0x34c: {  	[tilespmem:$0xCBF0] =	vst v63  }
0x34d: {  	[hbm4b:s4+s1] =	stream.linear.scatter [tilespmem:s23], [sflag:$0x1], $0x100, $0x38;
	[tilespmem:$0xCC00] =	vst v63  }
0x34e: {  	_ =	swait.ge [sflag:s14], $0x100  }
0x34f: {  	[sflag:s14] =	ssyncset.done $0x0  }
0x350: {  	[sflag:s14] =	ssyncadd.s32 $0xFFFFFF00  }
0x351: {  	[hbm4b:s5+s1] =	stream.linear.scatter [tilespmem:s24], [sflag:$0x1], $0x100, $0x38;
	[tilespmem:$0xCC00] =	vst v63  }
0x352: {  	_ =	swait.ge [sflag:s14], $0x100  }
0x353: {  	[sflag:s14] =	ssyncset.done $0x0  }
0x354: {  	[sflag:s14] =	ssyncadd.s32 $0xFFFFFF00  }
0x355: {  	[hbm4b:s6+s1] =	stream.linear.scatter [tilespmem:s25], [sflag:$0x1], $0x100, $0x38;
	[tilespmem:$0xCC00] =	vst v63  }
0x356: {  	_ =	swait.ge [sflag:s14], $0x100  }
0x357: {  	[sflag:s14] =	ssyncset.done $0x0  }
0x358: {  	[sflag:s14] =	ssyncadd.s32 $0xFFFFFF00  }
0x359: {  	[hbm4b:s7+s1] =	stream.linear.scatter [tilespmem:s26], [sflag:$0x1], $0x100, $0x38;
	[tilespmem:$0xCC00] =	vst v63  }
0x35a: {  	_ =	swait.ge [sflag:s14], $0x100  }
0x35b: {  	[sflag:s14] =	ssyncset.done $0x0  }
0x35c: {  	[sflag:s14] =	ssyncadd.s32 $0xFFFFFF00  }
0x35d: {  	[hbm4b:s8+s1] =	stream.linear.scatter [tilespmem:s28], [sflag:$0x1], $0x100, $0x38;
	[tilespmem:$0xCC00] =	vst v63  }
0x35e: {  	_ =	swait.ge [sflag:s14], $0x100  }
0x35f: {  	[sflag:s14] =	ssyncset.done $0x0  }
0x360: {  	[sflag:s14] =	ssyncadd.s32 $0xFFFFFF00  }
0x361: {  	[hbm4b:s9+s1] =	stream.linear.scatter [tilespmem:s29], [sflag:$0x1], $0x100, $0x38;
	[tilespmem:$0xCC00] =	vst v63  }
0x362: {  	_ =	swait.ge [sflag:s14], $0x100  }
0x363: {  	[sflag:s14] =	ssyncset.done $0x0  }
0x364: {  	[sflag:s14] =	ssyncadd.s32 $0xFFFFFF00  }
0x365: {  	[hbm4b:s10+s1] =	stream.linear.scatter [tilespmem:s30], [sflag:$0x1], $0x100, $0x38;
	[tilespmem:$0xCC00] =	vst v63  }
0x366: {  	_ =	swait.ge [sflag:s14], $0x100  }
0x367: {  	[sflag:s14] =	ssyncset.done $0x0  }
0x368: {  	[sflag:s14] =	ssyncadd.s32 $0xFFFFFF00  }
0x369: {  	[hbm4b:s11+s1] =	stream.linear.scatter [tilespmem:s31], [sflag:$0x1], $0x100, $0x38;
	[tilespmem:$0xCC00] =	vst v63  }
0x36a: {  	_ =	swait.ge [sflag:s14], $0x100  }
0x36b: {  	p0 =	sne.s32 s13, $0x1;
	[sflag:s14] =	ssyncset.done $0x0  }
.Ltmp0:
0x36c: {  	[sflag:s14] =	ssyncadd.s32 $0xFFFFFF00;
	(pc) =	sbr.rel @p0 .LBB2_1-.Ltmp0, $4  }
0x36d: {  	[hbm4b:s12+s1] =	stream.linear.scatter [tilespmem:s0], [sflag:$0x1], $0x100, $0x38;
	[tilespmem:$0xCC00] =	vst v63  }
0x36e: {  	_ =	swait.ge [sflag:s14], $0x100  }
0x36f: {  	[sflag:s14] =	ssyncset.done $0x0  }
0x370: {  	s13 =	sadd.s32 $0xFFFFFFFF, s13;
	[sflag:s14] =	ssyncadd.s32 $0xFFFFFF00  }
0x371: {  	_ =	sfence.sel $0x180000  }
0x372: {  	[bflag:$0x0] =	sbarrier.arrive $0xFFFF  }
0x373: {  	_ =	strace $0x90000047  }
0x374: {  	s0 =	stileid.u32;
	[bflag:$0x2] =	sbarrier.arrive $0xFFFF  }
0x375: {  	p0 =	sne.s32 s0, $0x0;
	s0 =	rddreg [dreg:$0x1]  }
0x376: {  	s0 =	sadd.s32 @!p0 $0x100000, s0  }
0x377: {  	[sflag:s0] =	ssyncadd.tile.s32 @!p0 $0x1;
	_ =	shalt  }
.Lfunc_end2:
_tile_overlayer_lowered:
.L_overlay_start_2:
0x378: {  	(tag) =	ssettag $0x2  }
0x379: {  	s0 =	rddreg [dreg:$0x0];
	s2 =	stileid.u32  }
0x37a: {  	s1 =	rddreg [dreg:$0x1];
	p0 =	sne.s32 s2, $0x0  }
0x37b: {  	s3 =	rddreg [dreg:$0x2];
	[bflag:$0x3] =	sbarrier.arrive $0xFFFF;
	s2 =	simm.s32 @!p0 $0x1C01  }
0x37c: {  	[timem:s3], [sflag:s2] =	dma.local @!p0 [hbm:s0], s1  }
0x37d: {  	s0 =	simm.s32 @!p0 $0x1  }
0x37e: {  	_ =	swait.ge @!p0 [sflag:s0], s1  }
0x37f: {  	s1 =	ssub.s32 @!p0 $0x0, s1;
	[sflag:s0] =	ssyncset.done @!p0 $0x0  }
0x380: {  	[sflag:s0] =	ssyncadd.s32 @!p0 s1  }
0x381: {  	[bflag:$0x3] =	sbarrier.arrive $0xFFFF  }
0x382: {  	_ =	shalt  }

// kernel: kernel.8.cloned.1.call-start
scs
__scs_entry_jumppad:
0x0: {  	(pc) =	sbr.rel $0x88, $3  }
0x1: {  	(tag) =	ssettag $0x0;
	lr =	simm.s32 $0x1  }
0x2: {  	[smem:$0x3F9B] =	sst lr;
	_ =	strace $0xD0000000  }
0x3: {  	_ = 	snop  }
0x4: {  	_ = 	snop  }
0x5: {  	_ = 	snop  }
0x6: {  	_ = 	snop  }
0x7: {  	_ = 	snop  }
__scs_overlays_trampoline_lowered:
0x8: {  	[smem:$0x3FAA] =	sst s0  }
0x9: {  	[smem:$0x3FAB] =	sst s1  }
0xa: {  	[smem:$0x3FAC] =	sst s2  }
0xb: {  	[smem:$0x3FAD] =	sst s3  }
0xc: {  	[smem:$0x3FAE] =	sst s4  }
0xd: {  	[smem:$0x3FAF] =	sst s5  }
0xe: {  	[smem:$0x3FB0] =	sst s6  }
0xf: {  	[smem:$0x3FB1] =	sst s7  }
0x10: {  	[smem:$0x3FB2] =	sst s8  }
0x11: {  	[smem:$0x3FB3] =	sst s9;
	s0 =	simm.s32 @!p0 $0x0  }
0x12: {  	s1 =	sld [smem:$0x3F99];
	s0 =	simm.s32 @p0 $0x1  }
0x13: {  	[smem:$0x3FB4] =	sst s0;
	s0 =	simm.s32 @!p1 $0x0  }
0x14: {  	s2 =	sld [smem:$0x3F98];
	s0 =	simm.s32 @p1 $0x1  }
0x15: {  	[smem:$0x3FB5] =	sst s0;
	s0 =	simm.s32 @!p2 $0x0  }
0x16: {  	s3 =	sld [smem:$0x3FDB];
	s0 =	simm.s32 @p2 $0x1  }
0x17: {  	s4 =	simm.s32 $0x1BF5;
	[smem:$0x3FB7] =	sst s0  }
0x18: {  	s0 =	sld [smem:$0x3F9A];
	_ =	swait.ge [sflag:s4], $0x0  }
0x19: {  	s7 =	sld [smem:$0x3F9B]  }
0x1a: {  	s8 =	sadd.s32 $0xFFFFE003, lr  }
0x1b: {  	s9 =	sadd.s32 $0xFFFFFEF7, lr;
	s5 =	simm.s32 $0xFFFFFFFF;
	p2 =	slt.u32 s8, $0xFFFFF086  }
0x1c: {  	p1 =	slt.u32 s9, $0xF7A;
	s5 =	simm.s32 @!p2 $0x0  }
0x1d: {  	s5 =	simm.s32 @p1 $0x1;
	p0 =	seq.s32 s7, s2  }
0x1e: {  	s7 =	smul.u32 @!p0 $0xF7A, s2;
	p2 =	seq.s32 @!p0 s5, $0x0  }
0x1f: {  	s9 =	smul.u32 $0xF7A, s1;
	s8 =	simm.s32 @!p0 $0x1BF5;
	p2 =	por !p2, p0  }
0x20: {  	[sflag:s8] =	ssyncset.s32 @!p0 $0xFFFFF086;
	s6 =	sadd.s32 @!p0 s3, s7;
	s7 =	simm.s32 @!p0 $0x108  }
0x21: {  	s3 =	sadd.s32 s3, s9;
	s6 =	sadd.s32 @!p0 $0x88, s6;
	s7 =	simm.s32 @p2 $0x1082  }
0x22: {  	[simem:s7], [sflag:s8] =	dma.local @!p0 [hbm:s6], $0xF7A  }
0x23: {  	s9 =	sor.u32 $0xD0000000, s2;
	s6 =	simm.s32 $0x108;
	_ =	swait.ge @!p0 [sflag:s8], $0x0  }
0x24: {  	s3 =	sadd.s32 $0x88, s3;
	s6 =	simm.s32 @!p1 $0x1082;
	[sflag:s4] =	ssyncset.s32 $0xFFFFF086  }
0x25: {  	[simem:s6], [sflag:s4] =	dma.local [hbm:s3], $0xF7A  }
0x26: {  	[smem:$0x3F9B] =	sst s1;
	(tag) =	ssettag s2;
	_ =	strace s9  }
0x27: {  	s1 =	sld [smem:$0x3FAB]  }
0x28: {  	s2 =	sld [smem:$0x3FAC]  }
0x29: {  	s4 =	sld [smem:$0x3FAE]  }
0x2a: {  	p0 =	seq.s32 s5, $0x0;
	s5 =	sld [smem:$0x3FAF]  }
0x2b: {  	s6 =	sld [smem:$0x3FB0]  }
0x2c: {  	s7 =	sld [smem:$0x3FB1]  }
0x2d: {  	s3 =	simm.s32 $0x108;
	s8 =	sld [smem:$0x3FB2]  }
0x2e: {  	s3 =	simm.s32 @!p0 $0x1082;
	s9 =	sld [smem:$0x3FB3]  }
0x2f: {  	lr =	sadd.s32 s0, s3;
	s0 =	sld [smem:$0x3FAA]  }
0x30: {  	s3 =	sld [smem:$0x3FAD]  }
0x31: {  	[smem:$0x3FB6] =	sst s10  }
0x32: {  	s10 =	sld [smem:$0x3FB4];
	_ =	sdelay $0x3  }
0x33: {  	p0 =	seq.s32 s10, $0x1;
	s10 =	sld [smem:$0x3FB6];
	_ =	sdelay $0x3  }
0x34: {  	[smem:$0x3FB6] =	sst s10  }
0x35: {  	s10 =	sld [smem:$0x3FB5];
	_ =	sdelay $0x3  }
0x36: {  	p1 =	seq.s32 s10, $0x1;
	s10 =	sld [smem:$0x3FB6];
	_ =	sdelay $0x3  }
0x37: {  	[smem:$0x3FB6] =	sst s10  }
0x38: {  	s10 =	sld [smem:$0x3FB7]  }
0x39: {  	_ = 	snop;
	(pc) =	sbr.ind lr, $3  }
0x3a: {  	_ = 	snop  }
0x3b: {  	_ = 	snop  }
0x3c: {  	p2 =	seq.s32 s10, $0x1;
	s10 =	sld [smem:$0x3FB6]  }
0x3d: {  	_ =	shalt  }
0x3e: {  	_ =	shalt  }
0x3f: {  	_ =	shalt  }
0x40: {  	_ =	shalt  }
0x41: {  	_ =	shalt  }
0x42: {  	_ =	shalt  }
0x43: {  	_ =	shalt  }
0x44: {  	_ =	shalt  }
0x45: {  	_ =	shalt  }
0x46: {  	_ =	shalt  }
0x47: {  	_ =	shalt  }
0x48: {  	_ =	shalt  }
0x49: {  	_ =	shalt  }
0x4a: {  	_ =	shalt  }
0x4b: {  	_ =	shalt  }
0x4c: {  	_ =	shalt  }
0x4d: {  	_ =	shalt  }
0x4e: {  	_ =	shalt  }
0x4f: {  	_ =	shalt  }
0x50: {  	_ =	shalt  }
0x51: {  	_ =	shalt  }
0x52: {  	_ =	shalt  }
0x53: {  	_ =	shalt  }
0x54: {  	_ =	shalt  }
0x55: {  	_ =	shalt  }
0x56: {  	_ =	shalt  }
0x57: {  	_ =	shalt  }
0x58: {  	_ =	shalt  }
0x59: {  	_ =	shalt  }
0x5a: {  	_ =	shalt  }
0x5b: {  	_ =	shalt  }
0x5c: {  	_ =	shalt  }
0x5d: {  	_ =	shalt  }
0x5e: {  	_ =	shalt  }
0x5f: {  	_ =	shalt  }
0x60: {  	_ =	shalt  }
0x61: {  	_ =	shalt  }
0x62: {  	_ =	shalt  }
0x63: {  	_ =	shalt  }
0x64: {  	_ =	shalt  }
0x65: {  	_ =	shalt  }
0x66: {  	_ =	shalt  }
0x67: {  	_ =	shalt  }
0x68: {  	_ =	shalt  }
0x69: {  	_ =	shalt  }
0x6a: {  	_ =	shalt  }
0x6b: {  	_ =	shalt  }
0x6c: {  	_ =	shalt  }
0x6d: {  	_ =	shalt  }
0x6e: {  	_ =	shalt  }
0x6f: {  	_ =	shalt  }
0x70: {  	_ =	shalt  }
0x71: {  	_ =	shalt  }
0x72: {  	_ =	shalt  }
0x73: {  	_ =	shalt  }
0x74: {  	_ =	shalt  }
0x75: {  	_ =	shalt  }
0x76: {  	_ =	shalt  }
0x77: {  	_ =	shalt  }
0x78: {  	_ =	shalt  }
0x79: {  	_ =	shalt  }
0x7a: {  	_ =	shalt  }
0x7b: {  	_ =	shalt  }
0x7c: {  	_ =	shalt  }
0x7d: {  	_ =	shalt  }
0x7e: {  	_ =	shalt  }
0x7f: {  	_ =	shalt  }
0x80: {  	_ =	shalt  }
0x81: {  	_ =	shalt  }
0x82: {  	_ =	shalt  }
0x83: {  	_ =	shalt  }
0x84: {  	_ =	shalt  }
0x85: {  	_ =	shalt  }
0x86: {  	_ =	shalt  }
0x87: {  	_ =	shalt  }
.Lfunc_end0:
.L_simem_size_0:
called_computation.1_lowered:
.L_overlay_start_0:
0x88: {  	s2 =	sld [smem:$0x3FD9]  }
0x89: {  	s3 =	sld [smem:$0x3FFE];
	_ =	sdelay $0x1  }
0x8a: {  	s1 =	srdreg.scid  }
0x8b: {  	s0 =	sand.u32 $0x1, s1  }
0x8c: {  	s16 =	sshll.u32 s0, $0xA;
	s2 =	sadd.s32 s3, s2  }
0x8d: {  	s2 =	sadd.s32 s2, s16  }
0x8e: {  	[smem:$0x3FC2] =	sst s2  }
0x8f: {  	_ = 	snop  }
0x90: {  	(tm) =	ssettm $0x1  }
0x91: {  	s17 =	sld [smem:$0x3FFB];
	_ =	sdelay $0x3  }
0x92: {  	_ =	strace s17  }
0x93: {  	s2 =	sld [smem:$0x3FFC];
	_ =	sdelay $0x3  }
0x94: {  	_ =	strace s2  }
0x95: {  	s2 =	sld [smem:$0x3FFD];
	_ =	sdelay $0x3  }
0x96: {  	_ =	strace s2  }
0x97: {  	_ =	strace $0x8FFFFFFF  }
0x98: {  	s18 =	sld [smem:$0x3FDB];
	_ =	sdelay $0x1  }
0x99: {  	s19 =	simm.s32 $_scs_section_size  }
0x9a: {  	s4 =	simm.s32 $_size__tile_overlayer_lowered;
	s5 =	simm.s32 $_tile_overlayer_lowered  }
0x9b: {  	s22 =	simm.s32 $0x1BFF;
	s21 =	sshll.u32 s5, $0x1;
	s2 =	sadd.s32 s19, s18  }
0x9c: {  	s6 =	simm.s32 $0x0;
	s20 =	sshll.u32 s4, $0x1;
	s4 =	sadd.s32 s21, s2  }
0x9d: {  	[timem:s6], [sflag:s22] =	dma.local [hbm:s4], s20  }
0x9e: {  	_ =	swait.ge [sflag:s22], s20  }
0x9f: {  	s3 =	ssub.s32 $0x0, s20;
	[sflag:s22] =	ssyncset.done $0x0  }
0xa0: {  	[sflag:s22] =	ssyncadd.s32 s3;
	_ =	sdelay $0x1  }
0xa1: {  	s23 =	simm.s32 $0x1B8B  }
0xa2: {  	_ =	swait.ge [sflag:s23], $0x1  }
0xa3: {  	[sflag:s23] =	ssyncset.done $0x0  }
0xa4: {  	s25 =	simm.s32 $0x1B8E;
	s24 =	sld [smem:$0x3FFE];
	[sflag:s23] =	ssyncadd.s32 $0xFFFFFFFF  }
0xa5: {  	s26 =	simm.s32 $execute0_lowered;
	[smem:$0x3FD2] =	sst s25  }
0xa6: {  	s4 =	sshll.u32 s26, $0x1;
	_ =	strace $0x80000049;
	[dreg:$0x1] =	wrdreg $0xFFFFFFFF  }
0xa7: {  	s28 =	simm.s32 $_size_execute0_lowered;
	s2 =	sadd.s32 s2, s4;
	[dreg:$0x0] =	wrdreg $0x0  }
0xa8: {  	s4 =	sshll.u32 s28, $0x1;
	[dreg:$0x2] =	wrdreg s2  }
0xa9: {  	[dreg:$0x3] =	wrdreg s4  }
0xaa: {  	[dreg:$0x4] =	wrdreg $0xC0  }
0xab: {  	_ =	task [dreg:s6], $0x5FFFF  }
0xac: {  	[dreg:$0x1] =	wrdreg $0xFFFFFFFF  }
0xad: {  	[dreg:$0x0] =	wrdreg $0x60  }
0xae: {  	[dreg:$0x2] =	wrdreg s24  }
0xaf: {  	[dreg:$0x3] =	wrdreg $0x9  }
0xb0: {  	_ =	task.clear_ibuf [dreg:s6], $0x4FFFF;
	_ =	strace $0x90000049  }
0xb1: {  	s29 =	simm.s32 $0x9;
	_ =	strace $0x8000004B  }
0xb2: {  	_ =	swait.ge [sflag:s29], $0x1  }
0xb3: {  	[sflag:s29] =	ssyncadd.s32 $0xFFFFFFFF  }
0xb4: {  	_ =	strace $0x9000004B  }
0xb5: {  	_ =	sfence  }
0xb6: {  	s30 =	sld [smem:$0x0];
	_ =	sdelay $0x2  }
0xb7: {  	s31 =	sshll.u32 s1, $0xD;
	s1 =	sshrl.u32 s1, $0x2  }
0xb8: {  	s3 =	sand.u32 $0x4000, s31;
	s1 =	sadd.s32 s1, s30  }
0xb9: {  	s0 =	sor.u32 s3, s0;
	s1 =	sshll.u32 s1, $0x11  }
0xba: {  	s0 =	sor.u32 s1, s0  }
0xbb: {  	s0 =	sadd.s32 $0x8F2B, s0  }
0xbc: {  	[sflag:s0] =	ssyncadd.remote.s32 $0x1  }
0xbd: {  	_ =	sfence.sel $0xFFFF  }
0xbe: {  	[dreg:$0x0] =	wrdreg $0xFFFFFFFF;
	(pc) =	sbr.abs _section_cstart, $3  }
0xbf: {  	[dreg:$0x1] =	wrdreg $0xFFFFFFFF  }
0xc0: {  	_ =	task.clear_ibuf [dreg:s6], $0x2FFFF;
	_ =	strace $0x9FFFFFFF  }
0xc1: {  	(tm) =	ssettm $0x7FFFFFFF  }
tec
execute0_lowered:
.L_overlay_start_1:
0x0: {  	(tag) =	ssettag $0x1  }
0x1: {  	s8 =	rddreg [dreg:$0x0]  }
0x2: {  	s0 =	rddreg [dreg:$0x1]  }
0x3: {  	s1 =	simm.s32 $0x0;
	s5 =	srdreg.scid;
	s2 =	stileid.u32  }
0x4: {  	s15 =	simm.s32 $0x2000;
	s16 =	simm.s32 $0x4000;
	s17 =	simm.s32 $0x6000  }
0x5: {  	s18 =	simm.s32 $0x8000;
	s19 =	simm.s32 $0xA000;
	s20 =	simm.s32 $0xA100  }
0x6: {  	s21 =	simm.s32 $0xA200;
	s22 =	simm.s32 $0xA300;
	s23 =	simm.s32 $0xA400  }
0x7: {  	[smem:$0x7FF] =	sst s1;
	s3 =	sadd.s32 $0x4000, s8;
	s4 =	sadd.s32 $0x4400, s8  }
0x8: {  	s9 =	sand.u32 $0x1, s5;
	s7 =	sshll.u32 s2, $0x1;
	s5 =	sadd.s32 $0x4800, s8  }
0x9: {  	s6 =	sadd.s32 $0x4C00, s8;
	_ =	strace $0x8000004A;
	s10 =	sor.u32 s9, s7  }
0xa: {  	s7 =	sadd.s32 $0x5000, s8;
	s9 =	ssub.s32 $0x2, s9;
	s11 =	sshll.u32 s10, $0x5  }
0xb: {  	s10 =	sshll.u32 s10, $0x4;
	s12 =	sshrl.u32 s9, $0x1;
	s11 =	sadd.s32 s11, s8  }
0xc: {  	s13 =	sadd.s32 s10, s8;
	s14 =	ssub.s32 s9, s12;
	s8 =	sadd.s32 $0xC00, s11  }
0xd: {  	s9 =	sadd.s32 $0x5C00, s11;
	s10 =	sadd.s32 $0x5800, s11;
	s11 =	sadd.s32 $0x5400, s11  }
0xe: {  	s12 =	sadd.s32 $0x1000, s13;
	s13 =	smax.u32 s14, $0x1;
	s14 =	simm.s32 $0x1  }
.LBB2_1:
0xf: {  	[tilespmem:s1], [sflag:$0x1] =	stream.linear.gather [hbm4b:s3+s1], $0x2000, $0x38;
	[tilespmem:$0xA480] =	vst v63  }
0x10: {  	_ =	swait.ge [sflag:s14], $0x2000  }
0x11: {  	[sflag:s14] =	ssyncset.done $0x0  }
0x12: {  	[sflag:s14] =	ssyncadd.s32 $0xFFFFE000  }
0x13: {  	[tilespmem:s15], [sflag:$0x1] =	stream.linear.gather [hbm4b:s4+s1], $0x2000, $0x38;
	[tilespmem:$0xA480] =	vst v63  }
0x14: {  	_ =	swait.ge [sflag:s14], $0x2000  }
0x15: {  	[sflag:s14] =	ssyncset.done $0x0  }
0x16: {  	[sflag:s14] =	ssyncadd.s32 $0xFFFFE000  }
0x17: {  	[tilespmem:s16], [sflag:$0x1] =	stream.linear.gather [hbm4b:s5+s1], $0x2000, $0x38;
	[tilespmem:$0xA480] =	vst v63  }
0x18: {  	_ =	swait.ge [sflag:s14], $0x2000  }
0x19: {  	[sflag:s14] =	ssyncset.done $0x0  }
0x1a: {  	[sflag:s14] =	ssyncadd.s32 $0xFFFFE000  }
0x1b: {  	[tilespmem:s17], [sflag:$0x1] =	stream.linear.gather [hbm4b:s6+s1], $0x2000, $0x38;
	[tilespmem:$0xA480] =	vst v63  }
0x1c: {  	_ =	swait.ge [sflag:s14], $0x2000  }
0x1d: {  	[sflag:s14] =	ssyncset.done $0x0  }
0x1e: {  	[sflag:s14] =	ssyncadd.s32 $0xFFFFE000  }
0x1f: {  	[tilespmem:s18], [sflag:$0x1] =	stream.linear.gather [hbm4b:s7+s1], $0x2000, $0x38;
	[tilespmem:$0xA480] =	vst v63  }
0x20: {  	_ =	swait.ge [sflag:s14], $0x2000  }
0x21: {  	[sflag:s14] =	ssyncset.done $0x0  }
0x22: {  	[sflag:s14] =	ssyncadd.s32 $0xFFFFE000  }
0x23: {  	[tilespmem:s19], [sflag:$0x1] =	stream.linear.gather [hbm4b:s8+s1], $0x100, $0x38;
	[tilespmem:$0xA480] =	vst v63  }
0x24: {  	_ =	swait.ge [sflag:s14], $0x100  }
0x25: {  	[sflag:s14] =	ssyncset.done $0x0  }
0x26: {  	[sflag:s14] =	ssyncadd.s32 $0xFFFFFF00  }
0x27: {  	[tilespmem:s20], [sflag:$0x1] =	stream.linear.gather [hbm4b:s9+s1], $0x100, $0x38;
	[tilespmem:$0xA480] =	vst v63  }
0x28: {  	_ =	swait.ge [sflag:s14], $0x100  }
0x29: {  	[sflag:s14] =	ssyncset.done $0x0  }
0x2a: {  	[sflag:s14] =	ssyncadd.s32 $0xFFFFFF00  }
0x2b: {  	[tilespmem:s21], [sflag:$0x1] =	stream.linear.gather [hbm4b:s10+s1], $0x100, $0x38;
	[tilespmem:$0xA480] =	vst v63  }
0x2c: {  	_ =	swait.ge [sflag:s14], $0x100  }
0x2d: {  	[sflag:s14] =	ssyncset.done $0x0  }
0x2e: {  	[sflag:s14] =	ssyncadd.s32 $0xFFFFFF00  }
0x2f: {  	[tilespmem:s22], [sflag:$0x1] =	stream.linear.gather [hbm4b:s11+s1], $0x100, $0x38;
	[tilespmem:$0xA480] =	vst v63  }
0x30: {  	_ =	swait.ge [sflag:s14], $0x100  }
0x31: {  	[sflag:s14] =	ssyncset.done $0x0  }
0x32: {  	[sflag:s14] =	ssyncadd.s32 $0xFFFFFF00  }
0x33: {  	v0 =	vld [tilespmem:$0xA000];
	_ =	sdelay $0x7  }
0x34: {  	v2 =	vld.idx.msk [tilespmem:v0+s17+$0x0], $0xffff;
	_ =	sdelay $0x1  }
0x35: {  	v3 =	vld [tilespmem:$0xA010];
	_ =	sdelay $0x2  }
0x36: {  	v1 =	vmax.f32 v2, $1.000000040e-36  }
0x37: {  	v4 =	vshra.s32 v1, $0x1;
	v1 =	vmul.f32 $5.000000000e-01, v1  }
0x38: {  	v4 =	vsub.s32 $0x5F3759DF, v4  }
0x39: {  	v5 =	vmul.f32 v4, v1;
	_ =	sdelay $0x1  }
0x3a: {  	v6 =	vld.idx.msk [tilespmem:v3+s17+$0x0], $0xffff;
	v5 =	vmul.f32 v4, v5;
	_ =	sdelay $0x1  }
0x3b: {  	v5 =	vsub.f32 $1.500000000e+00, v5;
	_ =	sdelay $0x1  }
0x3c: {  	v4 =	vmul.f32 v4, v5  }
0x3d: {  	v52 =	vld [tilespmem:$0xA020];
	v50 =	vmax.f32 v6, $1.000000040e-36  }
0x3e: {  	v53 =	vld [tilespmem:$0xA030];
	v8 =	vshra.s32 v50, $0x1;
	v5 =	vmul.f32 $5.000000000e-01, v50;
	v7 =	vmul.f32 v4, v1  }
0x3f: {  	v14 =	vld [tilespmem:$0xA100];
	v8 =	vsub.s32 $0x5F3759DF, v8  }
0x40: {  	v15 =	vld [tilespmem:$0xA200];
	v9 =	vmul.f32 v8, v5;
	v7 =	vmul.f32 v7, v4  }
0x41: {  	v17 =	vld [tilespmem:$0xA300]  }
0x42: {  	v25 =	vld [tilespmem:$0xA110];
	v9 =	vmul.f32 v8, v9;
	v7 =	vsub.f32 $1.500000000e+00, v7  }
0x43: {  	v63 =	vld [tilespmem:$0xA210]  }
0x44: {  	v36 =	vld [tilespmem:$0xA310];
	v51 =	vsub.f32 $1.500000000e+00, v9;
	v4 =	vmul.f32 v7, v4  }
0x45: {  	v10 =	vld.idx.msk [tilespmem:v0+s1+$0x0], $0xffff  }
0x46: {  	v11 =	vld.idx.msk [tilespmem:v0+s15+$0x0], $0xffff;
	v7 =	vmul.f32 v8, v51;
	v1 =	vmul.f32 v4, v1  }
0x47: {  	v16 =	vld.idx.msk [tilespmem:v0+s16+$0x0], $0xffff  }
0x48: {  	v13 =	vmul.f32 v7, v5;
	v12 =	vmul.f32 v1, v4;
	v1 =	vld [tilespmem:$0xA040]  }
0x49: {  	v61 =	vld.idx.msk [tilespmem:v3+s1+$0x0], $0xffff  }
0x4a: {  	v19 =	vld.idx.msk [tilespmem:v3+s15+$0x0], $0xffff;
	v13 =	vmul.f32 v13, v7  }
0x4b: {  	v0 =	vld.idx.msk [tilespmem:v0+s18+$0x0], $0xffff;
	v10 =	vmul.f32 v14, v10;
	v11 =	vmul.f32 v15, v11  }
0x4c: {  	v22 =	vld.idx.msk [tilespmem:v3+s16+$0x0], $0xffff;
	v12 =	vsub.f32 $1.500000000e+00, v12;
	v54 =	vsub.f32 $1.500000000e+00, v13  }
0x4d: {  	v57 =	vmul.f32 v17, v16;
	v10 =	vadd.f32 v11, v10;
	v13 =	vld.idx.msk [tilespmem:v52+s17+$0x0], $0xffff  }
0x4e: {  	v4 =	vmul.f32 v12, v4;
	v55 =	vmul.f32 v54, v7;
	v7 =	vld.idx.msk [tilespmem:v53+s17+$0x0], $0xffff  }
0x4f: {  	v45 =	vld.idx.msk [tilespmem:v53+s1+$0x0], $0xffff;
	v17 =	vmul.f32 v25, v61;
	v19 =	vmul.f32 v63, v19;
	v10 =	vadd.f32 v57, v10  }
0x50: {  	v2 =	vmul.f32 v4, v2;
	v14 =	vld.idx.msk [tilespmem:v1+s17+$0x0], $0xffff  }
0x51: {  	v46 =	vld.idx.msk [tilespmem:v53+s15+$0x0], $0xffff;
	v17 =	vadd.f32 v19, v17;
	v0 =	vsub.f32 v10, v0  }
0x52: {  	v48 =	vld.idx.msk [tilespmem:v53+s16+$0x0], $0xffff;
	v10 =	vmul.f32 v36, v22;
	v58 =	vmax.f32 v13, $1.000000040e-36;
	v56 =	vadd.f32 $9.999999960e-13, v2  }
0x53: {  	v2 =	vld [tilespmem:$0xA050];
	v59 =	vshra.s32 v58, $0x1;
	v12 =	vmul.f32 $5.000000000e-01, v58;
	v60 =	vmax.f32 v7, $1.000000040e-36  }
0x54: {  	v50 =	vld [tilespmem:$0xA130];
	v5 =	vmul.f32 v55, v5;
	v15 =	vsub.s32 $0x5F3759DF, v59;
	v18 =	vshra.s32 v60, $0x1  }
0x55: {  	v8 =	vld.idx.msk [tilespmem:v53+s18+$0x0], $0xffff;
	v16 =	vmul.f32 $5.000000000e-01, v60;
	v20 =	vmul.f32 v15, v12;
	v21 =	vmax.f32 v14, $1.000000040e-36  }
0x56: {  	v53 =	vld [tilespmem:$0xA330];
	v18 =	vsub.s32 $0x5F3759DF, v18;
	v24 =	vshra.s32 v21, $0x1;
	v21 =	vmul.f32 $5.000000000e-01, v21  }
0x57: {  	v61 =	vld [tilespmem:$0xA140];
	v5 =	vmul.f32 v5, v55;
	v23 =	vmul.f32 v18, v16;
	v24 =	vsub.s32 $0x5F3759DF, v24  }
0x58: {  	v33 =	vld.idx.msk [tilespmem:v1+s1+$0x0], $0xffff;
	v20 =	vmul.f32 v15, v20;
	v26 =	vmul.f32 v24, v21  }
0x59: {  	v43 =	vld [tilespmem:$0xA220];
	v10 =	vadd.f32 v10, v17;
	v19 =	vmul.f32 v50, v45;
	v23 =	vmul.f32 v18, v23  }
0x5a: {  	v38 =	vld.idx.msk [tilespmem:v52+s1+$0x0], $0xffff;
	v5 =	vsub.f32 $1.500000000e+00, v5;
	v62 =	vsub.f32 $1.500000000e+00, v20;
	v26 =	vmul.f32 v24, v26  }
0x5b: {  	v17 =	vmul.f32 v53, v48;
	(erf) = vrcp.f32 v56;
	v11 =	vld.idx.msk [tilespmem:v2+s17+$0x0], $0xffff;
	v23 =	vsub.f32 $1.500000000e+00, v23  }
0x5c: {  	v40 =	vld.idx.msk [tilespmem:v52+s15+$0x0], $0xffff;
	v4 =	vmul.f32 v5, v55;
	v5 =	vmul.f32 v15, v62;
	v39 =	vsub.f32 $1.500000000e+00, v26  }
0x5d: {  	v27 =	vld.idx.msk [tilespmem:v52+s16+$0x0], $0xffff;
	v35 =	vmul.f32 v61, v33;
	v18 =	vmul.f32 v18, v23  }
0x5e: {  	v9 =	vld.idx.msk [tilespmem:v52+s18+$0x0], $0xffff;
	v41 =	vmul.f32 v5, v12;
	v23 =	vmul.f32 v24, v39  }
0x5f: {  	v52 =	vld [tilespmem:$0xA230];
	v4 =	vmul.f32 v4, v6;
	v28 =	vmul.f32 v18, v16  }
0x60: {  	v26 =	vmul.f32 v41, v5;
	v42 =	vmax.f32 v11, $1.000000040e-36;
	v31 =	vmul.f32 v23, v21  }
0x61: {  	v29 =	vshra.s32 v42, $0x1;
	v24 =	vmul.f32 $5.000000000e-01, v42;
	v28 =	vmul.f32 v28, v18  }
0x62: {  	v26 =	vsub.f32 $1.500000000e+00, v26;
	v29 =	vsub.s32 $0x5F3759DF, v29;
	v31 =	vmul.f32 v31, v23  }
0x63: {  	v6 =	vmul.f32 v43, v40;
	v32 =	vmul.f32 v29, v24;
	v28 =	vsub.f32 $1.500000000e+00, v28  }
0x64: {  	v30 =	vld [tilespmem:$0xA120];
	v20 =	vmul.f32 v52, v46;
	v5 =	vmul.f32 v26, v5;
	v47 =	vsub.f32 $1.500000000e+00, v31  }
0x65: {  	v44 =	vld [tilespmem:$0xA320];
	v4 =	vadd.f32 $9.999999960e-13, v4;
	v32 =	vmul.f32 v29, v32;
	v18 =	vmul.f32 v28, v18  }
0x66: {  	v3 =	vld.idx.msk [tilespmem:v3+s18+$0x0], $0xffff;
	v12 =	vmul.f32 v5, v12;
	v23 =	vmul.f32 v47, v23  }
0x67: {  	v63 =	vld [tilespmem:$0xA340];
	(erf) = vrcp.f32 v4;
	v49 =	vsub.f32 $1.500000000e+00, v32;
	v16 =	vmul.f32 v18, v16  }
0x68: {  	v59 =	vld.idx.msk [tilespmem:v1+s16+$0x0], $0xffff;
	v12 =	vmul.f32 v12, v5;
	v21 =	vmul.f32 v23, v21  }
0x69: {  	v55 =	vld.idx.msk [tilespmem:v1+s15+$0x0], $0xffff;
	v51 =	vmul.f32 v29, v49;
	v16 =	vmul.f32 v16, v18  }
0x6a: {  	v15 =	vmul.f32 v30, v38;
	v62 =	vld [tilespmem:$0xA240];
	v12 =	vsub.f32 $1.500000000e+00, v12;
	v21 =	vmul.f32 v21, v23  }
0x6b: {  	v1 =	vld.idx.msk [tilespmem:v1+s18+$0x0], $0xffff;
	v4 =	vmul.f32 v44, v27;
	v37 =	vpop (erf);
	v31 =	vmul.f32 v51, v24;
	v16 =	vsub.f32 $1.500000000e+00, v16  }
0x6c: {  	v40 =	vld [tilespmem:$0xA350];
	v0 =	vmul.f32 v37, v0;
	v5 =	vmul.f32 v12, v5;
	v58 =	vsub.f32 $1.500000000e+00, v21  }
0x6d: {  	v3 =	vsub.f32 v10, v3;
	v34 =	vld.idx.msk [tilespmem:v2+s15+$0x0], $0xffff;
	v56 =	vmul.f32 v31, v51;
	v16 =	vmul.f32 v16, v18  }
0x6e: {  	v36 =	vld.idx.msk [tilespmem:v2+s16+$0x0], $0xffff;
	v6 =	vadd.f32 v6, v15;
	v5 =	vmul.f32 v5, v13;
	v60 =	vmul.f32 v58, v23  }
0x6f: {  	v10 =	vmul.f32 v62, v55;
	v21 =	vld [tilespmem:$0xA060];
	v12 =	vsub.f32 $1.500000000e+00, v56;
	v7 =	vmul.f32 v16, v7  }
0x70: {  	v38 =	vld [tilespmem:$0xA150];
	v4 =	vadd.f32 v4, v6;
	v5 =	vadd.f32 $9.999999960e-13, v5;
	v14 =	vmul.f32 v60, v14  }
0x71: {  	v39 =	vld [tilespmem:$0xA250];
	v6 =	vadd.f32 v10, v35;
	v12 =	vmul.f32 v12, v51;
	v7 =	vadd.f32 $9.999999960e-13, v7  }
0x72: {  	v57 =	vpop (erf);
	(erf) = vrcp.f32 v5;
	v5 =	vmul.f32 v63, v59;
	v30 =	vadd.f32 $9.999999960e-13, v14;
	v14 =	vld [tilespmem:$0xA070]  }
0x73: {  	v0 =	vsub.f32 $1.000000050e-03, v0;
	v4 =	vsub.f32 v4, v9;
	v3 =	vmul.f32 v57, v3;
	v31 =	vld.idx.msk [tilespmem:v2+s1+$0x0], $0xffff  }
0x74: {  	v28 =	vmul.f32 v12, v24;
	(erf) = vrcp.f32 v7;
	v6 =	vadd.f32 v5, v6  }
0x75: {  	v10 =	vmul.f32 v40, v36;
	v0 =	vmax.f32 v0, $0.0e+00;
	v32 =	vadd.f32 v20, v19;
	v5 =	vld [tilespmem:$0xA080]  }
0x76: {  	v3 =	vsub.f32 $1.000000050e-03, v3;
	v16 =	vmul.f32 v28, v12;
	v46 =	vsub.f32 v6, v1;
	v6 =	vld [tilespmem:$0xA090]  }
0x77: {  	v54 =	vmul.f32 v0, v0;
	v9 =	vmul.f32 v39, v34;
	v15 =	vadd.f32 v17, v32;
	v7 =	vld.idx.msk [tilespmem:v21+s17+$0x0], $0xffff  }
0x78: {  	v3 =	vmax.f32 v3, $0.0e+00;
	v51 =	vmul.f32 v38, v31;
	v16 =	vsub.f32 $1.500000000e+00, v16  }
0x79: {  	v37 =	vmul.f32 v3, v3;
	(erf) = vrcp.f32 v30  }
0x7a: {  	v8 =	vsub.f32 v15, v8;
	v9 =	vadd.f32 v9, v51;
	v12 =	vmul.f32 v16, v12;
	v15 =	vld.idx.msk [tilespmem:v14+s17+$0x0], $0xffff  }
0x7b: {  	v0 =	vmul.f32 v54, v0;
	v1 =	vmul.f32 v37, v3  }
0x7c: {  	v2 =	vld.idx.msk [tilespmem:v2+s18+$0x0], $0xffff;
	v9 =	vadd.f32 v10, v9;
	v42 =	vpop (erf);
	v11 =	vmul.f32 v12, v11;
	v41 =	vmax.f32 v7, $1.000000040e-36  }
0x7d: {  	v51 =	vld [tilespmem:$0xA360];
	v4 =	vmul.f32 v42, v4;
	v44 =	vpop (erf);
	v43 =	vshra.s32 v41, $0x1;
	v12 =	vmul.f32 $5.000000000e-01, v41  }
0x7e: {  	v10 =	vld.idx.msk [tilespmem:v5+s17+$0x0], $0xffff;
	v11 =	vadd.f32 $9.999999960e-13, v11;
	v8 =	vmul.f32 v44, v8;
	v45 =	vsub.s32 $0x5F3759DF, v43  }
0x7f: {  	v48 =	vsub.f32 $1.000000050e-03, v4;
	v22 =	vld.idx.msk [tilespmem:v6+s17+$0x0], $0xffff;
	v47 =	vmul.f32 v45, v12;
	v52 =	vmax.f32 v15, $1.000000040e-36  }
0x80: {  	v44 =	vld.idx.msk [tilespmem:v21+s16+$0x0], $0xffff;
	(erf) = vrcp.f32 v11;
	v53 =	vshra.s32 v52, $0x1;
	v17 =	vmul.f32 $5.000000000e-01, v52  }
0x81: {  	v8 =	vsub.f32 $1.000000050e-03, v8;
	v3 =	vmax.f32 v48, $0.0e+00;
	v54 =	vsub.s32 $0x5F3759DF, v53  }
0x82: {  	v2 =	vsub.f32 v9, v2;
	v49 =	vpop (erf);
	v56 =	vmul.f32 v3, v3;
	v55 =	vmul.f32 v54, v17  }
0x83: {  	v41 =	vld.idx.msk [tilespmem:v21+s15+$0x0], $0xffff;
	v4 =	vmul.f32 v49, v46;
	v50 =	vmul.f32 v45, v47;
	v8 =	vmax.f32 v8, $0.0e+00  }
0x84: {  	v48 =	vld [tilespmem:$0xA260];
	v36 =	vmax.f32 v10, $1.000000040e-36;
	v59 =	vmul.f32 v8, v8;
	v16 =	vmul.f32 v54, v55  }
0x85: {  	v38 =	vmax.f32 v22, $1.000000040e-36;
	v9 =	vmul.f32 v51, v44;
	v11 =	vsub.f32 $1.500000000e+00, v50  }
0x86: {  	v57 =	vsub.f32 $1.000000050e-03, v4;
	v4 =	vmul.f32 v56, v3;
	v16 =	vsub.f32 $1.500000000e+00, v16  }
0x87: {  	v37 =	vshra.s32 v36, $0x1;
	v23 =	vmul.f32 $5.000000000e-01, v38;
	v11 =	vmul.f32 v45, v11  }
0x88: {  	v19 =	vsub.s32 $0x5F3759DF, v37;
	v13 =	vmul.f32 v54, v16;
	v16 =	vmul.f32 $5.000000000e-01, v36  }
0x89: {  	v40 =	vshra.s32 v38, $0x1;
	v3 =	vmul.f32 v59, v8;
	v26 =	vmul.f32 v48, v41  }
0x8a: {  	v25 =	vsub.s32 $0x5F3759DF, v40;
	v58 =	vmul.f32 v11, v12;
	v43 =	vmul.f32 v19, v16  }
0x8b: {  	v45 =	vmul.f32 v25, v23;
	v42 =	vmul.f32 v13, v17  }
0x8c: {  	v62 =	vmul.f32 v58, v11;
	v28 =	vmul.f32 v19, v43  }
0x8d: {  	v18 =	vmul.f32 v25, v45;
	v27 =	vmul.f32 v42, v13  }
0x8e: {  	v34 =	vld [tilespmem:$0xA180];
	v60 =	vmax.f32 v57, $0.0e+00;
	v35 =	vsub.f32 $1.500000000e+00, v62;
	v50 =	vsub.f32 $1.500000000e+00, v28  }
0x8f: {  	v39 =	vld.idx.msk [tilespmem:v21+s1+$0x0], $0xffff;
	v63 =	vmul.f32 v60, v60;
	v18 =	vsub.f32 $1.500000000e+00, v18;
	v49 =	vsub.f32 $1.500000000e+00, v27  }
0x90: {  	v21 =	vld.idx.msk [tilespmem:v21+s18+$0x0], $0xffff;
	v11 =	vmul.f32 v35, v11;
	v19 =	vmul.f32 v19, v50  }
0x91: {  	v47 =	vld [tilespmem:$0xA160];
	v18 =	vmul.f32 v25, v18;
	v13 =	vmul.f32 v49, v13  }
0x92: {  	v8 =	vld [tilespmem:$0xA0A0];
	v12 =	vmul.f32 v11, v12;
	v56 =	vmul.f32 v19, v16  }
0x93: {  	v38 =	vld [tilespmem:$0xA380];
	v58 =	vmul.f32 v18, v23;
	v17 =	vmul.f32 v13, v17  }
0x94: {  	v53 =	vld.idx.msk [tilespmem:v14+s1+$0x0], $0xffff;
	v12 =	vmul.f32 v12, v11;
	v30 =	vmul.f32 v56, v19  }
0x95: {  	v59 =	vld [tilespmem:$0xA170];
	v33 =	vmul.f32 v58, v18;
	v17 =	vmul.f32 v17, v13  }
0x96: {  	v40 =	vld.idx.msk [tilespmem:v6+s1+$0x0], $0xffff;
	v24 =	vmul.f32 v47, v39;
	v61 =	vpop (erf);
	v12 =	vsub.f32 $1.500000000e+00, v12;
	v30 =	vsub.f32 $1.500000000e+00, v30  }
0x97: {  	v41 =	vld.idx.msk [tilespmem:v6+s15+$0x0], $0xffff;
	v2 =	vmul.f32 v61, v2;
	v33 =	vsub.f32 $1.500000000e+00, v33;
	v17 =	vsub.f32 $1.500000000e+00, v17  }
0x98: {  	v45 =	vld [tilespmem:$0xA290];
	v24 =	vadd.f32 v26, v24;
	v11 =	vmul.f32 v12, v11;
	v19 =	vmul.f32 v30, v19  }
0x99: {  	v57 =	vld.idx.msk [tilespmem:v14+s16+$0x0], $0xffff;
	v18 =	vmul.f32 v33, v18;
	v13 =	vmul.f32 v17, v13  }
0x9a: {  	v24 =	vadd.f32 v9, v24;
	v7 =	vmul.f32 v11, v7;
	v30 =	vld.idx.msk [tilespmem:v8+s17+$0x0], $0xffff;
	v16 =	vmul.f32 v19, v16  }
0x9b: {  	v55 =	vld.idx.msk [tilespmem:v14+s15+$0x0], $0xffff;
	v46 =	vsub.f32 $1.000000050e-03, v2;
	v23 =	vmul.f32 v18, v23;
	v13 =	vmul.f32 v13, v15  }
0x9c: {  	v61 =	vld [tilespmem:$0xA370];
	v2 =	vmul.f32 v63, v60;
	v7 =	vadd.f32 $9.999999960e-13, v7;
	v16 =	vmul.f32 v16, v19  }
0x9d: {  	v9 =	vld [tilespmem:$0xA0B0];
	v51 =	vmul.f32 v45, v41;
	v23 =	vmul.f32 v23, v18;
	v13 =	vadd.f32 $9.999999960e-13, v13  }
0x9e: {  	v60 =	vld [tilespmem:$0xA270];
	v52 =	vmax.f32 v46, $0.0e+00;
	(erf) = vrcp.f32 v7;
	v36 =	vsub.f32 $1.500000000e+00, v16  }
0x9f: {  	v62 =	vld.idx.msk [tilespmem:v5+s1+$0x0], $0xffff;
	v23 =	vsub.f32 $1.500000000e+00, v23;
	v37 =	vmax.f32 v30, $1.000000040e-36;
	(erf) = vrcp.f32 v13  }
0xa0: {  	v63 =	vld.idx.msk [tilespmem:v5+s15+$0x0], $0xffff;
	v39 =	vshra.s32 v37, $0x1;
	v16 =	vmul.f32 $5.000000000e-01, v37;
	v13 =	vmul.f32 v36, v19  }
0xa1: {  	v35 =	vld [tilespmem:$0xA280];
	v54 =	vmul.f32 v52, v52;
	v18 =	vmul.f32 v23, v18;
	v29 =	vsub.s32 $0x5F3759DF, v39  }
0xa2: {  	v21 =	vsub.f32 v24, v21;
	v33 =	vld.idx.msk [tilespmem:v5+s16+$0x0], $0xffff;
	v42 =	vmul.f32 v29, v16;
	v10 =	vmul.f32 v13, v10  }
0xa3: {  	v48 =	vld [tilespmem:$0xA390];
	v41 =	vadd.f32 v1, v0;
	v25 =	vmul.f32 v60, v55;
	v18 =	vmul.f32 v18, v22  }
0xa4: {  	v43 =	vld [tilespmem:$0xA190];
	v12 =	vmul.f32 v61, v57;
	v46 =	vmul.f32 v29, v42;
	v10 =	vadd.f32 $9.999999960e-13, v10  }
0xa5: {  	v47 =	vld.idx.msk [tilespmem:v6+s16+$0x0], $0xffff;
	v11 =	vmul.f32 v59, v53;
	v17 =	vmul.f32 v34, v62;
	v18 =	vadd.f32 $9.999999960e-13, v18  }
0xa6: {  	v14 =	vld.idx.msk [tilespmem:v14+s18+$0x0], $0xffff;
	v15 =	vmul.f32 v35, v63;
	v22 =	vsub.f32 $1.500000000e+00, v46;
	(erf) = vrcp.f32 v10  }
0xa7: {  	v5 =	vld.idx.msk [tilespmem:v5+s18+$0x0], $0xffff;
	v53 =	vmul.f32 v38, v33;
	v11 =	vadd.f32 v25, v11;
	v44 =	vpop (erf);
	(erf) = vrcp.f32 v18  }
0xa8: {  	v15 =	vadd.f32 v15, v17;
	v21 =	vmul.f32 v44, v21;
	v10 =	vld.idx.msk [tilespmem:v9+s17+$0x0], $0xffff;
	v49 =	vmul.f32 v29, v22  }
0xa9: {  	v20 =	vld [tilespmem:$0xA0C0];
	v7 =	vmul.f32 v54, v52;
	v11 =	vadd.f32 v12, v11;
	v13 =	vmul.f32 v43, v40  }
0xaa: {  	v6 =	vld.idx.msk [tilespmem:v6+s18+$0x0], $0xffff;
	v15 =	vadd.f32 v53, v15;
	v21 =	vsub.f32 $1.000000050e-03, v21;
	v52 =	vmul.f32 v49, v16  }
0xab: {  	v58 =	vld.idx.msk [tilespmem:v8+s1+$0x0], $0xffff;
	v12 =	vmul.f32 v48, v47;
	v11 =	vsub.f32 v11, v14;
	v13 =	vadd.f32 v51, v13  }
0xac: {  	v23 =	vld [tilespmem:$0xA0D0];
	v5 =	vsub.f32 v15, v5;
	v21 =	vmax.f32 v21, $0.0e+00;
	v18 =	vmul.f32 v52, v49  }
0xad: {  	v63 =	vld.idx.msk [tilespmem:v8+s16+$0x0], $0xffff;
	v12 =	vadd.f32 v12, v13;
	v57 =	vmul.f32 v21, v21;
	v54 =	vmax.f32 v10, $1.000000040e-36  }
0xae: {  	v35 =	vld [tilespmem:$0xA1A0];
	v50 =	vpop (erf);
	v55 =	vshra.s32 v54, $0x1;
	v19 =	vmul.f32 $5.000000000e-01, v54;
	v56 =	vsub.f32 $1.500000000e+00, v18  }
0xaf: {  	v42 =	vld [tilespmem:$0xA3A0];
	v11 =	vmul.f32 v50, v11;
	v6 =	vsub.f32 v12, v6;
	v17 =	vsub.s32 $0x5F3759DF, v55;
	v60 =	vpop (erf)  }
0xb0: {  	v4 =	vadd.f32 v4, v41;
	v61 =	vld.idx.msk [tilespmem:v8+s15+$0x0], $0xffff;
	v59 =	vmul.f32 v17, v19;
	v13 =	vmul.f32 v56, v49;
	v62 =	vpop (erf)  }
0xb1: {  	v39 =	vld [tilespmem:$0xA2A0];
	v5 =	vmul.f32 v60, v5;
	v6 =	vmul.f32 v62, v6  }
0xb2: {  	v3 =	vadd.f32 v3, v4;
	v18 =	vmul.f32 v57, v21;
	v21 =	vld.idx.msk [tilespmem:v20+s17+$0x0], $0xffff;
	v22 =	vmul.f32 v17, v59  }
0xb3: {  	v16 =	vmul.f32 v13, v16;
	v33 =	vsub.f32 $1.000000050e-03, v5;
	v5 =	vld [tilespmem:$0xA0E0];
	v6 =	vsub.f32 $1.000000050e-03, v6  }
0xb4: {  	v15 =	vmul.f32 v35, v58;
	v14 =	vmul.f32 v42, v63;
	v22 =	vsub.f32 $1.500000000e+00, v22  }
0xb5: {  	v11 =	vsub.f32 $1.000000050e-03, v11;
	v16 =	vmul.f32 v16, v13;
	v37 =	vmax.f32 v6, $0.0e+00;
	v6 =	vld [tilespmem:$0xA0F0]  }
0xb6: {  	v2 =	vadd.f32 v2, v3;
	v26 =	vld.idx.msk [tilespmem:v23+s17+$0x0], $0xffff;
	v12 =	vmul.f32 v39, v61;
	v17 =	vmul.f32 v17, v22  }
0xb7: {  	v11 =	vmax.f32 v11, $0.0e+00;
	v44 =	vmax.f32 v21, $1.000000040e-36;
	v16 =	vsub.f32 $1.500000000e+00, v16  }
0xb8: {  	v45 =	vshra.s32 v44, $0x1;
	v24 =	vmul.f32 $5.000000000e-01, v44;
	v40 =	vmul.f32 v17, v19  }
0xb9: {  	v32 =	vmul.f32 v11, v11;
	v46 =	vsub.s32 $0x5F3759DF, v45;
	v13 =	vmul.f32 v16, v13  }
0xba: {  	v34 =	vmax.f32 v33, $0.0e+00;
	v47 =	vmul.f32 v46, v24;
	v43 =	vmul.f32 v40, v17  }
0xbb: {  	v49 =	vmax.f32 v26, $1.000000040e-36;
	v36 =	vmul.f32 v34, v34;
	v13 =	vmul.f32 v13, v30;
	v27 =	vld.idx.msk [tilespmem:v5+s17+$0x0], $0xffff  }
0xbc: {  	v50 =	vshra.s32 v49, $0x1;
	v38 =	vmul.f32 v37, v37;
	v16 =	vsub.f32 $1.500000000e+00, v43  }
0xbd: {  	v48 =	vmul.f32 v46, v47;
	v1 =	vmul.f32 v36, v34;
	v13 =	vadd.f32 $9.999999960e-13, v13;
	v22 =	vld.idx.msk [tilespmem:v6+s17+$0x0], $0xffff  }
0xbe: {  	v28 =	vsub.s32 $0x5F3759DF, v50;
	v16 =	vmul.f32 v16, v17;
	v17 =	vmul.f32 $5.000000000e-01, v49  }
0xbf: {  	v41 =	vld [tilespmem:$0xA1F0];
	v0 =	vmul.f32 v38, v37;
	(erf) = vrcp.f32 v13;
	v13 =	vsub.f32 $1.500000000e+00, v48  }
0xc0: {  	v3 =	vld.idx.msk [tilespmem:v20+s15+$0x0], $0xffff;
	v19 =	vmul.f32 v16, v19;
	v53 =	vmul.f32 v28, v17;
	v51 =	vmax.f32 v27, $1.000000040e-36  }
0xc1: {  	v58 =	vld [tilespmem:$0xA2B0];
	v13 =	vmul.f32 v46, v13;
	v54 =	vshra.s32 v51, $0x1;
	v29 =	vmul.f32 $5.000000000e-01, v51  }
0xc2: {  	v57 =	vld.idx.msk [tilespmem:v9+s15+$0x0], $0xffff;
	v31 =	vmul.f32 v28, v53;
	v56 =	vsub.s32 $0x5F3759DF, v54;
	v35 =	vmax.f32 v22, $1.000000040e-36  }
0xc3: {  	v52 =	vld.idx.msk [tilespmem:v9+s1+$0x0], $0xffff;
	v34 =	vmul.f32 v56, v29;
	v38 =	vshra.s32 v35, $0x1;
	v35 =	vmul.f32 $5.000000000e-01, v35  }
0xc4: {  	v55 =	vld [tilespmem:$0xA1B0];
	v37 =	vmul.f32 v13, v24;
	v31 =	vsub.f32 $1.500000000e+00, v31;
	v38 =	vsub.s32 $0x5F3759DF, v38  }
0xc5: {  	v8 =	vld.idx.msk [tilespmem:v8+s18+$0x0], $0xffff;
	v2 =	vadd.f32 v7, v2;
	v34 =	vmul.f32 v56, v34;
	v39 =	vmul.f32 v38, v35  }
0xc6: {  	v7 =	vld [tilespmem:$0xA1C0];
	v12 =	vadd.f32 v12, v15;
	v37 =	vmul.f32 v37, v13;
	v28 =	vmul.f32 v28, v31  }
0xc7: {  	v42 =	vld [tilespmem:$0xA3C0];
	v4 =	vmul.f32 v58, v57;
	v59 =	vsub.f32 $1.500000000e+00, v34;
	v39 =	vmul.f32 v38, v39  }
0xc8: {  	v44 =	vld.idx.msk [tilespmem:v23+s1+$0x0], $0xffff;
	v19 =	vmul.f32 v19, v16;
	v37 =	vsub.f32 $1.500000000e+00, v37;
	v60 =	vmul.f32 v28, v17  }
0xc9: {  	v33 =	vld [tilespmem:$0xA3B0];
	v30 =	vmul.f32 v55, v52;
	v25 =	vmul.f32 v56, v59;
	v61 =	vsub.f32 $1.500000000e+00, v39  }
0xca: {  	v36 =	vld.idx.msk [tilespmem:v9+s16+$0x0], $0xffff;
	v19 =	vsub.f32 $1.500000000e+00, v19;
	v13 =	vmul.f32 v37, v13;
	v31 =	vmul.f32 v60, v28  }
0xcb: {  	v12 =	vadd.f32 v14, v12;
	v9 =	vld.idx.msk [tilespmem:v9+s18+$0x0], $0xffff;
	v62 =	vmul.f32 v25, v29;
	v37 =	vmul.f32 v38, v61  }
0xcc: {  	v55 =	vld [tilespmem:$0xA2D0];
	v16 =	vmul.f32 v19, v16;
	v24 =	vmul.f32 v13, v24;
	v31 =	vsub.f32 $1.500000000e+00, v31  }
0xcd: {  	v2 =	vadd.f32 v18, v2;
	v57 =	vld.idx.msk [tilespmem:v5+s1+$0x0], $0xffff;
	v63 =	vmul.f32 v62, v25;
	v43 =	vmul.f32 v37, v35  }
0xce: {  	v4 =	vadd.f32 v4, v30;
	v30 =	vld [tilespmem:$0xA2E0];
	v24 =	vmul.f32 v24, v13;
	v28 =	vmul.f32 v31, v28  }
0xcf: {  	v11 =	vmul.f32 v32, v11;
	v48 =	vld.idx.msk [tilespmem:v23+s16+$0x0], $0xffff;
	v45 =	vsub.f32 $1.500000000e+00, v63;
	v39 =	vmul.f32 v43, v37  }
0xd0: {  	v46 =	vld.idx.msk [tilespmem:v23+s15+$0x0], $0xffff;
	v10 =	vmul.f32 v16, v10;
	v24 =	vsub.f32 $1.500000000e+00, v24;
	v17 =	vmul.f32 v28, v17  }
0xd1: {  	v2 =	vadd.f32 v11, v2;
	v51 =	vld [tilespmem:$0xA1D0];
	v47 =	vmul.f32 v45, v25;
	v50 =	vsub.f32 $1.500000000e+00, v39  }
0xd2: {  	v19 =	vld.idx.msk [tilespmem:v20+s16+$0x0], $0xffff;
	v10 =	vadd.f32 $9.999999960e-13, v10;
	v49 =	vmul.f32 v24, v13;
	v17 =	vmul.f32 v17, v28  }
0xd3: {  	v8 =	vsub.f32 v12, v8;
	v34 =	vld.idx.msk [tilespmem:v20+s1+$0x0], $0xffff;
	v52 =	vmul.f32 v47, v29;
	v54 =	vmul.f32 v50, v37  }
0xd4: {  	v1 =	vadd.f32 v1, v2;
	v20 =	vld.idx.msk [tilespmem:v20+s18+$0x0], $0xffff;
	(erf) = vrcp.f32 v10;
	v10 =	vmul.f32 v49, v21  }
0xd5: {  	v53 =	vpop (erf);
	v16 =	vld [tilespmem:$0xA2C0];
	v17 =	vsub.f32 $1.500000000e+00, v17;
	v24 =	vmul.f32 v52, v47;
	v58 =	vmul.f32 v54, v35  }
0xd6: {  	v40 =	vmul.f32 v51, v44;
	v8 =	vmul.f32 v53, v8;
	v56 =	vld [tilespmem:$0xA3D0];
	v10 =	vadd.f32 $9.999999960e-13, v10  }
0xd7: {  	v60 =	vld.idx.msk [tilespmem:v5+s15+$0x0], $0xffff;
	v17 =	vmul.f32 v17, v28;
	v24 =	vsub.f32 $1.500000000e+00, v24;
	v62 =	vmul.f32 v58, v54  }
0xd8: {  	v0 =	vadd.f32 v0, v1;
	v59 =	vmul.f32 v33, v36;
	v33 =	vld [tilespmem:$0xA3E0];
	(erf) = vrcp.f32 v10  }
0xd9: {  	v36 =	vld.idx.msk [tilespmem:v6+s1+$0x0], $0xffff;
	v17 =	vmul.f32 v17, v26;
	v14 =	vmul.f32 v24, v47;
	v11 =	vsub.f32 $1.500000000e+00, v62  }
0xda: {  	v8 =	vsub.f32 $1.000000050e-03, v8;
	v4 =	vadd.f32 v59, v4;
	v61 =	vld.idx.msk [tilespmem:v5+s16+$0x0], $0xffff;
	v7 =	vmul.f32 v7, v34  }
0xdb: {  	v63 =	vld [tilespmem:$0xA1E0];
	v31 =	vadd.f32 $9.999999960e-13, v17;
	v14 =	vmul.f32 v14, v27;
	v11 =	vmul.f32 v11, v54  }
0xdc: {  	v8 =	vmax.f32 v8, $0.0e+00;
	v3 =	vmul.f32 v16, v3;
	v34 =	vmul.f32 v42, v19;
	v43 =	vld [tilespmem:$0xA2F0]  }
0xdd: {  	v39 =	vld.idx.msk [tilespmem:v6+s15+$0x0], $0xffff;
	(erf) = vrcp.f32 v31;
	v37 =	vadd.f32 $9.999999960e-13, v14;
	v11 =	vmul.f32 v11, v22  }
0xde: {  	v42 =	vmul.f32 v55, v46;
	v4 =	vsub.f32 v4, v9;
	v44 =	vmul.f32 v56, v48;
	v48 =	vld [tilespmem:$0xA3F0]  }
0xdf: {  	v3 =	vadd.f32 v3, v7;
	v45 =	vld.idx.msk [tilespmem:v6+s16+$0x0], $0xffff;
	v35 =	vpop (erf);
	(erf) = vrcp.f32 v37;
	v11 =	vadd.f32 $9.999999960e-13, v11  }
0xe0: {  	v2 =	vadd.f32 v42, v40;
	v16 =	vmul.f32 v30, v60;
	v13 =	vld.idx.msk [tilespmem:v23+s18+$0x0], $0xffff;
	v46 =	vmul.f32 v63, v57  }
0xe1: {  	v5 =	vld.idx.msk [tilespmem:v5+s18+$0x0], $0xffff;
	v3 =	vadd.f32 v34, v3;
	v49 =	vmul.f32 v41, v36;
	v47 =	vpop (erf);
	(erf) = vrcp.f32 v11  }
0xe2: {  	v10 =	vmul.f32 v33, v61;
	v7 =	vadd.f32 v16, v46;
	v9 =	vmul.f32 v43, v39  }
0xe3: {  	v2 =	vadd.f32 v44, v2;
	v3 =	vsub.f32 v3, v20;
	v6 =	vld.idx.msk [tilespmem:v6+s18+$0x0], $0xffff;
	v4 =	vmul.f32 v35, v4  }
0xe4: {  	v52 =	vmul.f32 v48, v45;
	v7 =	vadd.f32 v10, v7;
	v9 =	vadd.f32 v9, v49  }
0xe5: {  	v2 =	vsub.f32 v2, v13;
	v4 =	vsub.f32 $1.000000050e-03, v4;
	v3 =	vmul.f32 v47, v3  }
0xe6: {  	v50 =	vmul.f32 v8, v8;
	v5 =	vsub.f32 v7, v5;
	v9 =	vadd.f32 v52, v9;
	v51 =	vpop (erf)  }
0xe7: {  	v4 =	vmax.f32 v4, $0.0e+00;
	v3 =	vsub.f32 $1.000000050e-03, v3;
	v2 =	vmul.f32 v51, v2  }
0xe8: {  	v8 =	vmul.f32 v50, v8;
	v55 =	vmul.f32 v4, v4;
	v6 =	vsub.f32 v9, v6;
	v53 =	vpop (erf)  }
0xe9: {  	v3 =	vmax.f32 v3, $0.0e+00;
	v2 =	vsub.f32 $1.000000050e-03, v2;
	v54 =	vmul.f32 v53, v5  }
0xea: {  	v0 =	vadd.f32 v8, v0;
	v4 =	vmul.f32 v55, v4;
	v56 =	vmul.f32 v3, v3;
	v57 =	vpop (erf)  }
0xeb: {  	v2 =	vmax.f32 v2, $0.0e+00;
	v1 =	vsub.f32 $1.000000050e-03, v54;
	v6 =	vmul.f32 v57, v6  }
0xec: {  	v0 =	vadd.f32 v4, v0;
	v3 =	vmul.f32 v56, v3;
	v58 =	vmul.f32 v2, v2  }
0xed: {  	v1 =	vmax.f32 v1, $0.0e+00;
	v59 =	vsub.f32 $1.000000050e-03, v6  }
0xee: {  	v0 =	vadd.f32 v3, v0;
	v2 =	vmul.f32 v58, v2;
	v60 =	vmul.f32 v1, v1  }
0xef: {  	v61 =	vmax.f32 v59, $0.0e+00  }
0xf0: {  	v0 =	vadd.f32 v2, v0;
	v1 =	vmul.f32 v60, v1;
	v62 =	vmul.f32 v61, v61;
	_ =	sdelay $0x1  }
0xf1: {  	v0 =	vadd.f32 v1, v0;
	v63 =	vmul.f32 v62, v61;
	_ =	sdelay $0x1  }
0xf2: {  	v0 =	vadd.f32 v63, v0  }
0xf3: {  	p0 =	sne.s32 s13, $0x1  }
.Ltmp0:
0xf4: {  	[tilespmem:$0xA400] =	vst v0;
	(pc) =	sbr.rel @p0 .LBB2_1-.Ltmp0, $4  }
0xf5: {  	[hbm4b:s12+s1] =	stream.linear.scatter [tilespmem:s23], [sflag:$0x1], $0x80, $0x38;
	[tilespmem:$0xA480] =	vst v63  }
0xf6: {  	_ =	swait.ge [sflag:s14], $0x80  }
0xf7: {  	[sflag:s14] =	ssyncset.done $0x0  }
0xf8: {  	s13 =	sadd.s32 $0xFFFFFFFF, s13;
	[sflag:s14] =	ssyncadd.s32 $0xFFFFFF80  }
0xf9: {  	_ =	sfence.sel $0x180000  }
0xfa: {  	[bflag:$0x0] =	sbarrier.arrive $0xFFFF  }
0xfb: {  	p0 =	sne.s32 s2, $0x0;
	_ =	strace $0x9000004A  }
0xfc: {  	s0 =	sadd.s32 @!p0 $0x100000, s0;
	[bflag:$0x2] =	sbarrier.arrive $0xFFFF  }
0xfd: {  	[sflag:s0] =	ssyncadd.tile.s32 @!p0 $0x1;
	_ =	shalt  }
.Lfunc_end2:
_tile_overlayer_lowered:
.L_overlay_start_2:
0xfe: {  	(tag) =	ssettag $0x2  }
0xff: {  	s0 =	rddreg [dreg:$0x0];
	s2 =	stileid.u32  }
0x100: {  	s1 =	rddreg [dreg:$0x1];
	p0 =	sne.s32 s2, $0x0  }
0x101: {  	s3 =	rddreg [dreg:$0x2];
	[bflag:$0x3] =	sbarrier.arrive $0xFFFF;
	s2 =	simm.s32 @!p0 $0x1C01  }
0x102: {  	[timem:s3], [sflag:s2] =	dma.local @!p0 [hbm:s0], s1  }
0x103: {  	s0 =	simm.s32 @!p0 $0x1  }
0x104: {  	_ =	swait.ge @!p0 [sflag:s0], s1  }
0x105: {  	s1 =	ssub.s32 @!p0 $0x0, s1;
	[sflag:s0] =	ssyncset.done @!p0 $0x0  }
0x106: {  	[sflag:s0] =	ssyncadd.s32 @!p0 s1  }
0x107: {  	[bflag:$0x3] =	sbarrier.arrive $0xFFFF  }
0x108: {  	_ =	shalt  }

</sc_bundles>
